<compile_context>
chip_gen: v7x
topology: tpu7x:2x2x1
jax: 0.10.2.dev20260603
libtpu: 0.0.44.dev20260713+nightly
codegen_flags: <defaults>
</compile_context>

<pallas_src>
import functools

import jax
import jax.numpy as jnp
from jax import lax
from jax.experimental import pallas as pl
from jax.experimental.pallas import tpu as pltpu
from jax.experimental.pallas import tpu_sc as plsc

B = 1024
D = 8192
BS = 768
NC = 2
NS = 16
L = 16
NW = NC * NS
BPW = BS // NW
NROUND = BPW
NBUF = 4
NVEC = 8

_mesh = plsc.VectorSubcoreMesh(
    core_axis_name="c", subcore_axis_name="s", num_cores=NC, num_subcores=NS)


@functools.partial(
    pl.kernel,
    out_type=jax.ShapeDtypeStruct((NW, L), jnp.float32),
    mesh=_mesh,
    scratch_types=[
        pltpu.VMEM((NROUND, 1), jnp.int32),
        pltpu.VMEM((NBUF, 1, D), jnp.float32),
        pltpu.VMEM((NBUF, 1, D), jnp.float32),
        pltpu.VMEM((L,), jnp.float32),
        pltpu.SemaphoreType.DMA((NBUF,)),
        pltpu.SemaphoreType.DMA((NBUF,)),
    ],
)
def _center_loss_partials(feat_hbm, lab_hbm, cent_hbm, out_hbm,
                          idx_v, fbuf, cbuf, accv, fsems, csems):
    wid = lax.axis_index("s") * NC + lax.axis_index("c")
    base = wid * BPW
    pltpu.sync_copy(lab_hbm.at[wid], idx_v)

    def start(g, b):
        pltpu.make_async_copy(
            feat_hbm.at[pl.ds(base + g, 1)], fbuf.at[b], fsems.at[b]).start()
        pltpu.make_async_copy(
            cent_hbm.at[idx_v.at[g]], cbuf.at[b], csems.at[b]).start()

    def wait(b):
        pltpu.make_async_copy(
            feat_hbm.at[pl.ds(0, 1)], fbuf.at[b], fsems.at[b]).wait()
        pltpu.make_async_copy(
            cent_hbm.at[idx_v.at[0]], cbuf.at[b], csems.at[b]).wait()

    def compute(b, accs):
        def vbody(i, accs):
            f = [fbuf[b, 0, pl.ds(i + j * L, L)] for j in range(NVEC)]
            c = [cbuf[b, 0, pl.ds(i + j * L, L)] for j in range(NVEC)]
            d = [f[j] - c[j] for j in range(NVEC)]
            return tuple(accs[j] + d[j] * d[j] for j in range(NVEC))
        return plsc.parallel_loop(0, D, step=NVEC * L, carry=accs)(vbody)

    for b in range(NBUF):
        start(b, b)

    def outer(t, accs):
        for b in range(NBUF):
            g = t * NBUF + b
            wait(b)
            accs = compute(b, accs)

            @pl.when(g + NBUF < NROUND)
            def _():
                start(g + NBUF, b)
        return accs

    zero = jnp.zeros((L,), jnp.float32)
    accs = lax.fori_loop(0, NROUND // NBUF, outer, (zero,) * NVEC)
    acc = accs[0]
    for j in range(1, NVEC):
        acc = acc + accs[j]
    accv[...] = acc
    pltpu.sync_copy(accv, out_hbm.at[wid])


GR = 16
NGRP = (B - BS) // GR
CCH = 1024


def _tc_body(lab_ref, f_hbm, c_hbm, o_ref, fbuf, cbuf, fsems, csems):
    def start(t, s):
        pltpu.make_async_copy(
            f_hbm.at[pl.ds(BS + t * GR, GR)], fbuf.at[s], fsems.at[s]).start()
        for r in range(GR):
            pltpu.make_async_copy(
                c_hbm.at[lab_ref[BS + t * GR + r]], cbuf.at[s, r],
                csems.at[s]).start()

    def wait(s):
        pltpu.make_async_copy(
            f_hbm.at[pl.ds(0, GR)], fbuf.at[s], fsems.at[s]).wait()
        for r in range(GR):
            pltpu.make_async_copy(
                c_hbm.at[0], cbuf.at[s, r], csems.at[s]).wait()

    start(0, 0)
    start(1, 1)

    def outer(tt, acc):
        for s in range(2):
            t = tt * 2 + s
            wait(s)
            for k in range(D // CCH):
                fk = fbuf[s, :, pl.ds(k * CCH, CCH)]
                ck = cbuf[s, :, pl.ds(k * CCH, CCH)]
                d = fk - ck
                acc = acc + d * d

            @pl.when(t + 2 < NGRP)
            def _():
                start(t + 2, s)
        return acc

    acc = lax.fori_loop(0, NGRP // 2, outer,
                        jnp.zeros((GR, CCH), jnp.float32))
    o_ref[0, 0] = jnp.sum(acc)


_tc_tail = pl.pallas_call(
    _tc_body,
    grid_spec=pltpu.PrefetchScalarGridSpec(
        num_scalar_prefetch=1,
        grid=(1,),
        in_specs=[
            pl.BlockSpec(memory_space=pl.ANY),
            pl.BlockSpec(memory_space=pl.ANY),
        ],
        out_specs=pl.BlockSpec(memory_space=pltpu.SMEM),
        scratch_shapes=[
            pltpu.VMEM((2, GR, D), jnp.float32),
            pltpu.VMEM((2, GR, D), jnp.float32),
            pltpu.SemaphoreType.DMA((2,)),
            pltpu.SemaphoreType.DMA((2,)),
        ],
    ),
    out_shape=jax.ShapeDtypeStruct((1, 1), jnp.float32),
)


def kernel(features, labels, centers):
    lab = labels.astype(jnp.int32)
    lab_sc = lab[:BS].reshape(NW, BPW, 1)
    partials = _center_loss_partials(features, lab_sc, centers)
    tail = _tc_tail(lab, features, centers)
    return 0.5 * (jnp.sum(partials) + tail[0, 0]) / features.shape[0]

# --- scband reference (transcript-rebuilt; emitter-appended) ---
"""Pipeline reference for scband-center-loss-63453846831462 (READ-ONLY COPY).

The authoritative reference and input builder live on the scoring server;
editing this copy changes nothing except your own understanding.
"""

import jax, jax.numpy as jnp
import numpy as np

NUM_CLASSES = 1000
FEAT_DIM = 8192
BATCH = 1024

def setup_inputs(seed: int = 0) -> dict:
    key = jax.random.key(seed)
    k1, k2, k3 = jax.random.split(key, 3)
    features = jax.random.normal(k1, (BATCH, FEAT_DIM), dtype=jnp.float32)
    labels = jax.random.randint(k2, (BATCH,), 0, NUM_CLASSES, dtype=jnp.int64)
    centers = jax.random.normal(k3, (NUM_CLASSES, FEAT_DIM), dtype=jnp.float32)
    return {"features": features, "labels": labels, "centers": centers}

def reference(features, labels, centers):
    # gather centers per-sample (SparseCore-friendly gather)
    c = jnp.take(centers, labels, axis=0)
    diff = features - c
    loss = 0.5 * jnp.sum(diff * diff) / features.shape[0]
    return loss

if __name__ == "__main__":
    import jax
    _d = setup_inputs()
    print(jax.jit(kernel)(*tuple(_d.values())))

</pallas_src>

<mosaic_0001>
#map = affine_map<(d0, d1) -> (0, 0)>
#map1 = affine_map<(d0, d1) -> (0, 0, 0)>
module attributes {stable_mosaic.version = 14 : i64} {
  func.func @_center_loss_partials(%arg0: i32, %arg1: i32, %arg2: memref<1024x8192xf32, #tpu.memory_space<hbm>>, %arg3: memref<32x24x1xi32, #tpu.memory_space<hbm>>, %arg4: memref<1000x8192xf32, #tpu.memory_space<hbm>>, %arg5: memref<32x16xf32, #tpu.memory_space<hbm>>, %arg6: memref<24x1xi32, #tpu.memory_space<vmem>>, %arg7: memref<4x1x8192xf32, #tpu.memory_space<vmem>>, %arg8: memref<4x1x8192xf32, #tpu.memory_space<vmem>>, %arg9: memref<16xf32, #tpu.memory_space<vmem>>, %arg10: memref<4x!tpu.dma_semaphore, #tpu.memory_space<semaphore_mem>>, %arg11: memref<4x!tpu.dma_semaphore, #tpu.memory_space<semaphore_mem>>) attributes {dimension_semantics = [#tpu.dimension_semantics<core_parallel>, #tpu.dimension_semantics<subcore_parallel>], iteration_bounds = array<i64: 2, 16>, scalar_prefetch = 0 : i64, scratch_operands = 6 : i64, tpu.core_type = #tpu.core_type<sc_vector_subcore>, window_params = [{transform_indices = #map}, {transform_indices = #map1}, {transform_indices = #map}, {transform_indices = #map}]} {
    %mul3A = arith.constant 2 : i32
    %mul3A_0 = arith.muli %arg1, %mul3A : i32
    %add3A = arith.addi %mul3A_0, %arg0 : i32
    %mul3A_1 = arith.constant 24 : i32
    %mul3A_2 = arith.muli %add3A, %mul3A_1 : i32
    "tpu.region"() ({
      %run_scoped3A = tpu.sem_alloc : memref<!tpu.dma_semaphore, #tpu.memory_space<semaphore_mem>>
      %dma_start3A_150 = arith.constant 0 : i32
      %dma_start3A_151 = arith.constant 0 : i32
      %dma_start3A_152 = tpu.memref_slice %arg3[%add3A, %dma_start3A_150, %dma_start3A_151] : memref<32x24x1xi32, #tpu.memory_space<hbm>> -> memref<1x24x1xi32, #tpu.memory_space<hbm>>
      %dma_start3A_153 = tpu.memref_squeeze %dma_start3A_152 : memref<1x24x1xi32, #tpu.memory_space<hbm>> -> memref<24x1xi32, #tpu.memory_space<hbm>>
      %dma_start3A_154 = arith.constant 0 : i32
      %dma_start3A_155 = arith.constant 0 : i32
      %dma_start3A_156 = tpu.memref_slice %arg3[%add3A, %dma_start3A_154, %dma_start3A_155] : memref<32x24x1xi32, #tpu.memory_space<hbm>> -> memref<1x24x1xi32, #tpu.memory_space<hbm>>
      %dma_start3A_157 = tpu.memref_squeeze %dma_start3A_156 : memref<1x24x1xi32, #tpu.memory_space<hbm>> -> memref<24x1xi32, #tpu.memory_space<hbm>>
      tpu.enqueue_dma source(%dma_start3A_157 : memref<24x1xi32, #tpu.memory_space<hbm>>) target(%arg6 : memref<24x1xi32, #tpu.memory_space<vmem>>) target_semaphore(%run_scoped3A : memref<!tpu.dma_semaphore, #tpu.memory_space<semaphore_mem>>)
      %dma_wait3A = arith.constant 0 : i32
      %dma_wait3A_158 = arith.constant 0 : i32
      %dma_wait3A_159 = tpu.memref_slice %arg3[%add3A, %dma_wait3A, %dma_wait3A_158] : memref<32x24x1xi32, #tpu.memory_space<hbm>> -> memref<1x24x1xi32, #tpu.memory_space<hbm>>
      %dma_wait3A_160 = tpu.memref_squeeze %dma_wait3A_159 : memref<1x24x1xi32, #tpu.memory_space<hbm>> -> memref<24x1xi32, #tpu.memory_space<hbm>>
      %dma_wait3A_161 = arith.constant 0 : i32
      %dma_wait3A_162 = arith.constant 0 : i32
      %dma_wait3A_163 = tpu.memref_slice %arg3[%add3A, %dma_wait3A_161, %dma_wait3A_162] : memref<32x24x1xi32, #tpu.memory_space<hbm>> -> memref<1x24x1xi32, #tpu.memory_space<hbm>>
      %dma_wait3A_164 = tpu.memref_squeeze %dma_wait3A_163 : memref<1x24x1xi32, #tpu.memory_space<hbm>> -> memref<24x1xi32, #tpu.memory_space<hbm>>
      tpu.wait_dma2 semaphore(%run_scoped3A : memref<!tpu.dma_semaphore, #tpu.memory_space<semaphore_mem>>) src(%dma_wait3A_164 : memref<24x1xi32, #tpu.memory_space<hbm>>) dst(%arg6 : memref<24x1xi32, #tpu.memory_space<vmem>>)
      tpu.yield
    }) : () -> ()
    %add3A_3 = arith.constant 0 : i32
    %add3A_4 = arith.addi %mul3A_2, %add3A_3 : i32
    %dma_start3A = arith.constant 0 : i32
    %dma_start3A_5 = arith.constant 0 : i32
    %dma_start3A_6 = arith.constant 0 : i32
    %dma_start3A_7 = arith.constant 0 : i32
    %dma_start3A_8 = tpu.memref_slice %arg7[%dma_start3A, %dma_start3A_6, %dma_start3A_7] : memref<4x1x8192xf32, #tpu.memory_space<vmem>> -> memref<1x1x8192xf32, #tpu.memory_space<vmem>>
    %dma_start3A_9 = tpu.memref_squeeze %dma_start3A_8 : memref<1x1x8192xf32, #tpu.memory_space<vmem>> -> memref<1x8192xf32, #tpu.memory_space<vmem>>
    %dma_start3A_10 = arith.constant 0 : i32
    %dma_start3A_11 = tpu.memref_slice %arg2[%add3A_4, %dma_start3A_10] : memref<1024x8192xf32, #tpu.memory_space<hbm>> -> memref<1x8192xf32, #tpu.memory_space<hbm>>
    %dma_start3A_12 = tpu.memref_slice %arg10[%dma_start3A_5] : memref<4x!tpu.dma_semaphore, #tpu.memory_space<semaphore_mem>> -> memref<1x!tpu.dma_semaphore, #tpu.memory_space<semaphore_mem>>
    %dma_start3A_13 = tpu.memref_squeeze %dma_start3A_12 : memref<1x!tpu.dma_semaphore, #tpu.memory_space<semaphore_mem>> -> memref<!tpu.dma_semaphore, #tpu.memory_space<semaphore_mem>>
    %dma_start3A_14 = arith.constant 0 : i32
    %dma_start3A_15 = arith.constant 0 : i32
    %dma_start3A_16 = tpu.memref_slice %arg7[%dma_start3A, %dma_start3A_14, %dma_start3A_15] : memref<4x1x8192xf32, #tpu.memory_space<vmem>> -> memref<1x1x8192xf32, #tpu.memory_space<vmem>>
    %dma_start3A_17 = tpu.memref_squeeze %dma_start3A_16 : memref<1x1x8192xf32, #tpu.memory_space<vmem>> -> memref<1x8192xf32, #tpu.memory_space<vmem>>
    %dma_start3A_18 = arith.constant 0 : i32
    %dma_start3A_19 = tpu.memref_slice %arg2[%add3A_4, %dma_start3A_18] : memref<1024x8192xf32, #tpu.memory_space<hbm>> -> memref<1x8192xf32, #tpu.memory_space<hbm>>
    tpu.enqueue_dma source(%dma_start3A_19 : memref<1x8192xf32, #tpu.memory_space<hbm>>) target(%dma_start3A_17 : memref<1x8192xf32, #tpu.memory_space<vmem>>) target_semaphore(%dma_start3A_13 : memref<!tpu.dma_semaphore, #tpu.memory_space<semaphore_mem>>)
    %dma_start3A_20 = arith.constant 0 : i32
    %dma_start3A_21 = arith.constant 0 : i32
    %dma_start3A_22 = arith.constant 0 : i32
    %dma_start3A_23 = arith.constant 0 : i32
    %dma_start3A_24 = arith.constant 0 : i32
    %dma_start3A_25 = tpu.memref_slice %arg8[%dma_start3A_21, %dma_start3A_23, %dma_start3A_24] : memref<4x1x8192xf32, #tpu.memory_space<vmem>> -> memref<1x1x8192xf32, #tpu.memory_space<vmem>>
    %dma_start3A_26 = tpu.memref_squeeze %dma_start3A_25 : memref<1x1x8192xf32, #tpu.memory_space<vmem>> -> memref<1x8192xf32, #tpu.memory_space<vmem>>
    %dma_start3A_27 = arith.constant 0 : i32
    %dma_start3A_28 = tpu.memref_slice %arg6[%dma_start3A_20, %dma_start3A_27] : memref<24x1xi32, #tpu.memory_space<vmem>> -> memref<1x1xi32, #tpu.memory_space<vmem>>
    %dma_start3A_29 = tpu.memref_squeeze %dma_start3A_28 : memref<1x1xi32, #tpu.memory_space<vmem>> -> memref<1xi32, #tpu.memory_space<vmem>>
    %dma_start3A_30 = arith.constant 0 : i32
    %dma_start3A_31 = arith.constant 0 : i32
    %dma_start3A_32 = tpu.memref_slice %arg4[%dma_start3A_30, %dma_start3A_31] : memref<1000x8192xf32, #tpu.memory_space<hbm>> -> memref<1000x8192xf32, #tpu.memory_space<hbm>>
    %dma_start3A_33 = tpu.memref_slice %arg11[%dma_start3A_22] : memref<4x!tpu.dma_semaphore, #tpu.memory_space<semaphore_mem>> -> memref<1x!tpu.dma_semaphore, #tpu.memory_space<semaphore_mem>>
    %dma_start3A_34 = tpu.memref_squeeze %dma_start3A_33 : memref<1x!tpu.dma_semaphore, #tpu.memory_space<semaphore_mem>> -> memref<!tpu.dma_semaphore, #tpu.memory_space<semaphore_mem>>
    tpu.enqueue_indirect_dma source(%dma_start3A_32 : memref<1000x8192xf32, #tpu.memory_space<hbm>>) target(%dma_start3A_26 : memref<1x8192xf32, #tpu.memory_space<vmem>>) offsets(%dma_start3A_29 : memref<1xi32, #tpu.memory_space<vmem>>) semaphore(%dma_start3A_34 : memref<!tpu.dma_semaphore, #tpu.memory_space<semaphore_mem>>)
    %add3A_35 = arith.constant 1 : i32
    %add3A_36 = arith.addi %mul3A_2, %add3A_35 : i32
    %dma_start3A_37 = arith.constant 1 : i32
    %dma_start3A_38 = arith.constant 1 : i32
    %dma_start3A_39 = arith.constant 0 : i32
    %dma_start3A_40 = arith.constant 0 : i32
    %dma_start3A_41 = tpu.memref_slice %arg7[%dma_start3A_37, %dma_start3A_39, %dma_start3A_40] : memref<4x1x8192xf32, #tpu.memory_space<vmem>> -> memref<1x1x8192xf32, #tpu.memory_space<vmem>>
    %dma_start3A_42 = tpu.memref_squeeze %dma_start3A_41 : memref<1x1x8192xf32, #tpu.memory_space<vmem>> -> memref<1x8192xf32, #tpu.memory_space<vmem>>
    %dma_start3A_43 = arith.constant 0 : i32
    %dma_start3A_44 = tpu.memref_slice %arg2[%add3A_36, %dma_start3A_43] : memref<1024x8192xf32, #tpu.memory_space<hbm>> -> memref<1x8192xf32, #tpu.memory_space<hbm>>
    %dma_start3A_45 = tpu.memref_slice %arg10[%dma_start3A_38] : memref<4x!tpu.dma_semaphore, #tpu.memory_space<semaphore_mem>> -> memref<1x!tpu.dma_semaphore, #tpu.memory_space<semaphore_mem>>
    %dma_start3A_46 = tpu.memref_squeeze %dma_start3A_45 : memref<1x!tpu.dma_semaphore, #tpu.memory_space<semaphore_mem>> -> memref<!tpu.dma_semaphore, #tpu.memory_space<semaphore_mem>>
    %dma_start3A_47 = arith.constant 0 : i32
    %dma_start3A_48 = arith.constant 0 : i32
    %dma_start3A_49 = tpu.memref_slice %arg7[%dma_start3A_37, %dma_start3A_47, %dma_start3A_48] : memref<4x1x8192xf32, #tpu.memory_space<vmem>> -> memref<1x1x8192xf32, #tpu.memory_space<vmem>>
    %dma_start3A_50 = tpu.memref_squeeze %dma_start3A_49 : memref<1x1x8192xf32, #tpu.memory_space<vmem>> -> memref<1x8192xf32, #tpu.memory_space<vmem>>
    %dma_start3A_51 = arith.constant 0 : i32
    %dma_start3A_52 = tpu.memref_slice %arg2[%add3A_36, %dma_start3A_51] : memref<1024x8192xf32, #tpu.memory_space<hbm>> -> memref<1x8192xf32, #tpu.memory_space<hbm>>
    tpu.enqueue_dma source(%dma_start3A_52 : memref<1x8192xf32, #tpu.memory_space<hbm>>) target(%dma_start3A_50 : memref<1x8192xf32, #tpu.memory_space<vmem>>) target_semaphore(%dma_start3A_46 : memref<!tpu.dma_semaphore, #tpu.memory_space<semaphore_mem>>)
    %dma_start3A_53 = arith.constant 1 : i32
    %dma_start3A_54 = arith.constant 1 : i32
    %dma_start3A_55 = arith.constant 1 : i32
    %dma_start3A_56 = arith.constant 0 : i32
    %dma_start3A_57 = arith.constant 0 : i32
    %dma_start3A_58 = tpu.memref_slice %arg8[%dma_start3A_54, %dma_start3A_56, %dma_start3A_57] : memref<4x1x8192xf32, #tpu.memory_space<vmem>> -> memref<1x1x8192xf32, #tpu.memory_space<vmem>>
    %dma_start3A_59 = tpu.memref_squeeze %dma_start3A_58 : memref<1x1x8192xf32, #tpu.memory_space<vmem>> -> memref<1x8192xf32, #tpu.memory_space<vmem>>
    %dma_start3A_60 = arith.constant 0 : i32
    %dma_start3A_61 = tpu.memref_slice %arg6[%dma_start3A_53, %dma_start3A_60] : memref<24x1xi32, #tpu.memory_space<vmem>> -> memref<1x1xi32, #tpu.memory_space<vmem>>
    %dma_start3A_62 = tpu.memref_squeeze %dma_start3A_61 : memref<1x1xi32, #tpu.memory_space<vmem>> -> memref<1xi32, #tpu.memory_space<vmem>>
    %dma_start3A_63 = arith.constant 0 : i32
    %dma_start3A_64 = arith.constant 0 : i32
    %dma_start3A_65 = tpu.memref_slice %arg4[%dma_start3A_63, %dma_start3A_64] : memref<1000x8192xf32, #tpu.memory_space<hbm>> -> memref<1000x8192xf32, #tpu.memory_space<hbm>>
    %dma_start3A_66 = tpu.memref_slice %arg11[%dma_start3A_55] : memref<4x!tpu.dma_semaphore, #tpu.memory_space<semaphore_mem>> -> memref<1x!tpu.dma_semaphore, #tpu.memory_space<semaphore_mem>>
    %dma_start3A_67 = tpu.memref_squeeze %dma_start3A_66 : memref<1x!tpu.dma_semaphore, #tpu.memory_space<semaphore_mem>> -> memref<!tpu.dma_semaphore, #tpu.memory_space<semaphore_mem>>
    tpu.enqueue_indirect_dma source(%dma_start3A_65 : memref<1000x8192xf32, #tpu.memory_space<hbm>>) target(%dma_start3A_59 : memref<1x8192xf32, #tpu.memory_space<vmem>>) offsets(%dma_start3A_62 : memref<1xi32, #tpu.memory_space<vmem>>) semaphore(%dma_start3A_67 : memref<!tpu.dma_semaphore, #tpu.memory_space<semaphore_mem>>)
    %add3A_68 = arith.constant 2 : i32
    %add3A_69 = arith.addi %mul3A_2, %add3A_68 : i32
    %dma_start3A_70 = arith.constant 2 : i32
    %dma_start3A_71 = arith.constant 2 : i32
    %dma_start3A_72 = arith.constant 0 : i32
    %dma_start3A_73 = arith.constant 0 : i32
    %dma_start3A_74 = tpu.memref_slice %arg7[%dma_start3A_70, %dma_start3A_72, %dma_start3A_73] : memref<4x1x8192xf32, #tpu.memory_space<vmem>> -> memref<1x1x8192xf32, #tpu.memory_space<vmem>>
    %dma_start3A_75 = tpu.memref_squeeze %dma_start3A_74 : memref<1x1x8192xf32, #tpu.memory_space<vmem>> -> memref<1x8192xf32, #tpu.memory_space<vmem>>
    %dma_start3A_76 = arith.constant 0 : i32
    %dma_start3A_77 = tpu.memref_slice %arg2[%add3A_69, %dma_start3A_76] : memref<1024x8192xf32, #tpu.memory_space<hbm>> -> memref<1x8192xf32, #tpu.memory_space<hbm>>
    %dma_start3A_78 = tpu.memref_slice %arg10[%dma_start3A_71] : memref<4x!tpu.dma_semaphore, #tpu.memory_space<semaphore_mem>> -> memref<1x!tpu.dma_semaphore, #tpu.memory_space<semaphore_mem>>
    %dma_start3A_79 = tpu.memref_squeeze %dma_start3A_78 : memref<1x!tpu.dma_semaphore, #tpu.memory_space<semaphore_mem>> -> memref<!tpu.dma_semaphore, #tpu.memory_space<semaphore_mem>>
    %dma_start3A_80 = arith.constant 0 : i32
    %dma_start3A_81 = arith.constant 0 : i32
    %dma_start3A_82 = tpu.memref_slice %arg7[%dma_start3A_70, %dma_start3A_80, %dma_start3A_81] : memref<4x1x8192xf32, #tpu.memory_space<vmem>> -> memref<1x1x8192xf32, #tpu.memory_space<vmem>>
    %dma_start3A_83 = tpu.memref_squeeze %dma_start3A_82 : memref<1x1x8192xf32, #tpu.memory_space<vmem>> -> memref<1x8192xf32, #tpu.memory_space<vmem>>
    %dma_start3A_84 = arith.constant 0 : i32
    %dma_start3A_85 = tpu.memref_slice %arg2[%add3A_69, %dma_start3A_84] : memref<1024x8192xf32, #tpu.memory_space<hbm>> -> memref<1x8192xf32, #tpu.memory_space<hbm>>
    tpu.enqueue_dma source(%dma_start3A_85 : memref<1x8192xf32, #tpu.memory_space<hbm>>) target(%dma_start3A_83 : memref<1x8192xf32, #tpu.memory_space<vmem>>) target_semaphore(%dma_start3A_79 : memref<!tpu.dma_semaphore, #tpu.memory_space<semaphore_mem>>)
    %dma_start3A_86 = arith.constant 2 : i32
    %dma_start3A_87 = arith.constant 2 : i32
    %dma_start3A_88 = arith.constant 2 : i32
    %dma_start3A_89 = arith.constant 0 : i32
    %dma_start3A_90 = arith.constant 0 : i32
    %dma_start3A_91 = tpu.memref_slice %arg8[%dma_start3A_87, %dma_start3A_89, %dma_start3A_90] : memref<4x1x8192xf32, #tpu.memory_space<vmem>> -> memref<1x1x8192xf32, #tpu.memory_space<vmem>>
    %dma_start3A_92 = tpu.memref_squeeze %dma_start3A_91 : memref<1x1x8192xf32, #tpu.memory_space<vmem>> -> memref<1x8192xf32, #tpu.memory_space<vmem>>
    %dma_start3A_93 = arith.constant 0 : i32
    %dma_start3A_94 = tpu.memref_slice %arg6[%dma_start3A_86, %dma_start3A_93] : memref<24x1xi32, #tpu.memory_space<vmem>> -> memref<1x1xi32, #tpu.memory_space<vmem>>
    %dma_start3A_95 = tpu.memref_squeeze %dma_start3A_94 : memref<1x1xi32, #tpu.memory_space<vmem>> -> memref<1xi32, #tpu.memory_space<vmem>>
    %dma_start3A_96 = arith.constant 0 : i32
    %dma_start3A_97 = arith.constant 0 : i32
    %dma_start3A_98 = tpu.memref_slice %arg4[%dma_start3A_96, %dma_start3A_97] : memref<1000x8192xf32, #tpu.memory_space<hbm>> -> memref<1000x8192xf32, #tpu.memory_space<hbm>>
    %dma_start3A_99 = tpu.memref_slice %arg11[%dma_start3A_88] : memref<4x!tpu.dma_semaphore, #tpu.memory_space<semaphore_mem>> -> memref<1x!tpu.dma_semaphore, #tpu.memory_space<semaphore_mem>>
    %dma_start3A_100 = tpu.memref_squeeze %dma_start3A_99 : memref<1x!tpu.dma_semaphore, #tpu.memory_space<semaphore_mem>> -> memref<!tpu.dma_semaphore, #tpu.memory_space<semaphore_mem>>
    tpu.enqueue_indirect_dma source(%dma_start3A_98 : memref<1000x8192xf32, #tpu.memory_space<hbm>>) target(%dma_start3A_92 : memref<1x8192xf32, #tpu.memory_space<vmem>>) offsets(%dma_start3A_95 : memref<1xi32, #tpu.memory_space<vmem>>) semaphore(%dma_start3A_100 : memref<!tpu.dma_semaphore, #tpu.memory_space<semaphore_mem>>)
    %add3A_101 = arith.constant 3 : i32
    %add3A_102 = arith.addi %mul3A_2, %add3A_101 : i32
    %dma_start3A_103 = arith.constant 3 : i32
    %dma_start3A_104 = arith.constant 3 : i32
    %dma_start3A_105 = arith.constant 0 : i32
    %dma_start3A_106 = arith.constant 0 : i32
    %dma_start3A_107 = tpu.memref_slice %arg7[%dma_start3A_103, %dma_start3A_105, %dma_start3A_106] : memref<4x1x8192xf32, #tpu.memory_space<vmem>> -> memref<1x1x8192xf32, #tpu.memory_space<vmem>>
    %dma_start3A_108 = tpu.memref_squeeze %dma_start3A_107 : memref<1x1x8192xf32, #tpu.memory_space<vmem>> -> memref<1x8192xf32, #tpu.memory_space<vmem>>
    %dma_start3A_109 = arith.constant 0 : i32
    %dma_start3A_110 = tpu.memref_slice %arg2[%add3A_102, %dma_start3A_109] : memref<1024x8192xf32, #tpu.memory_space<hbm>> -> memref<1x8192xf32, #tpu.memory_space<hbm>>
    %dma_start3A_111 = tpu.memref_slice %arg10[%dma_start3A_104] : memref<4x!tpu.dma_semaphore, #tpu.memory_space<semaphore_mem>> -> memref<1x!tpu.dma_semaphore, #tpu.memory_space<semaphore_mem>>
    %dma_start3A_112 = tpu.memref_squeeze %dma_start3A_111 : memref<1x!tpu.dma_semaphore, #tpu.memory_space<semaphore_mem>> -> memref<!tpu.dma_semaphore, #tpu.memory_space<semaphore_mem>>
    %dma_start3A_113 = arith.constant 0 : i32
    %dma_start3A_114 = arith.constant 0 : i32
    %dma_start3A_115 = tpu.memref_slice %arg7[%dma_start3A_103, %dma_start3A_113, %dma_start3A_114] : memref<4x1x8192xf32, #tpu.memory_space<vmem>> -> memref<1x1x8192xf32, #tpu.memory_space<vmem>>
    %dma_start3A_116 = tpu.memref_squeeze %dma_start3A_115 : memref<1x1x8192xf32, #tpu.memory_space<vmem>> -> memref<1x8192xf32, #tpu.memory_space<vmem>>
    %dma_start3A_117 = arith.constant 0 : i32
    %dma_start3A_118 = tpu.memref_slice %arg2[%add3A_102, %dma_start3A_117] : memref<1024x8192xf32, #tpu.memory_space<hbm>> -> memref<1x8192xf32, #tpu.memory_space<hbm>>
    tpu.enqueue_dma source(%dma_start3A_118 : memref<1x8192xf32, #tpu.memory_space<hbm>>) target(%dma_start3A_116 : memref<1x8192xf32, #tpu.memory_space<vmem>>) target_semaphore(%dma_start3A_112 : memref<!tpu.dma_semaphore, #tpu.memory_space<semaphore_mem>>)
    %dma_start3A_119 = arith.constant 3 : i32
    %dma_start3A_120 = arith.constant 3 : i32
    %dma_start3A_121 = arith.constant 3 : i32
    %dma_start3A_122 = arith.constant 0 : i32
    %dma_start3A_123 = arith.constant 0 : i32
    %dma_start3A_124 = tpu.memref_slice %arg8[%dma_start3A_120, %dma_start3A_122, %dma_start3A_123] : memref<4x1x8192xf32, #tpu.memory_space<vmem>> -> memref<1x1x8192xf32, #tpu.memory_space<vmem>>
    %dma_start3A_125 = tpu.memref_squeeze %dma_start3A_124 : memref<1x1x8192xf32, #tpu.memory_space<vmem>> -> memref<1x8192xf32, #tpu.memory_space<vmem>>
    %dma_start3A_126 = arith.constant 0 : i32
    %dma_start3A_127 = tpu.memref_slice %arg6[%dma_start3A_119, %dma_start3A_126] : memref<24x1xi32, #tpu.memory_space<vmem>> -> memref<1x1xi32, #tpu.memory_space<vmem>>
    %dma_start3A_128 = tpu.memref_squeeze %dma_start3A_127 : memref<1x1xi32, #tpu.memory_space<vmem>> -> memref<1xi32, #tpu.memory_space<vmem>>
    %dma_start3A_129 = arith.constant 0 : i32
    %dma_start3A_130 = arith.constant 0 : i32
    %dma_start3A_131 = tpu.memref_slice %arg4[%dma_start3A_129, %dma_start3A_130] : memref<1000x8192xf32, #tpu.memory_space<hbm>> -> memref<1000x8192xf32, #tpu.memory_space<hbm>>
    %dma_start3A_132 = tpu.memref_slice %arg11[%dma_start3A_121] : memref<4x!tpu.dma_semaphore, #tpu.memory_space<semaphore_mem>> -> memref<1x!tpu.dma_semaphore, #tpu.memory_space<semaphore_mem>>
    %dma_start3A_133 = tpu.memref_squeeze %dma_start3A_132 : memref<1x!tpu.dma_semaphore, #tpu.memory_space<semaphore_mem>> -> memref<!tpu.dma_semaphore, #tpu.memory_space<semaphore_mem>>
    tpu.enqueue_indirect_dma source(%dma_start3A_131 : memref<1000x8192xf32, #tpu.memory_space<hbm>>) target(%dma_start3A_125 : memref<1x8192xf32, #tpu.memory_space<vmem>>) offsets(%dma_start3A_128 : memref<1xi32, #tpu.memory_space<vmem>>) semaphore(%dma_start3A_133 : memref<!tpu.dma_semaphore, #tpu.memory_space<semaphore_mem>>)
    %broadcast_in_dim3A = arith.constant 0.000000e+00 : f32
    %broadcast_in_dim3A_134 = vector.broadcast %broadcast_in_dim3A : f32 to vector<16xf32>
    %scan3A = arith.constant 0 : i32
    %scan3A_135 = arith.constant 6 : i32
    %scan3A_136 = arith.addi %scan3A, %scan3A_135 : i32
    %scan3A_137 = arith.constant 1 : i32
    %scan3A_138:8 = scf.for %scan3A_150 = %scan3A to %scan3A_136 step %scan3A_137 iter_args(%scan3A_151 = %broadcast_in_dim3A_134, %scan3A_152 = %broadcast_in_dim3A_134, %scan3A_153 = %broadcast_in_dim3A_134, %scan3A_154 = %broadcast_in_dim3A_134, %scan3A_155 = %broadcast_in_dim3A_134, %scan3A_156 = %broadcast_in_dim3A_134, %scan3A_157 = %broadcast_in_dim3A_134, %scan3A_158 = %broadcast_in_dim3A_134) -> (vector<16xf32>, vector<16xf32>, vector<16xf32>, vector<16xf32>, vector<16xf32>, vector<16xf32>, vector<16xf32>, vector<16xf32>)  : i32 {
      %mul3A_159 = arith.constant 4 : i32
      %mul3A_160 = arith.muli %scan3A_150, %mul3A_159 : i32
      %add3A_161 = arith.constant 0 : i32
      %add3A_162 = arith.addi %mul3A_160, %add3A_161 : i32
      %dma_wait3A = arith.constant 0 : i32
      %dma_wait3A_163 = arith.constant 0 : i32
      %dma_wait3A_164 = arith.constant 0 : i32
      %dma_wait3A_165 = arith.constant 0 : i32
      %dma_wait3A_166 = tpu.memref_slice %arg7[%dma_wait3A, %dma_wait3A_164, %dma_wait3A_165] : memref<4x1x8192xf32, #tpu.memory_space<vmem>> -> memref<1x1x8192xf32, #tpu.memory_space<vmem>>
      %dma_wait3A_167 = tpu.memref_squeeze %dma_wait3A_166 : memref<1x1x8192xf32, #tpu.memory_space<vmem>> -> memref<1x8192xf32, #tpu.memory_space<vmem>>
      %dma_wait3A_168 = arith.constant 0 : i32
      %dma_wait3A_169 = arith.constant 0 : i32
      %dma_wait3A_170 = tpu.memref_slice %arg2[%dma_wait3A_168, %dma_wait3A_169] : memref<1024x8192xf32, #tpu.memory_space<hbm>> -> memref<1x8192xf32, #tpu.memory_space<hbm>>
      %dma_wait3A_171 = tpu.memref_slice %arg10[%dma_wait3A_163] : memref<4x!tpu.dma_semaphore, #tpu.memory_space<semaphore_mem>> -> memref<1x!tpu.dma_semaphore, #tpu.memory_space<semaphore_mem>>
      %dma_wait3A_172 = tpu.memref_squeeze %dma_wait3A_171 : memref<1x!tpu.dma_semaphore, #tpu.memory_space<semaphore_mem>> -> memref<!tpu.dma_semaphore, #tpu.memory_space<semaphore_mem>>
      %dma_wait3A_173 = arith.constant 0 : i32
      %dma_wait3A_174 = arith.constant 0 : i32
      %dma_wait3A_175 = tpu.memref_slice %arg7[%dma_wait3A, %dma_wait3A_173, %dma_wait3A_174] : memref<4x1x8192xf32, #tpu.memory_space<vmem>> -> memref<1x1x8192xf32, #tpu.memory_space<vmem>>
      %dma_wait3A_176 = tpu.memref_squeeze %dma_wait3A_175 : memref<1x1x8192xf32, #tpu.memory_space<vmem>> -> memref<1x8192xf32, #tpu.memory_space<vmem>>
      %dma_wait3A_177 = arith.constant 0 : i32
      %dma_wait3A_178 = arith.constant 0 : i32
      %dma_wait3A_179 = tpu.memref_slice %arg2[%dma_wait3A_177, %dma_wait3A_178] : memref<1024x8192xf32, #tpu.memory_space<hbm>> -> memref<1x8192xf32, #tpu.memory_space<hbm>>
      tpu.wait_dma2 semaphore(%dma_wait3A_172 : memref<!tpu.dma_semaphore, #tpu.memory_space<semaphore_mem>>) src(%dma_wait3A_179 : memref<1x8192xf32, #tpu.memory_space<hbm>>) dst(%dma_wait3A_176 : memref<1x8192xf32, #tpu.memory_space<vmem>>)
      %dma_wait3A_180 = arith.constant 0 : i32
      %dma_wait3A_181 = arith.constant 0 : i32
      %dma_wait3A_182 = arith.constant 0 : i32
      %dma_wait3A_183 = arith.constant 0 : i32
      %dma_wait3A_184 = arith.constant 0 : i32
      %dma_wait3A_185 = tpu.memref_slice %arg8[%dma_wait3A_181, %dma_wait3A_183, %dma_wait3A_184] : memref<4x1x8192xf32, #tpu.memory_space<vmem>> -> memref<1x1x8192xf32, #tpu.memory_space<vmem>>
      %dma_wait3A_186 = tpu.memref_squeeze %dma_wait3A_185 : memref<1x1x8192xf32, #tpu.memory_space<vmem>> -> memref<1x8192xf32, #tpu.memory_space<vmem>>
      %dma_wait3A_187 = arith.constant 0 : i32
      %dma_wait3A_188 = tpu.memref_slice %arg6[%dma_wait3A_180, %dma_wait3A_187] : memref<24x1xi32, #tpu.memory_space<vmem>> -> memref<1x1xi32, #tpu.memory_space<vmem>>
      %dma_wait3A_189 = tpu.memref_squeeze %dma_wait3A_188 : memref<1x1xi32, #tpu.memory_space<vmem>> -> memref<1xi32, #tpu.memory_space<vmem>>
      %dma_wait3A_190 = arith.constant 0 : i32
      %dma_wait3A_191 = arith.constant 0 : i32
      %dma_wait3A_192 = tpu.memref_slice %arg4[%dma_wait3A_190, %dma_wait3A_191] : memref<1000x8192xf32, #tpu.memory_space<hbm>> -> memref<1000x8192xf32, #tpu.memory_space<hbm>>
      %dma_wait3A_193 = tpu.memref_slice %arg11[%dma_wait3A_182] : memref<4x!tpu.dma_semaphore, #tpu.memory_space<semaphore_mem>> -> memref<1x!tpu.dma_semaphore, #tpu.memory_space<semaphore_mem>>
      %dma_wait3A_194 = tpu.memref_squeeze %dma_wait3A_193 : memref<1x!tpu.dma_semaphore, #tpu.memory_space<semaphore_mem>> -> memref<!tpu.dma_semaphore, #tpu.memory_space<semaphore_mem>>
      tpu.wait_indirect_dma semaphore(%dma_wait3A_194 : memref<!tpu.dma_semaphore, #tpu.memory_space<semaphore_mem>>) src(%dma_wait3A_192 : memref<1000x8192xf32, #tpu.memory_space<hbm>>) dst(%dma_wait3A_186 : memref<1x8192xf32, #tpu.memory_space<vmem>>)
      %parallel_loop3A = arith.constant 0 : i32
      %parallel_loop3A_195 = arith.constant 8192 : i32
      %parallel_loop3A_196 = arith.constant 128 : i32
      %parallel_loop3A_197:8 = scf.for %parallel_loop3A_346 = %parallel_loop3A to %parallel_loop3A_195 step %parallel_loop3A_196 iter_args(%parallel_loop3A_347 = %scan3A_151, %parallel_loop3A_348 = %scan3A_152, %parallel_loop3A_349 = %scan3A_153, %parallel_loop3A_350 = %scan3A_154, %parallel_loop3A_351 = %scan3A_155, %parallel_loop3A_352 = %scan3A_156, %parallel_loop3A_353 = %scan3A_157, %parallel_loop3A_354 = %scan3A_158) -> (vector<16xf32>, vector<16xf32>, vector<16xf32>, vector<16xf32>, vector<16xf32>, vector<16xf32>, vector<16xf32>, vector<16xf32>)  : i32 {
        %parallel_loop3A_355 = arith.constant 0 : i32
        %parallel_loop3A_356 = arith.addi %parallel_loop3A_346, %parallel_loop3A_355 : i32
        %parallel_loop3A_357 = arith.constant 0 : i32
        %parallel_loop3A_358 = arith.constant 0 : i32
        %parallel_loop3A_359 = arith.index_cast %parallel_loop3A_357 : i32 to index
        %parallel_loop3A_360 = arith.index_cast %parallel_loop3A_358 : i32 to index
        %parallel_loop3A_361 = arith.index_cast %parallel_loop3A_356 : i32 to index
        %parallel_loop3A_362 = tpu.vector_load %arg7[%parallel_loop3A_359, %parallel_loop3A_360, %parallel_loop3A_361] {strides = array<i32>} : memref<4x1x8192xf32, #tpu.memory_space<vmem>>, vector<1x1x16xf32>,
        %parallel_loop3A_363 = vector.shape_cast %parallel_loop3A_362 : vector<1x1x16xf32> to vector<16xf32>
        %parallel_loop3A_364 = arith.constant 16 : i32
        %parallel_loop3A_365 = arith.addi %parallel_loop3A_346, %parallel_loop3A_364 : i32
        %parallel_loop3A_366 = arith.constant 0 : i32
        %parallel_loop3A_367 = arith.constant 0 : i32
        %parallel_loop3A_368 = arith.index_cast %parallel_loop3A_366 : i32 to index
        %parallel_loop3A_369 = arith.index_cast %parallel_loop3A_367 : i32 to index
        %parallel_loop3A_370 = arith.index_cast %parallel_loop3A_365 : i32 to index
        %parallel_loop3A_371 = tpu.vector_load %arg7[%parallel_loop3A_368, %parallel_loop3A_369, %parallel_loop3A_370] {strides = array<i32>} : memref<4x1x8192xf32, #tpu.memory_space<vmem>>, vector<1x1x16xf32>,
        %parallel_loop3A_372 = vector.shape_cast %parallel_loop3A_371 : vector<1x1x16xf32> to vector<16xf32>
        %parallel_loop3A_373 = arith.constant 32 : i32
        %parallel_loop3A_374 = arith.addi %parallel_loop3A_346, %parallel_loop3A_373 : i32
        %parallel_loop3A_375 = arith.constant 0 : i32
        %parallel_loop3A_376 = arith.constant 0 : i32
        %parallel_loop3A_377 = arith.index_cast %parallel_loop3A_375 : i32 to index
        %parallel_loop3A_378 = arith.index_cast %parallel_loop3A_376 : i32 to index
        %parallel_loop3A_379 = arith.index_cast %parallel_loop3A_374 : i32 to index
        %parallel_loop3A_380 = tpu.vector_load %arg7[%parallel_loop3A_377, %parallel_loop3A_378, %parallel_loop3A_379] {strides = array<i32>} : memref<4x1x8192xf32, #tpu.memory_space<vmem>>, vector<1x1x16xf32>,
        %parallel_loop3A_381 = vector.shape_cast %parallel_loop3A_380 : vector<1x1x16xf32> to vector<16xf32>
        %parallel_loop3A_382 = arith.constant 48 : i32
        %parallel_loop3A_383 = arith.addi %parallel_loop3A_346, %parallel_loop3A_382 : i32
        %parallel_loop3A_384 = arith.constant 0 : i32
        %parallel_loop3A_385 = arith.constant 0 : i32
        %parallel_loop3A_386 = arith.index_cast %parallel_loop3A_384 : i32 to index
        %parallel_loop3A_387 = arith.index_cast %parallel_loop3A_385 : i32 to index
        %parallel_loop3A_388 = arith.index_cast %parallel_loop3A_383 : i32 to index
        %parallel_loop3A_389 = tpu.vector_load %arg7[%parallel_loop3A_386, %parallel_loop3A_387, %parallel_loop3A_388] {strides = array<i32>} : memref<4x1x8192xf32, #tpu.memory_space<vmem>>, vector<1x1x16xf32>,
        %parallel_loop3A_390 = vector.shape_cast %parallel_loop3A_389 : vector<1x1x16xf32> to vector<16xf32>
        %parallel_loop3A_391 = arith.constant 64 : i32
        %parallel_loop3A_392 = arith.addi %parallel_loop3A_346, %parallel_loop3A_391 : i32
        %parallel_loop3A_393 = arith.constant 0 : i32
        %parallel_loop3A_394 = arith.constant 0 : i32
        %parallel_loop3A_395 = arith.index_cast %parallel_loop3A_393 : i32 to index
        %parallel_loop3A_396 = arith.index_cast %parallel_loop3A_394 : i32 to index
        %parallel_loop3A_397 = arith.index_cast %parallel_loop3A_392 : i32 to index
        %parallel_loop3A_398 = tpu.vector_load %arg7[%parallel_loop3A_395, %parallel_loop3A_396, %parallel_loop3A_397] {strides = array<i32>} : memref<4x1x8192xf32, #tpu.memory_space<vmem>>, vector<1x1x16xf32>,
        %parallel_loop3A_399 = vector.shape_cast %parallel_loop3A_398 : vector<1x1x16xf32> to vector<16xf32>
        %parallel_loop3A_400 = arith.constant 80 : i32
        %parallel_loop3A_401 = arith.addi %parallel_loop3A_346, %parallel_loop3A_400 : i32
        %parallel_loop3A_402 = arith.constant 0 : i32
        %parallel_loop3A_403 = arith.constant 0 : i32
        %parallel_loop3A_404 = arith.index_cast %parallel_loop3A_402 : i32 to index
        %parallel_loop3A_405 = arith.index_cast %parallel_loop3A_403 : i32 to index
        %parallel_loop3A_406 = arith.index_cast %parallel_loop3A_401 : i32 to index
        %parallel_loop3A_407 = tpu.vector_load %arg7[%parallel_loop3A_404, %parallel_loop3A_405, %parallel_loop3A_406] {strides = array<i32>} : memref<4x1x8192xf32, #tpu.memory_space<vmem>>, vector<1x1x16xf32>,
        %parallel_loop3A_408 = vector.shape_cast %parallel_loop3A_407 : vector<1x1x16xf32> to vector<16xf32>
        %parallel_loop3A_409 = arith.constant 96 : i32
        %parallel_loop3A_410 = arith.addi %parallel_loop3A_346, %parallel_loop3A_409 : i32
        %parallel_loop3A_411 = arith.constant 0 : i32
        %parallel_loop3A_412 = arith.constant 0 : i32
        %parallel_loop3A_413 = arith.index_cast %parallel_loop3A_411 : i32 to index
        %parallel_loop3A_414 = arith.index_cast %parallel_loop3A_412 : i32 to index
        %parallel_loop3A_415 = arith.index_cast %parallel_loop3A_410 : i32 to index
        %parallel_loop3A_416 = tpu.vector_load %arg7[%parallel_loop3A_413, %parallel_loop3A_414, %parallel_loop3A_415] {strides = array<i32>} : memref<4x1x8192xf32, #tpu.memory_space<vmem>>, vector<1x1x16xf32>,
        %parallel_loop3A_417 = vector.shape_cast %parallel_loop3A_416 : vector<1x1x16xf32> to vector<16xf32>
        %parallel_loop3A_418 = arith.constant 112 : i32
        %parallel_loop3A_419 = arith.addi %parallel_loop3A_346, %parallel_loop3A_418 : i32
        %parallel_loop3A_420 = arith.constant 0 : i32
        %parallel_loop3A_421 = arith.constant 0 : i32
        %parallel_loop3A_422 = arith.index_cast %parallel_loop3A_420 : i32 to index
        %parallel_loop3A_423 = arith.index_cast %parallel_loop3A_421 : i32 to index
        %parallel_loop3A_424 = arith.index_cast %parallel_loop3A_419 : i32 to index
        %parallel_loop3A_425 = tpu.vector_load %arg7[%parallel_loop3A_422, %parallel_loop3A_423, %parallel_loop3A_424] {strides = array<i32>} : memref<4x1x8192xf32, #tpu.memory_space<vmem>>, vector<1x1x16xf32>,
        %parallel_loop3A_426 = vector.shape_cast %parallel_loop3A_425 : vector<1x1x16xf32> to vector<16xf32>
        %parallel_loop3A_427 = arith.constant 0 : i32
        %parallel_loop3A_428 = arith.addi %parallel_loop3A_346, %parallel_loop3A_427 : i32
        %parallel_loop3A_429 = arith.constant 0 : i32
        %parallel_loop3A_430 = arith.constant 0 : i32
        %parallel_loop3A_431 = arith.index_cast %parallel_loop3A_429 : i32 to index
        %parallel_loop3A_432 = arith.index_cast %parallel_loop3A_430 : i32 to index
        %parallel_loop3A_433 = arith.index_cast %parallel_loop3A_428 : i32 to index
        %parallel_loop3A_434 = tpu.vector_load %arg8[%parallel_loop3A_431, %parallel_loop3A_432, %parallel_loop3A_433] {strides = array<i32>} : memref<4x1x8192xf32, #tpu.memory_space<vmem>>, vector<1x1x16xf32>,
        %parallel_loop3A_435 = vector.shape_cast %parallel_loop3A_434 : vector<1x1x16xf32> to vector<16xf32>
        %parallel_loop3A_436 = arith.constant 16 : i32
        %parallel_loop3A_437 = arith.addi %parallel_loop3A_346, %parallel_loop3A_436 : i32
        %parallel_loop3A_438 = arith.constant 0 : i32
        %parallel_loop3A_439 = arith.constant 0 : i32
        %parallel_loop3A_440 = arith.index_cast %parallel_loop3A_438 : i32 to index
        %parallel_loop3A_441 = arith.index_cast %parallel_loop3A_439 : i32 to index
        %parallel_loop3A_442 = arith.index_cast %parallel_loop3A_437 : i32 to index
        %parallel_loop3A_443 = tpu.vector_load %arg8[%parallel_loop3A_440, %parallel_loop3A_441, %parallel_loop3A_442] {strides = array<i32>} : memref<4x1x8192xf32, #tpu.memory_space<vmem>>, vector<1x1x16xf32>,
        %parallel_loop3A_444 = vector.shape_cast %parallel_loop3A_443 : vector<1x1x16xf32> to vector<16xf32>
        %parallel_loop3A_445 = arith.constant 32 : i32
        %parallel_loop3A_446 = arith.addi %parallel_loop3A_346, %parallel_loop3A_445 : i32
        %parallel_loop3A_447 = arith.constant 0 : i32
        %parallel_loop3A_448 = arith.constant 0 : i32
        %parallel_loop3A_449 = arith.index_cast %parallel_loop3A_447 : i32 to index
        %parallel_loop3A_450 = arith.index_cast %parallel_loop3A_448 : i32 to index
        %parallel_loop3A_451 = arith.index_cast %parallel_loop3A_446 : i32 to index
        %parallel_loop3A_452 = tpu.vector_load %arg8[%parallel_loop3A_449, %parallel_loop3A_450, %parallel_loop3A_451] {strides = array<i32>} : memref<4x1x8192xf32, #tpu.memory_space<vmem>>, vector<1x1x16xf32>,
        %parallel_loop3A_453 = vector.shape_cast %parallel_loop3A_452 : vector<1x1x16xf32> to vector<16xf32>
        %parallel_loop3A_454 = arith.constant 48 : i32
        %parallel_loop3A_455 = arith.addi %parallel_loop3A_346, %parallel_loop3A_454 : i32
        %parallel_loop3A_456 = arith.constant 0 : i32
        %parallel_loop3A_457 = arith.constant 0 : i32
        %parallel_loop3A_458 = arith.index_cast %parallel_loop3A_456 : i32 to index
        %parallel_loop3A_459 = arith.index_cast %parallel_loop3A_457 : i32 to index
        %parallel_loop3A_460 = arith.index_cast %parallel_loop3A_455 : i32 to index
        %parallel_loop3A_461 = tpu.vector_load %arg8[%parallel_loop3A_458, %parallel_loop3A_459, %parallel_loop3A_460] {strides = array<i32>} : memref<4x1x8192xf32, #tpu.memory_space<vmem>>, vector<1x1x16xf32>,
        %parallel_loop3A_462 = vector.shape_cast %parallel_loop3A_461 : vector<1x1x16xf32> to vector<16xf32>
        %parallel_loop3A_463 = arith.constant 64 : i32
        %parallel_loop3A_464 = arith.addi %parallel_loop3A_346, %parallel_loop3A_463 : i32
        %parallel_loop3A_465 = arith.constant 0 : i32
        %parallel_loop3A_466 = arith.constant 0 : i32
        %parallel_loop3A_467 = arith.index_cast %parallel_loop3A_465 : i32 to index
        %parallel_loop3A_468 = arith.index_cast %parallel_loop3A_466 : i32 to index
        %parallel_loop3A_469 = arith.index_cast %parallel_loop3A_464 : i32 to index
        %parallel_loop3A_470 = tpu.vector_load %arg8[%parallel_loop3A_467, %parallel_loop3A_468, %parallel_loop3A_469] {strides = array<i32>} : memref<4x1x8192xf32, #tpu.memory_space<vmem>>, vector<1x1x16xf32>,
        %parallel_loop3A_471 = vector.shape_cast %parallel_loop3A_470 : vector<1x1x16xf32> to vector<16xf32>
        %parallel_loop3A_472 = arith.constant 80 : i32
        %parallel_loop3A_473 = arith.addi %parallel_loop3A_346, %parallel_loop3A_472 : i32
        %parallel_loop3A_474 = arith.constant 0 : i32
        %parallel_loop3A_475 = arith.constant 0 : i32
        %parallel_loop3A_476 = arith.index_cast %parallel_loop3A_474 : i32 to index
        %parallel_loop3A_477 = arith.index_cast %parallel_loop3A_475 : i32 to index
        %parallel_loop3A_478 = arith.index_cast %parallel_loop3A_473 : i32 to index
        %parallel_loop3A_479 = tpu.vector_load %arg8[%parallel_loop3A_476, %parallel_loop3A_477, %parallel_loop3A_478] {strides = array<i32>} : memref<4x1x8192xf32, #tpu.memory_space<vmem>>, vector<1x1x16xf32>,
        %parallel_loop3A_480 = vector.shape_cast %parallel_loop3A_479 : vector<1x1x16xf32> to vector<16xf32>
        %parallel_loop3A_481 = arith.constant 96 : i32
        %parallel_loop3A_482 = arith.addi %parallel_loop3A_346, %parallel_loop3A_481 : i32
        %parallel_loop3A_483 = arith.constant 0 : i32
        %parallel_loop3A_484 = arith.constant 0 : i32
        %parallel_loop3A_485 = arith.index_cast %parallel_loop3A_483 : i32 to index
        %parallel_loop3A_486 = arith.index_cast %parallel_loop3A_484 : i32 to index
        %parallel_loop3A_487 = arith.index_cast %parallel_loop3A_482 : i32 to index
        %parallel_loop3A_488 = tpu.vector_load %arg8[%parallel_loop3A_485, %parallel_loop3A_486, %parallel_loop3A_487] {strides = array<i32>} : memref<4x1x8192xf32, #tpu.memory_space<vmem>>, vector<1x1x16xf32>,
        %parallel_loop3A_489 = vector.shape_cast %parallel_loop3A_488 : vector<1x1x16xf32> to vector<16xf32>
        %parallel_loop3A_490 = arith.constant 112 : i32
        %parallel_loop3A_491 = arith.addi %parallel_loop3A_346, %parallel_loop3A_490 : i32
        %parallel_loop3A_492 = arith.constant 0 : i32
        %parallel_loop3A_493 = arith.constant 0 : i32
        %parallel_loop3A_494 = arith.index_cast %parallel_loop3A_492 : i32 to index
        %parallel_loop3A_495 = arith.index_cast %parallel_loop3A_493 : i32 to index
        %parallel_loop3A_496 = arith.index_cast %parallel_loop3A_491 : i32 to index
        %parallel_loop3A_497 = tpu.vector_load %arg8[%parallel_loop3A_494, %parallel_loop3A_495, %parallel_loop3A_496] {strides = array<i32>} : memref<4x1x8192xf32, #tpu.memory_space<vmem>>, vector<1x1x16xf32>,
        %parallel_loop3A_498 = vector.shape_cast %parallel_loop3A_497 : vector<1x1x16xf32> to vector<16xf32>
        %parallel_loop3A_499 = arith.subf %parallel_loop3A_363, %parallel_loop3A_435 : vector<16xf32>
        %parallel_loop3A_500 = arith.subf %parallel_loop3A_372, %parallel_loop3A_444 : vector<16xf32>
        %parallel_loop3A_501 = arith.subf %parallel_loop3A_381, %parallel_loop3A_453 : vector<16xf32>
        %parallel_loop3A_502 = arith.subf %parallel_loop3A_390, %parallel_loop3A_462 : vector<16xf32>
        %parallel_loop3A_503 = arith.subf %parallel_loop3A_399, %parallel_loop3A_471 : vector<16xf32>
        %parallel_loop3A_504 = arith.subf %parallel_loop3A_408, %parallel_loop3A_480 : vector<16xf32>
        %parallel_loop3A_505 = arith.subf %parallel_loop3A_417, %parallel_loop3A_489 : vector<16xf32>
        %parallel_loop3A_506 = arith.subf %parallel_loop3A_426, %parallel_loop3A_498 : vector<16xf32>
        %parallel_loop3A_507 = arith.mulf %parallel_loop3A_499, %parallel_loop3A_499 : vector<16xf32>
        %parallel_loop3A_508 = arith.addf %parallel_loop3A_347, %parallel_loop3A_507 : vector<16xf32>
        %parallel_loop3A_509 = arith.mulf %parallel_loop3A_500, %parallel_loop3A_500 : vector<16xf32>
        %parallel_loop3A_510 = arith.addf %parallel_loop3A_348, %parallel_loop3A_509 : vector<16xf32>
        %parallel_loop3A_511 = arith.mulf %parallel_loop3A_501, %parallel_loop3A_501 : vector<16xf32>
        %parallel_loop3A_512 = arith.addf %parallel_loop3A_349, %parallel_loop3A_511 : vector<16xf32>
        %parallel_loop3A_513 = arith.mulf %parallel_loop3A_502, %parallel_loop3A_502 : vector<16xf32>
        %parallel_loop3A_514 = arith.addf %parallel_loop3A_350, %parallel_loop3A_513 : vector<16xf32>
        %parallel_loop3A_515 = arith.mulf %parallel_loop3A_503, %parallel_loop3A_503 : vector<16xf32>
        %parallel_loop3A_516 = arith.addf %parallel_loop3A_351, %parallel_loop3A_515 : vector<16xf32>
        %parallel_loop3A_517 = arith.mulf %parallel_loop3A_504, %parallel_loop3A_504 : vector<16xf32>
        %parallel_loop3A_518 = arith.addf %parallel_loop3A_352, %parallel_loop3A_517 : vector<16xf32>
        %parallel_loop3A_519 = arith.mulf %parallel_loop3A_505, %parallel_loop3A_505 : vector<16xf32>
        %parallel_loop3A_520 = arith.addf %parallel_loop3A_353, %parallel_loop3A_519 : vector<16xf32>
        %parallel_loop3A_521 = arith.mulf %parallel_loop3A_506, %parallel_loop3A_506 : vector<16xf32>
        %parallel_loop3A_522 = arith.addf %parallel_loop3A_354, %parallel_loop3A_521 : vector<16xf32>
        scf.yield %parallel_loop3A_508, %parallel_loop3A_510, %parallel_loop3A_512, %parallel_loop3A_514, %parallel_loop3A_516, %parallel_loop3A_518, %parallel_loop3A_520, %parallel_loop3A_522 : vector<16xf32>, vector<16xf32>, vector<16xf32>, vector<16xf32>, vector<16xf32>, vector<16xf32>, vector<16xf32>, vector<16xf32>
      } {sc.loop_unroll_factor = 1 : i64, sc.parallel_access}
      %add3A_198 = arith.constant 4 : i32
      %add3A_199 = arith.addi %add3A_162, %add3A_198 : i32
      %lt3A = arith.constant 24 : i32
      %lt3A_200 = arith.cmpi slt, %add3A_199, %lt3A : i32
      %convert_element_type3A = arith.extui %lt3A_200 : i1 to i32
      %cond3A = arith.constant 0 : i32
      %cond3A_201 = arith.cmpi ne, %convert_element_type3A, %cond3A : i32
      scf.if %cond3A_201 {
        %add3A_346 = arith.constant 4 : i32
        %add3A_347 = arith.addi %add3A_162, %add3A_346 : i32
        %add3A_348 = arith.addi %mul3A_2, %add3A_347 : i32
        %dma_start3A_349 = arith.constant 0 : i32
        %dma_start3A_350 = arith.constant 0 : i32
        %dma_start3A_351 = arith.constant 0 : i32
        %dma_start3A_352 = arith.constant 0 : i32
        %dma_start3A_353 = tpu.memref_slice %arg7[%dma_start3A_349, %dma_start3A_351, %dma_start3A_352] : memref<4x1x8192xf32, #tpu.memory_space<vmem>> -> memref<1x1x8192xf32, #tpu.memory_space<vmem>>
        %dma_start3A_354 = tpu.memref_squeeze %dma_start3A_353 : memref<1x1x8192xf32, #tpu.memory_space<vmem>> -> memref<1x8192xf32, #tpu.memory_space<vmem>>
        %dma_start3A_355 = arith.constant 0 : i32
        %dma_start3A_356 = tpu.memref_slice %arg2[%add3A_348, %dma_start3A_355] : memref<1024x8192xf32, #tpu.memory_space<hbm>> -> memref<1x8192xf32, #tpu.memory_space<hbm>>
        %dma_start3A_357 = tpu.memref_slice %arg10[%dma_start3A_350] : memref<4x!tpu.dma_semaphore, #tpu.memory_space<semaphore_mem>> -> memref<1x!tpu.dma_semaphore, #tpu.memory_space<semaphore_mem>>
        %dma_start3A_358 = tpu.memref_squeeze %dma_start3A_357 : memref<1x!tpu.dma_semaphore, #tpu.memory_space<semaphore_mem>> -> memref<!tpu.dma_semaphore, #tpu.memory_space<semaphore_mem>>
        %dma_start3A_359 = arith.constant 0 : i32
        %dma_start3A_360 = arith.constant 0 : i32
        %dma_start3A_361 = tpu.memref_slice %arg7[%dma_start3A_349, %dma_start3A_359, %dma_start3A_360] : memref<4x1x8192xf32, #tpu.memory_space<vmem>> -> memref<1x1x8192xf32, #tpu.memory_space<vmem>>
        %dma_start3A_362 = tpu.memref_squeeze %dma_start3A_361 : memref<1x1x8192xf32, #tpu.memory_space<vmem>> -> memref<1x8192xf32, #tpu.memory_space<vmem>>
        %dma_start3A_363 = arith.constant 0 : i32
        %dma_start3A_364 = tpu.memref_slice %arg2[%add3A_348, %dma_start3A_363] : memref<1024x8192xf32, #tpu.memory_space<hbm>> -> memref<1x8192xf32, #tpu.memory_space<hbm>>
        tpu.enqueue_dma source(%dma_start3A_364 : memref<1x8192xf32, #tpu.memory_space<hbm>>) target(%dma_start3A_362 : memref<1x8192xf32, #tpu.memory_space<vmem>>) target_semaphore(%dma_start3A_358 : memref<!tpu.dma_semaphore, #tpu.memory_space<semaphore_mem>>)
        %dma_start3A_365 = arith.constant 0 : i32
        %dma_start3A_366 = arith.constant 0 : i32
        %dma_start3A_367 = arith.constant 0 : i32
        %dma_start3A_368 = arith.constant 0 : i32
        %dma_start3A_369 = tpu.memref_slice %arg8[%dma_start3A_365, %dma_start3A_367, %dma_start3A_368] : memref<4x1x8192xf32, #tpu.memory_space<vmem>> -> memref<1x1x8192xf32, #tpu.memory_space<vmem>>
        %dma_start3A_370 = tpu.memref_squeeze %dma_start3A_369 : memref<1x1x8192xf32, #tpu.memory_space<vmem>> -> memref<1x8192xf32, #tpu.memory_space<vmem>>
        %dma_start3A_371 = arith.constant 0 : i32
        %dma_start3A_372 = tpu.memref_slice %arg6[%add3A_347, %dma_start3A_371] : memref<24x1xi32, #tpu.memory_space<vmem>> -> memref<1x1xi32, #tpu.memory_space<vmem>>
        %dma_start3A_373 = tpu.memref_squeeze %dma_start3A_372 : memref<1x1xi32, #tpu.memory_space<vmem>> -> memref<1xi32, #tpu.memory_space<vmem>>
        %dma_start3A_374 = arith.constant 0 : i32
        %dma_start3A_375 = arith.constant 0 : i32
        %dma_start3A_376 = tpu.memref_slice %arg4[%dma_start3A_374, %dma_start3A_375] : memref<1000x8192xf32, #tpu.memory_space<hbm>> -> memref<1000x8192xf32, #tpu.memory_space<hbm>>
        %dma_start3A_377 = tpu.memref_slice %arg11[%dma_start3A_366] : memref<4x!tpu.dma_semaphore, #tpu.memory_space<semaphore_mem>> -> memref<1x!tpu.dma_semaphore, #tpu.memory_space<semaphore_mem>>
        %dma_start3A_378 = tpu.memref_squeeze %dma_start3A_377 : memref<1x!tpu.dma_semaphore, #tpu.memory_space<semaphore_mem>> -> memref<!tpu.dma_semaphore, #tpu.memory_space<semaphore_mem>>
        tpu.enqueue_indirect_dma source(%dma_start3A_376 : memref<1000x8192xf32, #tpu.memory_space<hbm>>) target(%dma_start3A_370 : memref<1x8192xf32, #tpu.memory_space<vmem>>) offsets(%dma_start3A_373 : memref<1xi32, #tpu.memory_space<vmem>>) semaphore(%dma_start3A_378 : memref<!tpu.dma_semaphore, #tpu.memory_space<semaphore_mem>>)
      } else {
      }
      %mul3A_202 = arith.constant 4 : i32
      %mul3A_203 = arith.muli %scan3A_150, %mul3A_202 : i32
      %add3A_204 = arith.constant 1 : i32
      %add3A_205 = arith.addi %mul3A_203, %add3A_204 : i32
      %dma_wait3A_206 = arith.constant 1 : i32
      %dma_wait3A_207 = arith.constant 1 : i32
      %dma_wait3A_208 = arith.constant 0 : i32
      %dma_wait3A_209 = arith.constant 0 : i32
      %dma_wait3A_210 = tpu.memref_slice %arg7[%dma_wait3A_206, %dma_wait3A_208, %dma_wait3A_209] : memref<4x1x8192xf32, #tpu.memory_space<vmem>> -> memref<1x1x8192xf32, #tpu.memory_space<vmem>>
      %dma_wait3A_211 = tpu.memref_squeeze %dma_wait3A_210 : memref<1x1x8192xf32, #tpu.memory_space<vmem>> -> memref<1x8192xf32, #tpu.memory_space<vmem>>
      %dma_wait3A_212 = arith.constant 0 : i32
      %dma_wait3A_213 = arith.constant 0 : i32
      %dma_wait3A_214 = tpu.memref_slice %arg2[%dma_wait3A_212, %dma_wait3A_213] : memref<1024x8192xf32, #tpu.memory_space<hbm>> -> memref<1x8192xf32, #tpu.memory_space<hbm>>
      %dma_wait3A_215 = tpu.memref_slice %arg10[%dma_wait3A_207] : memref<4x!tpu.dma_semaphore, #tpu.memory_space<semaphore_mem>> -> memref<1x!tpu.dma_semaphore, #tpu.memory_space<semaphore_mem>>
      %dma_wait3A_216 = tpu.memref_squeeze %dma_wait3A_215 : memref<1x!tpu.dma_semaphore, #tpu.memory_space<semaphore_mem>> -> memref<!tpu.dma_semaphore, #tpu.memory_space<semaphore_mem>>
      %dma_wait3A_217 = arith.constant 0 : i32
      %dma_wait3A_218 = arith.constant 0 : i32
      %dma_wait3A_219 = tpu.memref_slice %arg7[%dma_wait3A_206, %dma_wait3A_217, %dma_wait3A_218] : memref<4x1x8192xf32, #tpu.memory_space<vmem>> -> memref<1x1x8192xf32, #tpu.memory_space<vmem>>
      %dma_wait3A_220 = tpu.memref_squeeze %dma_wait3A_219 : memref<1x1x8192xf32, #tpu.memory_space<vmem>> -> memref<1x8192xf32, #tpu.memory_space<vmem>>
      %dma_wait3A_221 = arith.constant 0 : i32
      %dma_wait3A_222 = arith.constant 0 : i32
      %dma_wait3A_223 = tpu.memref_slice %arg2[%dma_wait3A_221, %dma_wait3A_222] : memref<1024x8192xf32, #tpu.memory_space<hbm>> -> memref<1x8192xf32, #tpu.memory_space<hbm>>
      tpu.wait_dma2 semaphore(%dma_wait3A_216 : memref<!tpu.dma_semaphore, #tpu.memory_space<semaphore_mem>>) src(%dma_wait3A_223 : memref<1x8192xf32, #tpu.memory_space<hbm>>) dst(%dma_wait3A_220 : memref<1x8192xf32, #tpu.memory_space<vmem>>)
      %dma_wait3A_224 = arith.constant 0 : i32
      %dma_wait3A_225 = arith.constant 1 : i32
      %dma_wait3A_226 = arith.constant 1 : i32
      %dma_wait3A_227 = arith.constant 0 : i32
      %dma_wait3A_228 = arith.constant 0 : i32
      %dma_wait3A_229 = tpu.memref_slice %arg8[%dma_wait3A_225, %dma_wait3A_227, %dma_wait3A_228] : memref<4x1x8192xf32, #tpu.memory_space<vmem>> -> memref<1x1x8192xf32, #tpu.memory_space<vmem>>
      %dma_wait3A_230 = tpu.memref_squeeze %dma_wait3A_229 : memref<1x1x8192xf32, #tpu.memory_space<vmem>> -> memref<1x8192xf32, #tpu.memory_space<vmem>>
      %dma_wait3A_231 = arith.constant 0 : i32
      %dma_wait3A_232 = tpu.memref_slice %arg6[%dma_wait3A_224, %dma_wait3A_231] : memref<24x1xi32, #tpu.memory_space<vmem>> -> memref<1x1xi32, #tpu.memory_space<vmem>>
      %dma_wait3A_233 = tpu.memref_squeeze %dma_wait3A_232 : memref<1x1xi32, #tpu.memory_space<vmem>> -> memref<1xi32, #tpu.memory_space<vmem>>
      %dma_wait3A_234 = arith.constant 0 : i32
      %dma_wait3A_235 = arith.constant 0 : i32
      %dma_wait3A_236 = tpu.memref_slice %arg4[%dma_wait3A_234, %dma_wait3A_235] : memref<1000x8192xf32, #tpu.memory_space<hbm>> -> memref<1000x8192xf32, #tpu.memory_space<hbm>>
      %dma_wait3A_237 = tpu.memref_slice %arg11[%dma_wait3A_226] : memref<4x!tpu.dma_semaphore, #tpu.memory_space<semaphore_mem>> -> memref<1x!tpu.dma_semaphore, #tpu.memory_space<semaphore_mem>>
      %dma_wait3A_238 = tpu.memref_squeeze %dma_wait3A_237 : memref<1x!tpu.dma_semaphore, #tpu.memory_space<semaphore_mem>> -> memref<!tpu.dma_semaphore, #tpu.memory_space<semaphore_mem>>
      tpu.wait_indirect_dma semaphore(%dma_wait3A_238 : memref<!tpu.dma_semaphore, #tpu.memory_space<semaphore_mem>>) src(%dma_wait3A_236 : memref<1000x8192xf32, #tpu.memory_space<hbm>>) dst(%dma_wait3A_230 : memref<1x8192xf32, #tpu.memory_space<vmem>>)
      %parallel_loop3A_239 = arith.constant 0 : i32
      %parallel_loop3A_240 = arith.constant 8192 : i32
      %parallel_loop3A_241 = arith.constant 128 : i32
      %parallel_loop3A_242:8 = scf.for %parallel_loop3A_346 = %parallel_loop3A_239 to %parallel_loop3A_240 step %parallel_loop3A_241 iter_args(%parallel_loop3A_347 = %parallel_loop3A_197#0, %parallel_loop3A_348 = %parallel_loop3A_197#1, %parallel_loop3A_349 = %parallel_loop3A_197#2, %parallel_loop3A_350 = %parallel_loop3A_197#3, %parallel_loop3A_351 = %parallel_loop3A_197#4, %parallel_loop3A_352 = %parallel_loop3A_197#5, %parallel_loop3A_353 = %parallel_loop3A_197#6, %parallel_loop3A_354 = %parallel_loop3A_197#7) -> (vector<16xf32>, vector<16xf32>, vector<16xf32>, vector<16xf32>, vector<16xf32>, vector<16xf32>, vector<16xf32>, vector<16xf32>)  : i32 {
        %parallel_loop3A_355 = arith.constant 0 : i32
        %parallel_loop3A_356 = arith.addi %parallel_loop3A_346, %parallel_loop3A_355 : i32
        %parallel_loop3A_357 = arith.constant 1 : i32
        %parallel_loop3A_358 = arith.constant 0 : i32
        %parallel_loop3A_359 = arith.index_cast %parallel_loop3A_357 : i32 to index
        %parallel_loop3A_360 = arith.index_cast %parallel_loop3A_358 : i32 to index
        %parallel_loop3A_361 = arith.index_cast %parallel_loop3A_356 : i32 to index
        %parallel_loop3A_362 = tpu.vector_load %arg7[%parallel_loop3A_359, %parallel_loop3A_360, %parallel_loop3A_361] {strides = array<i32>} : memref<4x1x8192xf32, #tpu.memory_space<vmem>>, vector<1x1x16xf32>,
        %parallel_loop3A_363 = vector.shape_cast %parallel_loop3A_362 : vector<1x1x16xf32> to vector<16xf32>
        %parallel_loop3A_364 = arith.constant 16 : i32
        %parallel_loop3A_365 = arith.addi %parallel_loop3A_346, %parallel_loop3A_364 : i32
        %parallel_loop3A_366 = arith.constant 1 : i32
        %parallel_loop3A_367 = arith.constant 0 : i32
        %parallel_loop3A_368 = arith.index_cast %parallel_loop3A_366 : i32 to index
        %parallel_loop3A_369 = arith.index_cast %parallel_loop3A_367 : i32 to index
        %parallel_loop3A_370 = arith.index_cast %parallel_loop3A_365 : i32 to index
        %parallel_loop3A_371 = tpu.vector_load %arg7[%parallel_loop3A_368, %parallel_loop3A_369, %parallel_loop3A_370] {strides = array<i32>} : memref<4x1x8192xf32, #tpu.memory_space<vmem>>, vector<1x1x16xf32>,
        %parallel_loop3A_372 = vector.shape_cast %parallel_loop3A_371 : vector<1x1x16xf32> to vector<16xf32>
        %parallel_loop3A_373 = arith.constant 32 : i32
        %parallel_loop3A_374 = arith.addi %parallel_loop3A_346, %parallel_loop3A_373 : i32
        %parallel_loop3A_375 = arith.constant 1 : i32
        %parallel_loop3A_376 = arith.constant 0 : i32
        %parallel_loop3A_377 = arith.index_cast %parallel_loop3A_375 : i32 to index
        %parallel_loop3A_378 = arith.index_cast %parallel_loop3A_376 : i32 to index
        %parallel_loop3A_379 = arith.index_cast %parallel_loop3A_374 : i32 to index
        %parallel_loop3A_380 = tpu.vector_load %arg7[%parallel_loop3A_377, %parallel_loop3A_378, %parallel_loop3A_379] {strides = array<i32>} : memref<4x1x8192xf32, #tpu.memory_space<vmem>>, vector<1x1x16xf32>,
        %parallel_loop3A_381 = vector.shape_cast %parallel_loop3A_380 : vector<1x1x16xf32> to vector<16xf32>
        %parallel_loop3A_382 = arith.constant 48 : i32
        %parallel_loop3A_383 = arith.addi %parallel_loop3A_346, %parallel_loop3A_382 : i32
        %parallel_loop3A_384 = arith.constant 1 : i32
        %parallel_loop3A_385 = arith.constant 0 : i32
        %parallel_loop3A_386 = arith.index_cast %parallel_loop3A_384 : i32 to index
        %parallel_loop3A_387 = arith.index_cast %parallel_loop3A_385 : i32 to index
        %parallel_loop3A_388 = arith.index_cast %parallel_loop3A_383 : i32 to index
        %parallel_loop3A_389 = tpu.vector_load %arg7[%parallel_loop3A_386, %parallel_loop3A_387, %parallel_loop3A_388] {strides = array<i32>} : memref<4x1x8192xf32, #tpu.memory_space<vmem>>, vector<1x1x16xf32>,
        %parallel_loop3A_390 = vector.shape_cast %parallel_loop3A_389 : vector<1x1x16xf32> to vector<16xf32>
        %parallel_loop3A_391 = arith.constant 64 : i32
        %parallel_loop3A_392 = arith.addi %parallel_loop3A_346, %parallel_loop3A_391 : i32
        %parallel_loop3A_393 = arith.constant 1 : i32
        %parallel_loop3A_394 = arith.constant 0 : i32
        %parallel_loop3A_395 = arith.index_cast %parallel_loop3A_393 : i32 to index
        %parallel_loop3A_396 = arith.index_cast %parallel_loop3A_394 : i32 to index
        %parallel_loop3A_397 = arith.index_cast %parallel_loop3A_392 : i32 to index
        %parallel_loop3A_398 = tpu.vector_load %arg7[%parallel_loop3A_395, %parallel_loop3A_396, %parallel_loop3A_397] {strides = array<i32>} : memref<4x1x8192xf32, #tpu.memory_space<vmem>>, vector<1x1x16xf32>,
        %parallel_loop3A_399 = vector.shape_cast %parallel_loop3A_398 : vector<1x1x16xf32> to vector<16xf32>
        %parallel_loop3A_400 = arith.constant 80 : i32
        %parallel_loop3A_401 = arith.addi %parallel_loop3A_346, %parallel_loop3A_400 : i32
        %parallel_loop3A_402 = arith.constant 1 : i32
        %parallel_loop3A_403 = arith.constant 0 : i32
        %parallel_loop3A_404 = arith.index_cast %parallel_loop3A_402 : i32 to index
        %parallel_loop3A_405 = arith.index_cast %parallel_loop3A_403 : i32 to index
        %parallel_loop3A_406 = arith.index_cast %parallel_loop3A_401 : i32 to index
        %parallel_loop3A_407 = tpu.vector_load %arg7[%parallel_loop3A_404, %parallel_loop3A_405, %parallel_loop3A_406] {strides = array<i32>} : memref<4x1x8192xf32, #tpu.memory_space<vmem>>, vector<1x1x16xf32>,
        %parallel_loop3A_408 = vector.shape_cast %parallel_loop3A_407 : vector<1x1x16xf32> to vector<16xf32>
        %parallel_loop3A_409 = arith.constant 96 : i32
        %parallel_loop3A_410 = arith.addi %parallel_loop3A_346, %parallel_loop3A_409 : i32
        %parallel_loop3A_411 = arith.constant 1 : i32
        %parallel_loop3A_412 = arith.constant 0 : i32
        %parallel_loop3A_413 = arith.index_cast %parallel_loop3A_411 : i32 to index
        %parallel_loop3A_414 = arith.index_cast %parallel_loop3A_412 : i32 to index
        %parallel_loop3A_415 = arith.index_cast %parallel_loop3A_410 : i32 to index
        %parallel_loop3A_416 = tpu.vector_load %arg7[%parallel_loop3A_413, %parallel_loop3A_414, %parallel_loop3A_415] {strides = array<i32>} : memref<4x1x8192xf32, #tpu.memory_space<vmem>>, vector<1x1x16xf32>,
        %parallel_loop3A_417 = vector.shape_cast %parallel_loop3A_416 : vector<1x1x16xf32> to vector<16xf32>
        %parallel_loop3A_418 = arith.constant 112 : i32
        %parallel_loop3A_419 = arith.addi %parallel_loop3A_346, %parallel_loop3A_418 : i32
        %parallel_loop3A_420 = arith.constant 1 : i32
        %parallel_loop3A_421 = arith.constant 0 : i32
        %parallel_loop3A_422 = arith.index_cast %parallel_loop3A_420 : i32 to index
        %parallel_loop3A_423 = arith.index_cast %parallel_loop3A_421 : i32 to index
        %parallel_loop3A_424 = arith.index_cast %parallel_loop3A_419 : i32 to index
        %parallel_loop3A_425 = tpu.vector_load %arg7[%parallel_loop3A_422, %parallel_loop3A_423, %parallel_loop3A_424] {strides = array<i32>} : memref<4x1x8192xf32, #tpu.memory_space<vmem>>, vector<1x1x16xf32>,
        %parallel_loop3A_426 = vector.shape_cast %parallel_loop3A_425 : vector<1x1x16xf32> to vector<16xf32>
        %parallel_loop3A_427 = arith.constant 0 : i32
        %parallel_loop3A_428 = arith.addi %parallel_loop3A_346, %parallel_loop3A_427 : i32
        %parallel_loop3A_429 = arith.constant 1 : i32
        %parallel_loop3A_430 = arith.constant 0 : i32
        %parallel_loop3A_431 = arith.index_cast %parallel_loop3A_429 : i32 to index
        %parallel_loop3A_432 = arith.index_cast %parallel_loop3A_430 : i32 to index
        %parallel_loop3A_433 = arith.index_cast %parallel_loop3A_428 : i32 to index
        %parallel_loop3A_434 = tpu.vector_load %arg8[%parallel_loop3A_431, %parallel_loop3A_432, %parallel_loop3A_433] {strides = array<i32>} : memref<4x1x8192xf32, #tpu.memory_space<vmem>>, vector<1x1x16xf32>,
        %parallel_loop3A_435 = vector.shape_cast %parallel_loop3A_434 : vector<1x1x16xf32> to vector<16xf32>
        %parallel_loop3A_436 = arith.constant 16 : i32
        %parallel_loop3A_437 = arith.addi %parallel_loop3A_346, %parallel_loop3A_436 : i32
        %parallel_loop3A_438 = arith.constant 1 : i32
        %parallel_loop3A_439 = arith.constant 0 : i32
        %parallel_loop3A_440 = arith.index_cast %parallel_loop3A_438 : i32 to index
        %parallel_loop3A_441 = arith.index_cast %parallel_loop3A_439 : i32 to index
        %parallel_loop3A_442 = arith.index_cast %parallel_loop3A_437 : i32 to index
        %parallel_loop3A_443 = tpu.vector_load %arg8[%parallel_loop3A_440, %parallel_loop3A_441, %parallel_loop3A_442] {strides = array<i32>} : memref<4x1x8192xf32, #tpu.memory_space<vmem>>, vector<1x1x16xf32>,
        %parallel_loop3A_444 = vector.shape_cast %parallel_loop3A_443 : vector<1x1x16xf32> to vector<16xf32>
        %parallel_loop3A_445 = arith.constant 32 : i32
        %parallel_loop3A_446 = arith.addi %parallel_loop3A_346, %parallel_loop3A_445 : i32
        %parallel_loop3A_447 = arith.constant 1 : i32
        %parallel_loop3A_448 = arith.constant 0 : i32
        %parallel_loop3A_449 = arith.index_cast %parallel_loop3A_447 : i32 to index
        %parallel_loop3A_450 = arith.index_cast %parallel_loop3A_448 : i32 to index
        %parallel_loop3A_451 = arith.index_cast %parallel_loop3A_446 : i32 to index
        %parallel_loop3A_452 = tpu.vector_load %arg8[%parallel_loop3A_449, %parallel_loop3A_450, %parallel_loop3A_451] {strides = array<i32>} : memref<4x1x8192xf32, #tpu.memory_space<vmem>>, vector<1x1x16xf32>,
        %parallel_loop3A_453 = vector.shape_cast %parallel_loop3A_452 : vector<1x1x16xf32> to vector<16xf32>
        %parallel_loop3A_454 = arith.constant 48 : i32
        %parallel_loop3A_455 = arith.addi %parallel_loop3A_346, %parallel_loop3A_454 : i32
        %parallel_loop3A_456 = arith.constant 1 : i32
        %parallel_loop3A_457 = arith.constant 0 : i32
        %parallel_loop3A_458 = arith.index_cast %parallel_loop3A_456 : i32 to index
        %parallel_loop3A_459 = arith.index_cast %parallel_loop3A_457 : i32 to index
        %parallel_loop3A_460 = arith.index_cast %parallel_loop3A_455 : i32 to index
        %parallel_loop3A_461 = tpu.vector_load %arg8[%parallel_loop3A_458, %parallel_loop3A_459, %parallel_loop3A_460] {strides = array<i32>} : memref<4x1x8192xf32, #tpu.memory_space<vmem>>, vector<1x1x16xf32>,
        %parallel_loop3A_462 = vector.shape_cast %parallel_loop3A_461 : vector<1x1x16xf32> to vector<16xf32>
        %parallel_loop3A_463 = arith.constant 64 : i32
        %parallel_loop3A_464 = arith.addi %parallel_loop3A_346, %parallel_loop3A_463 : i32
        %parallel_loop3A_465 = arith.constant 1 : i32
        %parallel_loop3A_466 = arith.constant 0 : i32
        %parallel_loop3A_467 = arith.index_cast %parallel_loop3A_465 : i32 to index
        %parallel_loop3A_468 = arith.index_cast %parallel_loop3A_466 : i32 to index
        %parallel_loop3A_469 = arith.index_cast %parallel_loop3A_464 : i32 to index
        %parallel_loop3A_470 = tpu.vector_load %arg8[%parallel_loop3A_467, %parallel_loop3A_468, %parallel_loop3A_469] {strides = array<i32>} : memref<4x1x8192xf32, #tpu.memory_space<vmem>>, vector<1x1x16xf32>,
        %parallel_loop3A_471 = vector.shape_cast %parallel_loop3A_470 : vector<1x1x16xf32> to vector<16xf32>
        %parallel_loop3A_472 = arith.constant 80 : i32
        %parallel_loop3A_473 = arith.addi %parallel_loop3A_346, %parallel_loop3A_472 : i32
        %parallel_loop3A_474 = arith.constant 1 : i32
        %parallel_loop3A_475 = arith.constant 0 : i32
        %parallel_loop3A_476 = arith.index_cast %parallel_loop3A_474 : i32 to index
        %parallel_loop3A_477 = arith.index_cast %parallel_loop3A_475 : i32 to index
        %parallel_loop3A_478 = arith.index_cast %parallel_loop3A_473 : i32 to index
        %parallel_loop3A_479 = tpu.vector_load %arg8[%parallel_loop3A_476, %parallel_loop3A_477, %parallel_loop3A_478] {strides = array<i32>} : memref<4x1x8192xf32, #tpu.memory_space<vmem>>, vector<1x1x16xf32>,
        %parallel_loop3A_480 = vector.shape_cast %parallel_loop3A_479 : vector<1x1x16xf32> to vector<16xf32>
        %parallel_loop3A_481 = arith.constant 96 : i32
        %parallel_loop3A_482 = arith.addi %parallel_loop3A_346, %parallel_loop3A_481 : i32
        %parallel_loop3A_483 = arith.constant 1 : i32
        %parallel_loop3A_484 = arith.constant 0 : i32
        %parallel_loop3A_485 = arith.index_cast %parallel_loop3A_483 : i32 to index
        %parallel_loop3A_486 = arith.index_cast %parallel_loop3A_484 : i32 to index
        %parallel_loop3A_487 = arith.index_cast %parallel_loop3A_482 : i32 to index
        %parallel_loop3A_488 = tpu.vector_load %arg8[%parallel_loop3A_485, %parallel_loop3A_486, %parallel_loop3A_487] {strides = array<i32>} : memref<4x1x8192xf32, #tpu.memory_space<vmem>>, vector<1x1x16xf32>,
        %parallel_loop3A_489 = vector.shape_cast %parallel_loop3A_488 : vector<1x1x16xf32> to vector<16xf32>
        %parallel_loop3A_490 = arith.constant 112 : i32
        %parallel_loop3A_491 = arith.addi %parallel_loop3A_346, %parallel_loop3A_490 : i32
        %parallel_loop3A_492 = arith.constant 1 : i32
        %parallel_loop3A_493 = arith.constant 0 : i32
        %parallel_loop3A_494 = arith.index_cast %parallel_loop3A_492 : i32 to index
        %parallel_loop3A_495 = arith.index_cast %parallel_loop3A_493 : i32 to index
        %parallel_loop3A_496 = arith.index_cast %parallel_loop3A_491 : i32 to index
        %parallel_loop3A_497 = tpu.vector_load %arg8[%parallel_loop3A_494, %parallel_loop3A_495, %parallel_loop3A_496] {strides = array<i32>} : memref<4x1x8192xf32, #tpu.memory_space<vmem>>, vector<1x1x16xf32>,
        %parallel_loop3A_498 = vector.shape_cast %parallel_loop3A_497 : vector<1x1x16xf32> to vector<16xf32>
        %parallel_loop3A_499 = arith.subf %parallel_loop3A_363, %parallel_loop3A_435 : vector<16xf32>
        %parallel_loop3A_500 = arith.subf %parallel_loop3A_372, %parallel_loop3A_444 : vector<16xf32>
        %parallel_loop3A_501 = arith.subf %parallel_loop3A_381, %parallel_loop3A_453 : vector<16xf32>
        %parallel_loop3A_502 = arith.subf %parallel_loop3A_390, %parallel_loop3A_462 : vector<16xf32>
        %parallel_loop3A_503 = arith.subf %parallel_loop3A_399, %parallel_loop3A_471 : vector<16xf32>
        %parallel_loop3A_504 = arith.subf %parallel_loop3A_408, %parallel_loop3A_480 : vector<16xf32>
        %parallel_loop3A_505 = arith.subf %parallel_loop3A_417, %parallel_loop3A_489 : vector<16xf32>
        %parallel_loop3A_506 = arith.subf %parallel_loop3A_426, %parallel_loop3A_498 : vector<16xf32>
        %parallel_loop3A_507 = arith.mulf %parallel_loop3A_499, %parallel_loop3A_499 : vector<16xf32>
        %parallel_loop3A_508 = arith.addf %parallel_loop3A_347, %parallel_loop3A_507 : vector<16xf32>
        %parallel_loop3A_509 = arith.mulf %parallel_loop3A_500, %parallel_loop3A_500 : vector<16xf32>
        %parallel_loop3A_510 = arith.addf %parallel_loop3A_348, %parallel_loop3A_509 : vector<16xf32>
        %parallel_loop3A_511 = arith.mulf %parallel_loop3A_501, %parallel_loop3A_501 : vector<16xf32>
        %parallel_loop3A_512 = arith.addf %parallel_loop3A_349, %parallel_loop3A_511 : vector<16xf32>
        %parallel_loop3A_513 = arith.mulf %parallel_loop3A_502, %parallel_loop3A_502 : vector<16xf32>
        %parallel_loop3A_514 = arith.addf %parallel_loop3A_350, %parallel_loop3A_513 : vector<16xf32>
        %parallel_loop3A_515 = arith.mulf %parallel_loop3A_503, %parallel_loop3A_503 : vector<16xf32>
        %parallel_loop3A_516 = arith.addf %parallel_loop3A_351, %parallel_loop3A_515 : vector<16xf32>
        %parallel_loop3A_517 = arith.mulf %parallel_loop3A_504, %parallel_loop3A_504 : vector<16xf32>
        %parallel_loop3A_518 = arith.addf %parallel_loop3A_352, %parallel_loop3A_517 : vector<16xf32>
        %parallel_loop3A_519 = arith.mulf %parallel_loop3A_505, %parallel_loop3A_505 : vector<16xf32>
        %parallel_loop3A_520 = arith.addf %parallel_loop3A_353, %parallel_loop3A_519 : vector<16xf32>
        %parallel_loop3A_521 = arith.mulf %parallel_loop3A_506, %parallel_loop3A_506 : vector<16xf32>
        %parallel_loop3A_522 = arith.addf %parallel_loop3A_354, %parallel_loop3A_521 : vector<16xf32>
        scf.yield %parallel_loop3A_508, %parallel_loop3A_510, %parallel_loop3A_512, %parallel_loop3A_514, %parallel_loop3A_516, %parallel_loop3A_518, %parallel_loop3A_520, %parallel_loop3A_522 : vector<16xf32>, vector<16xf32>, vector<16xf32>, vector<16xf32>, vector<16xf32>, vector<16xf32>, vector<16xf32>, vector<16xf32>
      } {sc.loop_unroll_factor = 1 : i64, sc.parallel_access}
      %add3A_243 = arith.constant 4 : i32
      %add3A_244 = arith.addi %add3A_205, %add3A_243 : i32
      %lt3A_245 = arith.constant 24 : i32
      %lt3A_246 = arith.cmpi slt, %add3A_244, %lt3A_245 : i32
      %convert_element_type3A_247 = arith.extui %lt3A_246 : i1 to i32
      %cond3A_248 = arith.constant 0 : i32
      %cond3A_249 = arith.cmpi ne, %convert_element_type3A_247, %cond3A_248 : i32
      scf.if %cond3A_249 {
        %add3A_346 = arith.constant 4 : i32
        %add3A_347 = arith.addi %add3A_205, %add3A_346 : i32
        %add3A_348 = arith.addi %mul3A_2, %add3A_347 : i32
        %dma_start3A_349 = arith.constant 1 : i32
        %dma_start3A_350 = arith.constant 1 : i32
        %dma_start3A_351 = arith.constant 0 : i32
        %dma_start3A_352 = arith.constant 0 : i32
        %dma_start3A_353 = tpu.memref_slice %arg7[%dma_start3A_349, %dma_start3A_351, %dma_start3A_352] : memref<4x1x8192xf32, #tpu.memory_space<vmem>> -> memref<1x1x8192xf32, #tpu.memory_space<vmem>>
        %dma_start3A_354 = tpu.memref_squeeze %dma_start3A_353 : memref<1x1x8192xf32, #tpu.memory_space<vmem>> -> memref<1x8192xf32, #tpu.memory_space<vmem>>
        %dma_start3A_355 = arith.constant 0 : i32
        %dma_start3A_356 = tpu.memref_slice %arg2[%add3A_348, %dma_start3A_355] : memref<1024x8192xf32, #tpu.memory_space<hbm>> -> memref<1x8192xf32, #tpu.memory_space<hbm>>
        %dma_start3A_357 = tpu.memref_slice %arg10[%dma_start3A_350] : memref<4x!tpu.dma_semaphore, #tpu.memory_space<semaphore_mem>> -> memref<1x!tpu.dma_semaphore, #tpu.memory_space<semaphore_mem>>
        %dma_start3A_358 = tpu.memref_squeeze %dma_start3A_357 : memref<1x!tpu.dma_semaphore, #tpu.memory_space<semaphore_mem>> -> memref<!tpu.dma_semaphore, #tpu.memory_space<semaphore_mem>>
        %dma_start3A_359 = arith.constant 0 : i32
        %dma_start3A_360 = arith.constant 0 : i32
        %dma_start3A_361 = tpu.memref_slice %arg7[%dma_start3A_349, %dma_start3A_359, %dma_start3A_360] : memref<4x1x8192xf32, #tpu.memory_space<vmem>> -> memref<1x1x8192xf32, #tpu.memory_space<vmem>>
        %dma_start3A_362 = tpu.memref_squeeze %dma_start3A_361 : memref<1x1x8192xf32, #tpu.memory_space<vmem>> -> memref<1x8192xf32, #tpu.memory_space<vmem>>
        %dma_start3A_363 = arith.constant 0 : i32
        %dma_start3A_364 = tpu.memref_slice %arg2[%add3A_348, %dma_start3A_363] : memref<1024x8192xf32, #tpu.memory_space<hbm>> -> memref<1x8192xf32, #tpu.memory_space<hbm>>
        tpu.enqueue_dma source(%dma_start3A_364 : memref<1x8192xf32, #tpu.memory_space<hbm>>) target(%dma_start3A_362 : memref<1x8192xf32, #tpu.memory_space<vmem>>) target_semaphore(%dma_start3A_358 : memref<!tpu.dma_semaphore, #tpu.memory_space<semaphore_mem>>)
        %dma_start3A_365 = arith.constant 1 : i32
        %dma_start3A_366 = arith.constant 1 : i32
        %dma_start3A_367 = arith.constant 0 : i32
        %dma_start3A_368 = arith.constant 0 : i32
        %dma_start3A_369 = tpu.memref_slice %arg8[%dma_start3A_365, %dma_start3A_367, %dma_start3A_368] : memref<4x1x8192xf32, #tpu.memory_space<vmem>> -> memref<1x1x8192xf32, #tpu.memory_space<vmem>>
        %dma_start3A_370 = tpu.memref_squeeze %dma_start3A_369 : memref<1x1x8192xf32, #tpu.memory_space<vmem>> -> memref<1x8192xf32, #tpu.memory_space<vmem>>
        %dma_start3A_371 = arith.constant 0 : i32
        %dma_start3A_372 = tpu.memref_slice %arg6[%add3A_347, %dma_start3A_371] : memref<24x1xi32, #tpu.memory_space<vmem>> -> memref<1x1xi32, #tpu.memory_space<vmem>>
        %dma_start3A_373 = tpu.memref_squeeze %dma_start3A_372 : memref<1x1xi32, #tpu.memory_space<vmem>> -> memref<1xi32, #tpu.memory_space<vmem>>
        %dma_start3A_374 = arith.constant 0 : i32
        %dma_start3A_375 = arith.constant 0 : i32
        %dma_start3A_376 = tpu.memref_slice %arg4[%dma_start3A_374, %dma_start3A_375] : memref<1000x8192xf32, #tpu.memory_space<hbm>> -> memref<1000x8192xf32, #tpu.memory_space<hbm>>
        %dma_start3A_377 = tpu.memref_slice %arg11[%dma_start3A_366] : memref<4x!tpu.dma_semaphore, #tpu.memory_space<semaphore_mem>> -> memref<1x!tpu.dma_semaphore, #tpu.memory_space<semaphore_mem>>
        %dma_start3A_378 = tpu.memref_squeeze %dma_start3A_377 : memref<1x!tpu.dma_semaphore, #tpu.memory_space<semaphore_mem>> -> memref<!tpu.dma_semaphore, #tpu.memory_space<semaphore_mem>>
        tpu.enqueue_indirect_dma source(%dma_start3A_376 : memref<1000x8192xf32, #tpu.memory_space<hbm>>) target(%dma_start3A_370 : memref<1x8192xf32, #tpu.memory_space<vmem>>) offsets(%dma_start3A_373 : memref<1xi32, #tpu.memory_space<vmem>>) semaphore(%dma_start3A_378 : memref<!tpu.dma_semaphore, #tpu.memory_space<semaphore_mem>>)
      } else {
      }
      %mul3A_250 = arith.constant 4 : i32
      %mul3A_251 = arith.muli %scan3A_150, %mul3A_250 : i32
      %add3A_252 = arith.constant 2 : i32
      %add3A_253 = arith.addi %mul3A_251, %add3A_252 : i32
      %dma_wait3A_254 = arith.constant 2 : i32
      %dma_wait3A_255 = arith.constant 2 : i32
      %dma_wait3A_256 = arith.constant 0 : i32
      %dma_wait3A_257 = arith.constant 0 : i32
      %dma_wait3A_258 = tpu.memref_slice %arg7[%dma_wait3A_254, %dma_wait3A_256, %dma_wait3A_257] : memref<4x1x8192xf32, #tpu.memory_space<vmem>> -> memref<1x1x8192xf32, #tpu.memory_space<vmem>>
      %dma_wait3A_259 = tpu.memref_squeeze %dma_wait3A_258 : memref<1x1x8192xf32, #tpu.memory_space<vmem>> -> memref<1x8192xf32, #tpu.memory_space<vmem>>
      %dma_wait3A_260 = arith.constant 0 : i32
      %dma_wait3A_261 = arith.constant 0 : i32
      %dma_wait3A_262 = tpu.memref_slice %arg2[%dma_wait3A_260, %dma_wait3A_261] : memref<1024x8192xf32, #tpu.memory_space<hbm>> -> memref<1x8192xf32, #tpu.memory_space<hbm>>
      %dma_wait3A_263 = tpu.memref_slice %arg10[%dma_wait3A_255] : memref<4x!tpu.dma_semaphore, #tpu.memory_space<semaphore_mem>> -> memref<1x!tpu.dma_semaphore, #tpu.memory_space<semaphore_mem>>
      %dma_wait3A_264 = tpu.memref_squeeze %dma_wait3A_263 : memref<1x!tpu.dma_semaphore, #tpu.memory_space<semaphore_mem>> -> memref<!tpu.dma_semaphore, #tpu.memory_space<semaphore_mem>>
      %dma_wait3A_265 = arith.constant 0 : i32
      %dma_wait3A_266 = arith.constant 0 : i32
      %dma_wait3A_267 = tpu.memref_slice %arg7[%dma_wait3A_254, %dma_wait3A_265, %dma_wait3A_266] : memref<4x1x8192xf32, #tpu.memory_space<vmem>> -> memref<1x1x8192xf32, #tpu.memory_space<vmem>>
      %dma_wait3A_268 = tpu.memref_squeeze %dma_wait3A_267 : memref<1x1x8192xf32, #tpu.memory_space<vmem>> -> memref<1x8192xf32, #tpu.memory_space<vmem>>
      %dma_wait3A_269 = arith.constant 0 : i32
      %dma_wait3A_270 = arith.constant 0 : i32
      %dma_wait3A_271 = tpu.memref_slice %arg2[%dma_wait3A_269, %dma_wait3A_270] : memref<1024x8192xf32, #tpu.memory_space<hbm>> -> memref<1x8192xf32, #tpu.memory_space<hbm>>
      tpu.wait_dma2 semaphore(%dma_wait3A_264 : memref<!tpu.dma_semaphore, #tpu.memory_space<semaphore_mem>>) src(%dma_wait3A_271 : memref<1x8192xf32, #tpu.memory_space<hbm>>) dst(%dma_wait3A_268 : memref<1x8192xf32, #tpu.memory_space<vmem>>)
      %dma_wait3A_272 = arith.constant 0 : i32
      %dma_wait3A_273 = arith.constant 2 : i32
      %dma_wait3A_274 = arith.constant 2 : i32
      %dma_wait3A_275 = arith.constant 0 : i32
      %dma_wait3A_276 = arith.constant 0 : i32
      %dma_wait3A_277 = tpu.memref_slice %arg8[%dma_wait3A_273, %dma_wait3A_275, %dma_wait3A_276] : memref<4x1x8192xf32, #tpu.memory_space<vmem>> -> memref<1x1x8192xf32, #tpu.memory_space<vmem>>
      %dma_wait3A_278 = tpu.memref_squeeze %dma_wait3A_277 : memref<1x1x8192xf32, #tpu.memory_space<vmem>> -> memref<1x8192xf32, #tpu.memory_space<vmem>>
      %dma_wait3A_279 = arith.constant 0 : i32
      %dma_wait3A_280 = tpu.memref_slice %arg6[%dma_wait3A_272, %dma_wait3A_279] : memref<24x1xi32, #tpu.memory_space<vmem>> -> memref<1x1xi32, #tpu.memory_space<vmem>>
      %dma_wait3A_281 = tpu.memref_squeeze %dma_wait3A_280 : memref<1x1xi32, #tpu.memory_space<vmem>> -> memref<1xi32, #tpu.memory_space<vmem>>
      %dma_wait3A_282 = arith.constant 0 : i32
      %dma_wait3A_283 = arith.constant 0 : i32
      %dma_wait3A_284 = tpu.memref_slice %arg4[%dma_wait3A_282, %dma_wait3A_283] : memref<1000x8192xf32, #tpu.memory_space<hbm>> -> memref<1000x8192xf32, #tpu.memory_space<hbm>>
      %dma_wait3A_285 = tpu.memref_slice %arg11[%dma_wait3A_274] : memref<4x!tpu.dma_semaphore, #tpu.memory_space<semaphore_mem>> -> memref<1x!tpu.dma_semaphore, #tpu.memory_space<semaphore_mem>>
      %dma_wait3A_286 = tpu.memref_squeeze %dma_wait3A_285 : memref<1x!tpu.dma_semaphore, #tpu.memory_space<semaphore_mem>> -> memref<!tpu.dma_semaphore, #tpu.memory_space<semaphore_mem>>
      tpu.wait_indirect_dma semaphore(%dma_wait3A_286 : memref<!tpu.dma_semaphore, #tpu.memory_space<semaphore_mem>>) src(%dma_wait3A_284 : memref<1000x8192xf32, #tpu.memory_space<hbm>>) dst(%dma_wait3A_278 : memref<1x8192xf32, #tpu.memory_space<vmem>>)
      %parallel_loop3A_287 = arith.constant 0 : i32
      %parallel_loop3A_288 = arith.constant 8192 : i32
      %parallel_loop3A_289 = arith.constant 128 : i32
      %parallel_loop3A_290:8 = scf.for %parallel_loop3A_346 = %parallel_loop3A_287 to %parallel_loop3A_288 step %parallel_loop3A_289 iter_args(%parallel_loop3A_347 = %parallel_loop3A_242#0, %parallel_loop3A_348 = %parallel_loop3A_242#1, %parallel_loop3A_349 = %parallel_loop3A_242#2, %parallel_loop3A_350 = %parallel_loop3A_242#3, %parallel_loop3A_351 = %parallel_loop3A_242#4, %parallel_loop3A_352 = %parallel_loop3A_242#5, %parallel_loop3A_353 = %parallel_loop3A_242#6, %parallel_loop3A_354 = %parallel_loop3A_242#7) -> (vector<16xf32>, vector<16xf32>, vector<16xf32>, vector<16xf32>, vector<16xf32>, vector<16xf32>, vector<16xf32>, vector<16xf32>)  : i32 {
        %parallel_loop3A_355 = arith.constant 0 : i32
        %parallel_loop3A_356 = arith.addi %parallel_loop3A_346, %parallel_loop3A_355 : i32
        %parallel_loop3A_357 = arith.constant 2 : i32
        %parallel_loop3A_358 = arith.constant 0 : i32
        %parallel_loop3A_359 = arith.index_cast %parallel_loop3A_357 : i32 to index
        %parallel_loop3A_360 = arith.index_cast %parallel_loop3A_358 : i32 to index
        %parallel_loop3A_361 = arith.index_cast %parallel_loop3A_356 : i32 to index
        %parallel_loop3A_362 = tpu.vector_load %arg7[%parallel_loop3A_359, %parallel_loop3A_360, %parallel_loop3A_361] {strides = array<i32>} : memref<4x1x8192xf32, #tpu.memory_space<vmem>>, vector<1x1x16xf32>,
        %parallel_loop3A_363 = vector.shape_cast %parallel_loop3A_362 : vector<1x1x16xf32> to vector<16xf32>
        %parallel_loop3A_364 = arith.constant 16 : i32
        %parallel_loop3A_365 = arith.addi %parallel_loop3A_346, %parallel_loop3A_364 : i32
        %parallel_loop3A_366 = arith.constant 2 : i32
        %parallel_loop3A_367 = arith.constant 0 : i32
        %parallel_loop3A_368 = arith.index_cast %parallel_loop3A_366 : i32 to index
        %parallel_loop3A_369 = arith.index_cast %parallel_loop3A_367 : i32 to index
        %parallel_loop3A_370 = arith.index_cast %parallel_loop3A_365 : i32 to index
        %parallel_loop3A_371 = tpu.vector_load %arg7[%parallel_loop3A_368, %parallel_loop3A_369, %parallel_loop3A_370] {strides = array<i32>} : memref<4x1x8192xf32, #tpu.memory_space<vmem>>, vector<1x1x16xf32>,
        %parallel_loop3A_372 = vector.shape_cast %parallel_loop3A_371 : vector<1x1x16xf32> to vector<16xf32>
        %parallel_loop3A_373 = arith.constant 32 : i32
        %parallel_loop3A_374 = arith.addi %parallel_loop3A_346, %parallel_loop3A_373 : i32
        %parallel_loop3A_375 = arith.constant 2 : i32
        %parallel_loop3A_376 = arith.constant 0 : i32
        %parallel_loop3A_377 = arith.index_cast %parallel_loop3A_375 : i32 to index
        %parallel_loop3A_378 = arith.index_cast %parallel_loop3A_376 : i32 to index
        %parallel_loop3A_379 = arith.index_cast %parallel_loop3A_374 : i32 to index
        %parallel_loop3A_380 = tpu.vector_load %arg7[%parallel_loop3A_377, %parallel_loop3A_378, %parallel_loop3A_379] {strides = array<i32>} : memref<4x1x8192xf32, #tpu.memory_space<vmem>>, vector<1x1x16xf32>,
        %parallel_loop3A_381 = vector.shape_cast %parallel_loop3A_380 : vector<1x1x16xf32> to vector<16xf32>
        %parallel_loop3A_382 = arith.constant 48 : i32
        %parallel_loop3A_383 = arith.addi %parallel_loop3A_346, %parallel_loop3A_382 : i32
        %parallel_loop3A_384 = arith.constant 2 : i32
        %parallel_loop3A_385 = arith.constant 0 : i32
        %parallel_loop3A_386 = arith.index_cast %parallel_loop3A_384 : i32 to index
        %parallel_loop3A_387 = arith.index_cast %parallel_loop3A_385 : i32 to index
        %parallel_loop3A_388 = arith.index_cast %parallel_loop3A_383 : i32 to index
        %parallel_loop3A_389 = tpu.vector_load %arg7[%parallel_loop3A_386, %parallel_loop3A_387, %parallel_loop3A_388] {strides = array<i32>} : memref<4x1x8192xf32, #tpu.memory_space<vmem>>, vector<1x1x16xf32>,
        %parallel_loop3A_390 = vector.shape_cast %parallel_loop3A_389 : vector<1x1x16xf32> to vector<16xf32>
        %parallel_loop3A_391 = arith.constant 64 : i32
        %parallel_loop3A_392 = arith.addi %parallel_loop3A_346, %parallel_loop3A_391 : i32
        %parallel_loop3A_393 = arith.constant 2 : i32
        %parallel_loop3A_394 = arith.constant 0 : i32
        %parallel_loop3A_395 = arith.index_cast %parallel_loop3A_393 : i32 to index
        %parallel_loop3A_396 = arith.index_cast %parallel_loop3A_394 : i32 to index
        %parallel_loop3A_397 = arith.index_cast %parallel_loop3A_392 : i32 to index
        %parallel_loop3A_398 = tpu.vector_load %arg7[%parallel_loop3A_395, %parallel_loop3A_396, %parallel_loop3A_397] {strides = array<i32>} : memref<4x1x8192xf32, #tpu.memory_space<vmem>>, vector<1x1x16xf32>,
        %parallel_loop3A_399 = vector.shape_cast %parallel_loop3A_398 : vector<1x1x16xf32> to vector<16xf32>
        %parallel_loop3A_400 = arith.constant 80 : i32
        %parallel_loop3A_401 = arith.addi %parallel_loop3A_346, %parallel_loop3A_400 : i32
        %parallel_loop3A_402 = arith.constant 2 : i32
        %parallel_loop3A_403 = arith.constant 0 : i32
        %parallel_loop3A_404 = arith.index_cast %parallel_loop3A_402 : i32 to index
        %parallel_loop3A_405 = arith.index_cast %parallel_loop3A_403 : i32 to index
        %parallel_loop3A_406 = arith.index_cast %parallel_loop3A_401 : i32 to index
        %parallel_loop3A_407 = tpu.vector_load %arg7[%parallel_loop3A_404, %parallel_loop3A_405, %parallel_loop3A_406] {strides = array<i32>} : memref<4x1x8192xf32, #tpu.memory_space<vmem>>, vector<1x1x16xf32>,
        %parallel_loop3A_408 = vector.shape_cast %parallel_loop3A_407 : vector<1x1x16xf32> to vector<16xf32>
        %parallel_loop3A_409 = arith.constant 96 : i32
        %parallel_loop3A_410 = arith.addi %parallel_loop3A_346, %parallel_loop3A_409 : i32
        %parallel_loop3A_411 = arith.constant 2 : i32
        %parallel_loop3A_412 = arith.constant 0 : i32
        %parallel_loop3A_413 = arith.index_cast %parallel_loop3A_411 : i32 to index
        %parallel_loop3A_414 = arith.index_cast %parallel_loop3A_412 : i32 to index
        %parallel_loop3A_415 = arith.index_cast %parallel_loop3A_410 : i32 to index
        %parallel_loop3A_416 = tpu.vector_load %arg7[%parallel_loop3A_413, %parallel_loop3A_414, %parallel_loop3A_415] {strides = array<i32>} : memref<4x1x8192xf32, #tpu.memory_space<vmem>>, vector<1x1x16xf32>,
        %parallel_loop3A_417 = vector.shape_cast %parallel_loop3A_416 : vector<1x1x16xf32> to vector<16xf32>
        %parallel_loop3A_418 = arith.constant 112 : i32
        %parallel_loop3A_419 = arith.addi %parallel_loop3A_346, %parallel_loop3A_418 : i32
        %parallel_loop3A_420 = arith.constant 2 : i32
        %parallel_loop3A_421 = arith.constant 0 : i32
        %parallel_loop3A_422 = arith.index_cast %parallel_loop3A_420 : i32 to index
        %parallel_loop3A_423 = arith.index_cast %parallel_loop3A_421 : i32 to index
        %parallel_loop3A_424 = arith.index_cast %parallel_loop3A_419 : i32 to index
        %parallel_loop3A_425 = tpu.vector_load %arg7[%parallel_loop3A_422, %parallel_loop3A_423, %parallel_loop3A_424] {strides = array<i32>} : memref<4x1x8192xf32, #tpu.memory_space<vmem>>, vector<1x1x16xf32>,
        %parallel_loop3A_426 = vector.shape_cast %parallel_loop3A_425 : vector<1x1x16xf32> to vector<16xf32>
        %parallel_loop3A_427 = arith.constant 0 : i32
        %parallel_loop3A_428 = arith.addi %parallel_loop3A_346, %parallel_loop3A_427 : i32
        %parallel_loop3A_429 = arith.constant 2 : i32
        %parallel_loop3A_430 = arith.constant 0 : i32
        %parallel_loop3A_431 = arith.index_cast %parallel_loop3A_429 : i32 to index
        %parallel_loop3A_432 = arith.index_cast %parallel_loop3A_430 : i32 to index
        %parallel_loop3A_433 = arith.index_cast %parallel_loop3A_428 : i32 to index
        %parallel_loop3A_434 = tpu.vector_load %arg8[%parallel_loop3A_431, %parallel_loop3A_432, %parallel_loop3A_433] {strides = array<i32>} : memref<4x1x8192xf32, #tpu.memory_space<vmem>>, vector<1x1x16xf32>,
        %parallel_loop3A_435 = vector.shape_cast %parallel_loop3A_434 : vector<1x1x16xf32> to vector<16xf32>
        %parallel_loop3A_436 = arith.constant 16 : i32
        %parallel_loop3A_437 = arith.addi %parallel_loop3A_346, %parallel_loop3A_436 : i32
        %parallel_loop3A_438 = arith.constant 2 : i32
        %parallel_loop3A_439 = arith.constant 0 : i32
        %parallel_loop3A_440 = arith.index_cast %parallel_loop3A_438 : i32 to index
        %parallel_loop3A_441 = arith.index_cast %parallel_loop3A_439 : i32 to index
        %parallel_loop3A_442 = arith.index_cast %parallel_loop3A_437 : i32 to index
        %parallel_loop3A_443 = tpu.vector_load %arg8[%parallel_loop3A_440, %parallel_loop3A_441, %parallel_loop3A_442] {strides = array<i32>} : memref<4x1x8192xf32, #tpu.memory_space<vmem>>, vector<1x1x16xf32>,
        %parallel_loop3A_444 = vector.shape_cast %parallel_loop3A_443 : vector<1x1x16xf32> to vector<16xf32>
        %parallel_loop3A_445 = arith.constant 32 : i32
        %parallel_loop3A_446 = arith.addi %parallel_loop3A_346, %parallel_loop3A_445 : i32
        %parallel_loop3A_447 = arith.constant 2 : i32
        %parallel_loop3A_448 = arith.constant 0 : i32
        %parallel_loop3A_449 = arith.index_cast %parallel_loop3A_447 : i32 to index
        %parallel_loop3A_450 = arith.index_cast %parallel_loop3A_448 : i32 to index
        %parallel_loop3A_451 = arith.index_cast %parallel_loop3A_446 : i32 to index
        %parallel_loop3A_452 = tpu.vector_load %arg8[%parallel_loop3A_449, %parallel_loop3A_450, %parallel_loop3A_451] {strides = array<i32>} : memref<4x1x8192xf32, #tpu.memory_space<vmem>>, vector<1x1x16xf32>,
        %parallel_loop3A_453 = vector.shape_cast %parallel_loop3A_452 : vector<1x1x16xf32> to vector<16xf32>
        %parallel_loop3A_454 = arith.constant 48 : i32
        %parallel_loop3A_455 = arith.addi %parallel_loop3A_346, %parallel_loop3A_454 : i32
        %parallel_loop3A_456 = arith.constant 2 : i32
        %parallel_loop3A_457 = arith.constant 0 : i32
        %parallel_loop3A_458 = arith.index_cast %parallel_loop3A_456 : i32 to index
        %parallel_loop3A_459 = arith.index_cast %parallel_loop3A_457 : i32 to index
        %parallel_loop3A_460 = arith.index_cast %parallel_loop3A_455 : i32 to index
        %parallel_loop3A_461 = tpu.vector_load %arg8[%parallel_loop3A_458, %parallel_loop3A_459, %parallel_loop3A_460] {strides = array<i32>} : memref<4x1x8192xf32, #tpu.memory_space<vmem>>, vector<1x1x16xf32>,
        %parallel_loop3A_462 = vector.shape_cast %parallel_loop3A_461 : vector<1x1x16xf32> to vector<16xf32>
        %parallel_loop3A_463 = arith.constant 64 : i32
        %parallel_loop3A_464 = arith.addi %parallel_loop3A_346, %parallel_loop3A_463 : i32
        %parallel_loop3A_465 = arith.constant 2 : i32
        %parallel_loop3A_466 = arith.constant 0 : i32
        %parallel_loop3A_467 = arith.index_cast %parallel_loop3A_465 : i32 to index
        %parallel_loop3A_468 = arith.index_cast %parallel_loop3A_466 : i32 to index
        %parallel_loop3A_469 = arith.index_cast %parallel_loop3A_464 : i32 to index
        %parallel_loop3A_470 = tpu.vector_load %arg8[%parallel_loop3A_467, %parallel_loop3A_468, %parallel_loop3A_469] {strides = array<i32>} : memref<4x1x8192xf32, #tpu.memory_space<vmem>>, vector<1x1x16xf32>,
        %parallel_loop3A_471 = vector.shape_cast %parallel_loop3A_470 : vector<1x1x16xf32> to vector<16xf32>
        %parallel_loop3A_472 = arith.constant 80 : i32
        %parallel_loop3A_473 = arith.addi %parallel_loop3A_346, %parallel_loop3A_472 : i32
        %parallel_loop3A_474 = arith.constant 2 : i32
        %parallel_loop3A_475 = arith.constant 0 : i32
        %parallel_loop3A_476 = arith.index_cast %parallel_loop3A_474 : i32 to index
        %parallel_loop3A_477 = arith.index_cast %parallel_loop3A_475 : i32 to index
        %parallel_loop3A_478 = arith.index_cast %parallel_loop3A_473 : i32 to index
        %parallel_loop3A_479 = tpu.vector_load %arg8[%parallel_loop3A_476, %parallel_loop3A_477, %parallel_loop3A_478] {strides = array<i32>} : memref<4x1x8192xf32, #tpu.memory_space<vmem>>, vector<1x1x16xf32>,
        %parallel_loop3A_480 = vector.shape_cast %parallel_loop3A_479 : vector<1x1x16xf32> to vector<16xf32>
        %parallel_loop3A_481 = arith.constant 96 : i32
        %parallel_loop3A_482 = arith.addi %parallel_loop3A_346, %parallel_loop3A_481 : i32
        %parallel_loop3A_483 = arith.constant 2 : i32
        %parallel_loop3A_484 = arith.constant 0 : i32
        %parallel_loop3A_485 = arith.index_cast %parallel_loop3A_483 : i32 to index
        %parallel_loop3A_486 = arith.index_cast %parallel_loop3A_484 : i32 to index
        %parallel_loop3A_487 = arith.index_cast %parallel_loop3A_482 : i32 to index
        %parallel_loop3A_488 = tpu.vector_load %arg8[%parallel_loop3A_485, %parallel_loop3A_486, %parallel_loop3A_487] {strides = array<i32>} : memref<4x1x8192xf32, #tpu.memory_space<vmem>>, vector<1x1x16xf32>,
        %parallel_loop3A_489 = vector.shape_cast %parallel_loop3A_488 : vector<1x1x16xf32> to vector<16xf32>
        %parallel_loop3A_490 = arith.constant 112 : i32
        %parallel_loop3A_491 = arith.addi %parallel_loop3A_346, %parallel_loop3A_490 : i32
        %parallel_loop3A_492 = arith.constant 2 : i32
        %parallel_loop3A_493 = arith.constant 0 : i32
        %parallel_loop3A_494 = arith.index_cast %parallel_loop3A_492 : i32 to index
        %parallel_loop3A_495 = arith.index_cast %parallel_loop3A_493 : i32 to index
        %parallel_loop3A_496 = arith.index_cast %parallel_loop3A_491 : i32 to index
        %parallel_loop3A_497 = tpu.vector_load %arg8[%parallel_loop3A_494, %parallel_loop3A_495, %parallel_loop3A_496] {strides = array<i32>} : memref<4x1x8192xf32, #tpu.memory_space<vmem>>, vector<1x1x16xf32>,
        %parallel_loop3A_498 = vector.shape_cast %parallel_loop3A_497 : vector<1x1x16xf32> to vector<16xf32>
        %parallel_loop3A_499 = arith.subf %parallel_loop3A_363, %parallel_loop3A_435 : vector<16xf32>
        %parallel_loop3A_500 = arith.subf %parallel_loop3A_372, %parallel_loop3A_444 : vector<16xf32>
        %parallel_loop3A_501 = arith.subf %parallel_loop3A_381, %parallel_loop3A_453 : vector<16xf32>
        %parallel_loop3A_502 = arith.subf %parallel_loop3A_390, %parallel_loop3A_462 : vector<16xf32>
        %parallel_loop3A_503 = arith.subf %parallel_loop3A_399, %parallel_loop3A_471 : vector<16xf32>
        %parallel_loop3A_504 = arith.subf %parallel_loop3A_408, %parallel_loop3A_480 : vector<16xf32>
        %parallel_loop3A_505 = arith.subf %parallel_loop3A_417, %parallel_loop3A_489 : vector<16xf32>
        %parallel_loop3A_506 = arith.subf %parallel_loop3A_426, %parallel_loop3A_498 : vector<16xf32>
        %parallel_loop3A_507 = arith.mulf %parallel_loop3A_499, %parallel_loop3A_499 : vector<16xf32>
        %parallel_loop3A_508 = arith.addf %parallel_loop3A_347, %parallel_loop3A_507 : vector<16xf32>
        %parallel_loop3A_509 = arith.mulf %parallel_loop3A_500, %parallel_loop3A_500 : vector<16xf32>
        %parallel_loop3A_510 = arith.addf %parallel_loop3A_348, %parallel_loop3A_509 : vector<16xf32>
        %parallel_loop3A_511 = arith.mulf %parallel_loop3A_501, %parallel_loop3A_501 : vector<16xf32>
        %parallel_loop3A_512 = arith.addf %parallel_loop3A_349, %parallel_loop3A_511 : vector<16xf32>
        %parallel_loop3A_513 = arith.mulf %parallel_loop3A_502, %parallel_loop3A_502 : vector<16xf32>
        %parallel_loop3A_514 = arith.addf %parallel_loop3A_350, %parallel_loop3A_513 : vector<16xf32>
        %parallel_loop3A_515 = arith.mulf %parallel_loop3A_503, %parallel_loop3A_503 : vector<16xf32>
        %parallel_loop3A_516 = arith.addf %parallel_loop3A_351, %parallel_loop3A_515 : vector<16xf32>
        %parallel_loop3A_517 = arith.mulf %parallel_loop3A_504, %parallel_loop3A_504 : vector<16xf32>
        %parallel_loop3A_518 = arith.addf %parallel_loop3A_352, %parallel_loop3A_517 : vector<16xf32>
        %parallel_loop3A_519 = arith.mulf %parallel_loop3A_505, %parallel_loop3A_505 : vector<16xf32>
        %parallel_loop3A_520 = arith.addf %parallel_loop3A_353, %parallel_loop3A_519 : vector<16xf32>
        %parallel_loop3A_521 = arith.mulf %parallel_loop3A_506, %parallel_loop3A_506 : vector<16xf32>
        %parallel_loop3A_522 = arith.addf %parallel_loop3A_354, %parallel_loop3A_521 : vector<16xf32>
        scf.yield %parallel_loop3A_508, %parallel_loop3A_510, %parallel_loop3A_512, %parallel_loop3A_514, %parallel_loop3A_516, %parallel_loop3A_518, %parallel_loop3A_520, %parallel_loop3A_522 : vector<16xf32>, vector<16xf32>, vector<16xf32>, vector<16xf32>, vector<16xf32>, vector<16xf32>, vector<16xf32>, vector<16xf32>
      } {sc.loop_unroll_factor = 1 : i64, sc.parallel_access}
      %add3A_291 = arith.constant 4 : i32
      %add3A_292 = arith.addi %add3A_253, %add3A_291 : i32
      %lt3A_293 = arith.constant 24 : i32
      %lt3A_294 = arith.cmpi slt, %add3A_292, %lt3A_293 : i32
      %convert_element_type3A_295 = arith.extui %lt3A_294 : i1 to i32
      %cond3A_296 = arith.constant 0 : i32
      %cond3A_297 = arith.cmpi ne, %convert_element_type3A_295, %cond3A_296 : i32
      scf.if %cond3A_297 {
        %add3A_346 = arith.constant 4 : i32
        %add3A_347 = arith.addi %add3A_253, %add3A_346 : i32
        %add3A_348 = arith.addi %mul3A_2, %add3A_347 : i32
        %dma_start3A_349 = arith.constant 2 : i32
        %dma_start3A_350 = arith.constant 2 : i32
        %dma_start3A_351 = arith.constant 0 : i32
        %dma_start3A_352 = arith.constant 0 : i32
        %dma_start3A_353 = tpu.memref_slice %arg7[%dma_start3A_349, %dma_start3A_351, %dma_start3A_352] : memref<4x1x8192xf32, #tpu.memory_space<vmem>> -> memref<1x1x8192xf32, #tpu.memory_space<vmem>>
        %dma_start3A_354 = tpu.memref_squeeze %dma_start3A_353 : memref<1x1x8192xf32, #tpu.memory_space<vmem>> -> memref<1x8192xf32, #tpu.memory_space<vmem>>
        %dma_start3A_355 = arith.constant 0 : i32
        %dma_start3A_356 = tpu.memref_slice %arg2[%add3A_348, %dma_start3A_355] : memref<1024x8192xf32, #tpu.memory_space<hbm>> -> memref<1x8192xf32, #tpu.memory_space<hbm>>
        %dma_start3A_357 = tpu.memref_slice %arg10[%dma_start3A_350] : memref<4x!tpu.dma_semaphore, #tpu.memory_space<semaphore_mem>> -> memref<1x!tpu.dma_semaphore, #tpu.memory_space<semaphore_mem>>
        %dma_start3A_358 = tpu.memref_squeeze %dma_start3A_357 : memref<1x!tpu.dma_semaphore, #tpu.memory_space<semaphore_mem>> -> memref<!tpu.dma_semaphore, #tpu.memory_space<semaphore_mem>>
        %dma_start3A_359 = arith.constant 0 : i32
        %dma_start3A_360 = arith.constant 0 : i32
        %dma_start3A_361 = tpu.memref_slice %arg7[%dma_start3A_349, %dma_start3A_359, %dma_start3A_360] : memref<4x1x8192xf32, #tpu.memory_space<vmem>> -> memref<1x1x8192xf32, #tpu.memory_space<vmem>>
        %dma_start3A_362 = tpu.memref_squeeze %dma_start3A_361 : memref<1x1x8192xf32, #tpu.memory_space<vmem>> -> memref<1x8192xf32, #tpu.memory_space<vmem>>
        %dma_start3A_363 = arith.constant 0 : i32
        %dma_start3A_364 = tpu.memref_slice %arg2[%add3A_348, %dma_start3A_363] : memref<1024x8192xf32, #tpu.memory_space<hbm>> -> memref<1x8192xf32, #tpu.memory_space<hbm>>
        tpu.enqueue_dma source(%dma_start3A_364 : memref<1x8192xf32, #tpu.memory_space<hbm>>) target(%dma_start3A_362 : memref<1x8192xf32, #tpu.memory_space<vmem>>) target_semaphore(%dma_start3A_358 : memref<!tpu.dma_semaphore, #tpu.memory_space<semaphore_mem>>)
        %dma_start3A_365 = arith.constant 2 : i32
        %dma_start3A_366 = arith.constant 2 : i32
        %dma_start3A_367 = arith.constant 0 : i32
        %dma_start3A_368 = arith.constant 0 : i32
        %dma_start3A_369 = tpu.memref_slice %arg8[%dma_start3A_365, %dma_start3A_367, %dma_start3A_368] : memref<4x1x8192xf32, #tpu.memory_space<vmem>> -> memref<1x1x8192xf32, #tpu.memory_space<vmem>>
        %dma_start3A_370 = tpu.memref_squeeze %dma_start3A_369 : memref<1x1x8192xf32, #tpu.memory_space<vmem>> -> memref<1x8192xf32, #tpu.memory_space<vmem>>
        %dma_start3A_371 = arith.constant 0 : i32
        %dma_start3A_372 = tpu.memref_slice %arg6[%add3A_347, %dma_start3A_371] : memref<24x1xi32, #tpu.memory_space<vmem>> -> memref<1x1xi32, #tpu.memory_space<vmem>>
        %dma_start3A_373 = tpu.memref_squeeze %dma_start3A_372 : memref<1x1xi32, #tpu.memory_space<vmem>> -> memref<1xi32, #tpu.memory_space<vmem>>
        %dma_start3A_374 = arith.constant 0 : i32
        %dma_start3A_375 = arith.constant 0 : i32
        %dma_start3A_376 = tpu.memref_slice %arg4[%dma_start3A_374, %dma_start3A_375] : memref<1000x8192xf32, #tpu.memory_space<hbm>> -> memref<1000x8192xf32, #tpu.memory_space<hbm>>
        %dma_start3A_377 = tpu.memref_slice %arg11[%dma_start3A_366] : memref<4x!tpu.dma_semaphore, #tpu.memory_space<semaphore_mem>> -> memref<1x!tpu.dma_semaphore, #tpu.memory_space<semaphore_mem>>
        %dma_start3A_378 = tpu.memref_squeeze %dma_start3A_377 : memref<1x!tpu.dma_semaphore, #tpu.memory_space<semaphore_mem>> -> memref<!tpu.dma_semaphore, #tpu.memory_space<semaphore_mem>>
        tpu.enqueue_indirect_dma source(%dma_start3A_376 : memref<1000x8192xf32, #tpu.memory_space<hbm>>) target(%dma_start3A_370 : memref<1x8192xf32, #tpu.memory_space<vmem>>) offsets(%dma_start3A_373 : memref<1xi32, #tpu.memory_space<vmem>>) semaphore(%dma_start3A_378 : memref<!tpu.dma_semaphore, #tpu.memory_space<semaphore_mem>>)
      } else {
      }
      %mul3A_298 = arith.constant 4 : i32
      %mul3A_299 = arith.muli %scan3A_150, %mul3A_298 : i32
      %add3A_300 = arith.constant 3 : i32
      %add3A_301 = arith.addi %mul3A_299, %add3A_300 : i32
      %dma_wait3A_302 = arith.constant 3 : i32
      %dma_wait3A_303 = arith.constant 3 : i32
      %dma_wait3A_304 = arith.constant 0 : i32
      %dma_wait3A_305 = arith.constant 0 : i32
      %dma_wait3A_306 = tpu.memref_slice %arg7[%dma_wait3A_302, %dma_wait3A_304, %dma_wait3A_305] : memref<4x1x8192xf32, #tpu.memory_space<vmem>> -> memref<1x1x8192xf32, #tpu.memory_space<vmem>>
      %dma_wait3A_307 = tpu.memref_squeeze %dma_wait3A_306 : memref<1x1x8192xf32, #tpu.memory_space<vmem>> -> memref<1x8192xf32, #tpu.memory_space<vmem>>
      %dma_wait3A_308 = arith.constant 0 : i32
      %dma_wait3A_309 = arith.constant 0 : i32
      %dma_wait3A_310 = tpu.memref_slice %arg2[%dma_wait3A_308, %dma_wait3A_309] : memref<1024x8192xf32, #tpu.memory_space<hbm>> -> memref<1x8192xf32, #tpu.memory_space<hbm>>
      %dma_wait3A_311 = tpu.memref_slice %arg10[%dma_wait3A_303] : memref<4x!tpu.dma_semaphore, #tpu.memory_space<semaphore_mem>> -> memref<1x!tpu.dma_semaphore, #tpu.memory_space<semaphore_mem>>
      %dma_wait3A_312 = tpu.memref_squeeze %dma_wait3A_311 : memref<1x!tpu.dma_semaphore, #tpu.memory_space<semaphore_mem>> -> memref<!tpu.dma_semaphore, #tpu.memory_space<semaphore_mem>>
      %dma_wait3A_313 = arith.constant 0 : i32
      %dma_wait3A_314 = arith.constant 0 : i32
      %dma_wait3A_315 = tpu.memref_slice %arg7[%dma_wait3A_302, %dma_wait3A_313, %dma_wait3A_314] : memref<4x1x8192xf32, #tpu.memory_space<vmem>> -> memref<1x1x8192xf32, #tpu.memory_space<vmem>>
      %dma_wait3A_316 = tpu.memref_squeeze %dma_wait3A_315 : memref<1x1x8192xf32, #tpu.memory_space<vmem>> -> memref<1x8192xf32, #tpu.memory_space<vmem>>
      %dma_wait3A_317 = arith.constant 0 : i32
      %dma_wait3A_318 = arith.constant 0 : i32
      %dma_wait3A_319 = tpu.memref_slice %arg2[%dma_wait3A_317, %dma_wait3A_318] : memref<1024x8192xf32, #tpu.memory_space<hbm>> -> memref<1x8192xf32, #tpu.memory_space<hbm>>
      tpu.wait_dma2 semaphore(%dma_wait3A_312 : memref<!tpu.dma_semaphore, #tpu.memory_space<semaphore_mem>>) src(%dma_wait3A_319 : memref<1x8192xf32, #tpu.memory_space<hbm>>) dst(%dma_wait3A_316 : memref<1x8192xf32, #tpu.memory_space<vmem>>)
      %dma_wait3A_320 = arith.constant 0 : i32
      %dma_wait3A_321 = arith.constant 3 : i32
      %dma_wait3A_322 = arith.constant 3 : i32
      %dma_wait3A_323 = arith.constant 0 : i32
      %dma_wait3A_324 = arith.constant 0 : i32
      %dma_wait3A_325 = tpu.memref_slice %arg8[%dma_wait3A_321, %dma_wait3A_323, %dma_wait3A_324] : memref<4x1x8192xf32, #tpu.memory_space<vmem>> -> memref<1x1x8192xf32, #tpu.memory_space<vmem>>
      %dma_wait3A_326 = tpu.memref_squeeze %dma_wait3A_325 : memref<1x1x8192xf32, #tpu.memory_space<vmem>> -> memref<1x8192xf32, #tpu.memory_space<vmem>>
      %dma_wait3A_327 = arith.constant 0 : i32
      %dma_wait3A_328 = tpu.memref_slice %arg6[%dma_wait3A_320, %dma_wait3A_327] : memref<24x1xi32, #tpu.memory_space<vmem>> -> memref<1x1xi32, #tpu.memory_space<vmem>>
      %dma_wait3A_329 = tpu.memref_squeeze %dma_wait3A_328 : memref<1x1xi32, #tpu.memory_space<vmem>> -> memref<1xi32, #tpu.memory_space<vmem>>
      %dma_wait3A_330 = arith.constant 0 : i32
      %dma_wait3A_331 = arith.constant 0 : i32
      %dma_wait3A_332 = tpu.memref_slice %arg4[%dma_wait3A_330, %dma_wait3A_331] : memref<1000x8192xf32, #tpu.memory_space<hbm>> -> memref<1000x8192xf32, #tpu.memory_space<hbm>>
      %dma_wait3A_333 = tpu.memref_slice %arg11[%dma_wait3A_322] : memref<4x!tpu.dma_semaphore, #tpu.memory_space<semaphore_mem>> -> memref<1x!tpu.dma_semaphore, #tpu.memory_space<semaphore_mem>>
      %dma_wait3A_334 = tpu.memref_squeeze %dma_wait3A_333 : memref<1x!tpu.dma_semaphore, #tpu.memory_space<semaphore_mem>> -> memref<!tpu.dma_semaphore, #tpu.memory_space<semaphore_mem>>
      tpu.wait_indirect_dma semaphore(%dma_wait3A_334 : memref<!tpu.dma_semaphore, #tpu.memory_space<semaphore_mem>>) src(%dma_wait3A_332 : memref<1000x8192xf32, #tpu.memory_space<hbm>>) dst(%dma_wait3A_326 : memref<1x8192xf32, #tpu.memory_space<vmem>>)
      %parallel_loop3A_335 = arith.constant 0 : i32
      %parallel_loop3A_336 = arith.constant 8192 : i32
      %parallel_loop3A_337 = arith.constant 128 : i32
      %parallel_loop3A_338:8 = scf.for %parallel_loop3A_346 = %parallel_loop3A_335 to %parallel_loop3A_336 step %parallel_loop3A_337 iter_args(%parallel_loop3A_347 = %parallel_loop3A_290#0, %parallel_loop3A_348 = %parallel_loop3A_290#1, %parallel_loop3A_349 = %parallel_loop3A_290#2, %parallel_loop3A_350 = %parallel_loop3A_290#3, %parallel_loop3A_351 = %parallel_loop3A_290#4, %parallel_loop3A_352 = %parallel_loop3A_290#5, %parallel_loop3A_353 = %parallel_loop3A_290#6, %parallel_loop3A_354 = %parallel_loop3A_290#7) -> (vector<16xf32>, vector<16xf32>, vector<16xf32>, vector<16xf32>, vector<16xf32>, vector<16xf32>, vector<16xf32>, vector<16xf32>)  : i32 {
        %parallel_loop3A_355 = arith.constant 0 : i32
        %parallel_loop3A_356 = arith.addi %parallel_loop3A_346, %parallel_loop3A_355 : i32
        %parallel_loop3A_357 = arith.constant 3 : i32
        %parallel_loop3A_358 = arith.constant 0 : i32
        %parallel_loop3A_359 = arith.index_cast %parallel_loop3A_357 : i32 to index
        %parallel_loop3A_360 = arith.index_cast %parallel_loop3A_358 : i32 to index
        %parallel_loop3A_361 = arith.index_cast %parallel_loop3A_356 : i32 to index
        %parallel_loop3A_362 = tpu.vector_load %arg7[%parallel_loop3A_359, %parallel_loop3A_360, %parallel_loop3A_361] {strides = array<i32>} : memref<4x1x8192xf32, #tpu.memory_space<vmem>>, vector<1x1x16xf32>,
        %parallel_loop3A_363 = vector.shape_cast %parallel_loop3A_362 : vector<1x1x16xf32> to vector<16xf32>
        %parallel_loop3A_364 = arith.constant 16 : i32
        %parallel_loop3A_365 = arith.addi %parallel_loop3A_346, %parallel_loop3A_364 : i32
        %parallel_loop3A_366 = arith.constant 3 : i32
        %parallel_loop3A_367 = arith.constant 0 : i32
        %parallel_loop3A_368 = arith.index_cast %parallel_loop3A_366 : i32 to index
        %parallel_loop3A_369 = arith.index_cast %parallel_loop3A_367 : i32 to index
        %parallel_loop3A_370 = arith.index_cast %parallel_loop3A_365 : i32 to index
        %parallel_loop3A_371 = tpu.vector_load %arg7[%parallel_loop3A_368, %parallel_loop3A_369, %parallel_loop3A_370] {strides = array<i32>} : memref<4x1x8192xf32, #tpu.memory_space<vmem>>, vector<1x1x16xf32>,
        %parallel_loop3A_372 = vector.shape_cast %parallel_loop3A_371 : vector<1x1x16xf32> to vector<16xf32>
        %parallel_loop3A_373 = arith.constant 32 : i32
        %parallel_loop3A_374 = arith.addi %parallel_loop3A_346, %parallel_loop3A_373 : i32
        %parallel_loop3A_375 = arith.constant 3 : i32
        %parallel_loop3A_376 = arith.constant 0 : i32
        %parallel_loop3A_377 = arith.index_cast %parallel_loop3A_375 : i32 to index
        %parallel_loop3A_378 = arith.index_cast %parallel_loop3A_376 : i32 to index
        %parallel_loop3A_379 = arith.index_cast %parallel_loop3A_374 : i32 to index
        %parallel_loop3A_380 = tpu.vector_load %arg7[%parallel_loop3A_377, %parallel_loop3A_378, %parallel_loop3A_379] {strides = array<i32>} : memref<4x1x8192xf32, #tpu.memory_space<vmem>>, vector<1x1x16xf32>,
        %parallel_loop3A_381 = vector.shape_cast %parallel_loop3A_380 : vector<1x1x16xf32> to vector<16xf32>
        %parallel_loop3A_382 = arith.constant 48 : i32
        %parallel_loop3A_383 = arith.addi %parallel_loop3A_346, %parallel_loop3A_382 : i32
        %parallel_loop3A_384 = arith.constant 3 : i32
        %parallel_loop3A_385 = arith.constant 0 : i32
        %parallel_loop3A_386 = arith.index_cast %parallel_loop3A_384 : i32 to index
        %parallel_loop3A_387 = arith.index_cast %parallel_loop3A_385 : i32 to index
        %parallel_loop3A_388 = arith.index_cast %parallel_loop3A_383 : i32 to index
        %parallel_loop3A_389 = tpu.vector_load %arg7[%parallel_loop3A_386, %parallel_loop3A_387, %parallel_loop3A_388] {strides = array<i32>} : memref<4x1x8192xf32, #tpu.memory_space<vmem>>, vector<1x1x16xf32>,
        %parallel_loop3A_390 = vector.shape_cast %parallel_loop3A_389 : vector<1x1x16xf32> to vector<16xf32>
        %parallel_loop3A_391 = arith.constant 64 : i32
        %parallel_loop3A_392 = arith.addi %parallel_loop3A_346, %parallel_loop3A_391 : i32
        %parallel_loop3A_393 = arith.constant 3 : i32
        %parallel_loop3A_394 = arith.constant 0 : i32
        %parallel_loop3A_395 = arith.index_cast %parallel_loop3A_393 : i32 to index
        %parallel_loop3A_396 = arith.index_cast %parallel_loop3A_394 : i32 to index
        %parallel_loop3A_397 = arith.index_cast %parallel_loop3A_392 : i32 to index
        %parallel_loop3A_398 = tpu.vector_load %arg7[%parallel_loop3A_395, %parallel_loop3A_396, %parallel_loop3A_397] {strides = array<i32>} : memref<4x1x8192xf32, #tpu.memory_space<vmem>>, vector<1x1x16xf32>,
        %parallel_loop3A_399 = vector.shape_cast %parallel_loop3A_398 : vector<1x1x16xf32> to vector<16xf32>
        %parallel_loop3A_400 = arith.constant 80 : i32
        %parallel_loop3A_401 = arith.addi %parallel_loop3A_346, %parallel_loop3A_400 : i32
        %parallel_loop3A_402 = arith.constant 3 : i32
        %parallel_loop3A_403 = arith.constant 0 : i32
        %parallel_loop3A_404 = arith.index_cast %parallel_loop3A_402 : i32 to index
        %parallel_loop3A_405 = arith.index_cast %parallel_loop3A_403 : i32 to index
        %parallel_loop3A_406 = arith.index_cast %parallel_loop3A_401 : i32 to index
        %parallel_loop3A_407 = tpu.vector_load %arg7[%parallel_loop3A_404, %parallel_loop3A_405, %parallel_loop3A_406] {strides = array<i32>} : memref<4x1x8192xf32, #tpu.memory_space<vmem>>, vector<1x1x16xf32>,
        %parallel_loop3A_408 = vector.shape_cast %parallel_loop3A_407 : vector<1x1x16xf32> to vector<16xf32>
        %parallel_loop3A_409 = arith.constant 96 : i32
        %parallel_loop3A_410 = arith.addi %parallel_loop3A_346, %parallel_loop3A_409 : i32
        %parallel_loop3A_411 = arith.constant 3 : i32
        %parallel_loop3A_412 = arith.constant 0 : i32
        %parallel_loop3A_413 = arith.index_cast %parallel_loop3A_411 : i32 to index
        %parallel_loop3A_414 = arith.index_cast %parallel_loop3A_412 : i32 to index
        %parallel_loop3A_415 = arith.index_cast %parallel_loop3A_410 : i32 to index
        %parallel_loop3A_416 = tpu.vector_load %arg7[%parallel_loop3A_413, %parallel_loop3A_414, %parallel_loop3A_415] {strides = array<i32>} : memref<4x1x8192xf32, #tpu.memory_space<vmem>>, vector<1x1x16xf32>,
        %parallel_loop3A_417 = vector.shape_cast %parallel_loop3A_416 : vector<1x1x16xf32> to vector<16xf32>
        %parallel_loop3A_418 = arith.constant 112 : i32
        %parallel_loop3A_419 = arith.addi %parallel_loop3A_346, %parallel_loop3A_418 : i32
        %parallel_loop3A_420 = arith.constant 3 : i32
        %parallel_loop3A_421 = arith.constant 0 : i32
        %parallel_loop3A_422 = arith.index_cast %parallel_loop3A_420 : i32 to index
        %parallel_loop3A_423 = arith.index_cast %parallel_loop3A_421 : i32 to index
        %parallel_loop3A_424 = arith.index_cast %parallel_loop3A_419 : i32 to index
        %parallel_loop3A_425 = tpu.vector_load %arg7[%parallel_loop3A_422, %parallel_loop3A_423, %parallel_loop3A_424] {strides = array<i32>} : memref<4x1x8192xf32, #tpu.memory_space<vmem>>, vector<1x1x16xf32>,
        %parallel_loop3A_426 = vector.shape_cast %parallel_loop3A_425 : vector<1x1x16xf32> to vector<16xf32>
        %parallel_loop3A_427 = arith.constant 0 : i32
        %parallel_loop3A_428 = arith.addi %parallel_loop3A_346, %parallel_loop3A_427 : i32
        %parallel_loop3A_429 = arith.constant 3 : i32
        %parallel_loop3A_430 = arith.constant 0 : i32
        %parallel_loop3A_431 = arith.index_cast %parallel_loop3A_429 : i32 to index
        %parallel_loop3A_432 = arith.index_cast %parallel_loop3A_430 : i32 to index
        %parallel_loop3A_433 = arith.index_cast %parallel_loop3A_428 : i32 to index
        %parallel_loop3A_434 = tpu.vector_load %arg8[%parallel_loop3A_431, %parallel_loop3A_432, %parallel_loop3A_433] {strides = array<i32>} : memref<4x1x8192xf32, #tpu.memory_space<vmem>>, vector<1x1x16xf32>,
        %parallel_loop3A_435 = vector.shape_cast %parallel_loop3A_434 : vector<1x1x16xf32> to vector<16xf32>
        %parallel_loop3A_436 = arith.constant 16 : i32
        %parallel_loop3A_437 = arith.addi %parallel_loop3A_346, %parallel_loop3A_436 : i32
        %parallel_loop3A_438 = arith.constant 3 : i32
        %parallel_loop3A_439 = arith.constant 0 : i32
        %parallel_loop3A_440 = arith.index_cast %parallel_loop3A_438 : i32 to index
        %parallel_loop3A_441 = arith.index_cast %parallel_loop3A_439 : i32 to index
        %parallel_loop3A_442 = arith.index_cast %parallel_loop3A_437 : i32 to index
        %parallel_loop3A_443 = tpu.vector_load %arg8[%parallel_loop3A_440, %parallel_loop3A_441, %parallel_loop3A_442] {strides = array<i32>} : memref<4x1x8192xf32, #tpu.memory_space<vmem>>, vector<1x1x16xf32>,
        %parallel_loop3A_444 = vector.shape_cast %parallel_loop3A_443 : vector<1x1x16xf32> to vector<16xf32>
        %parallel_loop3A_445 = arith.constant 32 : i32
        %parallel_loop3A_446 = arith.addi %parallel_loop3A_346, %parallel_loop3A_445 : i32
        %parallel_loop3A_447 = arith.constant 3 : i32
        %parallel_loop3A_448 = arith.constant 0 : i32
        %parallel_loop3A_449 = arith.index_cast %parallel_loop3A_447 : i32 to index
        %parallel_loop3A_450 = arith.index_cast %parallel_loop3A_448 : i32 to index
        %parallel_loop3A_451 = arith.index_cast %parallel_loop3A_446 : i32 to index
        %parallel_loop3A_452 = tpu.vector_load %arg8[%parallel_loop3A_449, %parallel_loop3A_450, %parallel_loop3A_451] {strides = array<i32>} : memref<4x1x8192xf32, #tpu.memory_space<vmem>>, vector<1x1x16xf32>,
        %parallel_loop3A_453 = vector.shape_cast %parallel_loop3A_452 : vector<1x1x16xf32> to vector<16xf32>
        %parallel_loop3A_454 = arith.constant 48 : i32
        %parallel_loop3A_455 = arith.addi %parallel_loop3A_346, %parallel_loop3A_454 : i32
        %parallel_loop3A_456 = arith.constant 3 : i32
        %parallel_loop3A_457 = arith.constant 0 : i32
        %parallel_loop3A_458 = arith.index_cast %parallel_loop3A_456 : i32 to index
        %parallel_loop3A_459 = arith.index_cast %parallel_loop3A_457 : i32 to index
        %parallel_loop3A_460 = arith.index_cast %parallel_loop3A_455 : i32 to index
        %parallel_loop3A_461 = tpu.vector_load %arg8[%parallel_loop3A_458, %parallel_loop3A_459, %parallel_loop3A_460] {strides = array<i32>} : memref<4x1x8192xf32, #tpu.memory_space<vmem>>, vector<1x1x16xf32>,
        %parallel_loop3A_462 = vector.shape_cast %parallel_loop3A_461 : vector<1x1x16xf32> to vector<16xf32>
        %parallel_loop3A_463 = arith.constant 64 : i32
        %parallel_loop3A_464 = arith.addi %parallel_loop3A_346, %parallel_loop3A_463 : i32
        %parallel_loop3A_465 = arith.constant 3 : i32
        %parallel_loop3A_466 = arith.constant 0 : i32
        %parallel_loop3A_467 = arith.index_cast %parallel_loop3A_465 : i32 to index
        %parallel_loop3A_468 = arith.index_cast %parallel_loop3A_466 : i32 to index
        %parallel_loop3A_469 = arith.index_cast %parallel_loop3A_464 : i32 to index
        %parallel_loop3A_470 = tpu.vector_load %arg8[%parallel_loop3A_467, %parallel_loop3A_468, %parallel_loop3A_469] {strides = array<i32>} : memref<4x1x8192xf32, #tpu.memory_space<vmem>>, vector<1x1x16xf32>,
        %parallel_loop3A_471 = vector.shape_cast %parallel_loop3A_470 : vector<1x1x16xf32> to vector<16xf32>
        %parallel_loop3A_472 = arith.constant 80 : i32
        %parallel_loop3A_473 = arith.addi %parallel_loop3A_346, %parallel_loop3A_472 : i32
        %parallel_loop3A_474 = arith.constant 3 : i32
        %parallel_loop3A_475 = arith.constant 0 : i32
        %parallel_loop3A_476 = arith.index_cast %parallel_loop3A_474 : i32 to index
        %parallel_loop3A_477 = arith.index_cast %parallel_loop3A_475 : i32 to index
        %parallel_loop3A_478 = arith.index_cast %parallel_loop3A_473 : i32 to index
        %parallel_loop3A_479 = tpu.vector_load %arg8[%parallel_loop3A_476, %parallel_loop3A_477, %parallel_loop3A_478] {strides = array<i32>} : memref<4x1x8192xf32, #tpu.memory_space<vmem>>, vector<1x1x16xf32>,
        %parallel_loop3A_480 = vector.shape_cast %parallel_loop3A_479 : vector<1x1x16xf32> to vector<16xf32>
        %parallel_loop3A_481 = arith.constant 96 : i32
        %parallel_loop3A_482 = arith.addi %parallel_loop3A_346, %parallel_loop3A_481 : i32
        %parallel_loop3A_483 = arith.constant 3 : i32
        %parallel_loop3A_484 = arith.constant 0 : i32
        %parallel_loop3A_485 = arith.index_cast %parallel_loop3A_483 : i32 to index
        %parallel_loop3A_486 = arith.index_cast %parallel_loop3A_484 : i32 to index
        %parallel_loop3A_487 = arith.index_cast %parallel_loop3A_482 : i32 to index
        %parallel_loop3A_488 = tpu.vector_load %arg8[%parallel_loop3A_485, %parallel_loop3A_486, %parallel_loop3A_487] {strides = array<i32>} : memref<4x1x8192xf32, #tpu.memory_space<vmem>>, vector<1x1x16xf32>,
        %parallel_loop3A_489 = vector.shape_cast %parallel_loop3A_488 : vector<1x1x16xf32> to vector<16xf32>
        %parallel_loop3A_490 = arith.constant 112 : i32
        %parallel_loop3A_491 = arith.addi %parallel_loop3A_346, %parallel_loop3A_490 : i32
        %parallel_loop3A_492 = arith.constant 3 : i32
        %parallel_loop3A_493 = arith.constant 0 : i32
        %parallel_loop3A_494 = arith.index_cast %parallel_loop3A_492 : i32 to index
        %parallel_loop3A_495 = arith.index_cast %parallel_loop3A_493 : i32 to index
        %parallel_loop3A_496 = arith.index_cast %parallel_loop3A_491 : i32 to index
        %parallel_loop3A_497 = tpu.vector_load %arg8[%parallel_loop3A_494, %parallel_loop3A_495, %parallel_loop3A_496] {strides = array<i32>} : memref<4x1x8192xf32, #tpu.memory_space<vmem>>, vector<1x1x16xf32>,
        %parallel_loop3A_498 = vector.shape_cast %parallel_loop3A_497 : vector<1x1x16xf32> to vector<16xf32>
        %parallel_loop3A_499 = arith.subf %parallel_loop3A_363, %parallel_loop3A_435 : vector<16xf32>
        %parallel_loop3A_500 = arith.subf %parallel_loop3A_372, %parallel_loop3A_444 : vector<16xf32>
        %parallel_loop3A_501 = arith.subf %parallel_loop3A_381, %parallel_loop3A_453 : vector<16xf32>
        %parallel_loop3A_502 = arith.subf %parallel_loop3A_390, %parallel_loop3A_462 : vector<16xf32>
        %parallel_loop3A_503 = arith.subf %parallel_loop3A_399, %parallel_loop3A_471 : vector<16xf32>
        %parallel_loop3A_504 = arith.subf %parallel_loop3A_408, %parallel_loop3A_480 : vector<16xf32>
        %parallel_loop3A_505 = arith.subf %parallel_loop3A_417, %parallel_loop3A_489 : vector<16xf32>
        %parallel_loop3A_506 = arith.subf %parallel_loop3A_426, %parallel_loop3A_498 : vector<16xf32>
        %parallel_loop3A_507 = arith.mulf %parallel_loop3A_499, %parallel_loop3A_499 : vector<16xf32>
        %parallel_loop3A_508 = arith.addf %parallel_loop3A_347, %parallel_loop3A_507 : vector<16xf32>
        %parallel_loop3A_509 = arith.mulf %parallel_loop3A_500, %parallel_loop3A_500 : vector<16xf32>
        %parallel_loop3A_510 = arith.addf %parallel_loop3A_348, %parallel_loop3A_509 : vector<16xf32>
        %parallel_loop3A_511 = arith.mulf %parallel_loop3A_501, %parallel_loop3A_501 : vector<16xf32>
        %parallel_loop3A_512 = arith.addf %parallel_loop3A_349, %parallel_loop3A_511 : vector<16xf32>
        %parallel_loop3A_513 = arith.mulf %parallel_loop3A_502, %parallel_loop3A_502 : vector<16xf32>
        %parallel_loop3A_514 = arith.addf %parallel_loop3A_350, %parallel_loop3A_513 : vector<16xf32>
        %parallel_loop3A_515 = arith.mulf %parallel_loop3A_503, %parallel_loop3A_503 : vector<16xf32>
        %parallel_loop3A_516 = arith.addf %parallel_loop3A_351, %parallel_loop3A_515 : vector<16xf32>
        %parallel_loop3A_517 = arith.mulf %parallel_loop3A_504, %parallel_loop3A_504 : vector<16xf32>
        %parallel_loop3A_518 = arith.addf %parallel_loop3A_352, %parallel_loop3A_517 : vector<16xf32>
        %parallel_loop3A_519 = arith.mulf %parallel_loop3A_505, %parallel_loop3A_505 : vector<16xf32>
        %parallel_loop3A_520 = arith.addf %parallel_loop3A_353, %parallel_loop3A_519 : vector<16xf32>
        %parallel_loop3A_521 = arith.mulf %parallel_loop3A_506, %parallel_loop3A_506 : vector<16xf32>
        %parallel_loop3A_522 = arith.addf %parallel_loop3A_354, %parallel_loop3A_521 : vector<16xf32>
        scf.yield %parallel_loop3A_508, %parallel_loop3A_510, %parallel_loop3A_512, %parallel_loop3A_514, %parallel_loop3A_516, %parallel_loop3A_518, %parallel_loop3A_520, %parallel_loop3A_522 : vector<16xf32>, vector<16xf32>, vector<16xf32>, vector<16xf32>, vector<16xf32>, vector<16xf32>, vector<16xf32>, vector<16xf32>
      } {sc.loop_unroll_factor = 1 : i64, sc.parallel_access}
      %add3A_339 = arith.constant 4 : i32
      %add3A_340 = arith.addi %add3A_301, %add3A_339 : i32
      %lt3A_341 = arith.constant 24 : i32
      %lt3A_342 = arith.cmpi slt, %add3A_340, %lt3A_341 : i32
      %convert_element_type3A_343 = arith.extui %lt3A_342 : i1 to i32
      %cond3A_344 = arith.constant 0 : i32
      %cond3A_345 = arith.cmpi ne, %convert_element_type3A_343, %cond3A_344 : i32
      scf.if %cond3A_345 {
        %add3A_346 = arith.constant 4 : i32
        %add3A_347 = arith.addi %add3A_301, %add3A_346 : i32
        %add3A_348 = arith.addi %mul3A_2, %add3A_347 : i32
        %dma_start3A_349 = arith.constant 3 : i32
        %dma_start3A_350 = arith.constant 3 : i32
        %dma_start3A_351 = arith.constant 0 : i32
        %dma_start3A_352 = arith.constant 0 : i32
        %dma_start3A_353 = tpu.memref_slice %arg7[%dma_start3A_349, %dma_start3A_351, %dma_start3A_352] : memref<4x1x8192xf32, #tpu.memory_space<vmem>> -> memref<1x1x8192xf32, #tpu.memory_space<vmem>>
        %dma_start3A_354 = tpu.memref_squeeze %dma_start3A_353 : memref<1x1x8192xf32, #tpu.memory_space<vmem>> -> memref<1x8192xf32, #tpu.memory_space<vmem>>
        %dma_start3A_355 = arith.constant 0 : i32
        %dma_start3A_356 = tpu.memref_slice %arg2[%add3A_348, %dma_start3A_355] : memref<1024x8192xf32, #tpu.memory_space<hbm>> -> memref<1x8192xf32, #tpu.memory_space<hbm>>
        %dma_start3A_357 = tpu.memref_slice %arg10[%dma_start3A_350] : memref<4x!tpu.dma_semaphore, #tpu.memory_space<semaphore_mem>> -> memref<1x!tpu.dma_semaphore, #tpu.memory_space<semaphore_mem>>
        %dma_start3A_358 = tpu.memref_squeeze %dma_start3A_357 : memref<1x!tpu.dma_semaphore, #tpu.memory_space<semaphore_mem>> -> memref<!tpu.dma_semaphore, #tpu.memory_space<semaphore_mem>>
        %dma_start3A_359 = arith.constant 0 : i32
        %dma_start3A_360 = arith.constant 0 : i32
        %dma_start3A_361 = tpu.memref_slice %arg7[%dma_start3A_349, %dma_start3A_359, %dma_start3A_360] : memref<4x1x8192xf32, #tpu.memory_space<vmem>> -> memref<1x1x8192xf32, #tpu.memory_space<vmem>>
        %dma_start3A_362 = tpu.memref_squeeze %dma_start3A_361 : memref<1x1x8192xf32, #tpu.memory_space<vmem>> -> memref<1x8192xf32, #tpu.memory_space<vmem>>
        %dma_start3A_363 = arith.constant 0 : i32
        %dma_start3A_364 = tpu.memref_slice %arg2[%add3A_348, %dma_start3A_363] : memref<1024x8192xf32, #tpu.memory_space<hbm>> -> memref<1x8192xf32, #tpu.memory_space<hbm>>
        tpu.enqueue_dma source(%dma_start3A_364 : memref<1x8192xf32, #tpu.memory_space<hbm>>) target(%dma_start3A_362 : memref<1x8192xf32, #tpu.memory_space<vmem>>) target_semaphore(%dma_start3A_358 : memref<!tpu.dma_semaphore, #tpu.memory_space<semaphore_mem>>)
        %dma_start3A_365 = arith.constant 3 : i32
        %dma_start3A_366 = arith.constant 3 : i32
        %dma_start3A_367 = arith.constant 0 : i32
        %dma_start3A_368 = arith.constant 0 : i32
        %dma_start3A_369 = tpu.memref_slice %arg8[%dma_start3A_365, %dma_start3A_367, %dma_start3A_368] : memref<4x1x8192xf32, #tpu.memory_space<vmem>> -> memref<1x1x8192xf32, #tpu.memory_space<vmem>>
        %dma_start3A_370 = tpu.memref_squeeze %dma_start3A_369 : memref<1x1x8192xf32, #tpu.memory_space<vmem>> -> memref<1x8192xf32, #tpu.memory_space<vmem>>
        %dma_start3A_371 = arith.constant 0 : i32
        %dma_start3A_372 = tpu.memref_slice %arg6[%add3A_347, %dma_start3A_371] : memref<24x1xi32, #tpu.memory_space<vmem>> -> memref<1x1xi32, #tpu.memory_space<vmem>>
        %dma_start3A_373 = tpu.memref_squeeze %dma_start3A_372 : memref<1x1xi32, #tpu.memory_space<vmem>> -> memref<1xi32, #tpu.memory_space<vmem>>
        %dma_start3A_374 = arith.constant 0 : i32
        %dma_start3A_375 = arith.constant 0 : i32
        %dma_start3A_376 = tpu.memref_slice %arg4[%dma_start3A_374, %dma_start3A_375] : memref<1000x8192xf32, #tpu.memory_space<hbm>> -> memref<1000x8192xf32, #tpu.memory_space<hbm>>
        %dma_start3A_377 = tpu.memref_slice %arg11[%dma_start3A_366] : memref<4x!tpu.dma_semaphore, #tpu.memory_space<semaphore_mem>> -> memref<1x!tpu.dma_semaphore, #tpu.memory_space<semaphore_mem>>
        %dma_start3A_378 = tpu.memref_squeeze %dma_start3A_377 : memref<1x!tpu.dma_semaphore, #tpu.memory_space<semaphore_mem>> -> memref<!tpu.dma_semaphore, #tpu.memory_space<semaphore_mem>>
        tpu.enqueue_indirect_dma source(%dma_start3A_376 : memref<1000x8192xf32, #tpu.memory_space<hbm>>) target(%dma_start3A_370 : memref<1x8192xf32, #tpu.memory_space<vmem>>) offsets(%dma_start3A_373 : memref<1xi32, #tpu.memory_space<vmem>>) semaphore(%dma_start3A_378 : memref<!tpu.dma_semaphore, #tpu.memory_space<semaphore_mem>>)
      } else {
      }
      scf.yield %parallel_loop3A_338#0, %parallel_loop3A_338#1, %parallel_loop3A_338#2, %parallel_loop3A_338#3, %parallel_loop3A_338#4, %parallel_loop3A_338#5, %parallel_loop3A_338#6, %parallel_loop3A_338#7 : vector<16xf32>, vector<16xf32>, vector<16xf32>, vector<16xf32>, vector<16xf32>, vector<16xf32>, vector<16xf32>, vector<16xf32>
    }
    %scan3A_139 = arith.constant 6 : i32
    %add3A_140 = arith.addf %scan3A_138#0, %scan3A_138#1 : vector<16xf32>
    %add3A_141 = arith.addf %add3A_140, %scan3A_138#2 : vector<16xf32>
    %add3A_142 = arith.addf %add3A_141, %scan3A_138#3 : vector<16xf32>
    %add3A_143 = arith.addf %add3A_142, %scan3A_138#4 : vector<16xf32>
    %add3A_144 = arith.addf %add3A_143, %scan3A_138#5 : vector<16xf32>
    %add3A_145 = arith.addf %add3A_144, %scan3A_138#6 : vector<16xf32>
    %add3A_146 = arith.addf %add3A_145, %scan3A_138#7 : vector<16xf32>
    %swap3A = arith.constant 0 : index
    %swap3A_147 = tpu.vector_load %arg9[%swap3A] {strides = array<i32>} : memref<16xf32, #tpu.memory_space<vmem>>, vector<16xf32>,
    %swap3A_148 = vector.shape_cast %swap3A_147 : vector<16xf32> to vector<16xf32>
    %swap3A_149 = vector.shape_cast %add3A_146 : vector<16xf32> to vector<16xf32>
    tpu.vector_store %arg9[%swap3A], %swap3A_149 {strides = array<i32>} : memref<16xf32, #tpu.memory_space<vmem>>, vector<16xf32>,
    "tpu.region"() ({
      %run_scoped3A = tpu.sem_alloc : memref<!tpu.dma_semaphore, #tpu.memory_space<semaphore_mem>>
      %dma_start3A_150 = arith.constant 0 : i32
      %dma_start3A_151 = tpu.memref_slice %arg5[%add3A, %dma_start3A_150] : memref<32x16xf32, #tpu.memory_space<hbm>> -> memref<1x16xf32, #tpu.memory_space<hbm>>
      %dma_start3A_152 = tpu.memref_squeeze %dma_start3A_151 : memref<1x16xf32, #tpu.memory_space<hbm>> -> memref<16xf32, #tpu.memory_space<hbm>>
      %dma_start3A_153 = arith.constant 0 : i32
      %dma_start3A_154 = tpu.memref_slice %arg5[%add3A, %dma_start3A_153] : memref<32x16xf32, #tpu.memory_space<hbm>> -> memref<1x16xf32, #tpu.memory_space<hbm>>
      %dma_start3A_155 = tpu.memref_squeeze %dma_start3A_154 : memref<1x16xf32, #tpu.memory_space<hbm>> -> memref<16xf32, #tpu.memory_space<hbm>>
      tpu.enqueue_dma source(%arg9 : memref<16xf32, #tpu.memory_space<vmem>>) target(%dma_start3A_155 : memref<16xf32, #tpu.memory_space<hbm>>) target_semaphore(%run_scoped3A : memref<!tpu.dma_semaphore, #tpu.memory_space<semaphore_mem>>)
      %dma_wait3A = arith.constant 0 : i32
      %dma_wait3A_156 = tpu.memref_slice %arg5[%add3A, %dma_wait3A] : memref<32x16xf32, #tpu.memory_space<hbm>> -> memref<1x16xf32, #tpu.memory_space<hbm>>
      %dma_wait3A_157 = tpu.memref_squeeze %dma_wait3A_156 : memref<1x16xf32, #tpu.memory_space<hbm>> -> memref<16xf32, #tpu.memory_space<hbm>>
      %dma_wait3A_158 = arith.constant 0 : i32
      %dma_wait3A_159 = tpu.memref_slice %arg5[%add3A, %dma_wait3A_158] : memref<32x16xf32, #tpu.memory_space<hbm>> -> memref<1x16xf32, #tpu.memory_space<hbm>>
      %dma_wait3A_160 = tpu.memref_squeeze %dma_wait3A_159 : memref<1x16xf32, #tpu.memory_space<hbm>> -> memref<16xf32, #tpu.memory_space<hbm>>
      tpu.wait_dma2 semaphore(%run_scoped3A : memref<!tpu.dma_semaphore, #tpu.memory_space<semaphore_mem>>) src(%arg9 : memref<16xf32, #tpu.memory_space<vmem>>) dst(%dma_wait3A_160 : memref<16xf32, #tpu.memory_space<hbm>>)
      tpu.yield
    }) : () -> ()
    return
  }
}

module attributes {stable_mosaic.version = 14 : i64} {
  func.func @_tc_body(%arg0: i32, %arg1: memref<1024xi32, #tpu.memory_space<smem>>, %arg2: memref<1024x8192xf32, #tpu.memory_space<any>>, %arg3: memref<1000x8192xf32, #tpu.memory_space<any>>, %arg4: memref<1x1xf32, #tpu.memory_space<smem>>, %arg5: memref<2x16x8192xf32, #tpu.memory_space<vmem>>, %arg6: memref<2x16x8192xf32, #tpu.memory_space<vmem>>, %arg7: memref<2x!tpu.dma_semaphore, #tpu.memory_space<semaphore_mem>>, %arg8: memref<2x!tpu.dma_semaphore, #tpu.memory_space<semaphore_mem>>) attributes {dimension_semantics = [#tpu.dimension_semantics<arbitrary>], iteration_bounds = array<i64: 1>, scalar_prefetch = 1 : i64, scratch_operands = 4 : i64, tpu.core_type = #tpu.core_type<tc>, window_params = [{}, {}, {transform_indices = @transform_2, window_bounds = array<i64: 1, 1>}]} {
    %dma_start3A = arith.constant 0 : i32
    %dma_start3A_0 = arith.constant 0 : i32
    %dma_start3A_1 = tpu.memref_slice %arg7[%dma_start3A_0] : memref<2x!tpu.dma_semaphore, #tpu.memory_space<semaphore_mem>> -> memref<1x!tpu.dma_semaphore, #tpu.memory_space<semaphore_mem>>
    %dma_start3A_2 = tpu.memref_squeeze %dma_start3A_1 : memref<1x!tpu.dma_semaphore, #tpu.memory_space<semaphore_mem>> -> memref<!tpu.dma_semaphore, #tpu.memory_space<semaphore_mem>>
    %dma_start3A_3 = arith.constant 0 : i32
    %dma_start3A_4 = arith.constant 0 : i32
    %dma_start3A_5 = tpu.memref_slice %arg5[%dma_start3A, %dma_start3A_3, %dma_start3A_4] : memref<2x16x8192xf32, #tpu.memory_space<vmem>> -> memref<1x16x8192xf32, #tpu.memory_space<vmem>>
    %dma_start3A_6 = tpu.memref_squeeze %dma_start3A_5 : memref<1x16x8192xf32, #tpu.memory_space<vmem>> -> memref<16x8192xf32, #tpu.memory_space<vmem>>
    %dma_start3A_7 = arith.constant 768 : i32
    %dma_start3A_8 = arith.constant 0 : i32
    %dma_start3A_9 = tpu.memref_slice %arg2[%dma_start3A_7, %dma_start3A_8] : memref<1024x8192xf32, #tpu.memory_space<any>> -> memref<16x8192xf32, #tpu.memory_space<any>>
    tpu.enqueue_dma source(%dma_start3A_9 : memref<16x8192xf32, #tpu.memory_space<any>>) target(%dma_start3A_6 : memref<16x8192xf32, #tpu.memory_space<vmem>>) target_semaphore(%dma_start3A_2 : memref<!tpu.dma_semaphore, #tpu.memory_space<semaphore_mem>>)
    %get3A = arith.constant 768 : index
    %get3A_10 = memref.load %arg1[%get3A] : memref<1024xi32, #tpu.memory_space<smem>>
    %dma_start3A_11 = arith.constant 0 : i32
    %dma_start3A_12 = arith.constant 0 : i32
    %dma_start3A_13 = arith.constant 0 : i32
    %dma_start3A_14 = tpu.memref_slice %arg8[%dma_start3A_13] : memref<2x!tpu.dma_semaphore, #tpu.memory_space<semaphore_mem>> -> memref<1x!tpu.dma_semaphore, #tpu.memory_space<semaphore_mem>>
    %dma_start3A_15 = tpu.memref_squeeze %dma_start3A_14 : memref<1x!tpu.dma_semaphore, #tpu.memory_space<semaphore_mem>> -> memref<!tpu.dma_semaphore, #tpu.memory_space<semaphore_mem>>
    %dma_start3A_16 = arith.constant 0 : i32
    %dma_start3A_17 = tpu.memref_slice %arg6[%dma_start3A_11, %dma_start3A_12, %dma_start3A_16] : memref<2x16x8192xf32, #tpu.memory_space<vmem>> -> memref<1x1x8192xf32, #tpu.memory_space<vmem>>
    %dma_start3A_18 = tpu.memref_squeeze %dma_start3A_17 : memref<1x1x8192xf32, #tpu.memory_space<vmem>> -> memref<8192xf32, #tpu.memory_space<vmem>>
    %dma_start3A_19 = arith.constant 0 : i32
    %dma_start3A_20 = tpu.memref_slice %arg3[%get3A_10, %dma_start3A_19] : memref<1000x8192xf32, #tpu.memory_space<any>> -> memref<1x8192xf32, #tpu.memory_space<any>>
    %dma_start3A_21 = tpu.memref_squeeze %dma_start3A_20 : memref<1x8192xf32, #tpu.memory_space<any>> -> memref<8192xf32, #tpu.memory_space<any>>
    tpu.enqueue_dma source(%dma_start3A_21 : memref<8192xf32, #tpu.memory_space<any>>) target(%dma_start3A_18 : memref<8192xf32, #tpu.memory_space<vmem>>) target_semaphore(%dma_start3A_15 : memref<!tpu.dma_semaphore, #tpu.memory_space<semaphore_mem>>)
    %get3A_22 = arith.constant 769 : index
    %get3A_23 = memref.load %arg1[%get3A_22] : memref<1024xi32, #tpu.memory_space<smem>>
    %dma_start3A_24 = arith.constant 0 : i32
    %dma_start3A_25 = arith.constant 1 : i32
    %dma_start3A_26 = arith.constant 0 : i32
    %dma_start3A_27 = tpu.memref_slice %arg8[%dma_start3A_26] : memref<2x!tpu.dma_semaphore, #tpu.memory_space<semaphore_mem>> -> memref<1x!tpu.dma_semaphore, #tpu.memory_space<semaphore_mem>>
    %dma_start3A_28 = tpu.memref_squeeze %dma_start3A_27 : memref<1x!tpu.dma_semaphore, #tpu.memory_space<semaphore_mem>> -> memref<!tpu.dma_semaphore, #tpu.memory_space<semaphore_mem>>
    %dma_start3A_29 = arith.constant 0 : i32
    %dma_start3A_30 = tpu.memref_slice %arg6[%dma_start3A_24, %dma_start3A_25, %dma_start3A_29] : memref<2x16x8192xf32, #tpu.memory_space<vmem>> -> memref<1x1x8192xf32, #tpu.memory_space<vmem>>
    %dma_start3A_31 = tpu.memref_squeeze %dma_start3A_30 : memref<1x1x8192xf32, #tpu.memory_space<vmem>> -> memref<8192xf32, #tpu.memory_space<vmem>>
    %dma_start3A_32 = arith.constant 0 : i32
    %dma_start3A_33 = tpu.memref_slice %arg3[%get3A_23, %dma_start3A_32] : memref<1000x8192xf32, #tpu.memory_space<any>> -> memref<1x8192xf32, #tpu.memory_space<any>>
    %dma_start3A_34 = tpu.memref_squeeze %dma_start3A_33 : memref<1x8192xf32, #tpu.memory_space<any>> -> memref<8192xf32, #tpu.memory_space<any>>
    tpu.enqueue_dma source(%dma_start3A_34 : memref<8192xf32, #tpu.memory_space<any>>) target(%dma_start3A_31 : memref<8192xf32, #tpu.memory_space<vmem>>) target_semaphore(%dma_start3A_28 : memref<!tpu.dma_semaphore, #tpu.memory_space<semaphore_mem>>)
    %get3A_35 = arith.constant 770 : index
    %get3A_36 = memref.load %arg1[%get3A_35] : memref<1024xi32, #tpu.memory_space<smem>>
    %dma_start3A_37 = arith.constant 0 : i32
    %dma_start3A_38 = arith.constant 2 : i32
    %dma_start3A_39 = arith.constant 0 : i32
    %dma_start3A_40 = tpu.memref_slice %arg8[%dma_start3A_39] : memref<2x!tpu.dma_semaphore, #tpu.memory_space<semaphore_mem>> -> memref<1x!tpu.dma_semaphore, #tpu.memory_space<semaphore_mem>>
    %dma_start3A_41 = tpu.memref_squeeze %dma_start3A_40 : memref<1x!tpu.dma_semaphore, #tpu.memory_space<semaphore_mem>> -> memref<!tpu.dma_semaphore, #tpu.memory_space<semaphore_mem>>
    %dma_start3A_42 = arith.constant 0 : i32
    %dma_start3A_43 = tpu.memref_slice %arg6[%dma_start3A_37, %dma_start3A_38, %dma_start3A_42] : memref<2x16x8192xf32, #tpu.memory_space<vmem>> -> memref<1x1x8192xf32, #tpu.memory_space<vmem>>
    %dma_start3A_44 = tpu.memref_squeeze %dma_start3A_43 : memref<1x1x8192xf32, #tpu.memory_space<vmem>> -> memref<8192xf32, #tpu.memory_space<vmem>>
    %dma_start3A_45 = arith.constant 0 : i32
    %dma_start3A_46 = tpu.memref_slice %arg3[%get3A_36, %dma_start3A_45] : memref<1000x8192xf32, #tpu.memory_space<any>> -> memref<1x8192xf32, #tpu.memory_space<any>>
    %dma_start3A_47 = tpu.memref_squeeze %dma_start3A_46 : memref<1x8192xf32, #tpu.memory_space<any>> -> memref<8192xf32, #tpu.memory_space<any>>
    tpu.enqueue_dma source(%dma_start3A_47 : memref<8192xf32, #tpu.memory_space<any>>) target(%dma_start3A_44 : memref<8192xf32, #tpu.memory_space<vmem>>) target_semaphore(%dma_start3A_41 : memref<!tpu.dma_semaphore, #tpu.memory_space<semaphore_mem>>)
    %get3A_48 = arith.constant 771 : index
    %get3A_49 = memref.load %arg1[%get3A_48] : memref<1024xi32, #tpu.memory_space<smem>>
    %dma_start3A_50 = arith.constant 0 : i32
    %dma_start3A_51 = arith.constant 3 : i32
    %dma_start3A_52 = arith.constant 0 : i32
    %dma_start3A_53 = tpu.memref_slice %arg8[%dma_start3A_52] : memref<2x!tpu.dma_semaphore, #tpu.memory_space<semaphore_mem>> -> memref<1x!tpu.dma_semaphore, #tpu.memory_space<semaphore_mem>>
    %dma_start3A_54 = tpu.memref_squeeze %dma_start3A_53 : memref<1x!tpu.dma_semaphore, #tpu.memory_space<semaphore_mem>> -> memref<!tpu.dma_semaphore, #tpu.memory_space<semaphore_mem>>
    %dma_start3A_55 = arith.constant 0 : i32
    %dma_start3A_56 = tpu.memref_slice %arg6[%dma_start3A_50, %dma_start3A_51, %dma_start3A_55] : memref<2x16x8192xf32, #tpu.memory_space<vmem>> -> memref<1x1x8192xf32, #tpu.memory_space<vmem>>
    %dma_start3A_57 = tpu.memref_squeeze %dma_start3A_56 : memref<1x1x8192xf32, #tpu.memory_space<vmem>> -> memref<8192xf32, #tpu.memory_space<vmem>>
    %dma_start3A_58 = arith.constant 0 : i32
    %dma_start3A_59 = tpu.memref_slice %arg3[%get3A_49, %dma_start3A_58] : memref<1000x8192xf32, #tpu.memory_space<any>> -> memref<1x8192xf32, #tpu.memory_space<any>>
    %dma_start3A_60 = tpu.memref_squeeze %dma_start3A_59 : memref<1x8192xf32, #tpu.memory_space<any>> -> memref<8192xf32, #tpu.memory_space<any>>
    tpu.enqueue_dma source(%dma_start3A_60 : memref<8192xf32, #tpu.memory_space<any>>) target(%dma_start3A_57 : memref<8192xf32, #tpu.memory_space<vmem>>) target_semaphore(%dma_start3A_54 : memref<!tpu.dma_semaphore, #tpu.memory_space<semaphore_mem>>)
    %get3A_61 = arith.constant 772 : index
    %get3A_62 = memref.load %arg1[%get3A_61] : memref<1024xi32, #tpu.memory_space<smem>>
    %dma_start3A_63 = arith.constant 0 : i32
    %dma_start3A_64 = arith.constant 4 : i32
    %dma_start3A_65 = arith.constant 0 : i32
    %dma_start3A_66 = tpu.memref_slice %arg8[%dma_start3A_65] : memref<2x!tpu.dma_semaphore, #tpu.memory_space<semaphore_mem>> -> memref<1x!tpu.dma_semaphore, #tpu.memory_space<semaphore_mem>>
    %dma_start3A_67 = tpu.memref_squeeze %dma_start3A_66 : memref<1x!tpu.dma_semaphore, #tpu.memory_space<semaphore_mem>> -> memref<!tpu.dma_semaphore, #tpu.memory_space<semaphore_mem>>
    %dma_start3A_68 = arith.constant 0 : i32
    %dma_start3A_69 = tpu.memref_slice %arg6[%dma_start3A_63, %dma_start3A_64, %dma_start3A_68] : memref<2x16x8192xf32, #tpu.memory_space<vmem>> -> memref<1x1x8192xf32, #tpu.memory_space<vmem>>
    %dma_start3A_70 = tpu.memref_squeeze %dma_start3A_69 : memref<1x1x8192xf32, #tpu.memory_space<vmem>> -> memref<8192xf32, #tpu.memory_space<vmem>>
    %dma_start3A_71 = arith.constant 0 : i32
    %dma_start3A_72 = tpu.memref_slice %arg3[%get3A_62, %dma_start3A_71] : memref<1000x8192xf32, #tpu.memory_space<any>> -> memref<1x8192xf32, #tpu.memory_space<any>>
    %dma_start3A_73 = tpu.memref_squeeze %dma_start3A_72 : memref<1x8192xf32, #tpu.memory_space<any>> -> memref<8192xf32, #tpu.memory_space<any>>
    tpu.enqueue_dma source(%dma_start3A_73 : memref<8192xf32, #tpu.memory_space<any>>) target(%dma_start3A_70 : memref<8192xf32, #tpu.memory_space<vmem>>) target_semaphore(%dma_start3A_67 : memref<!tpu.dma_semaphore, #tpu.memory_space<semaphore_mem>>)
    %get3A_74 = arith.constant 773 : index
    %get3A_75 = memref.load %arg1[%get3A_74] : memref<1024xi32, #tpu.memory_space<smem>>
    %dma_start3A_76 = arith.constant 0 : i32
    %dma_start3A_77 = arith.constant 5 : i32
    %dma_start3A_78 = arith.constant 0 : i32
    %dma_start3A_79 = tpu.memref_slice %arg8[%dma_start3A_78] : memref<2x!tpu.dma_semaphore, #tpu.memory_space<semaphore_mem>> -> memref<1x!tpu.dma_semaphore, #tpu.memory_space<semaphore_mem>>
    %dma_start3A_80 = tpu.memref_squeeze %dma_start3A_79 : memref<1x!tpu.dma_semaphore, #tpu.memory_space<semaphore_mem>> -> memref<!tpu.dma_semaphore, #tpu.memory_space<semaphore_mem>>
    %dma_start3A_81 = arith.constant 0 : i32
    %dma_start3A_82 = tpu.memref_slice %arg6[%dma_start3A_76, %dma_start3A_77, %dma_start3A_81] : memref<2x16x8192xf32, #tpu.memory_space<vmem>> -> memref<1x1x8192xf32, #tpu.memory_space<vmem>>
    %dma_start3A_83 = tpu.memref_squeeze %dma_start3A_82 : memref<1x1x8192xf32, #tpu.memory_space<vmem>> -> memref<8192xf32, #tpu.memory_space<vmem>>
    %dma_start3A_84 = arith.constant 0 : i32
    %dma_start3A_85 = tpu.memref_slice %arg3[%get3A_75, %dma_start3A_84] : memref<1000x8192xf32, #tpu.memory_space<any>> -> memref<1x8192xf32, #tpu.memory_space<any>>
    %dma_start3A_86 = tpu.memref_squeeze %dma_start3A_85 : memref<1x8192xf32, #tpu.memory_space<any>> -> memref<8192xf32, #tpu.memory_space<any>>
    tpu.enqueue_dma source(%dma_start3A_86 : memref<8192xf32, #tpu.memory_space<any>>) target(%dma_start3A_83 : memref<8192xf32, #tpu.memory_space<vmem>>) target_semaphore(%dma_start3A_80 : memref<!tpu.dma_semaphore, #tpu.memory_space<semaphore_mem>>)
    %get3A_87 = arith.constant 774 : index
    %get3A_88 = memref.load %arg1[%get3A_87] : memref<1024xi32, #tpu.memory_space<smem>>
    %dma_start3A_89 = arith.constant 0 : i32
    %dma_start3A_90 = arith.constant 6 : i32
    %dma_start3A_91 = arith.constant 0 : i32
    %dma_start3A_92 = tpu.memref_slice %arg8[%dma_start3A_91] : memref<2x!tpu.dma_semaphore, #tpu.memory_space<semaphore_mem>> -> memref<1x!tpu.dma_semaphore, #tpu.memory_space<semaphore_mem>>
    %dma_start3A_93 = tpu.memref_squeeze %dma_start3A_92 : memref<1x!tpu.dma_semaphore, #tpu.memory_space<semaphore_mem>> -> memref<!tpu.dma_semaphore, #tpu.memory_space<semaphore_mem>>
    %dma_start3A_94 = arith.constant 0 : i32
    %dma_start3A_95 = tpu.memref_slice %arg6[%dma_start3A_89, %dma_start3A_90, %dma_start3A_94] : memref<2x16x8192xf32, #tpu.memory_space<vmem>> -> memref<1x1x8192xf32, #tpu.memory_space<vmem>>
    %dma_start3A_96 = tpu.memref_squeeze %dma_start3A_95 : memref<1x1x8192xf32, #tpu.memory_space<vmem>> -> memref<8192xf32, #tpu.memory_space<vmem>>
    %dma_start3A_97 = arith.constant 0 : i32
    %dma_start3A_98 = tpu.memref_slice %arg3[%get3A_88, %dma_start3A_97] : memref<1000x8192xf32, #tpu.memory_space<any>> -> memref<1x8192xf32, #tpu.memory_space<any>>
    %dma_start3A_99 = tpu.memref_squeeze %dma_start3A_98 : memref<1x8192xf32, #tpu.memory_space<any>> -> memref<8192xf32, #tpu.memory_space<any>>
    tpu.enqueue_dma source(%dma_start3A_99 : memref<8192xf32, #tpu.memory_space<any>>) target(%dma_start3A_96 : memref<8192xf32, #tpu.memory_space<vmem>>) target_semaphore(%dma_start3A_93 : memref<!tpu.dma_semaphore, #tpu.memory_space<semaphore_mem>>)
    %get3A_100 = arith.constant 775 : index
    %get3A_101 = memref.load %arg1[%get3A_100] : memref<1024xi32, #tpu.memory_space<smem>>
    %dma_start3A_102 = arith.constant 0 : i32
    %dma_start3A_103 = arith.constant 7 : i32
    %dma_start3A_104 = arith.constant 0 : i32
    %dma_start3A_105 = tpu.memref_slice %arg8[%dma_start3A_104] : memref<2x!tpu.dma_semaphore, #tpu.memory_space<semaphore_mem>> -> memref<1x!tpu.dma_semaphore, #tpu.memory_space<semaphore_mem>>
    %dma_start3A_106 = tpu.memref_squeeze %dma_start3A_105 : memref<1x!tpu.dma_semaphore, #tpu.memory_space<semaphore_mem>> -> memref<!tpu.dma_semaphore, #tpu.memory_space<semaphore_mem>>
    %dma_start3A_107 = arith.constant 0 : i32
    %dma_start3A_108 = tpu.memref_slice %arg6[%dma_start3A_102, %dma_start3A_103, %dma_start3A_107] : memref<2x16x8192xf32, #tpu.memory_space<vmem>> -> memref<1x1x8192xf32, #tpu.memory_space<vmem>>
    %dma_start3A_109 = tpu.memref_squeeze %dma_start3A_108 : memref<1x1x8192xf32, #tpu.memory_space<vmem>> -> memref<8192xf32, #tpu.memory_space<vmem>>
    %dma_start3A_110 = arith.constant 0 : i32
    %dma_start3A_111 = tpu.memref_slice %arg3[%get3A_101, %dma_start3A_110] : memref<1000x8192xf32, #tpu.memory_space<any>> -> memref<1x8192xf32, #tpu.memory_space<any>>
    %dma_start3A_112 = tpu.memref_squeeze %dma_start3A_111 : memref<1x8192xf32, #tpu.memory_space<any>> -> memref<8192xf32, #tpu.memory_space<any>>
    tpu.enqueue_dma source(%dma_start3A_112 : memref<8192xf32, #tpu.memory_space<any>>) target(%dma_start3A_109 : memref<8192xf32, #tpu.memory_space<vmem>>) target_semaphore(%dma_start3A_106 : memref<!tpu.dma_semaphore, #tpu.memory_space<semaphore_mem>>)
    %get3A_113 = arith.constant 776 : index
    %get3A_114 = memref.load %arg1[%get3A_113] : memref<1024xi32, #tpu.memory_space<smem>>
    %dma_start3A_115 = arith.constant 0 : i32
    %dma_start3A_116 = arith.constant 8 : i32
    %dma_start3A_117 = arith.constant 0 : i32
    %dma_start3A_118 = tpu.memref_slice %arg8[%dma_start3A_117] : memref<2x!tpu.dma_semaphore, #tpu.memory_space<semaphore_mem>> -> memref<1x!tpu.dma_semaphore, #tpu.memory_space<semaphore_mem>>
    %dma_start3A_119 = tpu.memref_squeeze %dma_start3A_118 : memref<1x!tpu.dma_semaphore, #tpu.memory_space<semaphore_mem>> -> memref<!tpu.dma_semaphore, #tpu.memory_space<semaphore_mem>>
    %dma_start3A_120 = arith.constant 0 : i32
    %dma_start3A_121 = tpu.memref_slice %arg6[%dma_start3A_115, %dma_start3A_116, %dma_start3A_120] : memref<2x16x8192xf32, #tpu.memory_space<vmem>> -> memref<1x1x8192xf32, #tpu.memory_space<vmem>>
    %dma_start3A_122 = tpu.memref_squeeze %dma_start3A_121 : memref<1x1x8192xf32, #tpu.memory_space<vmem>> -> memref<8192xf32, #tpu.memory_space<vmem>>
    %dma_start3A_123 = arith.constant 0 : i32
    %dma_start3A_124 = tpu.memref_slice %arg3[%get3A_114, %dma_start3A_123] : memref<1000x8192xf32, #tpu.memory_space<any>> -> memref<1x8192xf32, #tpu.memory_space<any>>
    %dma_start3A_125 = tpu.memref_squeeze %dma_start3A_124 : memref<1x8192xf32, #tpu.memory_space<any>> -> memref<8192xf32, #tpu.memory_space<any>>
    tpu.enqueue_dma source(%dma_start3A_125 : memref<8192xf32, #tpu.memory_space<any>>) target(%dma_start3A_122 : memref<8192xf32, #tpu.memory_space<vmem>>) target_semaphore(%dma_start3A_119 : memref<!tpu.dma_semaphore, #tpu.memory_space<semaphore_mem>>)
    %get3A_126 = arith.constant 777 : index
    %get3A_127 = memref.load %arg1[%get3A_126] : memref<1024xi32, #tpu.memory_space<smem>>
    %dma_start3A_128 = arith.constant 0 : i32
    %dma_start3A_129 = arith.constant 9 : i32
    %dma_start3A_130 = arith.constant 0 : i32
    %dma_start3A_131 = tpu.memref_slice %arg8[%dma_start3A_130] : memref<2x!tpu.dma_semaphore, #tpu.memory_space<semaphore_mem>> -> memref<1x!tpu.dma_semaphore, #tpu.memory_space<semaphore_mem>>
    %dma_start3A_132 = tpu.memref_squeeze %dma_start3A_131 : memref<1x!tpu.dma_semaphore, #tpu.memory_space<semaphore_mem>> -> memref<!tpu.dma_semaphore, #tpu.memory_space<semaphore_mem>>
    %dma_start3A_133 = arith.constant 0 : i32
    %dma_start3A_134 = tpu.memref_slice %arg6[%dma_start3A_128, %dma_start3A_129, %dma_start3A_133] : memref<2x16x8192xf32, #tpu.memory_space<vmem>> -> memref<1x1x8192xf32, #tpu.memory_space<vmem>>
    %dma_start3A_135 = tpu.memref_squeeze %dma_start3A_134 : memref<1x1x8192xf32, #tpu.memory_space<vmem>> -> memref<8192xf32, #tpu.memory_space<vmem>>
    %dma_start3A_136 = arith.constant 0 : i32
    %dma_start3A_137 = tpu.memref_slice %arg3[%get3A_127, %dma_start3A_136] : memref<1000x8192xf32, #tpu.memory_space<any>> -> memref<1x8192xf32, #tpu.memory_space<any>>
    %dma_start3A_138 = tpu.memref_squeeze %dma_start3A_137 : memref<1x8192xf32, #tpu.memory_space<any>> -> memref<8192xf32, #tpu.memory_space<any>>
    tpu.enqueue_dma source(%dma_start3A_138 : memref<8192xf32, #tpu.memory_space<any>>) target(%dma_start3A_135 : memref<8192xf32, #tpu.memory_space<vmem>>) target_semaphore(%dma_start3A_132 : memref<!tpu.dma_semaphore, #tpu.memory_space<semaphore_mem>>)
    %get3A_139 = arith.constant 778 : index
    %get3A_140 = memref.load %arg1[%get3A_139] : memref<1024xi32, #tpu.memory_space<smem>>
    %dma_start3A_141 = arith.constant 0 : i32
    %dma_start3A_142 = arith.constant 10 : i32
    %dma_start3A_143 = arith.constant 0 : i32
    %dma_start3A_144 = tpu.memref_slice %arg8[%dma_start3A_143] : memref<2x!tpu.dma_semaphore, #tpu.memory_space<semaphore_mem>> -> memref<1x!tpu.dma_semaphore, #tpu.memory_space<semaphore_mem>>
    %dma_start3A_145 = tpu.memref_squeeze %dma_start3A_144 : memref<1x!tpu.dma_semaphore, #tpu.memory_space<semaphore_mem>> -> memref<!tpu.dma_semaphore, #tpu.memory_space<semaphore_mem>>
    %dma_start3A_146 = arith.constant 0 : i32
    %dma_start3A_147 = tpu.memref_slice %arg6[%dma_start3A_141, %dma_start3A_142, %dma_start3A_146] : memref<2x16x8192xf32, #tpu.memory_space<vmem>> -> memref<1x1x8192xf32, #tpu.memory_space<vmem>>
    %dma_start3A_148 = tpu.memref_squeeze %dma_start3A_147 : memref<1x1x8192xf32, #tpu.memory_space<vmem>> -> memref<8192xf32, #tpu.memory_space<vmem>>
    %dma_start3A_149 = arith.constant 0 : i32
    %dma_start3A_150 = tpu.memref_slice %arg3[%get3A_140, %dma_start3A_149] : memref<1000x8192xf32, #tpu.memory_space<any>> -> memref<1x8192xf32, #tpu.memory_space<any>>
    %dma_start3A_151 = tpu.memref_squeeze %dma_start3A_150 : memref<1x8192xf32, #tpu.memory_space<any>> -> memref<8192xf32, #tpu.memory_space<any>>
    tpu.enqueue_dma source(%dma_start3A_151 : memref<8192xf32, #tpu.memory_space<any>>) target(%dma_start3A_148 : memref<8192xf32, #tpu.memory_space<vmem>>) target_semaphore(%dma_start3A_145 : memref<!tpu.dma_semaphore, #tpu.memory_space<semaphore_mem>>)
    %get3A_152 = arith.constant 779 : index
    %get3A_153 = memref.load %arg1[%get3A_152] : memref<1024xi32, #tpu.memory_space<smem>>
    %dma_start3A_154 = arith.constant 0 : i32
    %dma_start3A_155 = arith.constant 11 : i32
    %dma_start3A_156 = arith.constant 0 : i32
    %dma_start3A_157 = tpu.memref_slice %arg8[%dma_start3A_156] : memref<2x!tpu.dma_semaphore, #tpu.memory_space<semaphore_mem>> -> memref<1x!tpu.dma_semaphore, #tpu.memory_space<semaphore_mem>>
    %dma_start3A_158 = tpu.memref_squeeze %dma_start3A_157 : memref<1x!tpu.dma_semaphore, #tpu.memory_space<semaphore_mem>> -> memref<!tpu.dma_semaphore, #tpu.memory_space<semaphore_mem>>
    %dma_start3A_159 = arith.constant 0 : i32
    %dma_start3A_160 = tpu.memref_slice %arg6[%dma_start3A_154, %dma_start3A_155, %dma_start3A_159] : memref<2x16x8192xf32, #tpu.memory_space<vmem>> -> memref<1x1x8192xf32, #tpu.memory_space<vmem>>
    %dma_start3A_161 = tpu.memref_squeeze %dma_start3A_160 : memref<1x1x8192xf32, #tpu.memory_space<vmem>> -> memref<8192xf32, #tpu.memory_space<vmem>>
    %dma_start3A_162 = arith.constant 0 : i32
    %dma_start3A_163 = tpu.memref_slice %arg3[%get3A_153, %dma_start3A_162] : memref<1000x8192xf32, #tpu.memory_space<any>> -> memref<1x8192xf32, #tpu.memory_space<any>>
    %dma_start3A_164 = tpu.memref_squeeze %dma_start3A_163 : memref<1x8192xf32, #tpu.memory_space<any>> -> memref<8192xf32, #tpu.memory_space<any>>
    tpu.enqueue_dma source(%dma_start3A_164 : memref<8192xf32, #tpu.memory_space<any>>) target(%dma_start3A_161 : memref<8192xf32, #tpu.memory_space<vmem>>) target_semaphore(%dma_start3A_158 : memref<!tpu.dma_semaphore, #tpu.memory_space<semaphore_mem>>)
    %get3A_165 = arith.constant 780 : index
    %get3A_166 = memref.load %arg1[%get3A_165] : memref<1024xi32, #tpu.memory_space<smem>>
    %dma_start3A_167 = arith.constant 0 : i32
    %dma_start3A_168 = arith.constant 12 : i32
    %dma_start3A_169 = arith.constant 0 : i32
    %dma_start3A_170 = tpu.memref_slice %arg8[%dma_start3A_169] : memref<2x!tpu.dma_semaphore, #tpu.memory_space<semaphore_mem>> -> memref<1x!tpu.dma_semaphore, #tpu.memory_space<semaphore_mem>>
    %dma_start3A_171 = tpu.memref_squeeze %dma_start3A_170 : memref<1x!tpu.dma_semaphore, #tpu.memory_space<semaphore_mem>> -> memref<!tpu.dma_semaphore, #tpu.memory_space<semaphore_mem>>
    %dma_start3A_172 = arith.constant 0 : i32
    %dma_start3A_173 = tpu.memref_slice %arg6[%dma_start3A_167, %dma_start3A_168, %dma_start3A_172] : memref<2x16x8192xf32, #tpu.memory_space<vmem>> -> memref<1x1x8192xf32, #tpu.memory_space<vmem>>
    %dma_start3A_174 = tpu.memref_squeeze %dma_start3A_173 : memref<1x1x8192xf32, #tpu.memory_space<vmem>> -> memref<8192xf32, #tpu.memory_space<vmem>>
    %dma_start3A_175 = arith.constant 0 : i32
    %dma_start3A_176 = tpu.memref_slice %arg3[%get3A_166, %dma_start3A_175] : memref<1000x8192xf32, #tpu.memory_space<any>> -> memref<1x8192xf32, #tpu.memory_space<any>>
    %dma_start3A_177 = tpu.memref_squeeze %dma_start3A_176 : memref<1x8192xf32, #tpu.memory_space<any>> -> memref<8192xf32, #tpu.memory_space<any>>
    tpu.enqueue_dma source(%dma_start3A_177 : memref<8192xf32, #tpu.memory_space<any>>) target(%dma_start3A_174 : memref<8192xf32, #tpu.memory_space<vmem>>) target_semaphore(%dma_start3A_171 : memref<!tpu.dma_semaphore, #tpu.memory_space<semaphore_mem>>)
    %get3A_178 = arith.constant 781 : index
    %get3A_179 = memref.load %arg1[%get3A_178] : memref<1024xi32, #tpu.memory_space<smem>>
    %dma_start3A_180 = arith.constant 0 : i32
    %dma_start3A_181 = arith.constant 13 : i32
    %dma_start3A_182 = arith.constant 0 : i32
    %dma_start3A_183 = tpu.memref_slice %arg8[%dma_start3A_182] : memref<2x!tpu.dma_semaphore, #tpu.memory_space<semaphore_mem>> -> memref<1x!tpu.dma_semaphore, #tpu.memory_space<semaphore_mem>>
    %dma_start3A_184 = tpu.memref_squeeze %dma_start3A_183 : memref<1x!tpu.dma_semaphore, #tpu.memory_space<semaphore_mem>> -> memref<!tpu.dma_semaphore, #tpu.memory_space<semaphore_mem>>
    %dma_start3A_185 = arith.constant 0 : i32
    %dma_start3A_186 = tpu.memref_slice %arg6[%dma_start3A_180, %dma_start3A_181, %dma_start3A_185] : memref<2x16x8192xf32, #tpu.memory_space<vmem>> -> memref<1x1x8192xf32, #tpu.memory_space<vmem>>
    %dma_start3A_187 = tpu.memref_squeeze %dma_start3A_186 : memref<1x1x8192xf32, #tpu.memory_space<vmem>> -> memref<8192xf32, #tpu.memory_space<vmem>>
    %dma_start3A_188 = arith.constant 0 : i32
    %dma_start3A_189 = tpu.memref_slice %arg3[%get3A_179, %dma_start3A_188] : memref<1000x8192xf32, #tpu.memory_space<any>> -> memref<1x8192xf32, #tpu.memory_space<any>>
    %dma_start3A_190 = tpu.memref_squeeze %dma_start3A_189 : memref<1x8192xf32, #tpu.memory_space<any>> -> memref<8192xf32, #tpu.memory_space<any>>
    tpu.enqueue_dma source(%dma_start3A_190 : memref<8192xf32, #tpu.memory_space<any>>) target(%dma_start3A_187 : memref<8192xf32, #tpu.memory_space<vmem>>) target_semaphore(%dma_start3A_184 : memref<!tpu.dma_semaphore, #tpu.memory_space<semaphore_mem>>)
    %get3A_191 = arith.constant 782 : index
    %get3A_192 = memref.load %arg1[%get3A_191] : memref<1024xi32, #tpu.memory_space<smem>>
    %dma_start3A_193 = arith.constant 0 : i32
    %dma_start3A_194 = arith.constant 14 : i32
    %dma_start3A_195 = arith.constant 0 : i32
    %dma_start3A_196 = tpu.memref_slice %arg8[%dma_start3A_195] : memref<2x!tpu.dma_semaphore, #tpu.memory_space<semaphore_mem>> -> memref<1x!tpu.dma_semaphore, #tpu.memory_space<semaphore_mem>>
    %dma_start3A_197 = tpu.memref_squeeze %dma_start3A_196 : memref<1x!tpu.dma_semaphore, #tpu.memory_space<semaphore_mem>> -> memref<!tpu.dma_semaphore, #tpu.memory_space<semaphore_mem>>
    %dma_start3A_198 = arith.constant 0 : i32
    %dma_start3A_199 = tpu.memref_slice %arg6[%dma_start3A_193, %dma_start3A_194, %dma_start3A_198] : memref<2x16x8192xf32, #tpu.memory_space<vmem>> -> memref<1x1x8192xf32, #tpu.memory_space<vmem>>
    %dma_start3A_200 = tpu.memref_squeeze %dma_start3A_199 : memref<1x1x8192xf32, #tpu.memory_space<vmem>> -> memref<8192xf32, #tpu.memory_space<vmem>>
    %dma_start3A_201 = arith.constant 0 : i32
    %dma_start3A_202 = tpu.memref_slice %arg3[%get3A_192, %dma_start3A_201] : memref<1000x8192xf32, #tpu.memory_space<any>> -> memref<1x8192xf32, #tpu.memory_space<any>>
    %dma_start3A_203 = tpu.memref_squeeze %dma_start3A_202 : memref<1x8192xf32, #tpu.memory_space<any>> -> memref<8192xf32, #tpu.memory_space<any>>
    tpu.enqueue_dma source(%dma_start3A_203 : memref<8192xf32, #tpu.memory_space<any>>) target(%dma_start3A_200 : memref<8192xf32, #tpu.memory_space<vmem>>) target_semaphore(%dma_start3A_197 : memref<!tpu.dma_semaphore, #tpu.memory_space<semaphore_mem>>)
    %get3A_204 = arith.constant 783 : index
    %get3A_205 = memref.load %arg1[%get3A_204] : memref<1024xi32, #tpu.memory_space<smem>>
    %dma_start3A_206 = arith.constant 0 : i32
    %dma_start3A_207 = arith.constant 15 : i32
    %dma_start3A_208 = arith.constant 0 : i32
    %dma_start3A_209 = tpu.memref_slice %arg8[%dma_start3A_208] : memref<2x!tpu.dma_semaphore, #tpu.memory_space<semaphore_mem>> -> memref<1x!tpu.dma_semaphore, #tpu.memory_space<semaphore_mem>>
    %dma_start3A_210 = tpu.memref_squeeze %dma_start3A_209 : memref<1x!tpu.dma_semaphore, #tpu.memory_space<semaphore_mem>> -> memref<!tpu.dma_semaphore, #tpu.memory_space<semaphore_mem>>
    %dma_start3A_211 = arith.constant 0 : i32
    %dma_start3A_212 = tpu.memref_slice %arg6[%dma_start3A_206, %dma_start3A_207, %dma_start3A_211] : memref<2x16x8192xf32, #tpu.memory_space<vmem>> -> memref<1x1x8192xf32, #tpu.memory_space<vmem>>
    %dma_start3A_213 = tpu.memref_squeeze %dma_start3A_212 : memref<1x1x8192xf32, #tpu.memory_space<vmem>> -> memref<8192xf32, #tpu.memory_space<vmem>>
    %dma_start3A_214 = arith.constant 0 : i32
    %dma_start3A_215 = tpu.memref_slice %arg3[%get3A_205, %dma_start3A_214] : memref<1000x8192xf32, #tpu.memory_space<any>> -> memref<1x8192xf32, #tpu.memory_space<any>>
    %dma_start3A_216 = tpu.memref_squeeze %dma_start3A_215 : memref<1x8192xf32, #tpu.memory_space<any>> -> memref<8192xf32, #tpu.memory_space<any>>
    tpu.enqueue_dma source(%dma_start3A_216 : memref<8192xf32, #tpu.memory_space<any>>) target(%dma_start3A_213 : memref<8192xf32, #tpu.memory_space<vmem>>) target_semaphore(%dma_start3A_210 : memref<!tpu.dma_semaphore, #tpu.memory_space<semaphore_mem>>)
    %dma_start3A_217 = arith.constant 1 : i32
    %dma_start3A_218 = arith.constant 1 : i32
    %dma_start3A_219 = tpu.memref_slice %arg7[%dma_start3A_218] : memref<2x!tpu.dma_semaphore, #tpu.memory_space<semaphore_mem>> -> memref<1x!tpu.dma_semaphore, #tpu.memory_space<semaphore_mem>>
    %dma_start3A_220 = tpu.memref_squeeze %dma_start3A_219 : memref<1x!tpu.dma_semaphore, #tpu.memory_space<semaphore_mem>> -> memref<!tpu.dma_semaphore, #tpu.memory_space<semaphore_mem>>
    %dma_start3A_221 = arith.constant 0 : i32
    %dma_start3A_222 = arith.constant 0 : i32
    %dma_start3A_223 = tpu.memref_slice %arg5[%dma_start3A_217, %dma_start3A_221, %dma_start3A_222] : memref<2x16x8192xf32, #tpu.memory_space<vmem>> -> memref<1x16x8192xf32, #tpu.memory_space<vmem>>
    %dma_start3A_224 = tpu.memref_squeeze %dma_start3A_223 : memref<1x16x8192xf32, #tpu.memory_space<vmem>> -> memref<16x8192xf32, #tpu.memory_space<vmem>>
    %dma_start3A_225 = arith.constant 784 : i32
    %dma_start3A_226 = arith.constant 0 : i32
    %dma_start3A_227 = tpu.memref_slice %arg2[%dma_start3A_225, %dma_start3A_226] : memref<1024x8192xf32, #tpu.memory_space<any>> -> memref<16x8192xf32, #tpu.memory_space<any>>
    tpu.enqueue_dma source(%dma_start3A_227 : memref<16x8192xf32, #tpu.memory_space<any>>) target(%dma_start3A_224 : memref<16x8192xf32, #tpu.memory_space<vmem>>) target_semaphore(%dma_start3A_220 : memref<!tpu.dma_semaphore, #tpu.memory_space<semaphore_mem>>)
    %get3A_228 = arith.constant 784 : index
    %get3A_229 = memref.load %arg1[%get3A_228] : memref<1024xi32, #tpu.memory_space<smem>>
    %dma_start3A_230 = arith.constant 1 : i32
    %dma_start3A_231 = arith.constant 0 : i32
    %dma_start3A_232 = arith.constant 1 : i32
    %dma_start3A_233 = tpu.memref_slice %arg8[%dma_start3A_232] : memref<2x!tpu.dma_semaphore, #tpu.memory_space<semaphore_mem>> -> memref<1x!tpu.dma_semaphore, #tpu.memory_space<semaphore_mem>>
    %dma_start3A_234 = tpu.memref_squeeze %dma_start3A_233 : memref<1x!tpu.dma_semaphore, #tpu.memory_space<semaphore_mem>> -> memref<!tpu.dma_semaphore, #tpu.memory_space<semaphore_mem>>
    %dma_start3A_235 = arith.constant 0 : i32
    %dma_start3A_236 = tpu.memref_slice %arg6[%dma_start3A_230, %dma_start3A_231, %dma_start3A_235] : memref<2x16x8192xf32, #tpu.memory_space<vmem>> -> memref<1x1x8192xf32, #tpu.memory_space<vmem>>
    %dma_start3A_237 = tpu.memref_squeeze %dma_start3A_236 : memref<1x1x8192xf32, #tpu.memory_space<vmem>> -> memref<8192xf32, #tpu.memory_space<vmem>>
    %dma_start3A_238 = arith.constant 0 : i32
    %dma_start3A_239 = tpu.memref_slice %arg3[%get3A_229, %dma_start3A_238] : memref<1000x8192xf32, #tpu.memory_space<any>> -> memref<1x8192xf32, #tpu.memory_space<any>>
    %dma_start3A_240 = tpu.memref_squeeze %dma_start3A_239 : memref<1x8192xf32, #tpu.memory_space<any>> -> memref<8192xf32, #tpu.memory_space<any>>
    tpu.enqueue_dma source(%dma_start3A_240 : memref<8192xf32, #tpu.memory_space<any>>) target(%dma_start3A_237 : memref<8192xf32, #tpu.memory_space<vmem>>) target_semaphore(%dma_start3A_234 : memref<!tpu.dma_semaphore, #tpu.memory_space<semaphore_mem>>)
    %get3A_241 = arith.constant 785 : index
    %get3A_242 = memref.load %arg1[%get3A_241] : memref<1024xi32, #tpu.memory_space<smem>>
    %dma_start3A_243 = arith.constant 1 : i32
    %dma_start3A_244 = arith.constant 1 : i32
    %dma_start3A_245 = arith.constant 1 : i32
    %dma_start3A_246 = tpu.memref_slice %arg8[%dma_start3A_245] : memref<2x!tpu.dma_semaphore, #tpu.memory_space<semaphore_mem>> -> memref<1x!tpu.dma_semaphore, #tpu.memory_space<semaphore_mem>>
    %dma_start3A_247 = tpu.memref_squeeze %dma_start3A_246 : memref<1x!tpu.dma_semaphore, #tpu.memory_space<semaphore_mem>> -> memref<!tpu.dma_semaphore, #tpu.memory_space<semaphore_mem>>
    %dma_start3A_248 = arith.constant 0 : i32
    %dma_start3A_249 = tpu.memref_slice %arg6[%dma_start3A_243, %dma_start3A_244, %dma_start3A_248] : memref<2x16x8192xf32, #tpu.memory_space<vmem>> -> memref<1x1x8192xf32, #tpu.memory_space<vmem>>
    %dma_start3A_250 = tpu.memref_squeeze %dma_start3A_249 : memref<1x1x8192xf32, #tpu.memory_space<vmem>> -> memref<8192xf32, #tpu.memory_space<vmem>>
    %dma_start3A_251 = arith.constant 0 : i32
    %dma_start3A_252 = tpu.memref_slice %arg3[%get3A_242, %dma_start3A_251] : memref<1000x8192xf32, #tpu.memory_space<any>> -> memref<1x8192xf32, #tpu.memory_space<any>>
    %dma_start3A_253 = tpu.memref_squeeze %dma_start3A_252 : memref<1x8192xf32, #tpu.memory_space<any>> -> memref<8192xf32, #tpu.memory_space<any>>
    tpu.enqueue_dma source(%dma_start3A_253 : memref<8192xf32, #tpu.memory_space<any>>) target(%dma_start3A_250 : memref<8192xf32, #tpu.memory_space<vmem>>) target_semaphore(%dma_start3A_247 : memref<!tpu.dma_semaphore, #tpu.memory_space<semaphore_mem>>)
    %get3A_254 = arith.constant 786 : index
    %get3A_255 = memref.load %arg1[%get3A_254] : memref<1024xi32, #tpu.memory_space<smem>>
    %dma_start3A_256 = arith.constant 1 : i32
    %dma_start3A_257 = arith.constant 2 : i32
    %dma_start3A_258 = arith.constant 1 : i32
    %dma_start3A_259 = tpu.memref_slice %arg8[%dma_start3A_258] : memref<2x!tpu.dma_semaphore, #tpu.memory_space<semaphore_mem>> -> memref<1x!tpu.dma_semaphore, #tpu.memory_space<semaphore_mem>>
    %dma_start3A_260 = tpu.memref_squeeze %dma_start3A_259 : memref<1x!tpu.dma_semaphore, #tpu.memory_space<semaphore_mem>> -> memref<!tpu.dma_semaphore, #tpu.memory_space<semaphore_mem>>
    %dma_start3A_261 = arith.constant 0 : i32
    %dma_start3A_262 = tpu.memref_slice %arg6[%dma_start3A_256, %dma_start3A_257, %dma_start3A_261] : memref<2x16x8192xf32, #tpu.memory_space<vmem>> -> memref<1x1x8192xf32, #tpu.memory_space<vmem>>
    %dma_start3A_263 = tpu.memref_squeeze %dma_start3A_262 : memref<1x1x8192xf32, #tpu.memory_space<vmem>> -> memref<8192xf32, #tpu.memory_space<vmem>>
    %dma_start3A_264 = arith.constant 0 : i32
    %dma_start3A_265 = tpu.memref_slice %arg3[%get3A_255, %dma_start3A_264] : memref<1000x8192xf32, #tpu.memory_space<any>> -> memref<1x8192xf32, #tpu.memory_space<any>>
    %dma_start3A_266 = tpu.memref_squeeze %dma_start3A_265 : memref<1x8192xf32, #tpu.memory_space<any>> -> memref<8192xf32, #tpu.memory_space<any>>
    tpu.enqueue_dma source(%dma_start3A_266 : memref<8192xf32, #tpu.memory_space<any>>) target(%dma_start3A_263 : memref<8192xf32, #tpu.memory_space<vmem>>) target_semaphore(%dma_start3A_260 : memref<!tpu.dma_semaphore, #tpu.memory_space<semaphore_mem>>)
    %get3A_267 = arith.constant 787 : index
    %get3A_268 = memref.load %arg1[%get3A_267] : memref<1024xi32, #tpu.memory_space<smem>>
    %dma_start3A_269 = arith.constant 1 : i32
    %dma_start3A_270 = arith.constant 3 : i32
    %dma_start3A_271 = arith.constant 1 : i32
    %dma_start3A_272 = tpu.memref_slice %arg8[%dma_start3A_271] : memref<2x!tpu.dma_semaphore, #tpu.memory_space<semaphore_mem>> -> memref<1x!tpu.dma_semaphore, #tpu.memory_space<semaphore_mem>>
    %dma_start3A_273 = tpu.memref_squeeze %dma_start3A_272 : memref<1x!tpu.dma_semaphore, #tpu.memory_space<semaphore_mem>> -> memref<!tpu.dma_semaphore, #tpu.memory_space<semaphore_mem>>
    %dma_start3A_274 = arith.constant 0 : i32
    %dma_start3A_275 = tpu.memref_slice %arg6[%dma_start3A_269, %dma_start3A_270, %dma_start3A_274] : memref<2x16x8192xf32, #tpu.memory_space<vmem>> -> memref<1x1x8192xf32, #tpu.memory_space<vmem>>
    %dma_start3A_276 = tpu.memref_squeeze %dma_start3A_275 : memref<1x1x8192xf32, #tpu.memory_space<vmem>> -> memref<8192xf32, #tpu.memory_space<vmem>>
    %dma_start3A_277 = arith.constant 0 : i32
    %dma_start3A_278 = tpu.memref_slice %arg3[%get3A_268, %dma_start3A_277] : memref<1000x8192xf32, #tpu.memory_space<any>> -> memref<1x8192xf32, #tpu.memory_space<any>>
    %dma_start3A_279 = tpu.memref_squeeze %dma_start3A_278 : memref<1x8192xf32, #tpu.memory_space<any>> -> memref<8192xf32, #tpu.memory_space<any>>
    tpu.enqueue_dma source(%dma_start3A_279 : memref<8192xf32, #tpu.memory_space<any>>) target(%dma_start3A_276 : memref<8192xf32, #tpu.memory_space<vmem>>) target_semaphore(%dma_start3A_273 : memref<!tpu.dma_semaphore, #tpu.memory_space<semaphore_mem>>)
    %get3A_280 = arith.constant 788 : index
    %get3A_281 = memref.load %arg1[%get3A_280] : memref<1024xi32, #tpu.memory_space<smem>>
    %dma_start3A_282 = arith.constant 1 : i32
    %dma_start3A_283 = arith.constant 4 : i32
    %dma_start3A_284 = arith.constant 1 : i32
    %dma_start3A_285 = tpu.memref_slice %arg8[%dma_start3A_284] : memref<2x!tpu.dma_semaphore, #tpu.memory_space<semaphore_mem>> -> memref<1x!tpu.dma_semaphore, #tpu.memory_space<semaphore_mem>>
    %dma_start3A_286 = tpu.memref_squeeze %dma_start3A_285 : memref<1x!tpu.dma_semaphore, #tpu.memory_space<semaphore_mem>> -> memref<!tpu.dma_semaphore, #tpu.memory_space<semaphore_mem>>
    %dma_start3A_287 = arith.constant 0 : i32
    %dma_start3A_288 = tpu.memref_slice %arg6[%dma_start3A_282, %dma_start3A_283, %dma_start3A_287] : memref<2x16x8192xf32, #tpu.memory_space<vmem>> -> memref<1x1x8192xf32, #tpu.memory_space<vmem>>
    %dma_start3A_289 = tpu.memref_squeeze %dma_start3A_288 : memref<1x1x8192xf32, #tpu.memory_space<vmem>> -> memref<8192xf32, #tpu.memory_space<vmem>>
    %dma_start3A_290 = arith.constant 0 : i32
    %dma_start3A_291 = tpu.memref_slice %arg3[%get3A_281, %dma_start3A_290] : memref<1000x8192xf32, #tpu.memory_space<any>> -> memref<1x8192xf32, #tpu.memory_space<any>>
    %dma_start3A_292 = tpu.memref_squeeze %dma_start3A_291 : memref<1x8192xf32, #tpu.memory_space<any>> -> memref<8192xf32, #tpu.memory_space<any>>
    tpu.enqueue_dma source(%dma_start3A_292 : memref<8192xf32, #tpu.memory_space<any>>) target(%dma_start3A_289 : memref<8192xf32, #tpu.memory_space<vmem>>) target_semaphore(%dma_start3A_286 : memref<!tpu.dma_semaphore, #tpu.memory_space<semaphore_mem>>)
    %get3A_293 = arith.constant 789 : index
    %get3A_294 = memref.load %arg1[%get3A_293] : memref<1024xi32, #tpu.memory_space<smem>>
    %dma_start3A_295 = arith.constant 1 : i32
    %dma_start3A_296 = arith.constant 5 : i32
    %dma_start3A_297 = arith.constant 1 : i32
    %dma_start3A_298 = tpu.memref_slice %arg8[%dma_start3A_297] : memref<2x!tpu.dma_semaphore, #tpu.memory_space<semaphore_mem>> -> memref<1x!tpu.dma_semaphore, #tpu.memory_space<semaphore_mem>>
    %dma_start3A_299 = tpu.memref_squeeze %dma_start3A_298 : memref<1x!tpu.dma_semaphore, #tpu.memory_space<semaphore_mem>> -> memref<!tpu.dma_semaphore, #tpu.memory_space<semaphore_mem>>
    %dma_start3A_300 = arith.constant 0 : i32
    %dma_start3A_301 = tpu.memref_slice %arg6[%dma_start3A_295, %dma_start3A_296, %dma_start3A_300] : memref<2x16x8192xf32, #tpu.memory_space<vmem>> -> memref<1x1x8192xf32, #tpu.memory_space<vmem>>
    %dma_start3A_302 = tpu.memref_squeeze %dma_start3A_301 : memref<1x1x8192xf32, #tpu.memory_space<vmem>> -> memref<8192xf32, #tpu.memory_space<vmem>>
    %dma_start3A_303 = arith.constant 0 : i32
    %dma_start3A_304 = tpu.memref_slice %arg3[%get3A_294, %dma_start3A_303] : memref<1000x8192xf32, #tpu.memory_space<any>> -> memref<1x8192xf32, #tpu.memory_space<any>>
    %dma_start3A_305 = tpu.memref_squeeze %dma_start3A_304 : memref<1x8192xf32, #tpu.memory_space<any>> -> memref<8192xf32, #tpu.memory_space<any>>
    tpu.enqueue_dma source(%dma_start3A_305 : memref<8192xf32, #tpu.memory_space<any>>) target(%dma_start3A_302 : memref<8192xf32, #tpu.memory_space<vmem>>) target_semaphore(%dma_start3A_299 : memref<!tpu.dma_semaphore, #tpu.memory_space<semaphore_mem>>)
    %get3A_306 = arith.constant 790 : index
    %get3A_307 = memref.load %arg1[%get3A_306] : memref<1024xi32, #tpu.memory_space<smem>>
    %dma_start3A_308 = arith.constant 1 : i32
    %dma_start3A_309 = arith.constant 6 : i32
    %dma_start3A_310 = arith.constant 1 : i32
    %dma_start3A_311 = tpu.memref_slice %arg8[%dma_start3A_310] : memref<2x!tpu.dma_semaphore, #tpu.memory_space<semaphore_mem>> -> memref<1x!tpu.dma_semaphore, #tpu.memory_space<semaphore_mem>>
    %dma_start3A_312 = tpu.memref_squeeze %dma_start3A_311 : memref<1x!tpu.dma_semaphore, #tpu.memory_space<semaphore_mem>> -> memref<!tpu.dma_semaphore, #tpu.memory_space<semaphore_mem>>
    %dma_start3A_313 = arith.constant 0 : i32
    %dma_start3A_314 = tpu.memref_slice %arg6[%dma_start3A_308, %dma_start3A_309, %dma_start3A_313] : memref<2x16x8192xf32, #tpu.memory_space<vmem>> -> memref<1x1x8192xf32, #tpu.memory_space<vmem>>
    %dma_start3A_315 = tpu.memref_squeeze %dma_start3A_314 : memref<1x1x8192xf32, #tpu.memory_space<vmem>> -> memref<8192xf32, #tpu.memory_space<vmem>>
    %dma_start3A_316 = arith.constant 0 : i32
    %dma_start3A_317 = tpu.memref_slice %arg3[%get3A_307, %dma_start3A_316] : memref<1000x8192xf32, #tpu.memory_space<any>> -> memref<1x8192xf32, #tpu.memory_space<any>>
    %dma_start3A_318 = tpu.memref_squeeze %dma_start3A_317 : memref<1x8192xf32, #tpu.memory_space<any>> -> memref<8192xf32, #tpu.memory_space<any>>
    tpu.enqueue_dma source(%dma_start3A_318 : memref<8192xf32, #tpu.memory_space<any>>) target(%dma_start3A_315 : memref<8192xf32, #tpu.memory_space<vmem>>) target_semaphore(%dma_start3A_312 : memref<!tpu.dma_semaphore, #tpu.memory_space<semaphore_mem>>)
    %get3A_319 = arith.constant 791 : index
    %get3A_320 = memref.load %arg1[%get3A_319] : memref<1024xi32, #tpu.memory_space<smem>>
    %dma_start3A_321 = arith.constant 1 : i32
    %dma_start3A_322 = arith.constant 7 : i32
    %dma_start3A_323 = arith.constant 1 : i32
    %dma_start3A_324 = tpu.memref_slice %arg8[%dma_start3A_323] : memref<2x!tpu.dma_semaphore, #tpu.memory_space<semaphore_mem>> -> memref<1x!tpu.dma_semaphore, #tpu.memory_space<semaphore_mem>>
    %dma_start3A_325 = tpu.memref_squeeze %dma_start3A_324 : memref<1x!tpu.dma_semaphore, #tpu.memory_space<semaphore_mem>> -> memref<!tpu.dma_semaphore, #tpu.memory_space<semaphore_mem>>
    %dma_start3A_326 = arith.constant 0 : i32
    %dma_start3A_327 = tpu.memref_slice %arg6[%dma_start3A_321, %dma_start3A_322, %dma_start3A_326] : memref<2x16x8192xf32, #tpu.memory_space<vmem>> -> memref<1x1x8192xf32, #tpu.memory_space<vmem>>
    %dma_start3A_328 = tpu.memref_squeeze %dma_start3A_327 : memref<1x1x8192xf32, #tpu.memory_space<vmem>> -> memref<8192xf32, #tpu.memory_space<vmem>>
    %dma_start3A_329 = arith.constant 0 : i32
    %dma_start3A_330 = tpu.memref_slice %arg3[%get3A_320, %dma_start3A_329] : memref<1000x8192xf32, #tpu.memory_space<any>> -> memref<1x8192xf32, #tpu.memory_space<any>>
    %dma_start3A_331 = tpu.memref_squeeze %dma_start3A_330 : memref<1x8192xf32, #tpu.memory_space<any>> -> memref<8192xf32, #tpu.memory_space<any>>
    tpu.enqueue_dma source(%dma_start3A_331 : memref<8192xf32, #tpu.memory_space<any>>) target(%dma_start3A_328 : memref<8192xf32, #tpu.memory_space<vmem>>) target_semaphore(%dma_start3A_325 : memref<!tpu.dma_semaphore, #tpu.memory_space<semaphore_mem>>)
    %get3A_332 = arith.constant 792 : index
    %get3A_333 = memref.load %arg1[%get3A_332] : memref<1024xi32, #tpu.memory_space<smem>>
    %dma_start3A_334 = arith.constant 1 : i32
    %dma_start3A_335 = arith.constant 8 : i32
    %dma_start3A_336 = arith.constant 1 : i32
    %dma_start3A_337 = tpu.memref_slice %arg8[%dma_start3A_336] : memref<2x!tpu.dma_semaphore, #tpu.memory_space<semaphore_mem>> -> memref<1x!tpu.dma_semaphore, #tpu.memory_space<semaphore_mem>>
    %dma_start3A_338 = tpu.memref_squeeze %dma_start3A_337 : memref<1x!tpu.dma_semaphore, #tpu.memory_space<semaphore_mem>> -> memref<!tpu.dma_semaphore, #tpu.memory_space<semaphore_mem>>
    %dma_start3A_339 = arith.constant 0 : i32
    %dma_start3A_340 = tpu.memref_slice %arg6[%dma_start3A_334, %dma_start3A_335, %dma_start3A_339] : memref<2x16x8192xf32, #tpu.memory_space<vmem>> -> memref<1x1x8192xf32, #tpu.memory_space<vmem>>
    %dma_start3A_341 = tpu.memref_squeeze %dma_start3A_340 : memref<1x1x8192xf32, #tpu.memory_space<vmem>> -> memref<8192xf32, #tpu.memory_space<vmem>>
    %dma_start3A_342 = arith.constant 0 : i32
    %dma_start3A_343 = tpu.memref_slice %arg3[%get3A_333, %dma_start3A_342] : memref<1000x8192xf32, #tpu.memory_space<any>> -> memref<1x8192xf32, #tpu.memory_space<any>>
    %dma_start3A_344 = tpu.memref_squeeze %dma_start3A_343 : memref<1x8192xf32, #tpu.memory_space<any>> -> memref<8192xf32, #tpu.memory_space<any>>
    tpu.enqueue_dma source(%dma_start3A_344 : memref<8192xf32, #tpu.memory_space<any>>) target(%dma_start3A_341 : memref<8192xf32, #tpu.memory_space<vmem>>) target_semaphore(%dma_start3A_338 : memref<!tpu.dma_semaphore, #tpu.memory_space<semaphore_mem>>)
    %get3A_345 = arith.constant 793 : index
    %get3A_346 = memref.load %arg1[%get3A_345] : memref<1024xi32, #tpu.memory_space<smem>>
    %dma_start3A_347 = arith.constant 1 : i32
    %dma_start3A_348 = arith.constant 9 : i32
    %dma_start3A_349 = arith.constant 1 : i32
    %dma_start3A_350 = tpu.memref_slice %arg8[%dma_start3A_349] : memref<2x!tpu.dma_semaphore, #tpu.memory_space<semaphore_mem>> -> memref<1x!tpu.dma_semaphore, #tpu.memory_space<semaphore_mem>>
    %dma_start3A_351 = tpu.memref_squeeze %dma_start3A_350 : memref<1x!tpu.dma_semaphore, #tpu.memory_space<semaphore_mem>> -> memref<!tpu.dma_semaphore, #tpu.memory_space<semaphore_mem>>
    %dma_start3A_352 = arith.constant 0 : i32
    %dma_start3A_353 = tpu.memref_slice %arg6[%dma_start3A_347, %dma_start3A_348, %dma_start3A_352] : memref<2x16x8192xf32, #tpu.memory_space<vmem>> -> memref<1x1x8192xf32, #tpu.memory_space<vmem>>
    %dma_start3A_354 = tpu.memref_squeeze %dma_start3A_353 : memref<1x1x8192xf32, #tpu.memory_space<vmem>> -> memref<8192xf32, #tpu.memory_space<vmem>>
    %dma_start3A_355 = arith.constant 0 : i32
    %dma_start3A_356 = tpu.memref_slice %arg3[%get3A_346, %dma_start3A_355] : memref<1000x8192xf32, #tpu.memory_space<any>> -> memref<1x8192xf32, #tpu.memory_space<any>>
    %dma_start3A_357 = tpu.memref_squeeze %dma_start3A_356 : memref<1x8192xf32, #tpu.memory_space<any>> -> memref<8192xf32, #tpu.memory_space<any>>
    tpu.enqueue_dma source(%dma_start3A_357 : memref<8192xf32, #tpu.memory_space<any>>) target(%dma_start3A_354 : memref<8192xf32, #tpu.memory_space<vmem>>) target_semaphore(%dma_start3A_351 : memref<!tpu.dma_semaphore, #tpu.memory_space<semaphore_mem>>)
    %get3A_358 = arith.constant 794 : index
    %get3A_359 = memref.load %arg1[%get3A_358] : memref<1024xi32, #tpu.memory_space<smem>>
    %dma_start3A_360 = arith.constant 1 : i32
    %dma_start3A_361 = arith.constant 10 : i32
    %dma_start3A_362 = arith.constant 1 : i32
    %dma_start3A_363 = tpu.memref_slice %arg8[%dma_start3A_362] : memref<2x!tpu.dma_semaphore, #tpu.memory_space<semaphore_mem>> -> memref<1x!tpu.dma_semaphore, #tpu.memory_space<semaphore_mem>>
    %dma_start3A_364 = tpu.memref_squeeze %dma_start3A_363 : memref<1x!tpu.dma_semaphore, #tpu.memory_space<semaphore_mem>> -> memref<!tpu.dma_semaphore, #tpu.memory_space<semaphore_mem>>
    %dma_start3A_365 = arith.constant 0 : i32
    %dma_start3A_366 = tpu.memref_slice %arg6[%dma_start3A_360, %dma_start3A_361, %dma_start3A_365] : memref<2x16x8192xf32, #tpu.memory_space<vmem>> -> memref<1x1x8192xf32, #tpu.memory_space<vmem>>
    %dma_start3A_367 = tpu.memref_squeeze %dma_start3A_366 : memref<1x1x8192xf32, #tpu.memory_space<vmem>> -> memref<8192xf32, #tpu.memory_space<vmem>>
    %dma_start3A_368 = arith.constant 0 : i32
    %dma_start3A_369 = tpu.memref_slice %arg3[%get3A_359, %dma_start3A_368] : memref<1000x8192xf32, #tpu.memory_space<any>> -> memref<1x8192xf32, #tpu.memory_space<any>>
    %dma_start3A_370 = tpu.memref_squeeze %dma_start3A_369 : memref<1x8192xf32, #tpu.memory_space<any>> -> memref<8192xf32, #tpu.memory_space<any>>
    tpu.enqueue_dma source(%dma_start3A_370 : memref<8192xf32, #tpu.memory_space<any>>) target(%dma_start3A_367 : memref<8192xf32, #tpu.memory_space<vmem>>) target_semaphore(%dma_start3A_364 : memref<!tpu.dma_semaphore, #tpu.memory_space<semaphore_mem>>)
    %get3A_371 = arith.constant 795 : index
    %get3A_372 = memref.load %arg1[%get3A_371] : memref<1024xi32, #tpu.memory_space<smem>>
    %dma_start3A_373 = arith.constant 1 : i32
    %dma_start3A_374 = arith.constant 11 : i32
    %dma_start3A_375 = arith.constant 1 : i32
    %dma_start3A_376 = tpu.memref_slice %arg8[%dma_start3A_375] : memref<2x!tpu.dma_semaphore, #tpu.memory_space<semaphore_mem>> -> memref<1x!tpu.dma_semaphore, #tpu.memory_space<semaphore_mem>>
    %dma_start3A_377 = tpu.memref_squeeze %dma_start3A_376 : memref<1x!tpu.dma_semaphore, #tpu.memory_space<semaphore_mem>> -> memref<!tpu.dma_semaphore, #tpu.memory_space<semaphore_mem>>
    %dma_start3A_378 = arith.constant 0 : i32
    %dma_start3A_379 = tpu.memref_slice %arg6[%dma_start3A_373, %dma_start3A_374, %dma_start3A_378] : memref<2x16x8192xf32, #tpu.memory_space<vmem>> -> memref<1x1x8192xf32, #tpu.memory_space<vmem>>
    %dma_start3A_380 = tpu.memref_squeeze %dma_start3A_379 : memref<1x1x8192xf32, #tpu.memory_space<vmem>> -> memref<8192xf32, #tpu.memory_space<vmem>>
    %dma_start3A_381 = arith.constant 0 : i32
    %dma_start3A_382 = tpu.memref_slice %arg3[%get3A_372, %dma_start3A_381] : memref<1000x8192xf32, #tpu.memory_space<any>> -> memref<1x8192xf32, #tpu.memory_space<any>>
    %dma_start3A_383 = tpu.memref_squeeze %dma_start3A_382 : memref<1x8192xf32, #tpu.memory_space<any>> -> memref<8192xf32, #tpu.memory_space<any>>
    tpu.enqueue_dma source(%dma_start3A_383 : memref<8192xf32, #tpu.memory_space<any>>) target(%dma_start3A_380 : memref<8192xf32, #tpu.memory_space<vmem>>) target_semaphore(%dma_start3A_377 : memref<!tpu.dma_semaphore, #tpu.memory_space<semaphore_mem>>)
    %get3A_384 = arith.constant 796 : index
    %get3A_385 = memref.load %arg1[%get3A_384] : memref<1024xi32, #tpu.memory_space<smem>>
    %dma_start3A_386 = arith.constant 1 : i32
    %dma_start3A_387 = arith.constant 12 : i32
    %dma_start3A_388 = arith.constant 1 : i32
    %dma_start3A_389 = tpu.memref_slice %arg8[%dma_start3A_388] : memref<2x!tpu.dma_semaphore, #tpu.memory_space<semaphore_mem>> -> memref<1x!tpu.dma_semaphore, #tpu.memory_space<semaphore_mem>>
    %dma_start3A_390 = tpu.memref_squeeze %dma_start3A_389 : memref<1x!tpu.dma_semaphore, #tpu.memory_space<semaphore_mem>> -> memref<!tpu.dma_semaphore, #tpu.memory_space<semaphore_mem>>
    %dma_start3A_391 = arith.constant 0 : i32
    %dma_start3A_392 = tpu.memref_slice %arg6[%dma_start3A_386, %dma_start3A_387, %dma_start3A_391] : memref<2x16x8192xf32, #tpu.memory_space<vmem>> -> memref<1x1x8192xf32, #tpu.memory_space<vmem>>
    %dma_start3A_393 = tpu.memref_squeeze %dma_start3A_392 : memref<1x1x8192xf32, #tpu.memory_space<vmem>> -> memref<8192xf32, #tpu.memory_space<vmem>>
    %dma_start3A_394 = arith.constant 0 : i32
    %dma_start3A_395 = tpu.memref_slice %arg3[%get3A_385, %dma_start3A_394] : memref<1000x8192xf32, #tpu.memory_space<any>> -> memref<1x8192xf32, #tpu.memory_space<any>>
    %dma_start3A_396 = tpu.memref_squeeze %dma_start3A_395 : memref<1x8192xf32, #tpu.memory_space<any>> -> memref<8192xf32, #tpu.memory_space<any>>
    tpu.enqueue_dma source(%dma_start3A_396 : memref<8192xf32, #tpu.memory_space<any>>) target(%dma_start3A_393 : memref<8192xf32, #tpu.memory_space<vmem>>) target_semaphore(%dma_start3A_390 : memref<!tpu.dma_semaphore, #tpu.memory_space<semaphore_mem>>)
    %get3A_397 = arith.constant 797 : index
    %get3A_398 = memref.load %arg1[%get3A_397] : memref<1024xi32, #tpu.memory_space<smem>>
    %dma_start3A_399 = arith.constant 1 : i32
    %dma_start3A_400 = arith.constant 13 : i32
    %dma_start3A_401 = arith.constant 1 : i32
    %dma_start3A_402 = tpu.memref_slice %arg8[%dma_start3A_401] : memref<2x!tpu.dma_semaphore, #tpu.memory_space<semaphore_mem>> -> memref<1x!tpu.dma_semaphore, #tpu.memory_space<semaphore_mem>>
    %dma_start3A_403 = tpu.memref_squeeze %dma_start3A_402 : memref<1x!tpu.dma_semaphore, #tpu.memory_space<semaphore_mem>> -> memref<!tpu.dma_semaphore, #tpu.memory_space<semaphore_mem>>
    %dma_start3A_404 = arith.constant 0 : i32
    %dma_start3A_405 = tpu.memref_slice %arg6[%dma_start3A_399, %dma_start3A_400, %dma_start3A_404] : memref<2x16x8192xf32, #tpu.memory_space<vmem>> -> memref<1x1x8192xf32, #tpu.memory_space<vmem>>
    %dma_start3A_406 = tpu.memref_squeeze %dma_start3A_405 : memref<1x1x8192xf32, #tpu.memory_space<vmem>> -> memref<8192xf32, #tpu.memory_space<vmem>>
    %dma_start3A_407 = arith.constant 0 : i32
    %dma_start3A_408 = tpu.memref_slice %arg3[%get3A_398, %dma_start3A_407] : memref<1000x8192xf32, #tpu.memory_space<any>> -> memref<1x8192xf32, #tpu.memory_space<any>>
    %dma_start3A_409 = tpu.memref_squeeze %dma_start3A_408 : memref<1x8192xf32, #tpu.memory_space<any>> -> memref<8192xf32, #tpu.memory_space<any>>
    tpu.enqueue_dma source(%dma_start3A_409 : memref<8192xf32, #tpu.memory_space<any>>) target(%dma_start3A_406 : memref<8192xf32, #tpu.memory_space<vmem>>) target_semaphore(%dma_start3A_403 : memref<!tpu.dma_semaphore, #tpu.memory_space<semaphore_mem>>)
    %get3A_410 = arith.constant 798 : index
    %get3A_411 = memref.load %arg1[%get3A_410] : memref<1024xi32, #tpu.memory_space<smem>>
    %dma_start3A_412 = arith.constant 1 : i32
    %dma_start3A_413 = arith.constant 14 : i32
    %dma_start3A_414 = arith.constant 1 : i32
    %dma_start3A_415 = tpu.memref_slice %arg8[%dma_start3A_414] : memref<2x!tpu.dma_semaphore, #tpu.memory_space<semaphore_mem>> -> memref<1x!tpu.dma_semaphore, #tpu.memory_space<semaphore_mem>>
    %dma_start3A_416 = tpu.memref_squeeze %dma_start3A_415 : memref<1x!tpu.dma_semaphore, #tpu.memory_space<semaphore_mem>> -> memref<!tpu.dma_semaphore, #tpu.memory_space<semaphore_mem>>
    %dma_start3A_417 = arith.constant 0 : i32
    %dma_start3A_418 = tpu.memref_slice %arg6[%dma_start3A_412, %dma_start3A_413, %dma_start3A_417] : memref<2x16x8192xf32, #tpu.memory_space<vmem>> -> memref<1x1x8192xf32, #tpu.memory_space<vmem>>
    %dma_start3A_419 = tpu.memref_squeeze %dma_start3A_418 : memref<1x1x8192xf32, #tpu.memory_space<vmem>> -> memref<8192xf32, #tpu.memory_space<vmem>>
    %dma_start3A_420 = arith.constant 0 : i32
    %dma_start3A_421 = tpu.memref_slice %arg3[%get3A_411, %dma_start3A_420] : memref<1000x8192xf32, #tpu.memory_space<any>> -> memref<1x8192xf32, #tpu.memory_space<any>>
    %dma_start3A_422 = tpu.memref_squeeze %dma_start3A_421 : memref<1x8192xf32, #tpu.memory_space<any>> -> memref<8192xf32, #tpu.memory_space<any>>
    tpu.enqueue_dma source(%dma_start3A_422 : memref<8192xf32, #tpu.memory_space<any>>) target(%dma_start3A_419 : memref<8192xf32, #tpu.memory_space<vmem>>) target_semaphore(%dma_start3A_416 : memref<!tpu.dma_semaphore, #tpu.memory_space<semaphore_mem>>)
    %get3A_423 = arith.constant 799 : index
    %get3A_424 = memref.load %arg1[%get3A_423] : memref<1024xi32, #tpu.memory_space<smem>>
    %dma_start3A_425 = arith.constant 1 : i32
    %dma_start3A_426 = arith.constant 15 : i32
    %dma_start3A_427 = arith.constant 1 : i32
    %dma_start3A_428 = tpu.memref_slice %arg8[%dma_start3A_427] : memref<2x!tpu.dma_semaphore, #tpu.memory_space<semaphore_mem>> -> memref<1x!tpu.dma_semaphore, #tpu.memory_space<semaphore_mem>>
    %dma_start3A_429 = tpu.memref_squeeze %dma_start3A_428 : memref<1x!tpu.dma_semaphore, #tpu.memory_space<semaphore_mem>> -> memref<!tpu.dma_semaphore, #tpu.memory_space<semaphore_mem>>
    %dma_start3A_430 = arith.constant 0 : i32
    %dma_start3A_431 = tpu.memref_slice %arg6[%dma_start3A_425, %dma_start3A_426, %dma_start3A_430] : memref<2x16x8192xf32, #tpu.memory_space<vmem>> -> memref<1x1x8192xf32, #tpu.memory_space<vmem>>
    %dma_start3A_432 = tpu.memref_squeeze %dma_start3A_431 : memref<1x1x8192xf32, #tpu.memory_space<vmem>> -> memref<8192xf32, #tpu.memory_space<vmem>>
    %dma_start3A_433 = arith.constant 0 : i32
    %dma_start3A_434 = tpu.memref_slice %arg3[%get3A_424, %dma_start3A_433] : memref<1000x8192xf32, #tpu.memory_space<any>> -> memref<1x8192xf32, #tpu.memory_space<any>>
    %dma_start3A_435 = tpu.memref_squeeze %dma_start3A_434 : memref<1x8192xf32, #tpu.memory_space<any>> -> memref<8192xf32, #tpu.memory_space<any>>
    tpu.enqueue_dma source(%dma_start3A_435 : memref<8192xf32, #tpu.memory_space<any>>) target(%dma_start3A_432 : memref<8192xf32, #tpu.memory_space<vmem>>) target_semaphore(%dma_start3A_429 : memref<!tpu.dma_semaphore, #tpu.memory_space<semaphore_mem>>)
    %broadcast_in_dim3A = arith.constant 0.000000e+00 : f32
    %broadcast_in_dim3A_436 = vector.broadcast %broadcast_in_dim3A : f32 to vector<16x1024xf32>
    %scan3A = arith.constant 0 : i32
    %scan3A_437 = arith.constant 8 : i32
    %scan3A_438 = arith.addi %scan3A, %scan3A_437 : i32
    %scan3A_439 = arith.constant 1 : i32
    %scan3A_440 = scf.for %scan3A_448 = %scan3A to %scan3A_438 step %scan3A_439 iter_args(%scan3A_449 = %broadcast_in_dim3A_436) -> (vector<16x1024xf32>)  : i32 {
      %mul3A = arith.constant 2 : i32
      %mul3A_450 = arith.muli %scan3A_448, %mul3A : i32
      %add3A = arith.constant 0 : i32
      %add3A_451 = arith.addi %mul3A_450, %add3A : i32
      %dma_wait3A = arith.constant 0 : i32
      %dma_wait3A_452 = arith.constant 0 : i32
      %dma_wait3A_453 = tpu.memref_slice %arg7[%dma_wait3A_452] : memref<2x!tpu.dma_semaphore, #tpu.memory_space<semaphore_mem>> -> memref<1x!tpu.dma_semaphore, #tpu.memory_space<semaphore_mem>>
      %dma_wait3A_454 = tpu.memref_squeeze %dma_wait3A_453 : memref<1x!tpu.dma_semaphore, #tpu.memory_space<semaphore_mem>> -> memref<!tpu.dma_semaphore, #tpu.memory_space<semaphore_mem>>
      %dma_wait3A_455 = arith.constant 0 : i32
      %dma_wait3A_456 = arith.constant 0 : i32
      %dma_wait3A_457 = tpu.memref_slice %arg5[%dma_wait3A, %dma_wait3A_455, %dma_wait3A_456] : memref<2x16x8192xf32, #tpu.memory_space<vmem>> -> memref<1x16x8192xf32, #tpu.memory_space<vmem>>
      %dma_wait3A_458 = tpu.memref_squeeze %dma_wait3A_457 : memref<1x16x8192xf32, #tpu.memory_space<vmem>> -> memref<16x8192xf32, #tpu.memory_space<vmem>>
      %dma_wait3A_459 = arith.constant 0 : i32
      %dma_wait3A_460 = arith.constant 0 : i32
      %dma_wait3A_461 = tpu.memref_slice %arg2[%dma_wait3A_459, %dma_wait3A_460] : memref<1024x8192xf32, #tpu.memory_space<any>> -> memref<16x8192xf32, #tpu.memory_space<any>>
      tpu.wait_dma2 semaphore(%dma_wait3A_454 : memref<!tpu.dma_semaphore, #tpu.memory_space<semaphore_mem>>) src(%dma_wait3A_461 : memref<16x8192xf32, #tpu.memory_space<any>>) dst(%dma_wait3A_458 : memref<16x8192xf32, #tpu.memory_space<vmem>>)
      %dma_wait3A_462 = arith.constant 0 : i32
      %dma_wait3A_463 = arith.constant 0 : i32
      %dma_wait3A_464 = arith.constant 0 : i32
      %dma_wait3A_465 = arith.constant 0 : i32
      %dma_wait3A_466 = tpu.memref_slice %arg8[%dma_wait3A_465] : memref<2x!tpu.dma_semaphore, #tpu.memory_space<semaphore_mem>> -> memref<1x!tpu.dma_semaphore, #tpu.memory_space<semaphore_mem>>
      %dma_wait3A_467 = tpu.memref_squeeze %dma_wait3A_466 : memref<1x!tpu.dma_semaphore, #tpu.memory_space<semaphore_mem>> -> memref<!tpu.dma_semaphore, #tpu.memory_space<semaphore_mem>>
      %dma_wait3A_468 = arith.constant 0 : i32
      %dma_wait3A_469 = tpu.memref_slice %arg6[%dma_wait3A_463, %dma_wait3A_464, %dma_wait3A_468] : memref<2x16x8192xf32, #tpu.memory_space<vmem>> -> memref<1x1x8192xf32, #tpu.memory_space<vmem>>
      %dma_wait3A_470 = tpu.memref_squeeze %dma_wait3A_469 : memref<1x1x8192xf32, #tpu.memory_space<vmem>> -> memref<8192xf32, #tpu.memory_space<vmem>>
      %dma_wait3A_471 = arith.constant 0 : i32
      %dma_wait3A_472 = tpu.memref_slice %arg3[%dma_wait3A_462, %dma_wait3A_471] : memref<1000x8192xf32, #tpu.memory_space<any>> -> memref<1x8192xf32, #tpu.memory_space<any>>
      %dma_wait3A_473 = tpu.memref_squeeze %dma_wait3A_472 : memref<1x8192xf32, #tpu.memory_space<any>> -> memref<8192xf32, #tpu.memory_space<any>>
      tpu.wait_dma2 semaphore(%dma_wait3A_467 : memref<!tpu.dma_semaphore, #tpu.memory_space<semaphore_mem>>) src(%dma_wait3A_473 : memref<8192xf32, #tpu.memory_space<any>>) dst(%dma_wait3A_470 : memref<8192xf32, #tpu.memory_space<vmem>>)
      %dma_wait3A_474 = arith.constant 0 : i32
      %dma_wait3A_475 = arith.constant 0 : i32
      %dma_wait3A_476 = arith.constant 1 : i32
      %dma_wait3A_477 = arith.constant 0 : i32
      %dma_wait3A_478 = tpu.memref_slice %arg8[%dma_wait3A_477] : memref<2x!tpu.dma_semaphore, #tpu.memory_space<semaphore_mem>> -> memref<1x!tpu.dma_semaphore, #tpu.memory_space<semaphore_mem>>
      %dma_wait3A_479 = tpu.memref_squeeze %dma_wait3A_478 : memref<1x!tpu.dma_semaphore, #tpu.memory_space<semaphore_mem>> -> memref<!tpu.dma_semaphore, #tpu.memory_space<semaphore_mem>>
      %dma_wait3A_480 = arith.constant 0 : i32
      %dma_wait3A_481 = tpu.memref_slice %arg6[%dma_wait3A_475, %dma_wait3A_476, %dma_wait3A_480] : memref<2x16x8192xf32, #tpu.memory_space<vmem>> -> memref<1x1x8192xf32, #tpu.memory_space<vmem>>
      %dma_wait3A_482 = tpu.memref_squeeze %dma_wait3A_481 : memref<1x1x8192xf32, #tpu.memory_space<vmem>> -> memref<8192xf32, #tpu.memory_space<vmem>>
      %dma_wait3A_483 = arith.constant 0 : i32
      %dma_wait3A_484 = tpu.memref_slice %arg3[%dma_wait3A_474, %dma_wait3A_483] : memref<1000x8192xf32, #tpu.memory_space<any>> -> memref<1x8192xf32, #tpu.memory_space<any>>
      %dma_wait3A_485 = tpu.memref_squeeze %dma_wait3A_484 : memref<1x8192xf32, #tpu.memory_space<any>> -> memref<8192xf32, #tpu.memory_space<any>>
      tpu.wait_dma2 semaphore(%dma_wait3A_479 : memref<!tpu.dma_semaphore, #tpu.memory_space<semaphore_mem>>) src(%dma_wait3A_485 : memref<8192xf32, #tpu.memory_space<any>>) dst(%dma_wait3A_482 : memref<8192xf32, #tpu.memory_space<vmem>>)
      %dma_wait3A_486 = arith.constant 0 : i32
      %dma_wait3A_487 = arith.constant 0 : i32
      %dma_wait3A_488 = arith.constant 2 : i32
      %dma_wait3A_489 = arith.constant 0 : i32
      %dma_wait3A_490 = tpu.memref_slice %arg8[%dma_wait3A_489] : memref<2x!tpu.dma_semaphore, #tpu.memory_space<semaphore_mem>> -> memref<1x!tpu.dma_semaphore, #tpu.memory_space<semaphore_mem>>
      %dma_wait3A_491 = tpu.memref_squeeze %dma_wait3A_490 : memref<1x!tpu.dma_semaphore, #tpu.memory_space<semaphore_mem>> -> memref<!tpu.dma_semaphore, #tpu.memory_space<semaphore_mem>>
      %dma_wait3A_492 = arith.constant 0 : i32
      %dma_wait3A_493 = tpu.memref_slice %arg6[%dma_wait3A_487, %dma_wait3A_488, %dma_wait3A_492] : memref<2x16x8192xf32, #tpu.memory_space<vmem>> -> memref<1x1x8192xf32, #tpu.memory_space<vmem>>
      %dma_wait3A_494 = tpu.memref_squeeze %dma_wait3A_493 : memref<1x1x8192xf32, #tpu.memory_space<vmem>> -> memref<8192xf32, #tpu.memory_space<vmem>>
      %dma_wait3A_495 = arith.constant 0 : i32
      %dma_wait3A_496 = tpu.memref_slice %arg3[%dma_wait3A_486, %dma_wait3A_495] : memref<1000x8192xf32, #tpu.memory_space<any>> -> memref<1x8192xf32, #tpu.memory_space<any>>
      %dma_wait3A_497 = tpu.memref_squeeze %dma_wait3A_496 : memref<1x8192xf32, #tpu.memory_space<any>> -> memref<8192xf32, #tpu.memory_space<any>>
      tpu.wait_dma2 semaphore(%dma_wait3A_491 : memref<!tpu.dma_semaphore, #tpu.memory_space<semaphore_mem>>) src(%dma_wait3A_497 : memref<8192xf32, #tpu.memory_space<any>>) dst(%dma_wait3A_494 : memref<8192xf32, #tpu.memory_space<vmem>>)
      %dma_wait3A_498 = arith.constant 0 : i32
      %dma_wait3A_499 = arith.constant 0 : i32
      %dma_wait3A_500 = arith.constant 3 : i32
      %dma_wait3A_501 = arith.constant 0 : i32
      %dma_wait3A_502 = tpu.memref_slice %arg8[%dma_wait3A_501] : memref<2x!tpu.dma_semaphore, #tpu.memory_space<semaphore_mem>> -> memref<1x!tpu.dma_semaphore, #tpu.memory_space<semaphore_mem>>
      %dma_wait3A_503 = tpu.memref_squeeze %dma_wait3A_502 : memref<1x!tpu.dma_semaphore, #tpu.memory_space<semaphore_mem>> -> memref<!tpu.dma_semaphore, #tpu.memory_space<semaphore_mem>>
      %dma_wait3A_504 = arith.constant 0 : i32
      %dma_wait3A_505 = tpu.memref_slice %arg6[%dma_wait3A_499, %dma_wait3A_500, %dma_wait3A_504] : memref<2x16x8192xf32, #tpu.memory_space<vmem>> -> memref<1x1x8192xf32, #tpu.memory_space<vmem>>
      %dma_wait3A_506 = tpu.memref_squeeze %dma_wait3A_505 : memref<1x1x8192xf32, #tpu.memory_space<vmem>> -> memref<8192xf32, #tpu.memory_space<vmem>>
      %dma_wait3A_507 = arith.constant 0 : i32
      %dma_wait3A_508 = tpu.memref_slice %arg3[%dma_wait3A_498, %dma_wait3A_507] : memref<1000x8192xf32, #tpu.memory_space<any>> -> memref<1x8192xf32, #tpu.memory_space<any>>
      %dma_wait3A_509 = tpu.memref_squeeze %dma_wait3A_508 : memref<1x8192xf32, #tpu.memory_space<any>> -> memref<8192xf32, #tpu.memory_space<any>>
      tpu.wait_dma2 semaphore(%dma_wait3A_503 : memref<!tpu.dma_semaphore, #tpu.memory_space<semaphore_mem>>) src(%dma_wait3A_509 : memref<8192xf32, #tpu.memory_space<any>>) dst(%dma_wait3A_506 : memref<8192xf32, #tpu.memory_space<vmem>>)
      %dma_wait3A_510 = arith.constant 0 : i32
      %dma_wait3A_511 = arith.constant 0 : i32
      %dma_wait3A_512 = arith.constant 4 : i32
      %dma_wait3A_513 = arith.constant 0 : i32
      %dma_wait3A_514 = tpu.memref_slice %arg8[%dma_wait3A_513] : memref<2x!tpu.dma_semaphore, #tpu.memory_space<semaphore_mem>> -> memref<1x!tpu.dma_semaphore, #tpu.memory_space<semaphore_mem>>
      %dma_wait3A_515 = tpu.memref_squeeze %dma_wait3A_514 : memref<1x!tpu.dma_semaphore, #tpu.memory_space<semaphore_mem>> -> memref<!tpu.dma_semaphore, #tpu.memory_space<semaphore_mem>>
      %dma_wait3A_516 = arith.constant 0 : i32
      %dma_wait3A_517 = tpu.memref_slice %arg6[%dma_wait3A_511, %dma_wait3A_512, %dma_wait3A_516] : memref<2x16x8192xf32, #tpu.memory_space<vmem>> -> memref<1x1x8192xf32, #tpu.memory_space<vmem>>
      %dma_wait3A_518 = tpu.memref_squeeze %dma_wait3A_517 : memref<1x1x8192xf32, #tpu.memory_space<vmem>> -> memref<8192xf32, #tpu.memory_space<vmem>>
      %dma_wait3A_519 = arith.constant 0 : i32
      %dma_wait3A_520 = tpu.memref_slice %arg3[%dma_wait3A_510, %dma_wait3A_519] : memref<1000x8192xf32, #tpu.memory_space<any>> -> memref<1x8192xf32, #tpu.memory_space<any>>
      %dma_wait3A_521 = tpu.memref_squeeze %dma_wait3A_520 : memref<1x8192xf32, #tpu.memory_space<any>> -> memref<8192xf32, #tpu.memory_space<any>>
      tpu.wait_dma2 semaphore(%dma_wait3A_515 : memref<!tpu.dma_semaphore, #tpu.memory_space<semaphore_mem>>) src(%dma_wait3A_521 : memref<8192xf32, #tpu.memory_space<any>>) dst(%dma_wait3A_518 : memref<8192xf32, #tpu.memory_space<vmem>>)
      %dma_wait3A_522 = arith.constant 0 : i32
      %dma_wait3A_523 = arith.constant 0 : i32
      %dma_wait3A_524 = arith.constant 5 : i32
      %dma_wait3A_525 = arith.constant 0 : i32
      %dma_wait3A_526 = tpu.memref_slice %arg8[%dma_wait3A_525] : memref<2x!tpu.dma_semaphore, #tpu.memory_space<semaphore_mem>> -> memref<1x!tpu.dma_semaphore, #tpu.memory_space<semaphore_mem>>
      %dma_wait3A_527 = tpu.memref_squeeze %dma_wait3A_526 : memref<1x!tpu.dma_semaphore, #tpu.memory_space<semaphore_mem>> -> memref<!tpu.dma_semaphore, #tpu.memory_space<semaphore_mem>>
      %dma_wait3A_528 = arith.constant 0 : i32
      %dma_wait3A_529 = tpu.memref_slice %arg6[%dma_wait3A_523, %dma_wait3A_524, %dma_wait3A_528] : memref<2x16x8192xf32, #tpu.memory_space<vmem>> -> memref<1x1x8192xf32, #tpu.memory_space<vmem>>
      %dma_wait3A_530 = tpu.memref_squeeze %dma_wait3A_529 : memref<1x1x8192xf32, #tpu.memory_space<vmem>> -> memref<8192xf32, #tpu.memory_space<vmem>>
      %dma_wait3A_531 = arith.constant 0 : i32
      %dma_wait3A_532 = tpu.memref_slice %arg3[%dma_wait3A_522, %dma_wait3A_531] : memref<1000x8192xf32, #tpu.memory_space<any>> -> memref<1x8192xf32, #tpu.memory_space<any>>
      %dma_wait3A_533 = tpu.memref_squeeze %dma_wait3A_532 : memref<1x8192xf32, #tpu.memory_space<any>> -> memref<8192xf32, #tpu.memory_space<any>>
      tpu.wait_dma2 semaphore(%dma_wait3A_527 : memref<!tpu.dma_semaphore, #tpu.memory_space<semaphore_mem>>) src(%dma_wait3A_533 : memref<8192xf32, #tpu.memory_space<any>>) dst(%dma_wait3A_530 : memref<8192xf32, #tpu.memory_space<vmem>>)
      %dma_wait3A_534 = arith.constant 0 : i32
      %dma_wait3A_535 = arith.constant 0 : i32
      %dma_wait3A_536 = arith.constant 6 : i32
      %dma_wait3A_537 = arith.constant 0 : i32
      %dma_wait3A_538 = tpu.memref_slice %arg8[%dma_wait3A_537] : memref<2x!tpu.dma_semaphore, #tpu.memory_space<semaphore_mem>> -> memref<1x!tpu.dma_semaphore, #tpu.memory_space<semaphore_mem>>
      %dma_wait3A_539 = tpu.memref_squeeze %dma_wait3A_538 : memref<1x!tpu.dma_semaphore, #tpu.memory_space<semaphore_mem>> -> memref<!tpu.dma_semaphore, #tpu.memory_space<semaphore_mem>>
      %dma_wait3A_540 = arith.constant 0 : i32
      %dma_wait3A_541 = tpu.memref_slice %arg6[%dma_wait3A_535, %dma_wait3A_536, %dma_wait3A_540] : memref<2x16x8192xf32, #tpu.memory_space<vmem>> -> memref<1x1x8192xf32, #tpu.memory_space<vmem>>
      %dma_wait3A_542 = tpu.memref_squeeze %dma_wait3A_541 : memref<1x1x8192xf32, #tpu.memory_space<vmem>> -> memref<8192xf32, #tpu.memory_space<vmem>>
      %dma_wait3A_543 = arith.constant 0 : i32
      %dma_wait3A_544 = tpu.memref_slice %arg3[%dma_wait3A_534, %dma_wait3A_543] : memref<1000x8192xf32, #tpu.memory_space<any>> -> memref<1x8192xf32, #tpu.memory_space<any>>
      %dma_wait3A_545 = tpu.memref_squeeze %dma_wait3A_544 : memref<1x8192xf32, #tpu.memory_space<any>> -> memref<8192xf32, #tpu.memory_space<any>>
      tpu.wait_dma2 semaphore(%dma_wait3A_539 : memref<!tpu.dma_semaphore, #tpu.memory_space<semaphore_mem>>) src(%dma_wait3A_545 : memref<8192xf32, #tpu.memory_space<any>>) dst(%dma_wait3A_542 : memref<8192xf32, #tpu.memory_space<vmem>>)
      %dma_wait3A_546 = arith.constant 0 : i32
      %dma_wait3A_547 = arith.constant 0 : i32
      %dma_wait3A_548 = arith.constant 7 : i32
      %dma_wait3A_549 = arith.constant 0 : i32
      %dma_wait3A_550 = tpu.memref_slice %arg8[%dma_wait3A_549] : memref<2x!tpu.dma_semaphore, #tpu.memory_space<semaphore_mem>> -> memref<1x!tpu.dma_semaphore, #tpu.memory_space<semaphore_mem>>
      %dma_wait3A_551 = tpu.memref_squeeze %dma_wait3A_550 : memref<1x!tpu.dma_semaphore, #tpu.memory_space<semaphore_mem>> -> memref<!tpu.dma_semaphore, #tpu.memory_space<semaphore_mem>>
      %dma_wait3A_552 = arith.constant 0 : i32
      %dma_wait3A_553 = tpu.memref_slice %arg6[%dma_wait3A_547, %dma_wait3A_548, %dma_wait3A_552] : memref<2x16x8192xf32, #tpu.memory_space<vmem>> -> memref<1x1x8192xf32, #tpu.memory_space<vmem>>
      %dma_wait3A_554 = tpu.memref_squeeze %dma_wait3A_553 : memref<1x1x8192xf32, #tpu.memory_space<vmem>> -> memref<8192xf32, #tpu.memory_space<vmem>>
      %dma_wait3A_555 = arith.constant 0 : i32
      %dma_wait3A_556 = tpu.memref_slice %arg3[%dma_wait3A_546, %dma_wait3A_555] : memref<1000x8192xf32, #tpu.memory_space<any>> -> memref<1x8192xf32, #tpu.memory_space<any>>
      %dma_wait3A_557 = tpu.memref_squeeze %dma_wait3A_556 : memref<1x8192xf32, #tpu.memory_space<any>> -> memref<8192xf32, #tpu.memory_space<any>>
      tpu.wait_dma2 semaphore(%dma_wait3A_551 : memref<!tpu.dma_semaphore, #tpu.memory_space<semaphore_mem>>) src(%dma_wait3A_557 : memref<8192xf32, #tpu.memory_space<any>>) dst(%dma_wait3A_554 : memref<8192xf32, #tpu.memory_space<vmem>>)
      %dma_wait3A_558 = arith.constant 0 : i32
      %dma_wait3A_559 = arith.constant 0 : i32
      %dma_wait3A_560 = arith.constant 8 : i32
      %dma_wait3A_561 = arith.constant 0 : i32
      %dma_wait3A_562 = tpu.memref_slice %arg8[%dma_wait3A_561] : memref<2x!tpu.dma_semaphore, #tpu.memory_space<semaphore_mem>> -> memref<1x!tpu.dma_semaphore, #tpu.memory_space<semaphore_mem>>
      %dma_wait3A_563 = tpu.memref_squeeze %dma_wait3A_562 : memref<1x!tpu.dma_semaphore, #tpu.memory_space<semaphore_mem>> -> memref<!tpu.dma_semaphore, #tpu.memory_space<semaphore_mem>>
      %dma_wait3A_564 = arith.constant 0 : i32
      %dma_wait3A_565 = tpu.memref_slice %arg6[%dma_wait3A_559, %dma_wait3A_560, %dma_wait3A_564] : memref<2x16x8192xf32, #tpu.memory_space<vmem>> -> memref<1x1x8192xf32, #tpu.memory_space<vmem>>
      %dma_wait3A_566 = tpu.memref_squeeze %dma_wait3A_565 : memref<1x1x8192xf32, #tpu.memory_space<vmem>> -> memref<8192xf32, #tpu.memory_space<vmem>>
      %dma_wait3A_567 = arith.constant 0 : i32
      %dma_wait3A_568 = tpu.memref_slice %arg3[%dma_wait3A_558, %dma_wait3A_567] : memref<1000x8192xf32, #tpu.memory_space<any>> -> memref<1x8192xf32, #tpu.memory_space<any>>
      %dma_wait3A_569 = tpu.memref_squeeze %dma_wait3A_568 : memref<1x8192xf32, #tpu.memory_space<any>> -> memref<8192xf32, #tpu.memory_space<any>>
      tpu.wait_dma2 semaphore(%dma_wait3A_563 : memref<!tpu.dma_semaphore, #tpu.memory_space<semaphore_mem>>) src(%dma_wait3A_569 : memref<8192xf32, #tpu.memory_space<any>>) dst(%dma_wait3A_566 : memref<8192xf32, #tpu.memory_space<vmem>>)
      %dma_wait3A_570 = arith.constant 0 : i32
      %dma_wait3A_571 = arith.constant 0 : i32
      %dma_wait3A_572 = arith.constant 9 : i32
      %dma_wait3A_573 = arith.constant 0 : i32
      %dma_wait3A_574 = tpu.memref_slice %arg8[%dma_wait3A_573] : memref<2x!tpu.dma_semaphore, #tpu.memory_space<semaphore_mem>> -> memref<1x!tpu.dma_semaphore, #tpu.memory_space<semaphore_mem>>
      %dma_wait3A_575 = tpu.memref_squeeze %dma_wait3A_574 : memref<1x!tpu.dma_semaphore, #tpu.memory_space<semaphore_mem>> -> memref<!tpu.dma_semaphore, #tpu.memory_space<semaphore_mem>>
      %dma_wait3A_576 = arith.constant 0 : i32
      %dma_wait3A_577 = tpu.memref_slice %arg6[%dma_wait3A_571, %dma_wait3A_572, %dma_wait3A_576] : memref<2x16x8192xf32, #tpu.memory_space<vmem>> -> memref<1x1x8192xf32, #tpu.memory_space<vmem>>
      %dma_wait3A_578 = tpu.memref_squeeze %dma_wait3A_577 : memref<1x1x8192xf32, #tpu.memory_space<vmem>> -> memref<8192xf32, #tpu.memory_space<vmem>>
      %dma_wait3A_579 = arith.constant 0 : i32
      %dma_wait3A_580 = tpu.memref_slice %arg3[%dma_wait3A_570, %dma_wait3A_579] : memref<1000x8192xf32, #tpu.memory_space<any>> -> memref<1x8192xf32, #tpu.memory_space<any>>
      %dma_wait3A_581 = tpu.memref_squeeze %dma_wait3A_580 : memref<1x8192xf32, #tpu.memory_space<any>> -> memref<8192xf32, #tpu.memory_space<any>>
      tpu.wait_dma2 semaphore(%dma_wait3A_575 : memref<!tpu.dma_semaphore, #tpu.memory_space<semaphore_mem>>) src(%dma_wait3A_581 : memref<8192xf32, #tpu.memory_space<any>>) dst(%dma_wait3A_578 : memref<8192xf32, #tpu.memory_space<vmem>>)
      %dma_wait3A_582 = arith.constant 0 : i32
      %dma_wait3A_583 = arith.constant 0 : i32
      %dma_wait3A_584 = arith.constant 10 : i32
      %dma_wait3A_585 = arith.constant 0 : i32
      %dma_wait3A_586 = tpu.memref_slice %arg8[%dma_wait3A_585] : memref<2x!tpu.dma_semaphore, #tpu.memory_space<semaphore_mem>> -> memref<1x!tpu.dma_semaphore, #tpu.memory_space<semaphore_mem>>
      %dma_wait3A_587 = tpu.memref_squeeze %dma_wait3A_586 : memref<1x!tpu.dma_semaphore, #tpu.memory_space<semaphore_mem>> -> memref<!tpu.dma_semaphore, #tpu.memory_space<semaphore_mem>>
      %dma_wait3A_588 = arith.constant 0 : i32
      %dma_wait3A_589 = tpu.memref_slice %arg6[%dma_wait3A_583, %dma_wait3A_584, %dma_wait3A_588] : memref<2x16x8192xf32, #tpu.memory_space<vmem>> -> memref<1x1x8192xf32, #tpu.memory_space<vmem>>
      %dma_wait3A_590 = tpu.memref_squeeze %dma_wait3A_589 : memref<1x1x8192xf32, #tpu.memory_space<vmem>> -> memref<8192xf32, #tpu.memory_space<vmem>>
      %dma_wait3A_591 = arith.constant 0 : i32
      %dma_wait3A_592 = tpu.memref_slice %arg3[%dma_wait3A_582, %dma_wait3A_591] : memref<1000x8192xf32, #tpu.memory_space<any>> -> memref<1x8192xf32, #tpu.memory_space<any>>
      %dma_wait3A_593 = tpu.memref_squeeze %dma_wait3A_592 : memref<1x8192xf32, #tpu.memory_space<any>> -> memref<8192xf32, #tpu.memory_space<any>>
      tpu.wait_dma2 semaphore(%dma_wait3A_587 : memref<!tpu.dma_semaphore, #tpu.memory_space<semaphore_mem>>) src(%dma_wait3A_593 : memref<8192xf32, #tpu.memory_space<any>>) dst(%dma_wait3A_590 : memref<8192xf32, #tpu.memory_space<vmem>>)
      %dma_wait3A_594 = arith.constant 0 : i32
      %dma_wait3A_595 = arith.constant 0 : i32
      %dma_wait3A_596 = arith.constant 11 : i32
      %dma_wait3A_597 = arith.constant 0 : i32
      %dma_wait3A_598 = tpu.memref_slice %arg8[%dma_wait3A_597] : memref<2x!tpu.dma_semaphore, #tpu.memory_space<semaphore_mem>> -> memref<1x!tpu.dma_semaphore, #tpu.memory_space<semaphore_mem>>
      %dma_wait3A_599 = tpu.memref_squeeze %dma_wait3A_598 : memref<1x!tpu.dma_semaphore, #tpu.memory_space<semaphore_mem>> -> memref<!tpu.dma_semaphore, #tpu.memory_space<semaphore_mem>>
      %dma_wait3A_600 = arith.constant 0 : i32
      %dma_wait3A_601 = tpu.memref_slice %arg6[%dma_wait3A_595, %dma_wait3A_596, %dma_wait3A_600] : memref<2x16x8192xf32, #tpu.memory_space<vmem>> -> memref<1x1x8192xf32, #tpu.memory_space<vmem>>
      %dma_wait3A_602 = tpu.memref_squeeze %dma_wait3A_601 : memref<1x1x8192xf32, #tpu.memory_space<vmem>> -> memref<8192xf32, #tpu.memory_space<vmem>>
      %dma_wait3A_603 = arith.constant 0 : i32
      %dma_wait3A_604 = tpu.memref_slice %arg3[%dma_wait3A_594, %dma_wait3A_603] : memref<1000x8192xf32, #tpu.memory_space<any>> -> memref<1x8192xf32, #tpu.memory_space<any>>
      %dma_wait3A_605 = tpu.memref_squeeze %dma_wait3A_604 : memref<1x8192xf32, #tpu.memory_space<any>> -> memref<8192xf32, #tpu.memory_space<any>>
      tpu.wait_dma2 semaphore(%dma_wait3A_599 : memref<!tpu.dma_semaphore, #tpu.memory_space<semaphore_mem>>) src(%dma_wait3A_605 : memref<8192xf32, #tpu.memory_space<any>>) dst(%dma_wait3A_602 : memref<8192xf32, #tpu.memory_space<vmem>>)
      %dma_wait3A_606 = arith.constant 0 : i32
      %dma_wait3A_607 = arith.constant 0 : i32
      %dma_wait3A_608 = arith.constant 12 : i32
      %dma_wait3A_609 = arith.constant 0 : i32
      %dma_wait3A_610 = tpu.memref_slice %arg8[%dma_wait3A_609] : memref<2x!tpu.dma_semaphore, #tpu.memory_space<semaphore_mem>> -> memref<1x!tpu.dma_semaphore, #tpu.memory_space<semaphore_mem>>
      %dma_wait3A_611 = tpu.memref_squeeze %dma_wait3A_610 : memref<1x!tpu.dma_semaphore, #tpu.memory_space<semaphore_mem>> -> memref<!tpu.dma_semaphore, #tpu.memory_space<semaphore_mem>>
      %dma_wait3A_612 = arith.constant 0 : i32
      %dma_wait3A_613 = tpu.memref_slice %arg6[%dma_wait3A_607, %dma_wait3A_608, %dma_wait3A_612] : memref<2x16x8192xf32, #tpu.memory_space<vmem>> -> memref<1x1x8192xf32, #tpu.memory_space<vmem>>
      %dma_wait3A_614 = tpu.memref_squeeze %dma_wait3A_613 : memref<1x1x8192xf32, #tpu.memory_space<vmem>> -> memref<8192xf32, #tpu.memory_space<vmem>>
      %dma_wait3A_615 = arith.constant 0 : i32
      %dma_wait3A_616 = tpu.memref_slice %arg3[%dma_wait3A_606, %dma_wait3A_615] : memref<1000x8192xf32, #tpu.memory_space<any>> -> memref<1x8192xf32, #tpu.memory_space<any>>
      %dma_wait3A_617 = tpu.memref_squeeze %dma_wait3A_616 : memref<1x8192xf32, #tpu.memory_space<any>> -> memref<8192xf32, #tpu.memory_space<any>>
      tpu.wait_dma2 semaphore(%dma_wait3A_611 : memref<!tpu.dma_semaphore, #tpu.memory_space<semaphore_mem>>) src(%dma_wait3A_617 : memref<8192xf32, #tpu.memory_space<any>>) dst(%dma_wait3A_614 : memref<8192xf32, #tpu.memory_space<vmem>>)
      %dma_wait3A_618 = arith.constant 0 : i32
      %dma_wait3A_619 = arith.constant 0 : i32
      %dma_wait3A_620 = arith.constant 13 : i32
      %dma_wait3A_621 = arith.constant 0 : i32
      %dma_wait3A_622 = tpu.memref_slice %arg8[%dma_wait3A_621] : memref<2x!tpu.dma_semaphore, #tpu.memory_space<semaphore_mem>> -> memref<1x!tpu.dma_semaphore, #tpu.memory_space<semaphore_mem>>
      %dma_wait3A_623 = tpu.memref_squeeze %dma_wait3A_622 : memref<1x!tpu.dma_semaphore, #tpu.memory_space<semaphore_mem>> -> memref<!tpu.dma_semaphore, #tpu.memory_space<semaphore_mem>>
      %dma_wait3A_624 = arith.constant 0 : i32
      %dma_wait3A_625 = tpu.memref_slice %arg6[%dma_wait3A_619, %dma_wait3A_620, %dma_wait3A_624] : memref<2x16x8192xf32, #tpu.memory_space<vmem>> -> memref<1x1x8192xf32, #tpu.memory_space<vmem>>
      %dma_wait3A_626 = tpu.memref_squeeze %dma_wait3A_625 : memref<1x1x8192xf32, #tpu.memory_space<vmem>> -> memref<8192xf32, #tpu.memory_space<vmem>>
      %dma_wait3A_627 = arith.constant 0 : i32
      %dma_wait3A_628 = tpu.memref_slice %arg3[%dma_wait3A_618, %dma_wait3A_627] : memref<1000x8192xf32, #tpu.memory_space<any>> -> memref<1x8192xf32, #tpu.memory_space<any>>
      %dma_wait3A_629 = tpu.memref_squeeze %dma_wait3A_628 : memref<1x8192xf32, #tpu.memory_space<any>> -> memref<8192xf32, #tpu.memory_space<any>>
      tpu.wait_dma2 semaphore(%dma_wait3A_623 : memref<!tpu.dma_semaphore, #tpu.memory_space<semaphore_mem>>) src(%dma_wait3A_629 : memref<8192xf32, #tpu.memory_space<any>>) dst(%dma_wait3A_626 : memref<8192xf32, #tpu.memory_space<vmem>>)
      %dma_wait3A_630 = arith.constant 0 : i32
      %dma_wait3A_631 = arith.constant 0 : i32
      %dma_wait3A_632 = arith.constant 14 : i32
      %dma_wait3A_633 = arith.constant 0 : i32
      %dma_wait3A_634 = tpu.memref_slice %arg8[%dma_wait3A_633] : memref<2x!tpu.dma_semaphore, #tpu.memory_space<semaphore_mem>> -> memref<1x!tpu.dma_semaphore, #tpu.memory_space<semaphore_mem>>
      %dma_wait3A_635 = tpu.memref_squeeze %dma_wait3A_634 : memref<1x!tpu.dma_semaphore, #tpu.memory_space<semaphore_mem>> -> memref<!tpu.dma_semaphore, #tpu.memory_space<semaphore_mem>>
      %dma_wait3A_636 = arith.constant 0 : i32
      %dma_wait3A_637 = tpu.memref_slice %arg6[%dma_wait3A_631, %dma_wait3A_632, %dma_wait3A_636] : memref<2x16x8192xf32, #tpu.memory_space<vmem>> -> memref<1x1x8192xf32, #tpu.memory_space<vmem>>
      %dma_wait3A_638 = tpu.memref_squeeze %dma_wait3A_637 : memref<1x1x8192xf32, #tpu.memory_space<vmem>> -> memref<8192xf32, #tpu.memory_space<vmem>>
      %dma_wait3A_639 = arith.constant 0 : i32
      %dma_wait3A_640 = tpu.memref_slice %arg3[%dma_wait3A_630, %dma_wait3A_639] : memref<1000x8192xf32, #tpu.memory_space<any>> -> memref<1x8192xf32, #tpu.memory_space<any>>
      %dma_wait3A_641 = tpu.memref_squeeze %dma_wait3A_640 : memref<1x8192xf32, #tpu.memory_space<any>> -> memref<8192xf32, #tpu.memory_space<any>>
      tpu.wait_dma2 semaphore(%dma_wait3A_635 : memref<!tpu.dma_semaphore, #tpu.memory_space<semaphore_mem>>) src(%dma_wait3A_641 : memref<8192xf32, #tpu.memory_space<any>>) dst(%dma_wait3A_638 : memref<8192xf32, #tpu.memory_space<vmem>>)
      %dma_wait3A_642 = arith.constant 0 : i32
      %dma_wait3A_643 = arith.constant 0 : i32
      %dma_wait3A_644 = arith.constant 15 : i32
      %dma_wait3A_645 = arith.constant 0 : i32
      %dma_wait3A_646 = tpu.memref_slice %arg8[%dma_wait3A_645] : memref<2x!tpu.dma_semaphore, #tpu.memory_space<semaphore_mem>> -> memref<1x!tpu.dma_semaphore, #tpu.memory_space<semaphore_mem>>
      %dma_wait3A_647 = tpu.memref_squeeze %dma_wait3A_646 : memref<1x!tpu.dma_semaphore, #tpu.memory_space<semaphore_mem>> -> memref<!tpu.dma_semaphore, #tpu.memory_space<semaphore_mem>>
      %dma_wait3A_648 = arith.constant 0 : i32
      %dma_wait3A_649 = tpu.memref_slice %arg6[%dma_wait3A_643, %dma_wait3A_644, %dma_wait3A_648] : memref<2x16x8192xf32, #tpu.memory_space<vmem>> -> memref<1x1x8192xf32, #tpu.memory_space<vmem>>
      %dma_wait3A_650 = tpu.memref_squeeze %dma_wait3A_649 : memref<1x1x8192xf32, #tpu.memory_space<vmem>> -> memref<8192xf32, #tpu.memory_space<vmem>>
      %dma_wait3A_651 = arith.constant 0 : i32
      %dma_wait3A_652 = tpu.memref_slice %arg3[%dma_wait3A_642, %dma_wait3A_651] : memref<1000x8192xf32, #tpu.memory_space<any>> -> memref<1x8192xf32, #tpu.memory_space<any>>
      %dma_wait3A_653 = tpu.memref_squeeze %dma_wait3A_652 : memref<1x8192xf32, #tpu.memory_space<any>> -> memref<8192xf32, #tpu.memory_space<any>>
      tpu.wait_dma2 semaphore(%dma_wait3A_647 : memref<!tpu.dma_semaphore, #tpu.memory_space<semaphore_mem>>) src(%dma_wait3A_653 : memref<8192xf32, #tpu.memory_space<any>>) dst(%dma_wait3A_650 : memref<8192xf32, #tpu.memory_space<vmem>>)
      %get3A_654 = arith.constant 0 : index
      %get3A_655 = arith.constant 0 : index
      %get3A_656 = arith.constant 0 : index
      %get3A_657 = vector.load %arg5[%get3A_654, %get3A_655, %get3A_656] : memref<2x16x8192xf32, #tpu.memory_space<vmem>>, vector<1x16x1024xf32>
      %get3A_658 = vector.shape_cast %get3A_657 : vector<1x16x1024xf32> to vector<16x1024xf32>
      %get3A_659 = arith.constant 0 : index
      %get3A_660 = arith.constant 0 : index
      %get3A_661 = arith.constant 0 : index
      %get3A_662 = vector.load %arg6[%get3A_659, %get3A_660, %get3A_661] : memref<2x16x8192xf32, #tpu.memory_space<vmem>>, vector<1x16x1024xf32>
      %get3A_663 = vector.shape_cast %get3A_662 : vector<1x16x1024xf32> to vector<16x1024xf32>
      %sub3A = arith.subf %get3A_658, %get3A_663 : vector<16x1024xf32>
      %mul3A_664 = arith.mulf %sub3A, %sub3A : vector<16x1024xf32>
      %add3A_665 = arith.addf %scan3A_449, %mul3A_664 : vector<16x1024xf32>
      %get3A_666 = arith.constant 0 : index
      %get3A_667 = arith.constant 0 : index
      %get3A_668 = arith.constant 1024 : index
      %get3A_669 = vector.load %arg5[%get3A_666, %get3A_667, %get3A_668] : memref<2x16x8192xf32, #tpu.memory_space<vmem>>, vector<1x16x1024xf32>
      %get3A_670 = vector.shape_cast %get3A_669 : vector<1x16x1024xf32> to vector<16x1024xf32>
      %get3A_671 = arith.constant 0 : index
      %get3A_672 = arith.constant 0 : index
      %get3A_673 = arith.constant 1024 : index
      %get3A_674 = vector.load %arg6[%get3A_671, %get3A_672, %get3A_673] : memref<2x16x8192xf32, #tpu.memory_space<vmem>>, vector<1x16x1024xf32>
      %get3A_675 = vector.shape_cast %get3A_674 : vector<1x16x1024xf32> to vector<16x1024xf32>
      %sub3A_676 = arith.subf %get3A_670, %get3A_675 : vector<16x1024xf32>
      %mul3A_677 = arith.mulf %sub3A_676, %sub3A_676 : vector<16x1024xf32>
      %add3A_678 = arith.addf %add3A_665, %mul3A_677 : vector<16x1024xf32>
      %get3A_679 = arith.constant 0 : index
      %get3A_680 = arith.constant 0 : index
      %get3A_681 = arith.constant 2048 : index
      %get3A_682 = vector.load %arg5[%get3A_679, %get3A_680, %get3A_681] : memref<2x16x8192xf32, #tpu.memory_space<vmem>>, vector<1x16x1024xf32>
      %get3A_683 = vector.shape_cast %get3A_682 : vector<1x16x1024xf32> to vector<16x1024xf32>
      %get3A_684 = arith.constant 0 : index
      %get3A_685 = arith.constant 0 : index
      %get3A_686 = arith.constant 2048 : index
      %get3A_687 = vector.load %arg6[%get3A_684, %get3A_685, %get3A_686] : memref<2x16x8192xf32, #tpu.memory_space<vmem>>, vector<1x16x1024xf32>
      %get3A_688 = vector.shape_cast %get3A_687 : vector<1x16x1024xf32> to vector<16x1024xf32>
      %sub3A_689 = arith.subf %get3A_683, %get3A_688 : vector<16x1024xf32>
      %mul3A_690 = arith.mulf %sub3A_689, %sub3A_689 : vector<16x1024xf32>
      %add3A_691 = arith.addf %add3A_678, %mul3A_690 : vector<16x1024xf32>
      %get3A_692 = arith.constant 0 : index
      %get3A_693 = arith.constant 0 : index
      %get3A_694 = arith.constant 3072 : index
      %get3A_695 = vector.load %arg5[%get3A_692, %get3A_693, %get3A_694] : memref<2x16x8192xf32, #tpu.memory_space<vmem>>, vector<1x16x1024xf32>
      %get3A_696 = vector.shape_cast %get3A_695 : vector<1x16x1024xf32> to vector<16x1024xf32>
      %get3A_697 = arith.constant 0 : index
      %get3A_698 = arith.constant 0 : index
      %get3A_699 = arith.constant 3072 : index
      %get3A_700 = vector.load %arg6[%get3A_697, %get3A_698, %get3A_699] : memref<2x16x8192xf32, #tpu.memory_space<vmem>>, vector<1x16x1024xf32>
      %get3A_701 = vector.shape_cast %get3A_700 : vector<1x16x1024xf32> to vector<16x1024xf32>
      %sub3A_702 = arith.subf %get3A_696, %get3A_701 : vector<16x1024xf32>
      %mul3A_703 = arith.mulf %sub3A_702, %sub3A_702 : vector<16x1024xf32>
      %add3A_704 = arith.addf %add3A_691, %mul3A_703 : vector<16x1024xf32>
      %get3A_705 = arith.constant 0 : index
      %get3A_706 = arith.constant 0 : index
      %get3A_707 = arith.constant 4096 : index
      %get3A_708 = vector.load %arg5[%get3A_705, %get3A_706, %get3A_707] : memref<2x16x8192xf32, #tpu.memory_space<vmem>>, vector<1x16x1024xf32>
      %get3A_709 = vector.shape_cast %get3A_708 : vector<1x16x1024xf32> to vector<16x1024xf32>
      %get3A_710 = arith.constant 0 : index
      %get3A_711 = arith.constant 0 : index
      %get3A_712 = arith.constant 4096 : index
      %get3A_713 = vector.load %arg6[%get3A_710, %get3A_711, %get3A_712] : memref<2x16x8192xf32, #tpu.memory_space<vmem>>, vector<1x16x1024xf32>
      %get3A_714 = vector.shape_cast %get3A_713 : vector<1x16x1024xf32> to vector<16x1024xf32>
      %sub3A_715 = arith.subf %get3A_709, %get3A_714 : vector<16x1024xf32>
      %mul3A_716 = arith.mulf %sub3A_715, %sub3A_715 : vector<16x1024xf32>
      %add3A_717 = arith.addf %add3A_704, %mul3A_716 : vector<16x1024xf32>
      %get3A_718 = arith.constant 0 : index
      %get3A_719 = arith.constant 0 : index
      %get3A_720 = arith.constant 5120 : index
      %get3A_721 = vector.load %arg5[%get3A_718, %get3A_719, %get3A_720] : memref<2x16x8192xf32, #tpu.memory_space<vmem>>, vector<1x16x1024xf32>
      %get3A_722 = vector.shape_cast %get3A_721 : vector<1x16x1024xf32> to vector<16x1024xf32>
      %get3A_723 = arith.constant 0 : index
      %get3A_724 = arith.constant 0 : index
      %get3A_725 = arith.constant 5120 : index
      %get3A_726 = vector.load %arg6[%get3A_723, %get3A_724, %get3A_725] : memref<2x16x8192xf32, #tpu.memory_space<vmem>>, vector<1x16x1024xf32>
      %get3A_727 = vector.shape_cast %get3A_726 : vector<1x16x1024xf32> to vector<16x1024xf32>
      %sub3A_728 = arith.subf %get3A_722, %get3A_727 : vector<16x1024xf32>
      %mul3A_729 = arith.mulf %sub3A_728, %sub3A_728 : vector<16x1024xf32>
      %add3A_730 = arith.addf %add3A_717, %mul3A_729 : vector<16x1024xf32>
      %get3A_731 = arith.constant 0 : index
      %get3A_732 = arith.constant 0 : index
      %get3A_733 = arith.constant 6144 : index
      %get3A_734 = vector.load %arg5[%get3A_731, %get3A_732, %get3A_733] : memref<2x16x8192xf32, #tpu.memory_space<vmem>>, vector<1x16x1024xf32>
      %get3A_735 = vector.shape_cast %get3A_734 : vector<1x16x1024xf32> to vector<16x1024xf32>
      %get3A_736 = arith.constant 0 : index
      %get3A_737 = arith.constant 0 : index
      %get3A_738 = arith.constant 6144 : index
      %get3A_739 = vector.load %arg6[%get3A_736, %get3A_737, %get3A_738] : memref<2x16x8192xf32, #tpu.memory_space<vmem>>, vector<1x16x1024xf32>
      %get3A_740 = vector.shape_cast %get3A_739 : vector<1x16x1024xf32> to vector<16x1024xf32>
      %sub3A_741 = arith.subf %get3A_735, %get3A_740 : vector<16x1024xf32>
      %mul3A_742 = arith.mulf %sub3A_741, %sub3A_741 : vector<16x1024xf32>
      %add3A_743 = arith.addf %add3A_730, %mul3A_742 : vector<16x1024xf32>
      %get3A_744 = arith.constant 0 : index
      %get3A_745 = arith.constant 0 : index
      %get3A_746 = arith.constant 7168 : index
      %get3A_747 = vector.load %arg5[%get3A_744, %get3A_745, %get3A_746] : memref<2x16x8192xf32, #tpu.memory_space<vmem>>, vector<1x16x1024xf32>
      %get3A_748 = vector.shape_cast %get3A_747 : vector<1x16x1024xf32> to vector<16x1024xf32>
      %get3A_749 = arith.constant 0 : index
      %get3A_750 = arith.constant 0 : index
      %get3A_751 = arith.constant 7168 : index
      %get3A_752 = vector.load %arg6[%get3A_749, %get3A_750, %get3A_751] : memref<2x16x8192xf32, #tpu.memory_space<vmem>>, vector<1x16x1024xf32>
      %get3A_753 = vector.shape_cast %get3A_752 : vector<1x16x1024xf32> to vector<16x1024xf32>
      %sub3A_754 = arith.subf %get3A_748, %get3A_753 : vector<16x1024xf32>
      %mul3A_755 = arith.mulf %sub3A_754, %sub3A_754 : vector<16x1024xf32>
      %add3A_756 = arith.addf %add3A_743, %mul3A_755 : vector<16x1024xf32>
      %add3A_757 = arith.constant 2 : i32
      %add3A_758 = arith.addi %add3A_451, %add3A_757 : i32
      %lt3A = arith.constant 16 : i32
      %lt3A_759 = arith.cmpi slt, %add3A_758, %lt3A : i32
      %convert_element_type3A = arith.extui %lt3A_759 : i1 to i32
      %cond3A = arith.constant 0 : i32
      %cond3A_760 = arith.cmpi ne, %convert_element_type3A, %cond3A : i32
      scf.if %cond3A_760 {
        %add3A_1079 = arith.constant 2 : i32
        %add3A_1080 = arith.addi %add3A_451, %add3A_1079 : i32
        %mul3A_1081 = arith.constant 16 : i32
        %mul3A_1082 = arith.muli %add3A_1080, %mul3A_1081 : i32
        %add3A_1083 = arith.constant 768 : i32
        %add3A_1084 = arith.addi %add3A_1083, %mul3A_1082 : i32
        %dma_start3A_1085 = arith.constant 0 : i32
        %dma_start3A_1086 = arith.constant 0 : i32
        %dma_start3A_1087 = tpu.memref_slice %arg7[%dma_start3A_1086] : memref<2x!tpu.dma_semaphore, #tpu.memory_space<semaphore_mem>> -> memref<1x!tpu.dma_semaphore, #tpu.memory_space<semaphore_mem>>
        %dma_start3A_1088 = tpu.memref_squeeze %dma_start3A_1087 : memref<1x!tpu.dma_semaphore, #tpu.memory_space<semaphore_mem>> -> memref<!tpu.dma_semaphore, #tpu.memory_space<semaphore_mem>>
        %dma_start3A_1089 = arith.constant 0 : i32
        %dma_start3A_1090 = arith.constant 0 : i32
        %dma_start3A_1091 = tpu.memref_slice %arg5[%dma_start3A_1085, %dma_start3A_1089, %dma_start3A_1090] : memref<2x16x8192xf32, #tpu.memory_space<vmem>> -> memref<1x16x8192xf32, #tpu.memory_space<vmem>>
        %dma_start3A_1092 = tpu.memref_squeeze %dma_start3A_1091 : memref<1x16x8192xf32, #tpu.memory_space<vmem>> -> memref<16x8192xf32, #tpu.memory_space<vmem>>
        %dma_start3A_1093 = arith.constant 0 : i32
        %dma_start3A_1094 = tpu.memref_slice %arg2[%add3A_1084, %dma_start3A_1093] : memref<1024x8192xf32, #tpu.memory_space<any>> -> memref<16x8192xf32, #tpu.memory_space<any>>
        tpu.enqueue_dma source(%dma_start3A_1094 : memref<16x8192xf32, #tpu.memory_space<any>>) target(%dma_start3A_1092 : memref<16x8192xf32, #tpu.memory_space<vmem>>) target_semaphore(%dma_start3A_1088 : memref<!tpu.dma_semaphore, #tpu.memory_space<semaphore_mem>>)
        %mul3A_1095 = arith.constant 16 : i32
        %mul3A_1096 = arith.muli %add3A_1080, %mul3A_1095 : i32
        %add3A_1097 = arith.constant 768 : i32
        %add3A_1098 = arith.addi %add3A_1097, %mul3A_1096 : i32
        %add3A_1099 = arith.constant 0 : i32
        %add3A_1100 = arith.addi %add3A_1098, %add3A_1099 : i32
        %get3A_1101 = arith.index_cast %add3A_1100 : i32 to index
        %get3A_1102 = memref.load %arg1[%get3A_1101] : memref<1024xi32, #tpu.memory_space<smem>>
        %dma_start3A_1103 = arith.constant 0 : i32
        %dma_start3A_1104 = arith.constant 0 : i32
        %dma_start3A_1105 = arith.constant 0 : i32
        %dma_start3A_1106 = tpu.memref_slice %arg8[%dma_start3A_1105] : memref<2x!tpu.dma_semaphore, #tpu.memory_space<semaphore_mem>> -> memref<1x!tpu.dma_semaphore, #tpu.memory_space<semaphore_mem>>
        %dma_start3A_1107 = tpu.memref_squeeze %dma_start3A_1106 : memref<1x!tpu.dma_semaphore, #tpu.memory_space<semaphore_mem>> -> memref<!tpu.dma_semaphore, #tpu.memory_space<semaphore_mem>>
        %dma_start3A_1108 = arith.constant 0 : i32
        %dma_start3A_1109 = tpu.memref_slice %arg6[%dma_start3A_1103, %dma_start3A_1104, %dma_start3A_1108] : memref<2x16x8192xf32, #tpu.memory_space<vmem>> -> memref<1x1x8192xf32, #tpu.memory_space<vmem>>
        %dma_start3A_1110 = tpu.memref_squeeze %dma_start3A_1109 : memref<1x1x8192xf32, #tpu.memory_space<vmem>> -> memref<8192xf32, #tpu.memory_space<vmem>>
        %dma_start3A_1111 = arith.constant 0 : i32
        %dma_start3A_1112 = tpu.memref_slice %arg3[%get3A_1102, %dma_start3A_1111] : memref<1000x8192xf32, #tpu.memory_space<any>> -> memref<1x8192xf32, #tpu.memory_space<any>>
        %dma_start3A_1113 = tpu.memref_squeeze %dma_start3A_1112 : memref<1x8192xf32, #tpu.memory_space<any>> -> memref<8192xf32, #tpu.memory_space<any>>
        tpu.enqueue_dma source(%dma_start3A_1113 : memref<8192xf32, #tpu.memory_space<any>>) target(%dma_start3A_1110 : memref<8192xf32, #tpu.memory_space<vmem>>) target_semaphore(%dma_start3A_1107 : memref<!tpu.dma_semaphore, #tpu.memory_space<semaphore_mem>>)
        %mul3A_1114 = arith.constant 16 : i32
        %mul3A_1115 = arith.muli %add3A_1080, %mul3A_1114 : i32
        %add3A_1116 = arith.constant 768 : i32
        %add3A_1117 = arith.addi %add3A_1116, %mul3A_1115 : i32
        %add3A_1118 = arith.constant 1 : i32
        %add3A_1119 = arith.addi %add3A_1117, %add3A_1118 : i32
        %get3A_1120 = arith.index_cast %add3A_1119 : i32 to index
        %get3A_1121 = memref.load %arg1[%get3A_1120] : memref<1024xi32, #tpu.memory_space<smem>>
        %dma_start3A_1122 = arith.constant 0 : i32
        %dma_start3A_1123 = arith.constant 1 : i32
        %dma_start3A_1124 = arith.constant 0 : i32
        %dma_start3A_1125 = tpu.memref_slice %arg8[%dma_start3A_1124] : memref<2x!tpu.dma_semaphore, #tpu.memory_space<semaphore_mem>> -> memref<1x!tpu.dma_semaphore, #tpu.memory_space<semaphore_mem>>
        %dma_start3A_1126 = tpu.memref_squeeze %dma_start3A_1125 : memref<1x!tpu.dma_semaphore, #tpu.memory_space<semaphore_mem>> -> memref<!tpu.dma_semaphore, #tpu.memory_space<semaphore_mem>>
        %dma_start3A_1127 = arith.constant 0 : i32
        %dma_start3A_1128 = tpu.memref_slice %arg6[%dma_start3A_1122, %dma_start3A_1123, %dma_start3A_1127] : memref<2x16x8192xf32, #tpu.memory_space<vmem>> -> memref<1x1x8192xf32, #tpu.memory_space<vmem>>
        %dma_start3A_1129 = tpu.memref_squeeze %dma_start3A_1128 : memref<1x1x8192xf32, #tpu.memory_space<vmem>> -> memref<8192xf32, #tpu.memory_space<vmem>>
        %dma_start3A_1130 = arith.constant 0 : i32
        %dma_start3A_1131 = tpu.memref_slice %arg3[%get3A_1121, %dma_start3A_1130] : memref<1000x8192xf32, #tpu.memory_space<any>> -> memref<1x8192xf32, #tpu.memory_space<any>>
        %dma_start3A_1132 = tpu.memref_squeeze %dma_start3A_1131 : memref<1x8192xf32, #tpu.memory_space<any>> -> memref<8192xf32, #tpu.memory_space<any>>
        tpu.enqueue_dma source(%dma_start3A_1132 : memref<8192xf32, #tpu.memory_space<any>>) target(%dma_start3A_1129 : memref<8192xf32, #tpu.memory_space<vmem>>) target_semaphore(%dma_start3A_1126 : memref<!tpu.dma_semaphore, #tpu.memory_space<semaphore_mem>>)
        %mul3A_1133 = arith.constant 16 : i32
        %mul3A_1134 = arith.muli %add3A_1080, %mul3A_1133 : i32
        %add3A_1135 = arith.constant 768 : i32
        %add3A_1136 = arith.addi %add3A_1135, %mul3A_1134 : i32
        %add3A_1137 = arith.constant 2 : i32
        %add3A_1138 = arith.addi %add3A_1136, %add3A_1137 : i32
        %get3A_1139 = arith.index_cast %add3A_1138 : i32 to index
        %get3A_1140 = memref.load %arg1[%get3A_1139] : memref<1024xi32, #tpu.memory_space<smem>>
        %dma_start3A_1141 = arith.constant 0 : i32
        %dma_start3A_1142 = arith.constant 2 : i32
        %dma_start3A_1143 = arith.constant 0 : i32
        %dma_start3A_1144 = tpu.memref_slice %arg8[%dma_start3A_1143] : memref<2x!tpu.dma_semaphore, #tpu.memory_space<semaphore_mem>> -> memref<1x!tpu.dma_semaphore, #tpu.memory_space<semaphore_mem>>
        %dma_start3A_1145 = tpu.memref_squeeze %dma_start3A_1144 : memref<1x!tpu.dma_semaphore, #tpu.memory_space<semaphore_mem>> -> memref<!tpu.dma_semaphore, #tpu.memory_space<semaphore_mem>>
        %dma_start3A_1146 = arith.constant 0 : i32
        %dma_start3A_1147 = tpu.memref_slice %arg6[%dma_start3A_1141, %dma_start3A_1142, %dma_start3A_1146] : memref<2x16x8192xf32, #tpu.memory_space<vmem>> -> memref<1x1x8192xf32, #tpu.memory_space<vmem>>
        %dma_start3A_1148 = tpu.memref_squeeze %dma_start3A_1147 : memref<1x1x8192xf32, #tpu.memory_space<vmem>> -> memref<8192xf32, #tpu.memory_space<vmem>>
        %dma_start3A_1149 = arith.constant 0 : i32
        %dma_start3A_1150 = tpu.memref_slice %arg3[%get3A_1140, %dma_start3A_1149] : memref<1000x8192xf32, #tpu.memory_space<any>> -> memref<1x8192xf32, #tpu.memory_space<any>>
        %dma_start3A_1151 = tpu.memref_squeeze %dma_start3A_1150 : memref<1x8192xf32, #tpu.memory_space<any>> -> memref<8192xf32, #tpu.memory_space<any>>
        tpu.enqueue_dma source(%dma_start3A_1151 : memref<8192xf32, #tpu.memory_space<any>>) target(%dma_start3A_1148 : memref<8192xf32, #tpu.memory_space<vmem>>) target_semaphore(%dma_start3A_1145 : memref<!tpu.dma_semaphore, #tpu.memory_space<semaphore_mem>>)
        %mul3A_1152 = arith.constant 16 : i32
        %mul3A_1153 = arith.muli %add3A_1080, %mul3A_1152 : i32
        %add3A_1154 = arith.constant 768 : i32
        %add3A_1155 = arith.addi %add3A_1154, %mul3A_1153 : i32
        %add3A_1156 = arith.constant 3 : i32
        %add3A_1157 = arith.addi %add3A_1155, %add3A_1156 : i32
        %get3A_1158 = arith.index_cast %add3A_1157 : i32 to index
        %get3A_1159 = memref.load %arg1[%get3A_1158] : memref<1024xi32, #tpu.memory_space<smem>>
        %dma_start3A_1160 = arith.constant 0 : i32
        %dma_start3A_1161 = arith.constant 3 : i32
        %dma_start3A_1162 = arith.constant 0 : i32
        %dma_start3A_1163 = tpu.memref_slice %arg8[%dma_start3A_1162] : memref<2x!tpu.dma_semaphore, #tpu.memory_space<semaphore_mem>> -> memref<1x!tpu.dma_semaphore, #tpu.memory_space<semaphore_mem>>
        %dma_start3A_1164 = tpu.memref_squeeze %dma_start3A_1163 : memref<1x!tpu.dma_semaphore, #tpu.memory_space<semaphore_mem>> -> memref<!tpu.dma_semaphore, #tpu.memory_space<semaphore_mem>>
        %dma_start3A_1165 = arith.constant 0 : i32
        %dma_start3A_1166 = tpu.memref_slice %arg6[%dma_start3A_1160, %dma_start3A_1161, %dma_start3A_1165] : memref<2x16x8192xf32, #tpu.memory_space<vmem>> -> memref<1x1x8192xf32, #tpu.memory_space<vmem>>
        %dma_start3A_1167 = tpu.memref_squeeze %dma_start3A_1166 : memref<1x1x8192xf32, #tpu.memory_space<vmem>> -> memref<8192xf32, #tpu.memory_space<vmem>>
        %dma_start3A_1168 = arith.constant 0 : i32
        %dma_start3A_1169 = tpu.memref_slice %arg3[%get3A_1159, %dma_start3A_1168] : memref<1000x8192xf32, #tpu.memory_space<any>> -> memref<1x8192xf32, #tpu.memory_space<any>>
        %dma_start3A_1170 = tpu.memref_squeeze %dma_start3A_1169 : memref<1x8192xf32, #tpu.memory_space<any>> -> memref<8192xf32, #tpu.memory_space<any>>
        tpu.enqueue_dma source(%dma_start3A_1170 : memref<8192xf32, #tpu.memory_space<any>>) target(%dma_start3A_1167 : memref<8192xf32, #tpu.memory_space<vmem>>) target_semaphore(%dma_start3A_1164 : memref<!tpu.dma_semaphore, #tpu.memory_space<semaphore_mem>>)
        %mul3A_1171 = arith.constant 16 : i32
        %mul3A_1172 = arith.muli %add3A_1080, %mul3A_1171 : i32
        %add3A_1173 = arith.constant 768 : i32
        %add3A_1174 = arith.addi %add3A_1173, %mul3A_1172 : i32
        %add3A_1175 = arith.constant 4 : i32
        %add3A_1176 = arith.addi %add3A_1174, %add3A_1175 : i32
        %get3A_1177 = arith.index_cast %add3A_1176 : i32 to index
        %get3A_1178 = memref.load %arg1[%get3A_1177] : memref<1024xi32, #tpu.memory_space<smem>>
        %dma_start3A_1179 = arith.constant 0 : i32
        %dma_start3A_1180 = arith.constant 4 : i32
        %dma_start3A_1181 = arith.constant 0 : i32
        %dma_start3A_1182 = tpu.memref_slice %arg8[%dma_start3A_1181] : memref<2x!tpu.dma_semaphore, #tpu.memory_space<semaphore_mem>> -> memref<1x!tpu.dma_semaphore, #tpu.memory_space<semaphore_mem>>
        %dma_start3A_1183 = tpu.memref_squeeze %dma_start3A_1182 : memref<1x!tpu.dma_semaphore, #tpu.memory_space<semaphore_mem>> -> memref<!tpu.dma_semaphore, #tpu.memory_space<semaphore_mem>>
        %dma_start3A_1184 = arith.constant 0 : i32
        %dma_start3A_1185 = tpu.memref_slice %arg6[%dma_start3A_1179, %dma_start3A_1180, %dma_start3A_1184] : memref<2x16x8192xf32, #tpu.memory_space<vmem>> -> memref<1x1x8192xf32, #tpu.memory_space<vmem>>
        %dma_start3A_1186 = tpu.memref_squeeze %dma_start3A_1185 : memref<1x1x8192xf32, #tpu.memory_space<vmem>> -> memref<8192xf32, #tpu.memory_space<vmem>>
        %dma_start3A_1187 = arith.constant 0 : i32
        %dma_start3A_1188 = tpu.memref_slice %arg3[%get3A_1178, %dma_start3A_1187] : memref<1000x8192xf32, #tpu.memory_space<any>> -> memref<1x8192xf32, #tpu.memory_space<any>>
        %dma_start3A_1189 = tpu.memref_squeeze %dma_start3A_1188 : memref<1x8192xf32, #tpu.memory_space<any>> -> memref<8192xf32, #tpu.memory_space<any>>
        tpu.enqueue_dma source(%dma_start3A_1189 : memref<8192xf32, #tpu.memory_space<any>>) target(%dma_start3A_1186 : memref<8192xf32, #tpu.memory_space<vmem>>) target_semaphore(%dma_start3A_1183 : memref<!tpu.dma_semaphore, #tpu.memory_space<semaphore_mem>>)
        %mul3A_1190 = arith.constant 16 : i32
        %mul3A_1191 = arith.muli %add3A_1080, %mul3A_1190 : i32
        %add3A_1192 = arith.constant 768 : i32
        %add3A_1193 = arith.addi %add3A_1192, %mul3A_1191 : i32
        %add3A_1194 = arith.constant 5 : i32
        %add3A_1195 = arith.addi %add3A_1193, %add3A_1194 : i32
        %get3A_1196 = arith.index_cast %add3A_1195 : i32 to index
        %get3A_1197 = memref.load %arg1[%get3A_1196] : memref<1024xi32, #tpu.memory_space<smem>>
        %dma_start3A_1198 = arith.constant 0 : i32
        %dma_start3A_1199 = arith.constant 5 : i32
        %dma_start3A_1200 = arith.constant 0 : i32
        %dma_start3A_1201 = tpu.memref_slice %arg8[%dma_start3A_1200] : memref<2x!tpu.dma_semaphore, #tpu.memory_space<semaphore_mem>> -> memref<1x!tpu.dma_semaphore, #tpu.memory_space<semaphore_mem>>
        %dma_start3A_1202 = tpu.memref_squeeze %dma_start3A_1201 : memref<1x!tpu.dma_semaphore, #tpu.memory_space<semaphore_mem>> -> memref<!tpu.dma_semaphore, #tpu.memory_space<semaphore_mem>>
        %dma_start3A_1203 = arith.constant 0 : i32
        %dma_start3A_1204 = tpu.memref_slice %arg6[%dma_start3A_1198, %dma_start3A_1199, %dma_start3A_1203] : memref<2x16x8192xf32, #tpu.memory_space<vmem>> -> memref<1x1x8192xf32, #tpu.memory_space<vmem>>
        %dma_start3A_1205 = tpu.memref_squeeze %dma_start3A_1204 : memref<1x1x8192xf32, #tpu.memory_space<vmem>> -> memref<8192xf32, #tpu.memory_space<vmem>>
        %dma_start3A_1206 = arith.constant 0 : i32
        %dma_start3A_1207 = tpu.memref_slice %arg3[%get3A_1197, %dma_start3A_1206] : memref<1000x8192xf32, #tpu.memory_space<any>> -> memref<1x8192xf32, #tpu.memory_space<any>>
        %dma_start3A_1208 = tpu.memref_squeeze %dma_start3A_1207 : memref<1x8192xf32, #tpu.memory_space<any>> -> memref<8192xf32, #tpu.memory_space<any>>
        tpu.enqueue_dma source(%dma_start3A_1208 : memref<8192xf32, #tpu.memory_space<any>>) target(%dma_start3A_1205 : memref<8192xf32, #tpu.memory_space<vmem>>) target_semaphore(%dma_start3A_1202 : memref<!tpu.dma_semaphore, #tpu.memory_space<semaphore_mem>>)
        %mul3A_1209 = arith.constant 16 : i32
        %mul3A_1210 = arith.muli %add3A_1080, %mul3A_1209 : i32
        %add3A_1211 = arith.constant 768 : i32
        %add3A_1212 = arith.addi %add3A_1211, %mul3A_1210 : i32
        %add3A_1213 = arith.constant 6 : i32
        %add3A_1214 = arith.addi %add3A_1212, %add3A_1213 : i32
        %get3A_1215 = arith.index_cast %add3A_1214 : i32 to index
        %get3A_1216 = memref.load %arg1[%get3A_1215] : memref<1024xi32, #tpu.memory_space<smem>>
        %dma_start3A_1217 = arith.constant 0 : i32
        %dma_start3A_1218 = arith.constant 6 : i32
        %dma_start3A_1219 = arith.constant 0 : i32
        %dma_start3A_1220 = tpu.memref_slice %arg8[%dma_start3A_1219] : memref<2x!tpu.dma_semaphore, #tpu.memory_space<semaphore_mem>> -> memref<1x!tpu.dma_semaphore, #tpu.memory_space<semaphore_mem>>
        %dma_start3A_1221 = tpu.memref_squeeze %dma_start3A_1220 : memref<1x!tpu.dma_semaphore, #tpu.memory_space<semaphore_mem>> -> memref<!tpu.dma_semaphore, #tpu.memory_space<semaphore_mem>>
        %dma_start3A_1222 = arith.constant 0 : i32
        %dma_start3A_1223 = tpu.memref_slice %arg6[%dma_start3A_1217, %dma_start3A_1218, %dma_start3A_1222] : memref<2x16x8192xf32, #tpu.memory_space<vmem>> -> memref<1x1x8192xf32, #tpu.memory_space<vmem>>
        %dma_start3A_1224 = tpu.memref_squeeze %dma_start3A_1223 : memref<1x1x8192xf32, #tpu.memory_space<vmem>> -> memref<8192xf32, #tpu.memory_space<vmem>>
        %dma_start3A_1225 = arith.constant 0 : i32
        %dma_start3A_1226 = tpu.memref_slice %arg3[%get3A_1216, %dma_start3A_1225] : memref<1000x8192xf32, #tpu.memory_space<any>> -> memref<1x8192xf32, #tpu.memory_space<any>>
        %dma_start3A_1227 = tpu.memref_squeeze %dma_start3A_1226 : memref<1x8192xf32, #tpu.memory_space<any>> -> memref<8192xf32, #tpu.memory_space<any>>
        tpu.enqueue_dma source(%dma_start3A_1227 : memref<8192xf32, #tpu.memory_space<any>>) target(%dma_start3A_1224 : memref<8192xf32, #tpu.memory_space<vmem>>) target_semaphore(%dma_start3A_1221 : memref<!tpu.dma_semaphore, #tpu.memory_space<semaphore_mem>>)
        %mul3A_1228 = arith.constant 16 : i32
        %mul3A_1229 = arith.muli %add3A_1080, %mul3A_1228 : i32
        %add3A_1230 = arith.constant 768 : i32
        %add3A_1231 = arith.addi %add3A_1230, %mul3A_1229 : i32
        %add3A_1232 = arith.constant 7 : i32
        %add3A_1233 = arith.addi %add3A_1231, %add3A_1232 : i32
        %get3A_1234 = arith.index_cast %add3A_1233 : i32 to index
        %get3A_1235 = memref.load %arg1[%get3A_1234] : memref<1024xi32, #tpu.memory_space<smem>>
        %dma_start3A_1236 = arith.constant 0 : i32
        %dma_start3A_1237 = arith.constant 7 : i32
        %dma_start3A_1238 = arith.constant 0 : i32
        %dma_start3A_1239 = tpu.memref_slice %arg8[%dma_start3A_1238] : memref<2x!tpu.dma_semaphore, #tpu.memory_space<semaphore_mem>> -> memref<1x!tpu.dma_semaphore, #tpu.memory_space<semaphore_mem>>
        %dma_start3A_1240 = tpu.memref_squeeze %dma_start3A_1239 : memref<1x!tpu.dma_semaphore, #tpu.memory_space<semaphore_mem>> -> memref<!tpu.dma_semaphore, #tpu.memory_space<semaphore_mem>>
        %dma_start3A_1241 = arith.constant 0 : i32
        %dma_start3A_1242 = tpu.memref_slice %arg6[%dma_start3A_1236, %dma_start3A_1237, %dma_start3A_1241] : memref<2x16x8192xf32, #tpu.memory_space<vmem>> -> memref<1x1x8192xf32, #tpu.memory_space<vmem>>
        %dma_start3A_1243 = tpu.memref_squeeze %dma_start3A_1242 : memref<1x1x8192xf32, #tpu.memory_space<vmem>> -> memref<8192xf32, #tpu.memory_space<vmem>>
        %dma_start3A_1244 = arith.constant 0 : i32
        %dma_start3A_1245 = tpu.memref_slice %arg3[%get3A_1235, %dma_start3A_1244] : memref<1000x8192xf32, #tpu.memory_space<any>> -> memref<1x8192xf32, #tpu.memory_space<any>>
        %dma_start3A_1246 = tpu.memref_squeeze %dma_start3A_1245 : memref<1x8192xf32, #tpu.memory_space<any>> -> memref<8192xf32, #tpu.memory_space<any>>
        tpu.enqueue_dma source(%dma_start3A_1246 : memref<8192xf32, #tpu.memory_space<any>>) target(%dma_start3A_1243 : memref<8192xf32, #tpu.memory_space<vmem>>) target_semaphore(%dma_start3A_1240 : memref<!tpu.dma_semaphore, #tpu.memory_space<semaphore_mem>>)
        %mul3A_1247 = arith.constant 16 : i32
        %mul3A_1248 = arith.muli %add3A_1080, %mul3A_1247 : i32
        %add3A_1249 = arith.constant 768 : i32
        %add3A_1250 = arith.addi %add3A_1249, %mul3A_1248 : i32
        %add3A_1251 = arith.constant 8 : i32
        %add3A_1252 = arith.addi %add3A_1250, %add3A_1251 : i32
        %get3A_1253 = arith.index_cast %add3A_1252 : i32 to index
        %get3A_1254 = memref.load %arg1[%get3A_1253] : memref<1024xi32, #tpu.memory_space<smem>>
        %dma_start3A_1255 = arith.constant 0 : i32
        %dma_start3A_1256 = arith.constant 8 : i32
        %dma_start3A_1257 = arith.constant 0 : i32
        %dma_start3A_1258 = tpu.memref_slice %arg8[%dma_start3A_1257] : memref<2x!tpu.dma_semaphore, #tpu.memory_space<semaphore_mem>> -> memref<1x!tpu.dma_semaphore, #tpu.memory_space<semaphore_mem>>
        %dma_start3A_1259 = tpu.memref_squeeze %dma_start3A_1258 : memref<1x!tpu.dma_semaphore, #tpu.memory_space<semaphore_mem>> -> memref<!tpu.dma_semaphore, #tpu.memory_space<semaphore_mem>>
        %dma_start3A_1260 = arith.constant 0 : i32
        %dma_start3A_1261 = tpu.memref_slice %arg6[%dma_start3A_1255, %dma_start3A_1256, %dma_start3A_1260] : memref<2x16x8192xf32, #tpu.memory_space<vmem>> -> memref<1x1x8192xf32, #tpu.memory_space<vmem>>
        %dma_start3A_1262 = tpu.memref_squeeze %dma_start3A_1261 : memref<1x1x8192xf32, #tpu.memory_space<vmem>> -> memref<8192xf32, #tpu.memory_space<vmem>>
        %dma_start3A_1263 = arith.constant 0 : i32
        %dma_start3A_1264 = tpu.memref_slice %arg3[%get3A_1254, %dma_start3A_1263] : memref<1000x8192xf32, #tpu.memory_space<any>> -> memref<1x8192xf32, #tpu.memory_space<any>>
        %dma_start3A_1265 = tpu.memref_squeeze %dma_start3A_1264 : memref<1x8192xf32, #tpu.memory_space<any>> -> memref<8192xf32, #tpu.memory_space<any>>
        tpu.enqueue_dma source(%dma_start3A_1265 : memref<8192xf32, #tpu.memory_space<any>>) target(%dma_start3A_1262 : memref<8192xf32, #tpu.memory_space<vmem>>) target_semaphore(%dma_start3A_1259 : memref<!tpu.dma_semaphore, #tpu.memory_space<semaphore_mem>>)
        %mul3A_1266 = arith.constant 16 : i32
        %mul3A_1267 = arith.muli %add3A_1080, %mul3A_1266 : i32
        %add3A_1268 = arith.constant 768 : i32
        %add3A_1269 = arith.addi %add3A_1268, %mul3A_1267 : i32
        %add3A_1270 = arith.constant 9 : i32
        %add3A_1271 = arith.addi %add3A_1269, %add3A_1270 : i32
        %get3A_1272 = arith.index_cast %add3A_1271 : i32 to index
        %get3A_1273 = memref.load %arg1[%get3A_1272] : memref<1024xi32, #tpu.memory_space<smem>>
        %dma_start3A_1274 = arith.constant 0 : i32
        %dma_start3A_1275 = arith.constant 9 : i32
        %dma_start3A_1276 = arith.constant 0 : i32
        %dma_start3A_1277 = tpu.memref_slice %arg8[%dma_start3A_1276] : memref<2x!tpu.dma_semaphore, #tpu.memory_space<semaphore_mem>> -> memref<1x!tpu.dma_semaphore, #tpu.memory_space<semaphore_mem>>
        %dma_start3A_1278 = tpu.memref_squeeze %dma_start3A_1277 : memref<1x!tpu.dma_semaphore, #tpu.memory_space<semaphore_mem>> -> memref<!tpu.dma_semaphore, #tpu.memory_space<semaphore_mem>>
        %dma_start3A_1279 = arith.constant 0 : i32
        %dma_start3A_1280 = tpu.memref_slice %arg6[%dma_start3A_1274, %dma_start3A_1275, %dma_start3A_1279] : memref<2x16x8192xf32, #tpu.memory_space<vmem>> -> memref<1x1x8192xf32, #tpu.memory_space<vmem>>
        %dma_start3A_1281 = tpu.memref_squeeze %dma_start3A_1280 : memref<1x1x8192xf32, #tpu.memory_space<vmem>> -> memref<8192xf32, #tpu.memory_space<vmem>>
        %dma_start3A_1282 = arith.constant 0 : i32
        %dma_start3A_1283 = tpu.memref_slice %arg3[%get3A_1273, %dma_start3A_1282] : memref<1000x8192xf32, #tpu.memory_space<any>> -> memref<1x8192xf32, #tpu.memory_space<any>>
        %dma_start3A_1284 = tpu.memref_squeeze %dma_start3A_1283 : memref<1x8192xf32, #tpu.memory_space<any>> -> memref<8192xf32, #tpu.memory_space<any>>
        tpu.enqueue_dma source(%dma_start3A_1284 : memref<8192xf32, #tpu.memory_space<any>>) target(%dma_start3A_1281 : memref<8192xf32, #tpu.memory_space<vmem>>) target_semaphore(%dma_start3A_1278 : memref<!tpu.dma_semaphore, #tpu.memory_space<semaphore_mem>>)
        %mul3A_1285 = arith.constant 16 : i32
        %mul3A_1286 = arith.muli %add3A_1080, %mul3A_1285 : i32
        %add3A_1287 = arith.constant 768 : i32
        %add3A_1288 = arith.addi %add3A_1287, %mul3A_1286 : i32
        %add3A_1289 = arith.constant 10 : i32
        %add3A_1290 = arith.addi %add3A_1288, %add3A_1289 : i32
        %get3A_1291 = arith.index_cast %add3A_1290 : i32 to index
        %get3A_1292 = memref.load %arg1[%get3A_1291] : memref<1024xi32, #tpu.memory_space<smem>>
        %dma_start3A_1293 = arith.constant 0 : i32
        %dma_start3A_1294 = arith.constant 10 : i32
        %dma_start3A_1295 = arith.constant 0 : i32
        %dma_start3A_1296 = tpu.memref_slice %arg8[%dma_start3A_1295] : memref<2x!tpu.dma_semaphore, #tpu.memory_space<semaphore_mem>> -> memref<1x!tpu.dma_semaphore, #tpu.memory_space<semaphore_mem>>
        %dma_start3A_1297 = tpu.memref_squeeze %dma_start3A_1296 : memref<1x!tpu.dma_semaphore, #tpu.memory_space<semaphore_mem>> -> memref<!tpu.dma_semaphore, #tpu.memory_space<semaphore_mem>>
        %dma_start3A_1298 = arith.constant 0 : i32
        %dma_start3A_1299 = tpu.memref_slice %arg6[%dma_start3A_1293, %dma_start3A_1294, %dma_start3A_1298] : memref<2x16x8192xf32, #tpu.memory_space<vmem>> -> memref<1x1x8192xf32, #tpu.memory_space<vmem>>
        %dma_start3A_1300 = tpu.memref_squeeze %dma_start3A_1299 : memref<1x1x8192xf32, #tpu.memory_space<vmem>> -> memref<8192xf32, #tpu.memory_space<vmem>>
        %dma_start3A_1301 = arith.constant 0 : i32
        %dma_start3A_1302 = tpu.memref_slice %arg3[%get3A_1292, %dma_start3A_1301] : memref<1000x8192xf32, #tpu.memory_space<any>> -> memref<1x8192xf32, #tpu.memory_space<any>>
        %dma_start3A_1303 = tpu.memref_squeeze %dma_start3A_1302 : memref<1x8192xf32, #tpu.memory_space<any>> -> memref<8192xf32, #tpu.memory_space<any>>
        tpu.enqueue_dma source(%dma_start3A_1303 : memref<8192xf32, #tpu.memory_space<any>>) target(%dma_start3A_1300 : memref<8192xf32, #tpu.memory_space<vmem>>) target_semaphore(%dma_start3A_1297 : memref<!tpu.dma_semaphore, #tpu.memory_space<semaphore_mem>>)
        %mul3A_1304 = arith.constant 16 : i32
        %mul3A_1305 = arith.muli %add3A_1080, %mul3A_1304 : i32
        %add3A_1306 = arith.constant 768 : i32
        %add3A_1307 = arith.addi %add3A_1306, %mul3A_1305 : i32
        %add3A_1308 = arith.constant 11 : i32
        %add3A_1309 = arith.addi %add3A_1307, %add3A_1308 : i32
        %get3A_1310 = arith.index_cast %add3A_1309 : i32 to index
        %get3A_1311 = memref.load %arg1[%get3A_1310] : memref<1024xi32, #tpu.memory_space<smem>>
        %dma_start3A_1312 = arith.constant 0 : i32
        %dma_start3A_1313 = arith.constant 11 : i32
        %dma_start3A_1314 = arith.constant 0 : i32
        %dma_start3A_1315 = tpu.memref_slice %arg8[%dma_start3A_1314] : memref<2x!tpu.dma_semaphore, #tpu.memory_space<semaphore_mem>> -> memref<1x!tpu.dma_semaphore, #tpu.memory_space<semaphore_mem>>
        %dma_start3A_1316 = tpu.memref_squeeze %dma_start3A_1315 : memref<1x!tpu.dma_semaphore, #tpu.memory_space<semaphore_mem>> -> memref<!tpu.dma_semaphore, #tpu.memory_space<semaphore_mem>>
        %dma_start3A_1317 = arith.constant 0 : i32
        %dma_start3A_1318 = tpu.memref_slice %arg6[%dma_start3A_1312, %dma_start3A_1313, %dma_start3A_1317] : memref<2x16x8192xf32, #tpu.memory_space<vmem>> -> memref<1x1x8192xf32, #tpu.memory_space<vmem>>
        %dma_start3A_1319 = tpu.memref_squeeze %dma_start3A_1318 : memref<1x1x8192xf32, #tpu.memory_space<vmem>> -> memref<8192xf32, #tpu.memory_space<vmem>>
        %dma_start3A_1320 = arith.constant 0 : i32
        %dma_start3A_1321 = tpu.memref_slice %arg3[%get3A_1311, %dma_start3A_1320] : memref<1000x8192xf32, #tpu.memory_space<any>> -> memref<1x8192xf32, #tpu.memory_space<any>>
        %dma_start3A_1322 = tpu.memref_squeeze %dma_start3A_1321 : memref<1x8192xf32, #tpu.memory_space<any>> -> memref<8192xf32, #tpu.memory_space<any>>
        tpu.enqueue_dma source(%dma_start3A_1322 : memref<8192xf32, #tpu.memory_space<any>>) target(%dma_start3A_1319 : memref<8192xf32, #tpu.memory_space<vmem>>) target_semaphore(%dma_start3A_1316 : memref<!tpu.dma_semaphore, #tpu.memory_space<semaphore_mem>>)
        %mul3A_1323 = arith.constant 16 : i32
        %mul3A_1324 = arith.muli %add3A_1080, %mul3A_1323 : i32
        %add3A_1325 = arith.constant 768 : i32
        %add3A_1326 = arith.addi %add3A_1325, %mul3A_1324 : i32
        %add3A_1327 = arith.constant 12 : i32
        %add3A_1328 = arith.addi %add3A_1326, %add3A_1327 : i32
        %get3A_1329 = arith.index_cast %add3A_1328 : i32 to index
        %get3A_1330 = memref.load %arg1[%get3A_1329] : memref<1024xi32, #tpu.memory_space<smem>>
        %dma_start3A_1331 = arith.constant 0 : i32
        %dma_start3A_1332 = arith.constant 12 : i32
        %dma_start3A_1333 = arith.constant 0 : i32
        %dma_start3A_1334 = tpu.memref_slice %arg8[%dma_start3A_1333] : memref<2x!tpu.dma_semaphore, #tpu.memory_space<semaphore_mem>> -> memref<1x!tpu.dma_semaphore, #tpu.memory_space<semaphore_mem>>
        %dma_start3A_1335 = tpu.memref_squeeze %dma_start3A_1334 : memref<1x!tpu.dma_semaphore, #tpu.memory_space<semaphore_mem>> -> memref<!tpu.dma_semaphore, #tpu.memory_space<semaphore_mem>>
        %dma_start3A_1336 = arith.constant 0 : i32
        %dma_start3A_1337 = tpu.memref_slice %arg6[%dma_start3A_1331, %dma_start3A_1332, %dma_start3A_1336] : memref<2x16x8192xf32, #tpu.memory_space<vmem>> -> memref<1x1x8192xf32, #tpu.memory_space<vmem>>
        %dma_start3A_1338 = tpu.memref_squeeze %dma_start3A_1337 : memref<1x1x8192xf32, #tpu.memory_space<vmem>> -> memref<8192xf32, #tpu.memory_space<vmem>>
        %dma_start3A_1339 = arith.constant 0 : i32
        %dma_start3A_1340 = tpu.memref_slice %arg3[%get3A_1330, %dma_start3A_1339] : memref<1000x8192xf32, #tpu.memory_space<any>> -> memref<1x8192xf32, #tpu.memory_space<any>>
        %dma_start3A_1341 = tpu.memref_squeeze %dma_start3A_1340 : memref<1x8192xf32, #tpu.memory_space<any>> -> memref<8192xf32, #tpu.memory_space<any>>
        tpu.enqueue_dma source(%dma_start3A_1341 : memref<8192xf32, #tpu.memory_space<any>>) target(%dma_start3A_1338 : memref<8192xf32, #tpu.memory_space<vmem>>) target_semaphore(%dma_start3A_1335 : memref<!tpu.dma_semaphore, #tpu.memory_space<semaphore_mem>>)
        %mul3A_1342 = arith.constant 16 : i32
        %mul3A_1343 = arith.muli %add3A_1080, %mul3A_1342 : i32
        %add3A_1344 = arith.constant 768 : i32
        %add3A_1345 = arith.addi %add3A_1344, %mul3A_1343 : i32
        %add3A_1346 = arith.constant 13 : i32
        %add3A_1347 = arith.addi %add3A_1345, %add3A_1346 : i32
        %get3A_1348 = arith.index_cast %add3A_1347 : i32 to index
        %get3A_1349 = memref.load %arg1[%get3A_1348] : memref<1024xi32, #tpu.memory_space<smem>>
        %dma_start3A_1350 = arith.constant 0 : i32
        %dma_start3A_1351 = arith.constant 13 : i32
        %dma_start3A_1352 = arith.constant 0 : i32
        %dma_start3A_1353 = tpu.memref_slice %arg8[%dma_start3A_1352] : memref<2x!tpu.dma_semaphore, #tpu.memory_space<semaphore_mem>> -> memref<1x!tpu.dma_semaphore, #tpu.memory_space<semaphore_mem>>
        %dma_start3A_1354 = tpu.memref_squeeze %dma_start3A_1353 : memref<1x!tpu.dma_semaphore, #tpu.memory_space<semaphore_mem>> -> memref<!tpu.dma_semaphore, #tpu.memory_space<semaphore_mem>>
        %dma_start3A_1355 = arith.constant 0 : i32
        %dma_start3A_1356 = tpu.memref_slice %arg6[%dma_start3A_1350, %dma_start3A_1351, %dma_start3A_1355] : memref<2x16x8192xf32, #tpu.memory_space<vmem>> -> memref<1x1x8192xf32, #tpu.memory_space<vmem>>
        %dma_start3A_1357 = tpu.memref_squeeze %dma_start3A_1356 : memref<1x1x8192xf32, #tpu.memory_space<vmem>> -> memref<8192xf32, #tpu.memory_space<vmem>>
        %dma_start3A_1358 = arith.constant 0 : i32
        %dma_start3A_1359 = tpu.memref_slice %arg3[%get3A_1349, %dma_start3A_1358] : memref<1000x8192xf32, #tpu.memory_space<any>> -> memref<1x8192xf32, #tpu.memory_space<any>>
        %dma_start3A_1360 = tpu.memref_squeeze %dma_start3A_1359 : memref<1x8192xf32, #tpu.memory_space<any>> -> memref<8192xf32, #tpu.memory_space<any>>
        tpu.enqueue_dma source(%dma_start3A_1360 : memref<8192xf32, #tpu.memory_space<any>>) target(%dma_start3A_1357 : memref<8192xf32, #tpu.memory_space<vmem>>) target_semaphore(%dma_start3A_1354 : memref<!tpu.dma_semaphore, #tpu.memory_space<semaphore_mem>>)
        %mul3A_1361 = arith.constant 16 : i32
        %mul3A_1362 = arith.muli %add3A_1080, %mul3A_1361 : i32
        %add3A_1363 = arith.constant 768 : i32
        %add3A_1364 = arith.addi %add3A_1363, %mul3A_1362 : i32
        %add3A_1365 = arith.constant 14 : i32
        %add3A_1366 = arith.addi %add3A_1364, %add3A_1365 : i32
        %get3A_1367 = arith.index_cast %add3A_1366 : i32 to index
        %get3A_1368 = memref.load %arg1[%get3A_1367] : memref<1024xi32, #tpu.memory_space<smem>>
        %dma_start3A_1369 = arith.constant 0 : i32
        %dma_start3A_1370 = arith.constant 14 : i32
        %dma_start3A_1371 = arith.constant 0 : i32
        %dma_start3A_1372 = tpu.memref_slice %arg8[%dma_start3A_1371] : memref<2x!tpu.dma_semaphore, #tpu.memory_space<semaphore_mem>> -> memref<1x!tpu.dma_semaphore, #tpu.memory_space<semaphore_mem>>
        %dma_start3A_1373 = tpu.memref_squeeze %dma_start3A_1372 : memref<1x!tpu.dma_semaphore, #tpu.memory_space<semaphore_mem>> -> memref<!tpu.dma_semaphore, #tpu.memory_space<semaphore_mem>>
        %dma_start3A_1374 = arith.constant 0 : i32
        %dma_start3A_1375 = tpu.memref_slice %arg6[%dma_start3A_1369, %dma_start3A_1370, %dma_start3A_1374] : memref<2x16x8192xf32, #tpu.memory_space<vmem>> -> memref<1x1x8192xf32, #tpu.memory_space<vmem>>
        %dma_start3A_1376 = tpu.memref_squeeze %dma_start3A_1375 : memref<1x1x8192xf32, #tpu.memory_space<vmem>> -> memref<8192xf32, #tpu.memory_space<vmem>>
        %dma_start3A_1377 = arith.constant 0 : i32
        %dma_start3A_1378 = tpu.memref_slice %arg3[%get3A_1368, %dma_start3A_1377] : memref<1000x8192xf32, #tpu.memory_space<any>> -> memref<1x8192xf32, #tpu.memory_space<any>>
        %dma_start3A_1379 = tpu.memref_squeeze %dma_start3A_1378 : memref<1x8192xf32, #tpu.memory_space<any>> -> memref<8192xf32, #tpu.memory_space<any>>
        tpu.enqueue_dma source(%dma_start3A_1379 : memref<8192xf32, #tpu.memory_space<any>>) target(%dma_start3A_1376 : memref<8192xf32, #tpu.memory_space<vmem>>) target_semaphore(%dma_start3A_1373 : memref<!tpu.dma_semaphore, #tpu.memory_space<semaphore_mem>>)
        %mul3A_1380 = arith.constant 16 : i32
        %mul3A_1381 = arith.muli %add3A_1080, %mul3A_1380 : i32
        %add3A_1382 = arith.constant 768 : i32
        %add3A_1383 = arith.addi %add3A_1382, %mul3A_1381 : i32
        %add3A_1384 = arith.constant 15 : i32
        %add3A_1385 = arith.addi %add3A_1383, %add3A_1384 : i32
        %get3A_1386 = arith.index_cast %add3A_1385 : i32 to index
        %get3A_1387 = memref.load %arg1[%get3A_1386] : memref<1024xi32, #tpu.memory_space<smem>>
        %dma_start3A_1388 = arith.constant 0 : i32
        %dma_start3A_1389 = arith.constant 15 : i32
        %dma_start3A_1390 = arith.constant 0 : i32
        %dma_start3A_1391 = tpu.memref_slice %arg8[%dma_start3A_1390] : memref<2x!tpu.dma_semaphore, #tpu.memory_space<semaphore_mem>> -> memref<1x!tpu.dma_semaphore, #tpu.memory_space<semaphore_mem>>
        %dma_start3A_1392 = tpu.memref_squeeze %dma_start3A_1391 : memref<1x!tpu.dma_semaphore, #tpu.memory_space<semaphore_mem>> -> memref<!tpu.dma_semaphore, #tpu.memory_space<semaphore_mem>>
        %dma_start3A_1393 = arith.constant 0 : i32
        %dma_start3A_1394 = tpu.memref_slice %arg6[%dma_start3A_1388, %dma_start3A_1389, %dma_start3A_1393] : memref<2x16x8192xf32, #tpu.memory_space<vmem>> -> memref<1x1x8192xf32, #tpu.memory_space<vmem>>
        %dma_start3A_1395 = tpu.memref_squeeze %dma_start3A_1394 : memref<1x1x8192xf32, #tpu.memory_space<vmem>> -> memref<8192xf32, #tpu.memory_space<vmem>>
        %dma_start3A_1396 = arith.constant 0 : i32
        %dma_start3A_1397 = tpu.memref_slice %arg3[%get3A_1387, %dma_start3A_1396] : memref<1000x8192xf32, #tpu.memory_space<any>> -> memref<1x8192xf32, #tpu.memory_space<any>>
        %dma_start3A_1398 = tpu.memref_squeeze %dma_start3A_1397 : memref<1x8192xf32, #tpu.memory_space<any>> -> memref<8192xf32, #tpu.memory_space<any>>
        tpu.enqueue_dma source(%dma_start3A_1398 : memref<8192xf32, #tpu.memory_space<any>>) target(%dma_start3A_1395 : memref<8192xf32, #tpu.memory_space<vmem>>) target_semaphore(%dma_start3A_1392 : memref<!tpu.dma_semaphore, #tpu.memory_space<semaphore_mem>>)
      } else {
      }
      %mul3A_761 = arith.constant 2 : i32
      %mul3A_762 = arith.muli %scan3A_448, %mul3A_761 : i32
      %add3A_763 = arith.constant 1 : i32
      %add3A_764 = arith.addi %mul3A_762, %add3A_763 : i32
      %dma_wait3A_765 = arith.constant 1 : i32
      %dma_wait3A_766 = arith.constant 1 : i32
      %dma_wait3A_767 = tpu.memref_slice %arg7[%dma_wait3A_766] : memref<2x!tpu.dma_semaphore, #tpu.memory_space<semaphore_mem>> -> memref<1x!tpu.dma_semaphore, #tpu.memory_space<semaphore_mem>>
      %dma_wait3A_768 = tpu.memref_squeeze %dma_wait3A_767 : memref<1x!tpu.dma_semaphore, #tpu.memory_space<semaphore_mem>> -> memref<!tpu.dma_semaphore, #tpu.memory_space<semaphore_mem>>
      %dma_wait3A_769 = arith.constant 0 : i32
      %dma_wait3A_770 = arith.constant 0 : i32
      %dma_wait3A_771 = tpu.memref_slice %arg5[%dma_wait3A_765, %dma_wait3A_769, %dma_wait3A_770] : memref<2x16x8192xf32, #tpu.memory_space<vmem>> -> memref<1x16x8192xf32, #tpu.memory_space<vmem>>
      %dma_wait3A_772 = tpu.memref_squeeze %dma_wait3A_771 : memref<1x16x8192xf32, #tpu.memory_space<vmem>> -> memref<16x8192xf32, #tpu.memory_space<vmem>>
      %dma_wait3A_773 = arith.constant 0 : i32
      %dma_wait3A_774 = arith.constant 0 : i32
      %dma_wait3A_775 = tpu.memref_slice %arg2[%dma_wait3A_773, %dma_wait3A_774] : memref<1024x8192xf32, #tpu.memory_space<any>> -> memref<16x8192xf32, #tpu.memory_space<any>>
      tpu.wait_dma2 semaphore(%dma_wait3A_768 : memref<!tpu.dma_semaphore, #tpu.memory_space<semaphore_mem>>) src(%dma_wait3A_775 : memref<16x8192xf32, #tpu.memory_space<any>>) dst(%dma_wait3A_772 : memref<16x8192xf32, #tpu.memory_space<vmem>>)
      %dma_wait3A_776 = arith.constant 0 : i32
      %dma_wait3A_777 = arith.constant 1 : i32
      %dma_wait3A_778 = arith.constant 0 : i32
      %dma_wait3A_779 = arith.constant 1 : i32
      %dma_wait3A_780 = tpu.memref_slice %arg8[%dma_wait3A_779] : memref<2x!tpu.dma_semaphore, #tpu.memory_space<semaphore_mem>> -> memref<1x!tpu.dma_semaphore, #tpu.memory_space<semaphore_mem>>
      %dma_wait3A_781 = tpu.memref_squeeze %dma_wait3A_780 : memref<1x!tpu.dma_semaphore, #tpu.memory_space<semaphore_mem>> -> memref<!tpu.dma_semaphore, #tpu.memory_space<semaphore_mem>>
      %dma_wait3A_782 = arith.constant 0 : i32
      %dma_wait3A_783 = tpu.memref_slice %arg6[%dma_wait3A_777, %dma_wait3A_778, %dma_wait3A_782] : memref<2x16x8192xf32, #tpu.memory_space<vmem>> -> memref<1x1x8192xf32, #tpu.memory_space<vmem>>
      %dma_wait3A_784 = tpu.memref_squeeze %dma_wait3A_783 : memref<1x1x8192xf32, #tpu.memory_space<vmem>> -> memref<8192xf32, #tpu.memory_space<vmem>>
      %dma_wait3A_785 = arith.constant 0 : i32
      %dma_wait3A_786 = tpu.memref_slice %arg3[%dma_wait3A_776, %dma_wait3A_785] : memref<1000x8192xf32, #tpu.memory_space<any>> -> memref<1x8192xf32, #tpu.memory_space<any>>
      %dma_wait3A_787 = tpu.memref_squeeze %dma_wait3A_786 : memref<1x8192xf32, #tpu.memory_space<any>> -> memref<8192xf32, #tpu.memory_space<any>>
      tpu.wait_dma2 semaphore(%dma_wait3A_781 : memref<!tpu.dma_semaphore, #tpu.memory_space<semaphore_mem>>) src(%dma_wait3A_787 : memref<8192xf32, #tpu.memory_space<any>>) dst(%dma_wait3A_784 : memref<8192xf32, #tpu.memory_space<vmem>>)
      %dma_wait3A_788 = arith.constant 0 : i32
      %dma_wait3A_789 = arith.constant 1 : i32
      %dma_wait3A_790 = arith.constant 1 : i32
      %dma_wait3A_791 = arith.constant 1 : i32
      %dma_wait3A_792 = tpu.memref_slice %arg8[%dma_wait3A_791] : memref<2x!tpu.dma_semaphore, #tpu.memory_space<semaphore_mem>> -> memref<1x!tpu.dma_semaphore, #tpu.memory_space<semaphore_mem>>
      %dma_wait3A_793 = tpu.memref_squeeze %dma_wait3A_792 : memref<1x!tpu.dma_semaphore, #tpu.memory_space<semaphore_mem>> -> memref<!tpu.dma_semaphore, #tpu.memory_space<semaphore_mem>>
      %dma_wait3A_794 = arith.constant 0 : i32
      %dma_wait3A_795 = tpu.memref_slice %arg6[%dma_wait3A_789, %dma_wait3A_790, %dma_wait3A_794] : memref<2x16x8192xf32, #tpu.memory_space<vmem>> -> memref<1x1x8192xf32, #tpu.memory_space<vmem>>
      %dma_wait3A_796 = tpu.memref_squeeze %dma_wait3A_795 : memref<1x1x8192xf32, #tpu.memory_space<vmem>> -> memref<8192xf32, #tpu.memory_space<vmem>>
      %dma_wait3A_797 = arith.constant 0 : i32
      %dma_wait3A_798 = tpu.memref_slice %arg3[%dma_wait3A_788, %dma_wait3A_797] : memref<1000x8192xf32, #tpu.memory_space<any>> -> memref<1x8192xf32, #tpu.memory_space<any>>
      %dma_wait3A_799 = tpu.memref_squeeze %dma_wait3A_798 : memref<1x8192xf32, #tpu.memory_space<any>> -> memref<8192xf32, #tpu.memory_space<any>>
      tpu.wait_dma2 semaphore(%dma_wait3A_793 : memref<!tpu.dma_semaphore, #tpu.memory_space<semaphore_mem>>) src(%dma_wait3A_799 : memref<8192xf32, #tpu.memory_space<any>>) dst(%dma_wait3A_796 : memref<8192xf32, #tpu.memory_space<vmem>>)
      %dma_wait3A_800 = arith.constant 0 : i32
      %dma_wait3A_801 = arith.constant 1 : i32
      %dma_wait3A_802 = arith.constant 2 : i32
      %dma_wait3A_803 = arith.constant 1 : i32
      %dma_wait3A_804 = tpu.memref_slice %arg8[%dma_wait3A_803] : memref<2x!tpu.dma_semaphore, #tpu.memory_space<semaphore_mem>> -> memref<1x!tpu.dma_semaphore, #tpu.memory_space<semaphore_mem>>
      %dma_wait3A_805 = tpu.memref_squeeze %dma_wait3A_804 : memref<1x!tpu.dma_semaphore, #tpu.memory_space<semaphore_mem>> -> memref<!tpu.dma_semaphore, #tpu.memory_space<semaphore_mem>>
      %dma_wait3A_806 = arith.constant 0 : i32
      %dma_wait3A_807 = tpu.memref_slice %arg6[%dma_wait3A_801, %dma_wait3A_802, %dma_wait3A_806] : memref<2x16x8192xf32, #tpu.memory_space<vmem>> -> memref<1x1x8192xf32, #tpu.memory_space<vmem>>
      %dma_wait3A_808 = tpu.memref_squeeze %dma_wait3A_807 : memref<1x1x8192xf32, #tpu.memory_space<vmem>> -> memref<8192xf32, #tpu.memory_space<vmem>>
      %dma_wait3A_809 = arith.constant 0 : i32
      %dma_wait3A_810 = tpu.memref_slice %arg3[%dma_wait3A_800, %dma_wait3A_809] : memref<1000x8192xf32, #tpu.memory_space<any>> -> memref<1x8192xf32, #tpu.memory_space<any>>
      %dma_wait3A_811 = tpu.memref_squeeze %dma_wait3A_810 : memref<1x8192xf32, #tpu.memory_space<any>> -> memref<8192xf32, #tpu.memory_space<any>>
      tpu.wait_dma2 semaphore(%dma_wait3A_805 : memref<!tpu.dma_semaphore, #tpu.memory_space<semaphore_mem>>) src(%dma_wait3A_811 : memref<8192xf32, #tpu.memory_space<any>>) dst(%dma_wait3A_808 : memref<8192xf32, #tpu.memory_space<vmem>>)
      %dma_wait3A_812 = arith.constant 0 : i32
      %dma_wait3A_813 = arith.constant 1 : i32
      %dma_wait3A_814 = arith.constant 3 : i32
      %dma_wait3A_815 = arith.constant 1 : i32
      %dma_wait3A_816 = tpu.memref_slice %arg8[%dma_wait3A_815] : memref<2x!tpu.dma_semaphore, #tpu.memory_space<semaphore_mem>> -> memref<1x!tpu.dma_semaphore, #tpu.memory_space<semaphore_mem>>
      %dma_wait3A_817 = tpu.memref_squeeze %dma_wait3A_816 : memref<1x!tpu.dma_semaphore, #tpu.memory_space<semaphore_mem>> -> memref<!tpu.dma_semaphore, #tpu.memory_space<semaphore_mem>>
      %dma_wait3A_818 = arith.constant 0 : i32
      %dma_wait3A_819 = tpu.memref_slice %arg6[%dma_wait3A_813, %dma_wait3A_814, %dma_wait3A_818] : memref<2x16x8192xf32, #tpu.memory_space<vmem>> -> memref<1x1x8192xf32, #tpu.memory_space<vmem>>
      %dma_wait3A_820 = tpu.memref_squeeze %dma_wait3A_819 : memref<1x1x8192xf32, #tpu.memory_space<vmem>> -> memref<8192xf32, #tpu.memory_space<vmem>>
      %dma_wait3A_821 = arith.constant 0 : i32
      %dma_wait3A_822 = tpu.memref_slice %arg3[%dma_wait3A_812, %dma_wait3A_821] : memref<1000x8192xf32, #tpu.memory_space<any>> -> memref<1x8192xf32, #tpu.memory_space<any>>
      %dma_wait3A_823 = tpu.memref_squeeze %dma_wait3A_822 : memref<1x8192xf32, #tpu.memory_space<any>> -> memref<8192xf32, #tpu.memory_space<any>>
      tpu.wait_dma2 semaphore(%dma_wait3A_817 : memref<!tpu.dma_semaphore, #tpu.memory_space<semaphore_mem>>) src(%dma_wait3A_823 : memref<8192xf32, #tpu.memory_space<any>>) dst(%dma_wait3A_820 : memref<8192xf32, #tpu.memory_space<vmem>>)
      %dma_wait3A_824 = arith.constant 0 : i32
      %dma_wait3A_825 = arith.constant 1 : i32
      %dma_wait3A_826 = arith.constant 4 : i32
      %dma_wait3A_827 = arith.constant 1 : i32
      %dma_wait3A_828 = tpu.memref_slice %arg8[%dma_wait3A_827] : memref<2x!tpu.dma_semaphore, #tpu.memory_space<semaphore_mem>> -> memref<1x!tpu.dma_semaphore, #tpu.memory_space<semaphore_mem>>
      %dma_wait3A_829 = tpu.memref_squeeze %dma_wait3A_828 : memref<1x!tpu.dma_semaphore, #tpu.memory_space<semaphore_mem>> -> memref<!tpu.dma_semaphore, #tpu.memory_space<semaphore_mem>>
      %dma_wait3A_830 = arith.constant 0 : i32
      %dma_wait3A_831 = tpu.memref_slice %arg6[%dma_wait3A_825, %dma_wait3A_826, %dma_wait3A_830] : memref<2x16x8192xf32, #tpu.memory_space<vmem>> -> memref<1x1x8192xf32, #tpu.memory_space<vmem>>
      %dma_wait3A_832 = tpu.memref_squeeze %dma_wait3A_831 : memref<1x1x8192xf32, #tpu.memory_space<vmem>> -> memref<8192xf32, #tpu.memory_space<vmem>>
      %dma_wait3A_833 = arith.constant 0 : i32
      %dma_wait3A_834 = tpu.memref_slice %arg3[%dma_wait3A_824, %dma_wait3A_833] : memref<1000x8192xf32, #tpu.memory_space<any>> -> memref<1x8192xf32, #tpu.memory_space<any>>
      %dma_wait3A_835 = tpu.memref_squeeze %dma_wait3A_834 : memref<1x8192xf32, #tpu.memory_space<any>> -> memref<8192xf32, #tpu.memory_space<any>>
      tpu.wait_dma2 semaphore(%dma_wait3A_829 : memref<!tpu.dma_semaphore, #tpu.memory_space<semaphore_mem>>) src(%dma_wait3A_835 : memref<8192xf32, #tpu.memory_space<any>>) dst(%dma_wait3A_832 : memref<8192xf32, #tpu.memory_space<vmem>>)
      %dma_wait3A_836 = arith.constant 0 : i32
      %dma_wait3A_837 = arith.constant 1 : i32
      %dma_wait3A_838 = arith.constant 5 : i32
      %dma_wait3A_839 = arith.constant 1 : i32
      %dma_wait3A_840 = tpu.memref_slice %arg8[%dma_wait3A_839] : memref<2x!tpu.dma_semaphore, #tpu.memory_space<semaphore_mem>> -> memref<1x!tpu.dma_semaphore, #tpu.memory_space<semaphore_mem>>
      %dma_wait3A_841 = tpu.memref_squeeze %dma_wait3A_840 : memref<1x!tpu.dma_semaphore, #tpu.memory_space<semaphore_mem>> -> memref<!tpu.dma_semaphore, #tpu.memory_space<semaphore_mem>>
      %dma_wait3A_842 = arith.constant 0 : i32
      %dma_wait3A_843 = tpu.memref_slice %arg6[%dma_wait3A_837, %dma_wait3A_838, %dma_wait3A_842] : memref<2x16x8192xf32, #tpu.memory_space<vmem>> -> memref<1x1x8192xf32, #tpu.memory_space<vmem>>
      %dma_wait3A_844 = tpu.memref_squeeze %dma_wait3A_843 : memref<1x1x8192xf32, #tpu.memory_space<vmem>> -> memref<8192xf32, #tpu.memory_space<vmem>>
      %dma_wait3A_845 = arith.constant 0 : i32
      %dma_wait3A_846 = tpu.memref_slice %arg3[%dma_wait3A_836, %dma_wait3A_845] : memref<1000x8192xf32, #tpu.memory_space<any>> -> memref<1x8192xf32, #tpu.memory_space<any>>
      %dma_wait3A_847 = tpu.memref_squeeze %dma_wait3A_846 : memref<1x8192xf32, #tpu.memory_space<any>> -> memref<8192xf32, #tpu.memory_space<any>>
      tpu.wait_dma2 semaphore(%dma_wait3A_841 : memref<!tpu.dma_semaphore, #tpu.memory_space<semaphore_mem>>) src(%dma_wait3A_847 : memref<8192xf32, #tpu.memory_space<any>>) dst(%dma_wait3A_844 : memref<8192xf32, #tpu.memory_space<vmem>>)
      %dma_wait3A_848 = arith.constant 0 : i32
      %dma_wait3A_849 = arith.constant 1 : i32
      %dma_wait3A_850 = arith.constant 6 : i32
      %dma_wait3A_851 = arith.constant 1 : i32
      %dma_wait3A_852 = tpu.memref_slice %arg8[%dma_wait3A_851] : memref<2x!tpu.dma_semaphore, #tpu.memory_space<semaphore_mem>> -> memref<1x!tpu.dma_semaphore, #tpu.memory_space<semaphore_mem>>
      %dma_wait3A_853 = tpu.memref_squeeze %dma_wait3A_852 : memref<1x!tpu.dma_semaphore, #tpu.memory_space<semaphore_mem>> -> memref<!tpu.dma_semaphore, #tpu.memory_space<semaphore_mem>>
      %dma_wait3A_854 = arith.constant 0 : i32
      %dma_wait3A_855 = tpu.memref_slice %arg6[%dma_wait3A_849, %dma_wait3A_850, %dma_wait3A_854] : memref<2x16x8192xf32, #tpu.memory_space<vmem>> -> memref<1x1x8192xf32, #tpu.memory_space<vmem>>
      %dma_wait3A_856 = tpu.memref_squeeze %dma_wait3A_855 : memref<1x1x8192xf32, #tpu.memory_space<vmem>> -> memref<8192xf32, #tpu.memory_space<vmem>>
      %dma_wait3A_857 = arith.constant 0 : i32
      %dma_wait3A_858 = tpu.memref_slice %arg3[%dma_wait3A_848, %dma_wait3A_857] : memref<1000x8192xf32, #tpu.memory_space<any>> -> memref<1x8192xf32, #tpu.memory_space<any>>
      %dma_wait3A_859 = tpu.memref_squeeze %dma_wait3A_858 : memref<1x8192xf32, #tpu.memory_space<any>> -> memref<8192xf32, #tpu.memory_space<any>>
      tpu.wait_dma2 semaphore(%dma_wait3A_853 : memref<!tpu.dma_semaphore, #tpu.memory_space<semaphore_mem>>) src(%dma_wait3A_859 : memref<8192xf32, #tpu.memory_space<any>>) dst(%dma_wait3A_856 : memref<8192xf32, #tpu.memory_space<vmem>>)
      %dma_wait3A_860 = arith.constant 0 : i32
      %dma_wait3A_861 = arith.constant 1 : i32
      %dma_wait3A_862 = arith.constant 7 : i32
      %dma_wait3A_863 = arith.constant 1 : i32
      %dma_wait3A_864 = tpu.memref_slice %arg8[%dma_wait3A_863] : memref<2x!tpu.dma_semaphore, #tpu.memory_space<semaphore_mem>> -> memref<1x!tpu.dma_semaphore, #tpu.memory_space<semaphore_mem>>
      %dma_wait3A_865 = tpu.memref_squeeze %dma_wait3A_864 : memref<1x!tpu.dma_semaphore, #tpu.memory_space<semaphore_mem>> -> memref<!tpu.dma_semaphore, #tpu.memory_space<semaphore_mem>>
      %dma_wait3A_866 = arith.constant 0 : i32
      %dma_wait3A_867 = tpu.memref_slice %arg6[%dma_wait3A_861, %dma_wait3A_862, %dma_wait3A_866] : memref<2x16x8192xf32, #tpu.memory_space<vmem>> -> memref<1x1x8192xf32, #tpu.memory_space<vmem>>
      %dma_wait3A_868 = tpu.memref_squeeze %dma_wait3A_867 : memref<1x1x8192xf32, #tpu.memory_space<vmem>> -> memref<8192xf32, #tpu.memory_space<vmem>>
      %dma_wait3A_869 = arith.constant 0 : i32
      %dma_wait3A_870 = tpu.memref_slice %arg3[%dma_wait3A_860, %dma_wait3A_869] : memref<1000x8192xf32, #tpu.memory_space<any>> -> memref<1x8192xf32, #tpu.memory_space<any>>
      %dma_wait3A_871 = tpu.memref_squeeze %dma_wait3A_870 : memref<1x8192xf32, #tpu.memory_space<any>> -> memref<8192xf32, #tpu.memory_space<any>>
      tpu.wait_dma2 semaphore(%dma_wait3A_865 : memref<!tpu.dma_semaphore, #tpu.memory_space<semaphore_mem>>) src(%dma_wait3A_871 : memref<8192xf32, #tpu.memory_space<any>>) dst(%dma_wait3A_868 : memref<8192xf32, #tpu.memory_space<vmem>>)
      %dma_wait3A_872 = arith.constant 0 : i32
      %dma_wait3A_873 = arith.constant 1 : i32
      %dma_wait3A_874 = arith.constant 8 : i32
      %dma_wait3A_875 = arith.constant 1 : i32
      %dma_wait3A_876 = tpu.memref_slice %arg8[%dma_wait3A_875] : memref<2x!tpu.dma_semaphore, #tpu.memory_space<semaphore_mem>> -> memref<1x!tpu.dma_semaphore, #tpu.memory_space<semaphore_mem>>
      %dma_wait3A_877 = tpu.memref_squeeze %dma_wait3A_876 : memref<1x!tpu.dma_semaphore, #tpu.memory_space<semaphore_mem>> -> memref<!tpu.dma_semaphore, #tpu.memory_space<semaphore_mem>>
      %dma_wait3A_878 = arith.constant 0 : i32
      %dma_wait3A_879 = tpu.memref_slice %arg6[%dma_wait3A_873, %dma_wait3A_874, %dma_wait3A_878] : memref<2x16x8192xf32, #tpu.memory_space<vmem>> -> memref<1x1x8192xf32, #tpu.memory_space<vmem>>
      %dma_wait3A_880 = tpu.memref_squeeze %dma_wait3A_879 : memref<1x1x8192xf32, #tpu.memory_space<vmem>> -> memref<8192xf32, #tpu.memory_space<vmem>>
      %dma_wait3A_881 = arith.constant 0 : i32
      %dma_wait3A_882 = tpu.memref_slice %arg3[%dma_wait3A_872, %dma_wait3A_881] : memref<1000x8192xf32, #tpu.memory_space<any>> -> memref<1x8192xf32, #tpu.memory_space<any>>
      %dma_wait3A_883 = tpu.memref_squeeze %dma_wait3A_882 : memref<1x8192xf32, #tpu.memory_space<any>> -> memref<8192xf32, #tpu.memory_space<any>>
      tpu.wait_dma2 semaphore(%dma_wait3A_877 : memref<!tpu.dma_semaphore, #tpu.memory_space<semaphore_mem>>) src(%dma_wait3A_883 : memref<8192xf32, #tpu.memory_space<any>>) dst(%dma_wait3A_880 : memref<8192xf32, #tpu.memory_space<vmem>>)
      %dma_wait3A_884 = arith.constant 0 : i32
      %dma_wait3A_885 = arith.constant 1 : i32
      %dma_wait3A_886 = arith.constant 9 : i32
      %dma_wait3A_887 = arith.constant 1 : i32
      %dma_wait3A_888 = tpu.memref_slice %arg8[%dma_wait3A_887] : memref<2x!tpu.dma_semaphore, #tpu.memory_space<semaphore_mem>> -> memref<1x!tpu.dma_semaphore, #tpu.memory_space<semaphore_mem>>
      %dma_wait3A_889 = tpu.memref_squeeze %dma_wait3A_888 : memref<1x!tpu.dma_semaphore, #tpu.memory_space<semaphore_mem>> -> memref<!tpu.dma_semaphore, #tpu.memory_space<semaphore_mem>>
      %dma_wait3A_890 = arith.constant 0 : i32
      %dma_wait3A_891 = tpu.memref_slice %arg6[%dma_wait3A_885, %dma_wait3A_886, %dma_wait3A_890] : memref<2x16x8192xf32, #tpu.memory_space<vmem>> -> memref<1x1x8192xf32, #tpu.memory_space<vmem>>
      %dma_wait3A_892 = tpu.memref_squeeze %dma_wait3A_891 : memref<1x1x8192xf32, #tpu.memory_space<vmem>> -> memref<8192xf32, #tpu.memory_space<vmem>>
      %dma_wait3A_893 = arith.constant 0 : i32
      %dma_wait3A_894 = tpu.memref_slice %arg3[%dma_wait3A_884, %dma_wait3A_893] : memref<1000x8192xf32, #tpu.memory_space<any>> -> memref<1x8192xf32, #tpu.memory_space<any>>
      %dma_wait3A_895 = tpu.memref_squeeze %dma_wait3A_894 : memref<1x8192xf32, #tpu.memory_space<any>> -> memref<8192xf32, #tpu.memory_space<any>>
      tpu.wait_dma2 semaphore(%dma_wait3A_889 : memref<!tpu.dma_semaphore, #tpu.memory_space<semaphore_mem>>) src(%dma_wait3A_895 : memref<8192xf32, #tpu.memory_space<any>>) dst(%dma_wait3A_892 : memref<8192xf32, #tpu.memory_space<vmem>>)
      %dma_wait3A_896 = arith.constant 0 : i32
      %dma_wait3A_897 = arith.constant 1 : i32
      %dma_wait3A_898 = arith.constant 10 : i32
      %dma_wait3A_899 = arith.constant 1 : i32
      %dma_wait3A_900 = tpu.memref_slice %arg8[%dma_wait3A_899] : memref<2x!tpu.dma_semaphore, #tpu.memory_space<semaphore_mem>> -> memref<1x!tpu.dma_semaphore, #tpu.memory_space<semaphore_mem>>
      %dma_wait3A_901 = tpu.memref_squeeze %dma_wait3A_900 : memref<1x!tpu.dma_semaphore, #tpu.memory_space<semaphore_mem>> -> memref<!tpu.dma_semaphore, #tpu.memory_space<semaphore_mem>>
      %dma_wait3A_902 = arith.constant 0 : i32
      %dma_wait3A_903 = tpu.memref_slice %arg6[%dma_wait3A_897, %dma_wait3A_898, %dma_wait3A_902] : memref<2x16x8192xf32, #tpu.memory_space<vmem>> -> memref<1x1x8192xf32, #tpu.memory_space<vmem>>
      %dma_wait3A_904 = tpu.memref_squeeze %dma_wait3A_903 : memref<1x1x8192xf32, #tpu.memory_space<vmem>> -> memref<8192xf32, #tpu.memory_space<vmem>>
      %dma_wait3A_905 = arith.constant 0 : i32
      %dma_wait3A_906 = tpu.memref_slice %arg3[%dma_wait3A_896, %dma_wait3A_905] : memref<1000x8192xf32, #tpu.memory_space<any>> -> memref<1x8192xf32, #tpu.memory_space<any>>
      %dma_wait3A_907 = tpu.memref_squeeze %dma_wait3A_906 : memref<1x8192xf32, #tpu.memory_space<any>> -> memref<8192xf32, #tpu.memory_space<any>>
      tpu.wait_dma2 semaphore(%dma_wait3A_901 : memref<!tpu.dma_semaphore, #tpu.memory_space<semaphore_mem>>) src(%dma_wait3A_907 : memref<8192xf32, #tpu.memory_space<any>>) dst(%dma_wait3A_904 : memref<8192xf32, #tpu.memory_space<vmem>>)
      %dma_wait3A_908 = arith.constant 0 : i32
      %dma_wait3A_909 = arith.constant 1 : i32
      %dma_wait3A_910 = arith.constant 11 : i32
      %dma_wait3A_911 = arith.constant 1 : i32
      %dma_wait3A_912 = tpu.memref_slice %arg8[%dma_wait3A_911] : memref<2x!tpu.dma_semaphore, #tpu.memory_space<semaphore_mem>> -> memref<1x!tpu.dma_semaphore, #tpu.memory_space<semaphore_mem>>
      %dma_wait3A_913 = tpu.memref_squeeze %dma_wait3A_912 : memref<1x!tpu.dma_semaphore, #tpu.memory_space<semaphore_mem>> -> memref<!tpu.dma_semaphore, #tpu.memory_space<semaphore_mem>>
      %dma_wait3A_914 = arith.constant 0 : i32
      %dma_wait3A_915 = tpu.memref_slice %arg6[%dma_wait3A_909, %dma_wait3A_910, %dma_wait3A_914] : memref<2x16x8192xf32, #tpu.memory_space<vmem>> -> memref<1x1x8192xf32, #tpu.memory_space<vmem>>
      %dma_wait3A_916 = tpu.memref_squeeze %dma_wait3A_915 : memref<1x1x8192xf32, #tpu.memory_space<vmem>> -> memref<8192xf32, #tpu.memory_space<vmem>>
      %dma_wait3A_917 = arith.constant 0 : i32
      %dma_wait3A_918 = tpu.memref_slice %arg3[%dma_wait3A_908, %dma_wait3A_917] : memref<1000x8192xf32, #tpu.memory_space<any>> -> memref<1x8192xf32, #tpu.memory_space<any>>
      %dma_wait3A_919 = tpu.memref_squeeze %dma_wait3A_918 : memref<1x8192xf32, #tpu.memory_space<any>> -> memref<8192xf32, #tpu.memory_space<any>>
      tpu.wait_dma2 semaphore(%dma_wait3A_913 : memref<!tpu.dma_semaphore, #tpu.memory_space<semaphore_mem>>) src(%dma_wait3A_919 : memref<8192xf32, #tpu.memory_space<any>>) dst(%dma_wait3A_916 : memref<8192xf32, #tpu.memory_space<vmem>>)
      %dma_wait3A_920 = arith.constant 0 : i32
      %dma_wait3A_921 = arith.constant 1 : i32
      %dma_wait3A_922 = arith.constant 12 : i32
      %dma_wait3A_923 = arith.constant 1 : i32
      %dma_wait3A_924 = tpu.memref_slice %arg8[%dma_wait3A_923] : memref<2x!tpu.dma_semaphore, #tpu.memory_space<semaphore_mem>> -> memref<1x!tpu.dma_semaphore, #tpu.memory_space<semaphore_mem>>
      %dma_wait3A_925 = tpu.memref_squeeze %dma_wait3A_924 : memref<1x!tpu.dma_semaphore, #tpu.memory_space<semaphore_mem>> -> memref<!tpu.dma_semaphore, #tpu.memory_space<semaphore_mem>>
      %dma_wait3A_926 = arith.constant 0 : i32
      %dma_wait3A_927 = tpu.memref_slice %arg6[%dma_wait3A_921, %dma_wait3A_922, %dma_wait3A_926] : memref<2x16x8192xf32, #tpu.memory_space<vmem>> -> memref<1x1x8192xf32, #tpu.memory_space<vmem>>
      %dma_wait3A_928 = tpu.memref_squeeze %dma_wait3A_927 : memref<1x1x8192xf32, #tpu.memory_space<vmem>> -> memref<8192xf32, #tpu.memory_space<vmem>>
      %dma_wait3A_929 = arith.constant 0 : i32
      %dma_wait3A_930 = tpu.memref_slice %arg3[%dma_wait3A_920, %dma_wait3A_929] : memref<1000x8192xf32, #tpu.memory_space<any>> -> memref<1x8192xf32, #tpu.memory_space<any>>
      %dma_wait3A_931 = tpu.memref_squeeze %dma_wait3A_930 : memref<1x8192xf32, #tpu.memory_space<any>> -> memref<8192xf32, #tpu.memory_space<any>>
      tpu.wait_dma2 semaphore(%dma_wait3A_925 : memref<!tpu.dma_semaphore, #tpu.memory_space<semaphore_mem>>) src(%dma_wait3A_931 : memref<8192xf32, #tpu.memory_space<any>>) dst(%dma_wait3A_928 : memref<8192xf32, #tpu.memory_space<vmem>>)
      %dma_wait3A_932 = arith.constant 0 : i32
      %dma_wait3A_933 = arith.constant 1 : i32
      %dma_wait3A_934 = arith.constant 13 : i32
      %dma_wait3A_935 = arith.constant 1 : i32
      %dma_wait3A_936 = tpu.memref_slice %arg8[%dma_wait3A_935] : memref<2x!tpu.dma_semaphore, #tpu.memory_space<semaphore_mem>> -> memref<1x!tpu.dma_semaphore, #tpu.memory_space<semaphore_mem>>
      %dma_wait3A_937 = tpu.memref_squeeze %dma_wait3A_936 : memref<1x!tpu.dma_semaphore, #tpu.memory_space<semaphore_mem>> -> memref<!tpu.dma_semaphore, #tpu.memory_space<semaphore_mem>>
      %dma_wait3A_938 = arith.constant 0 : i32
      %dma_wait3A_939 = tpu.memref_slice %arg6[%dma_wait3A_933, %dma_wait3A_934, %dma_wait3A_938] : memref<2x16x8192xf32, #tpu.memory_space<vmem>> -> memref<1x1x8192xf32, #tpu.memory_space<vmem>>
      %dma_wait3A_940 = tpu.memref_squeeze %dma_wait3A_939 : memref<1x1x8192xf32, #tpu.memory_space<vmem>> -> memref<8192xf32, #tpu.memory_space<vmem>>
      %dma_wait3A_941 = arith.constant 0 : i32
      %dma_wait3A_942 = tpu.memref_slice %arg3[%dma_wait3A_932, %dma_wait3A_941] : memref<1000x8192xf32, #tpu.memory_space<any>> -> memref<1x8192xf32, #tpu.memory_space<any>>
      %dma_wait3A_943 = tpu.memref_squeeze %dma_wait3A_942 : memref<1x8192xf32, #tpu.memory_space<any>> -> memref<8192xf32, #tpu.memory_space<any>>
      tpu.wait_dma2 semaphore(%dma_wait3A_937 : memref<!tpu.dma_semaphore, #tpu.memory_space<semaphore_mem>>) src(%dma_wait3A_943 : memref<8192xf32, #tpu.memory_space<any>>) dst(%dma_wait3A_940 : memref<8192xf32, #tpu.memory_space<vmem>>)
      %dma_wait3A_944 = arith.constant 0 : i32
      %dma_wait3A_945 = arith.constant 1 : i32
      %dma_wait3A_946 = arith.constant 14 : i32
      %dma_wait3A_947 = arith.constant 1 : i32
      %dma_wait3A_948 = tpu.memref_slice %arg8[%dma_wait3A_947] : memref<2x!tpu.dma_semaphore, #tpu.memory_space<semaphore_mem>> -> memref<1x!tpu.dma_semaphore, #tpu.memory_space<semaphore_mem>>
      %dma_wait3A_949 = tpu.memref_squeeze %dma_wait3A_948 : memref<1x!tpu.dma_semaphore, #tpu.memory_space<semaphore_mem>> -> memref<!tpu.dma_semaphore, #tpu.memory_space<semaphore_mem>>
      %dma_wait3A_950 = arith.constant 0 : i32
      %dma_wait3A_951 = tpu.memref_slice %arg6[%dma_wait3A_945, %dma_wait3A_946, %dma_wait3A_950] : memref<2x16x8192xf32, #tpu.memory_space<vmem>> -> memref<1x1x8192xf32, #tpu.memory_space<vmem>>
      %dma_wait3A_952 = tpu.memref_squeeze %dma_wait3A_951 : memref<1x1x8192xf32, #tpu.memory_space<vmem>> -> memref<8192xf32, #tpu.memory_space<vmem>>
      %dma_wait3A_953 = arith.constant 0 : i32
      %dma_wait3A_954 = tpu.memref_slice %arg3[%dma_wait3A_944, %dma_wait3A_953] : memref<1000x8192xf32, #tpu.memory_space<any>> -> memref<1x8192xf32, #tpu.memory_space<any>>
      %dma_wait3A_955 = tpu.memref_squeeze %dma_wait3A_954 : memref<1x8192xf32, #tpu.memory_space<any>> -> memref<8192xf32, #tpu.memory_space<any>>
      tpu.wait_dma2 semaphore(%dma_wait3A_949 : memref<!tpu.dma_semaphore, #tpu.memory_space<semaphore_mem>>) src(%dma_wait3A_955 : memref<8192xf32, #tpu.memory_space<any>>) dst(%dma_wait3A_952 : memref<8192xf32, #tpu.memory_space<vmem>>)
      %dma_wait3A_956 = arith.constant 0 : i32
      %dma_wait3A_957 = arith.constant 1 : i32
      %dma_wait3A_958 = arith.constant 15 : i32
      %dma_wait3A_959 = arith.constant 1 : i32
      %dma_wait3A_960 = tpu.memref_slice %arg8[%dma_wait3A_959] : memref<2x!tpu.dma_semaphore, #tpu.memory_space<semaphore_mem>> -> memref<1x!tpu.dma_semaphore, #tpu.memory_space<semaphore_mem>>
      %dma_wait3A_961 = tpu.memref_squeeze %dma_wait3A_960 : memref<1x!tpu.dma_semaphore, #tpu.memory_space<semaphore_mem>> -> memref<!tpu.dma_semaphore, #tpu.memory_space<semaphore_mem>>
      %dma_wait3A_962 = arith.constant 0 : i32
      %dma_wait3A_963 = tpu.memref_slice %arg6[%dma_wait3A_957, %dma_wait3A_958, %dma_wait3A_962] : memref<2x16x8192xf32, #tpu.memory_space<vmem>> -> memref<1x1x8192xf32, #tpu.memory_space<vmem>>
      %dma_wait3A_964 = tpu.memref_squeeze %dma_wait3A_963 : memref<1x1x8192xf32, #tpu.memory_space<vmem>> -> memref<8192xf32, #tpu.memory_space<vmem>>
      %dma_wait3A_965 = arith.constant 0 : i32
      %dma_wait3A_966 = tpu.memref_slice %arg3[%dma_wait3A_956, %dma_wait3A_965] : memref<1000x8192xf32, #tpu.memory_space<any>> -> memref<1x8192xf32, #tpu.memory_space<any>>
      %dma_wait3A_967 = tpu.memref_squeeze %dma_wait3A_966 : memref<1x8192xf32, #tpu.memory_space<any>> -> memref<8192xf32, #tpu.memory_space<any>>
      tpu.wait_dma2 semaphore(%dma_wait3A_961 : memref<!tpu.dma_semaphore, #tpu.memory_space<semaphore_mem>>) src(%dma_wait3A_967 : memref<8192xf32, #tpu.memory_space<any>>) dst(%dma_wait3A_964 : memref<8192xf32, #tpu.memory_space<vmem>>)
      %get3A_968 = arith.constant 1 : index
      %get3A_969 = arith.constant 0 : index
      %get3A_970 = arith.constant 0 : index
      %get3A_971 = vector.load %arg5[%get3A_968, %get3A_969, %get3A_970] : memref<2x16x8192xf32, #tpu.memory_space<vmem>>, vector<1x16x1024xf32>
      %get3A_972 = vector.shape_cast %get3A_971 : vector<1x16x1024xf32> to vector<16x1024xf32>
      %get3A_973 = arith.constant 1 : index
      %get3A_974 = arith.constant 0 : index
      %get3A_975 = arith.constant 0 : index
      %get3A_976 = vector.load %arg6[%get3A_973, %get3A_974, %get3A_975] : memref<2x16x8192xf32, #tpu.memory_space<vmem>>, vector<1x16x1024xf32>
      %get3A_977 = vector.shape_cast %get3A_976 : vector<1x16x1024xf32> to vector<16x1024xf32>
      %sub3A_978 = arith.subf %get3A_972, %get3A_977 : vector<16x1024xf32>
      %mul3A_979 = arith.mulf %sub3A_978, %sub3A_978 : vector<16x1024xf32>
      %add3A_980 = arith.addf %add3A_756, %mul3A_979 : vector<16x1024xf32>
      %get3A_981 = arith.constant 1 : index
      %get3A_982 = arith.constant 0 : index
      %get3A_983 = arith.constant 1024 : index
      %get3A_984 = vector.load %arg5[%get3A_981, %get3A_982, %get3A_983] : memref<2x16x8192xf32, #tpu.memory_space<vmem>>, vector<1x16x1024xf32>
      %get3A_985 = vector.shape_cast %get3A_984 : vector<1x16x1024xf32> to vector<16x1024xf32>
      %get3A_986 = arith.constant 1 : index
      %get3A_987 = arith.constant 0 : index
      %get3A_988 = arith.constant 1024 : index
      %get3A_989 = vector.load %arg6[%get3A_986, %get3A_987, %get3A_988] : memref<2x16x8192xf32, #tpu.memory_space<vmem>>, vector<1x16x1024xf32>
      %get3A_990 = vector.shape_cast %get3A_989 : vector<1x16x1024xf32> to vector<16x1024xf32>
      %sub3A_991 = arith.subf %get3A_985, %get3A_990 : vector<16x1024xf32>
      %mul3A_992 = arith.mulf %sub3A_991, %sub3A_991 : vector<16x1024xf32>
      %add3A_993 = arith.addf %add3A_980, %mul3A_992 : vector<16x1024xf32>
      %get3A_994 = arith.constant 1 : index
      %get3A_995 = arith.constant 0 : index
      %get3A_996 = arith.constant 2048 : index
      %get3A_997 = vector.load %arg5[%get3A_994, %get3A_995, %get3A_996] : memref<2x16x8192xf32, #tpu.memory_space<vmem>>, vector<1x16x1024xf32>
      %get3A_998 = vector.shape_cast %get3A_997 : vector<1x16x1024xf32> to vector<16x1024xf32>
      %get3A_999 = arith.constant 1 : index
      %get3A_1000 = arith.constant 0 : index
      %get3A_1001 = arith.constant 2048 : index
      %get3A_1002 = vector.load %arg6[%get3A_999, %get3A_1000, %get3A_1001] : memref<2x16x8192xf32, #tpu.memory_space<vmem>>, vector<1x16x1024xf32>
      %get3A_1003 = vector.shape_cast %get3A_1002 : vector<1x16x1024xf32> to vector<16x1024xf32>
      %sub3A_1004 = arith.subf %get3A_998, %get3A_1003 : vector<16x1024xf32>
      %mul3A_1005 = arith.mulf %sub3A_1004, %sub3A_1004 : vector<16x1024xf32>
      %add3A_1006 = arith.addf %add3A_993, %mul3A_1005 : vector<16x1024xf32>
      %get3A_1007 = arith.constant 1 : index
      %get3A_1008 = arith.constant 0 : index
      %get3A_1009 = arith.constant 3072 : index
      %get3A_1010 = vector.load %arg5[%get3A_1007, %get3A_1008, %get3A_1009] : memref<2x16x8192xf32, #tpu.memory_space<vmem>>, vector<1x16x1024xf32>
      %get3A_1011 = vector.shape_cast %get3A_1010 : vector<1x16x1024xf32> to vector<16x1024xf32>
      %get3A_1012 = arith.constant 1 : index
      %get3A_1013 = arith.constant 0 : index
      %get3A_1014 = arith.constant 3072 : index
      %get3A_1015 = vector.load %arg6[%get3A_1012, %get3A_1013, %get3A_1014] : memref<2x16x8192xf32, #tpu.memory_space<vmem>>, vector<1x16x1024xf32>
      %get3A_1016 = vector.shape_cast %get3A_1015 : vector<1x16x1024xf32> to vector<16x1024xf32>
      %sub3A_1017 = arith.subf %get3A_1011, %get3A_1016 : vector<16x1024xf32>
      %mul3A_1018 = arith.mulf %sub3A_1017, %sub3A_1017 : vector<16x1024xf32>
      %add3A_1019 = arith.addf %add3A_1006, %mul3A_1018 : vector<16x1024xf32>
      %get3A_1020 = arith.constant 1 : index
      %get3A_1021 = arith.constant 0 : index
      %get3A_1022 = arith.constant 4096 : index
      %get3A_1023 = vector.load %arg5[%get3A_1020, %get3A_1021, %get3A_1022] : memref<2x16x8192xf32, #tpu.memory_space<vmem>>, vector<1x16x1024xf32>
      %get3A_1024 = vector.shape_cast %get3A_1023 : vector<1x16x1024xf32> to vector<16x1024xf32>
      %get3A_1025 = arith.constant 1 : index
      %get3A_1026 = arith.constant 0 : index
      %get3A_1027 = arith.constant 4096 : index
      %get3A_1028 = vector.load %arg6[%get3A_1025, %get3A_1026, %get3A_1027] : memref<2x16x8192xf32, #tpu.memory_space<vmem>>, vector<1x16x1024xf32>
      %get3A_1029 = vector.shape_cast %get3A_1028 : vector<1x16x1024xf32> to vector<16x1024xf32>
      %sub3A_1030 = arith.subf %get3A_1024, %get3A_1029 : vector<16x1024xf32>
      %mul3A_1031 = arith.mulf %sub3A_1030, %sub3A_1030 : vector<16x1024xf32>
      %add3A_1032 = arith.addf %add3A_1019, %mul3A_1031 : vector<16x1024xf32>
      %get3A_1033 = arith.constant 1 : index
      %get3A_1034 = arith.constant 0 : index
      %get3A_1035 = arith.constant 5120 : index
      %get3A_1036 = vector.load %arg5[%get3A_1033, %get3A_1034, %get3A_1035] : memref<2x16x8192xf32, #tpu.memory_space<vmem>>, vector<1x16x1024xf32>
      %get3A_1037 = vector.shape_cast %get3A_1036 : vector<1x16x1024xf32> to vector<16x1024xf32>
      %get3A_1038 = arith.constant 1 : index
      %get3A_1039 = arith.constant 0 : index
      %get3A_1040 = arith.constant 5120 : index
      %get3A_1041 = vector.load %arg6[%get3A_1038, %get3A_1039, %get3A_1040] : memref<2x16x8192xf32, #tpu.memory_space<vmem>>, vector<1x16x1024xf32>
      %get3A_1042 = vector.shape_cast %get3A_1041 : vector<1x16x1024xf32> to vector<16x1024xf32>
      %sub3A_1043 = arith.subf %get3A_1037, %get3A_1042 : vector<16x1024xf32>
      %mul3A_1044 = arith.mulf %sub3A_1043, %sub3A_1043 : vector<16x1024xf32>
      %add3A_1045 = arith.addf %add3A_1032, %mul3A_1044 : vector<16x1024xf32>
      %get3A_1046 = arith.constant 1 : index
      %get3A_1047 = arith.constant 0 : index
      %get3A_1048 = arith.constant 6144 : index
      %get3A_1049 = vector.load %arg5[%get3A_1046, %get3A_1047, %get3A_1048] : memref<2x16x8192xf32, #tpu.memory_space<vmem>>, vector<1x16x1024xf32>
      %get3A_1050 = vector.shape_cast %get3A_1049 : vector<1x16x1024xf32> to vector<16x1024xf32>
      %get3A_1051 = arith.constant 1 : index
      %get3A_1052 = arith.constant 0 : index
      %get3A_1053 = arith.constant 6144 : index
      %get3A_1054 = vector.load %arg6[%get3A_1051, %get3A_1052, %get3A_1053] : memref<2x16x8192xf32, #tpu.memory_space<vmem>>, vector<1x16x1024xf32>
      %get3A_1055 = vector.shape_cast %get3A_1054 : vector<1x16x1024xf32> to vector<16x1024xf32>
      %sub3A_1056 = arith.subf %get3A_1050, %get3A_1055 : vector<16x1024xf32>
      %mul3A_1057 = arith.mulf %sub3A_1056, %sub3A_1056 : vector<16x1024xf32>
      %add3A_1058 = arith.addf %add3A_1045, %mul3A_1057 : vector<16x1024xf32>
      %get3A_1059 = arith.constant 1 : index
      %get3A_1060 = arith.constant 0 : index
      %get3A_1061 = arith.constant 7168 : index
      %get3A_1062 = vector.load %arg5[%get3A_1059, %get3A_1060, %get3A_1061] : memref<2x16x8192xf32, #tpu.memory_space<vmem>>, vector<1x16x1024xf32>
      %get3A_1063 = vector.shape_cast %get3A_1062 : vector<1x16x1024xf32> to vector<16x1024xf32>
      %get3A_1064 = arith.constant 1 : index
      %get3A_1065 = arith.constant 0 : index
      %get3A_1066 = arith.constant 7168 : index
      %get3A_1067 = vector.load %arg6[%get3A_1064, %get3A_1065, %get3A_1066] : memref<2x16x8192xf32, #tpu.memory_space<vmem>>, vector<1x16x1024xf32>
      %get3A_1068 = vector.shape_cast %get3A_1067 : vector<1x16x1024xf32> to vector<16x1024xf32>
      %sub3A_1069 = arith.subf %get3A_1063, %get3A_1068 : vector<16x1024xf32>
      %mul3A_1070 = arith.mulf %sub3A_1069, %sub3A_1069 : vector<16x1024xf32>
      %add3A_1071 = arith.addf %add3A_1058, %mul3A_1070 : vector<16x1024xf32>
      %add3A_1072 = arith.constant 2 : i32
      %add3A_1073 = arith.addi %add3A_764, %add3A_1072 : i32
      %lt3A_1074 = arith.constant 16 : i32
      %lt3A_1075 = arith.cmpi slt, %add3A_1073, %lt3A_1074 : i32
      %convert_element_type3A_1076 = arith.extui %lt3A_1075 : i1 to i32
      %cond3A_1077 = arith.constant 0 : i32
      %cond3A_1078 = arith.cmpi ne, %convert_element_type3A_1076, %cond3A_1077 : i32
      scf.if %cond3A_1078 {
        %add3A_1079 = arith.constant 2 : i32
        %add3A_1080 = arith.addi %add3A_764, %add3A_1079 : i32
        %mul3A_1081 = arith.constant 16 : i32
        %mul3A_1082 = arith.muli %add3A_1080, %mul3A_1081 : i32
        %add3A_1083 = arith.constant 768 : i32
        %add3A_1084 = arith.addi %add3A_1083, %mul3A_1082 : i32
        %dma_start3A_1085 = arith.constant 1 : i32
        %dma_start3A_1086 = arith.constant 1 : i32
        %dma_start3A_1087 = tpu.memref_slice %arg7[%dma_start3A_1086] : memref<2x!tpu.dma_semaphore, #tpu.memory_space<semaphore_mem>> -> memref<1x!tpu.dma_semaphore, #tpu.memory_space<semaphore_mem>>
        %dma_start3A_1088 = tpu.memref_squeeze %dma_start3A_1087 : memref<1x!tpu.dma_semaphore, #tpu.memory_space<semaphore_mem>> -> memref<!tpu.dma_semaphore, #tpu.memory_space<semaphore_mem>>
        %dma_start3A_1089 = arith.constant 0 : i32
        %dma_start3A_1090 = arith.constant 0 : i32
        %dma_start3A_1091 = tpu.memref_slice %arg5[%dma_start3A_1085, %dma_start3A_1089, %dma_start3A_1090] : memref<2x16x8192xf32, #tpu.memory_space<vmem>> -> memref<1x16x8192xf32, #tpu.memory_space<vmem>>
        %dma_start3A_1092 = tpu.memref_squeeze %dma_start3A_1091 : memref<1x16x8192xf32, #tpu.memory_space<vmem>> -> memref<16x8192xf32, #tpu.memory_space<vmem>>
        %dma_start3A_1093 = arith.constant 0 : i32
        %dma_start3A_1094 = tpu.memref_slice %arg2[%add3A_1084, %dma_start3A_1093] : memref<1024x8192xf32, #tpu.memory_space<any>> -> memref<16x8192xf32, #tpu.memory_space<any>>
        tpu.enqueue_dma source(%dma_start3A_1094 : memref<16x8192xf32, #tpu.memory_space<any>>) target(%dma_start3A_1092 : memref<16x8192xf32, #tpu.memory_space<vmem>>) target_semaphore(%dma_start3A_1088 : memref<!tpu.dma_semaphore, #tpu.memory_space<semaphore_mem>>)
        %mul3A_1095 = arith.constant 16 : i32
        %mul3A_1096 = arith.muli %add3A_1080, %mul3A_1095 : i32
        %add3A_1097 = arith.constant 768 : i32
        %add3A_1098 = arith.addi %add3A_1097, %mul3A_1096 : i32
        %add3A_1099 = arith.constant 0 : i32
        %add3A_1100 = arith.addi %add3A_1098, %add3A_1099 : i32
        %get3A_1101 = arith.index_cast %add3A_1100 : i32 to index
        %get3A_1102 = memref.load %arg1[%get3A_1101] : memref<1024xi32, #tpu.memory_space<smem>>
        %dma_start3A_1103 = arith.constant 1 : i32
        %dma_start3A_1104 = arith.constant 0 : i32
        %dma_start3A_1105 = arith.constant 1 : i32
        %dma_start3A_1106 = tpu.memref_slice %arg8[%dma_start3A_1105] : memref<2x!tpu.dma_semaphore, #tpu.memory_space<semaphore_mem>> -> memref<1x!tpu.dma_semaphore, #tpu.memory_space<semaphore_mem>>
        %dma_start3A_1107 = tpu.memref_squeeze %dma_start3A_1106 : memref<1x!tpu.dma_semaphore, #tpu.memory_space<semaphore_mem>> -> memref<!tpu.dma_semaphore, #tpu.memory_space<semaphore_mem>>
        %dma_start3A_1108 = arith.constant 0 : i32
        %dma_start3A_1109 = tpu.memref_slice %arg6[%dma_start3A_1103, %dma_start3A_1104, %dma_start3A_1108] : memref<2x16x8192xf32, #tpu.memory_space<vmem>> -> memref<1x1x8192xf32, #tpu.memory_space<vmem>>
        %dma_start3A_1110 = tpu.memref_squeeze %dma_start3A_1109 : memref<1x1x8192xf32, #tpu.memory_space<vmem>> -> memref<8192xf32, #tpu.memory_space<vmem>>
        %dma_start3A_1111 = arith.constant 0 : i32
        %dma_start3A_1112 = tpu.memref_slice %arg3[%get3A_1102, %dma_start3A_1111] : memref<1000x8192xf32, #tpu.memory_space<any>> -> memref<1x8192xf32, #tpu.memory_space<any>>
        %dma_start3A_1113 = tpu.memref_squeeze %dma_start3A_1112 : memref<1x8192xf32, #tpu.memory_space<any>> -> memref<8192xf32, #tpu.memory_space<any>>
        tpu.enqueue_dma source(%dma_start3A_1113 : memref<8192xf32, #tpu.memory_space<any>>) target(%dma_start3A_1110 : memref<8192xf32, #tpu.memory_space<vmem>>) target_semaphore(%dma_start3A_1107 : memref<!tpu.dma_semaphore, #tpu.memory_space<semaphore_mem>>)
        %mul3A_1114 = arith.constant 16 : i32
        %mul3A_1115 = arith.muli %add3A_1080, %mul3A_1114 : i32
        %add3A_1116 = arith.constant 768 : i32
        %add3A_1117 = arith.addi %add3A_1116, %mul3A_1115 : i32
        %add3A_1118 = arith.constant 1 : i32
        %add3A_1119 = arith.addi %add3A_1117, %add3A_1118 : i32
        %get3A_1120 = arith.index_cast %add3A_1119 : i32 to index
        %get3A_1121 = memref.load %arg1[%get3A_1120] : memref<1024xi32, #tpu.memory_space<smem>>
        %dma_start3A_1122 = arith.constant 1 : i32
        %dma_start3A_1123 = arith.constant 1 : i32
        %dma_start3A_1124 = arith.constant 1 : i32
        %dma_start3A_1125 = tpu.memref_slice %arg8[%dma_start3A_1124] : memref<2x!tpu.dma_semaphore, #tpu.memory_space<semaphore_mem>> -> memref<1x!tpu.dma_semaphore, #tpu.memory_space<semaphore_mem>>
        %dma_start3A_1126 = tpu.memref_squeeze %dma_start3A_1125 : memref<1x!tpu.dma_semaphore, #tpu.memory_space<semaphore_mem>> -> memref<!tpu.dma_semaphore, #tpu.memory_space<semaphore_mem>>
        %dma_start3A_1127 = arith.constant 0 : i32
        %dma_start3A_1128 = tpu.memref_slice %arg6[%dma_start3A_1122, %dma_start3A_1123, %dma_start3A_1127] : memref<2x16x8192xf32, #tpu.memory_space<vmem>> -> memref<1x1x8192xf32, #tpu.memory_space<vmem>>
        %dma_start3A_1129 = tpu.memref_squeeze %dma_start3A_1128 : memref<1x1x8192xf32, #tpu.memory_space<vmem>> -> memref<8192xf32, #tpu.memory_space<vmem>>
        %dma_start3A_1130 = arith.constant 0 : i32
        %dma_start3A_1131 = tpu.memref_slice %arg3[%get3A_1121, %dma_start3A_1130] : memref<1000x8192xf32, #tpu.memory_space<any>> -> memref<1x8192xf32, #tpu.memory_space<any>>
        %dma_start3A_1132 = tpu.memref_squeeze %dma_start3A_1131 : memref<1x8192xf32, #tpu.memory_space<any>> -> memref<8192xf32, #tpu.memory_space<any>>
        tpu.enqueue_dma source(%dma_start3A_1132 : memref<8192xf32, #tpu.memory_space<any>>) target(%dma_start3A_1129 : memref<8192xf32, #tpu.memory_space<vmem>>) target_semaphore(%dma_start3A_1126 : memref<!tpu.dma_semaphore, #tpu.memory_space<semaphore_mem>>)
        %mul3A_1133 = arith.constant 16 : i32
        %mul3A_1134 = arith.muli %add3A_1080, %mul3A_1133 : i32
        %add3A_1135 = arith.constant 768 : i32
        %add3A_1136 = arith.addi %add3A_1135, %mul3A_1134 : i32
        %add3A_1137 = arith.constant 2 : i32
        %add3A_1138 = arith.addi %add3A_1136, %add3A_1137 : i32
        %get3A_1139 = arith.index_cast %add3A_1138 : i32 to index
        %get3A_1140 = memref.load %arg1[%get3A_1139] : memref<1024xi32, #tpu.memory_space<smem>>
        %dma_start3A_1141 = arith.constant 1 : i32
        %dma_start3A_1142 = arith.constant 2 : i32
        %dma_start3A_1143 = arith.constant 1 : i32
        %dma_start3A_1144 = tpu.memref_slice %arg8[%dma_start3A_1143] : memref<2x!tpu.dma_semaphore, #tpu.memory_space<semaphore_mem>> -> memref<1x!tpu.dma_semaphore, #tpu.memory_space<semaphore_mem>>
        %dma_start3A_1145 = tpu.memref_squeeze %dma_start3A_1144 : memref<1x!tpu.dma_semaphore, #tpu.memory_space<semaphore_mem>> -> memref<!tpu.dma_semaphore, #tpu.memory_space<semaphore_mem>>
        %dma_start3A_1146 = arith.constant 0 : i32
        %dma_start3A_1147 = tpu.memref_slice %arg6[%dma_start3A_1141, %dma_start3A_1142, %dma_start3A_1146] : memref<2x16x8192xf32, #tpu.memory_space<vmem>> -> memref<1x1x8192xf32, #tpu.memory_space<vmem>>
        %dma_start3A_1148 = tpu.memref_squeeze %dma_start3A_1147 : memref<1x1x8192xf32, #tpu.memory_space<vmem>> -> memref<8192xf32, #tpu.memory_space<vmem>>
        %dma_start3A_1149 = arith.constant 0 : i32
        %dma_start3A_1150 = tpu.memref_slice %arg3[%get3A_1140, %dma_start3A_1149] : memref<1000x8192xf32, #tpu.memory_space<any>> -> memref<1x8192xf32, #tpu.memory_space<any>>
        %dma_start3A_1151 = tpu.memref_squeeze %dma_start3A_1150 : memref<1x8192xf32, #tpu.memory_space<any>> -> memref<8192xf32, #tpu.memory_space<any>>
        tpu.enqueue_dma source(%dma_start3A_1151 : memref<8192xf32, #tpu.memory_space<any>>) target(%dma_start3A_1148 : memref<8192xf32, #tpu.memory_space<vmem>>) target_semaphore(%dma_start3A_1145 : memref<!tpu.dma_semaphore, #tpu.memory_space<semaphore_mem>>)
        %mul3A_1152 = arith.constant 16 : i32
        %mul3A_1153 = arith.muli %add3A_1080, %mul3A_1152 : i32
        %add3A_1154 = arith.constant 768 : i32
        %add3A_1155 = arith.addi %add3A_1154, %mul3A_1153 : i32
        %add3A_1156 = arith.constant 3 : i32
        %add3A_1157 = arith.addi %add3A_1155, %add3A_1156 : i32
        %get3A_1158 = arith.index_cast %add3A_1157 : i32 to index
        %get3A_1159 = memref.load %arg1[%get3A_1158] : memref<1024xi32, #tpu.memory_space<smem>>
        %dma_start3A_1160 = arith.constant 1 : i32
        %dma_start3A_1161 = arith.constant 3 : i32
        %dma_start3A_1162 = arith.constant 1 : i32
        %dma_start3A_1163 = tpu.memref_slice %arg8[%dma_start3A_1162] : memref<2x!tpu.dma_semaphore, #tpu.memory_space<semaphore_mem>> -> memref<1x!tpu.dma_semaphore, #tpu.memory_space<semaphore_mem>>
        %dma_start3A_1164 = tpu.memref_squeeze %dma_start3A_1163 : memref<1x!tpu.dma_semaphore, #tpu.memory_space<semaphore_mem>> -> memref<!tpu.dma_semaphore, #tpu.memory_space<semaphore_mem>>
        %dma_start3A_1165 = arith.constant 0 : i32
        %dma_start3A_1166 = tpu.memref_slice %arg6[%dma_start3A_1160, %dma_start3A_1161, %dma_start3A_1165] : memref<2x16x8192xf32, #tpu.memory_space<vmem>> -> memref<1x1x8192xf32, #tpu.memory_space<vmem>>
        %dma_start3A_1167 = tpu.memref_squeeze %dma_start3A_1166 : memref<1x1x8192xf32, #tpu.memory_space<vmem>> -> memref<8192xf32, #tpu.memory_space<vmem>>
        %dma_start3A_1168 = arith.constant 0 : i32
        %dma_start3A_1169 = tpu.memref_slice %arg3[%get3A_1159, %dma_start3A_1168] : memref<1000x8192xf32, #tpu.memory_space<any>> -> memref<1x8192xf32, #tpu.memory_space<any>>
        %dma_start3A_1170 = tpu.memref_squeeze %dma_start3A_1169 : memref<1x8192xf32, #tpu.memory_space<any>> -> memref<8192xf32, #tpu.memory_space<any>>
        tpu.enqueue_dma source(%dma_start3A_1170 : memref<8192xf32, #tpu.memory_space<any>>) target(%dma_start3A_1167 : memref<8192xf32, #tpu.memory_space<vmem>>) target_semaphore(%dma_start3A_1164 : memref<!tpu.dma_semaphore, #tpu.memory_space<semaphore_mem>>)
        %mul3A_1171 = arith.constant 16 : i32
        %mul3A_1172 = arith.muli %add3A_1080, %mul3A_1171 : i32
        %add3A_1173 = arith.constant 768 : i32
        %add3A_1174 = arith.addi %add3A_1173, %mul3A_1172 : i32
        %add3A_1175 = arith.constant 4 : i32
        %add3A_1176 = arith.addi %add3A_1174, %add3A_1175 : i32
        %get3A_1177 = arith.index_cast %add3A_1176 : i32 to index
        %get3A_1178 = memref.load %arg1[%get3A_1177] : memref<1024xi32, #tpu.memory_space<smem>>
        %dma_start3A_1179 = arith.constant 1 : i32
        %dma_start3A_1180 = arith.constant 4 : i32
        %dma_start3A_1181 = arith.constant 1 : i32
        %dma_start3A_1182 = tpu.memref_slice %arg8[%dma_start3A_1181] : memref<2x!tpu.dma_semaphore, #tpu.memory_space<semaphore_mem>> -> memref<1x!tpu.dma_semaphore, #tpu.memory_space<semaphore_mem>>
        %dma_start3A_1183 = tpu.memref_squeeze %dma_start3A_1182 : memref<1x!tpu.dma_semaphore, #tpu.memory_space<semaphore_mem>> -> memref<!tpu.dma_semaphore, #tpu.memory_space<semaphore_mem>>
        %dma_start3A_1184 = arith.constant 0 : i32
        %dma_start3A_1185 = tpu.memref_slice %arg6[%dma_start3A_1179, %dma_start3A_1180, %dma_start3A_1184] : memref<2x16x8192xf32, #tpu.memory_space<vmem>> -> memref<1x1x8192xf32, #tpu.memory_space<vmem>>
        %dma_start3A_1186 = tpu.memref_squeeze %dma_start3A_1185 : memref<1x1x8192xf32, #tpu.memory_space<vmem>> -> memref<8192xf32, #tpu.memory_space<vmem>>
        %dma_start3A_1187 = arith.constant 0 : i32
        %dma_start3A_1188 = tpu.memref_slice %arg3[%get3A_1178, %dma_start3A_1187] : memref<1000x8192xf32, #tpu.memory_space<any>> -> memref<1x8192xf32, #tpu.memory_space<any>>
        %dma_start3A_1189 = tpu.memref_squeeze %dma_start3A_1188 : memref<1x8192xf32, #tpu.memory_space<any>> -> memref<8192xf32, #tpu.memory_space<any>>
        tpu.enqueue_dma source(%dma_start3A_1189 : memref<8192xf32, #tpu.memory_space<any>>) target(%dma_start3A_1186 : memref<8192xf32, #tpu.memory_space<vmem>>) target_semaphore(%dma_start3A_1183 : memref<!tpu.dma_semaphore, #tpu.memory_space<semaphore_mem>>)
        %mul3A_1190 = arith.constant 16 : i32
        %mul3A_1191 = arith.muli %add3A_1080, %mul3A_1190 : i32
        %add3A_1192 = arith.constant 768 : i32
        %add3A_1193 = arith.addi %add3A_1192, %mul3A_1191 : i32
        %add3A_1194 = arith.constant 5 : i32
        %add3A_1195 = arith.addi %add3A_1193, %add3A_1194 : i32
        %get3A_1196 = arith.index_cast %add3A_1195 : i32 to index
        %get3A_1197 = memref.load %arg1[%get3A_1196] : memref<1024xi32, #tpu.memory_space<smem>>
        %dma_start3A_1198 = arith.constant 1 : i32
        %dma_start3A_1199 = arith.constant 5 : i32
        %dma_start3A_1200 = arith.constant 1 : i32
        %dma_start3A_1201 = tpu.memref_slice %arg8[%dma_start3A_1200] : memref<2x!tpu.dma_semaphore, #tpu.memory_space<semaphore_mem>> -> memref<1x!tpu.dma_semaphore, #tpu.memory_space<semaphore_mem>>
        %dma_start3A_1202 = tpu.memref_squeeze %dma_start3A_1201 : memref<1x!tpu.dma_semaphore, #tpu.memory_space<semaphore_mem>> -> memref<!tpu.dma_semaphore, #tpu.memory_space<semaphore_mem>>
        %dma_start3A_1203 = arith.constant 0 : i32
        %dma_start3A_1204 = tpu.memref_slice %arg6[%dma_start3A_1198, %dma_start3A_1199, %dma_start3A_1203] : memref<2x16x8192xf32, #tpu.memory_space<vmem>> -> memref<1x1x8192xf32, #tpu.memory_space<vmem>>
        %dma_start3A_1205 = tpu.memref_squeeze %dma_start3A_1204 : memref<1x1x8192xf32, #tpu.memory_space<vmem>> -> memref<8192xf32, #tpu.memory_space<vmem>>
        %dma_start3A_1206 = arith.constant 0 : i32
        %dma_start3A_1207 = tpu.memref_slice %arg3[%get3A_1197, %dma_start3A_1206] : memref<1000x8192xf32, #tpu.memory_space<any>> -> memref<1x8192xf32, #tpu.memory_space<any>>
        %dma_start3A_1208 = tpu.memref_squeeze %dma_start3A_1207 : memref<1x8192xf32, #tpu.memory_space<any>> -> memref<8192xf32, #tpu.memory_space<any>>
        tpu.enqueue_dma source(%dma_start3A_1208 : memref<8192xf32, #tpu.memory_space<any>>) target(%dma_start3A_1205 : memref<8192xf32, #tpu.memory_space<vmem>>) target_semaphore(%dma_start3A_1202 : memref<!tpu.dma_semaphore, #tpu.memory_space<semaphore_mem>>)
        %mul3A_1209 = arith.constant 16 : i32
        %mul3A_1210 = arith.muli %add3A_1080, %mul3A_1209 : i32
        %add3A_1211 = arith.constant 768 : i32
        %add3A_1212 = arith.addi %add3A_1211, %mul3A_1210 : i32
        %add3A_1213 = arith.constant 6 : i32
        %add3A_1214 = arith.addi %add3A_1212, %add3A_1213 : i32
        %get3A_1215 = arith.index_cast %add3A_1214 : i32 to index
        %get3A_1216 = memref.load %arg1[%get3A_1215] : memref<1024xi32, #tpu.memory_space<smem>>
        %dma_start3A_1217 = arith.constant 1 : i32
        %dma_start3A_1218 = arith.constant 6 : i32
        %dma_start3A_1219 = arith.constant 1 : i32
        %dma_start3A_1220 = tpu.memref_slice %arg8[%dma_start3A_1219] : memref<2x!tpu.dma_semaphore, #tpu.memory_space<semaphore_mem>> -> memref<1x!tpu.dma_semaphore, #tpu.memory_space<semaphore_mem>>
        %dma_start3A_1221 = tpu.memref_squeeze %dma_start3A_1220 : memref<1x!tpu.dma_semaphore, #tpu.memory_space<semaphore_mem>> -> memref<!tpu.dma_semaphore, #tpu.memory_space<semaphore_mem>>
        %dma_start3A_1222 = arith.constant 0 : i32
        %dma_start3A_1223 = tpu.memref_slice %arg6[%dma_start3A_1217, %dma_start3A_1218, %dma_start3A_1222] : memref<2x16x8192xf32, #tpu.memory_space<vmem>> -> memref<1x1x8192xf32, #tpu.memory_space<vmem>>
        %dma_start3A_1224 = tpu.memref_squeeze %dma_start3A_1223 : memref<1x1x8192xf32, #tpu.memory_space<vmem>> -> memref<8192xf32, #tpu.memory_space<vmem>>
        %dma_start3A_1225 = arith.constant 0 : i32
        %dma_start3A_1226 = tpu.memref_slice %arg3[%get3A_1216, %dma_start3A_1225] : memref<1000x8192xf32, #tpu.memory_space<any>> -> memref<1x8192xf32, #tpu.memory_space<any>>
        %dma_start3A_1227 = tpu.memref_squeeze %dma_start3A_1226 : memref<1x8192xf32, #tpu.memory_space<any>> -> memref<8192xf32, #tpu.memory_space<any>>
        tpu.enqueue_dma source(%dma_start3A_1227 : memref<8192xf32, #tpu.memory_space<any>>) target(%dma_start3A_1224 : memref<8192xf32, #tpu.memory_space<vmem>>) target_semaphore(%dma_start3A_1221 : memref<!tpu.dma_semaphore, #tpu.memory_space<semaphore_mem>>)
        %mul3A_1228 = arith.constant 16 : i32
        %mul3A_1229 = arith.muli %add3A_1080, %mul3A_1228 : i32
        %add3A_1230 = arith.constant 768 : i32
        %add3A_1231 = arith.addi %add3A_1230, %mul3A_1229 : i32
        %add3A_1232 = arith.constant 7 : i32
        %add3A_1233 = arith.addi %add3A_1231, %add3A_1232 : i32
        %get3A_1234 = arith.index_cast %add3A_1233 : i32 to index
        %get3A_1235 = memref.load %arg1[%get3A_1234] : memref<1024xi32, #tpu.memory_space<smem>>
        %dma_start3A_1236 = arith.constant 1 : i32
        %dma_start3A_1237 = arith.constant 7 : i32
        %dma_start3A_1238 = arith.constant 1 : i32
        %dma_start3A_1239 = tpu.memref_slice %arg8[%dma_start3A_1238] : memref<2x!tpu.dma_semaphore, #tpu.memory_space<semaphore_mem>> -> memref<1x!tpu.dma_semaphore, #tpu.memory_space<semaphore_mem>>
        %dma_start3A_1240 = tpu.memref_squeeze %dma_start3A_1239 : memref<1x!tpu.dma_semaphore, #tpu.memory_space<semaphore_mem>> -> memref<!tpu.dma_semaphore, #tpu.memory_space<semaphore_mem>>
        %dma_start3A_1241 = arith.constant 0 : i32
        %dma_start3A_1242 = tpu.memref_slice %arg6[%dma_start3A_1236, %dma_start3A_1237, %dma_start3A_1241] : memref<2x16x8192xf32, #tpu.memory_space<vmem>> -> memref<1x1x8192xf32, #tpu.memory_space<vmem>>
        %dma_start3A_1243 = tpu.memref_squeeze %dma_start3A_1242 : memref<1x1x8192xf32, #tpu.memory_space<vmem>> -> memref<8192xf32, #tpu.memory_space<vmem>>
        %dma_start3A_1244 = arith.constant 0 : i32
        %dma_start3A_1245 = tpu.memref_slice %arg3[%get3A_1235, %dma_start3A_1244] : memref<1000x8192xf32, #tpu.memory_space<any>> -> memref<1x8192xf32, #tpu.memory_space<any>>
        %dma_start3A_1246 = tpu.memref_squeeze %dma_start3A_1245 : memref<1x8192xf32, #tpu.memory_space<any>> -> memref<8192xf32, #tpu.memory_space<any>>
        tpu.enqueue_dma source(%dma_start3A_1246 : memref<8192xf32, #tpu.memory_space<any>>) target(%dma_start3A_1243 : memref<8192xf32, #tpu.memory_space<vmem>>) target_semaphore(%dma_start3A_1240 : memref<!tpu.dma_semaphore, #tpu.memory_space<semaphore_mem>>)
        %mul3A_1247 = arith.constant 16 : i32
        %mul3A_1248 = arith.muli %add3A_1080, %mul3A_1247 : i32
        %add3A_1249 = arith.constant 768 : i32
        %add3A_1250 = arith.addi %add3A_1249, %mul3A_1248 : i32
        %add3A_1251 = arith.constant 8 : i32
        %add3A_1252 = arith.addi %add3A_1250, %add3A_1251 : i32
        %get3A_1253 = arith.index_cast %add3A_1252 : i32 to index
        %get3A_1254 = memref.load %arg1[%get3A_1253] : memref<1024xi32, #tpu.memory_space<smem>>
        %dma_start3A_1255 = arith.constant 1 : i32
        %dma_start3A_1256 = arith.constant 8 : i32
        %dma_start3A_1257 = arith.constant 1 : i32
        %dma_start3A_1258 = tpu.memref_slice %arg8[%dma_start3A_1257] : memref<2x!tpu.dma_semaphore, #tpu.memory_space<semaphore_mem>> -> memref<1x!tpu.dma_semaphore, #tpu.memory_space<semaphore_mem>>
        %dma_start3A_1259 = tpu.memref_squeeze %dma_start3A_1258 : memref<1x!tpu.dma_semaphore, #tpu.memory_space<semaphore_mem>> -> memref<!tpu.dma_semaphore, #tpu.memory_space<semaphore_mem>>
        %dma_start3A_1260 = arith.constant 0 : i32
        %dma_start3A_1261 = tpu.memref_slice %arg6[%dma_start3A_1255, %dma_start3A_1256, %dma_start3A_1260] : memref<2x16x8192xf32, #tpu.memory_space<vmem>> -> memref<1x1x8192xf32, #tpu.memory_space<vmem>>
        %dma_start3A_1262 = tpu.memref_squeeze %dma_start3A_1261 : memref<1x1x8192xf32, #tpu.memory_space<vmem>> -> memref<8192xf32, #tpu.memory_space<vmem>>
        %dma_start3A_1263 = arith.constant 0 : i32
        %dma_start3A_1264 = tpu.memref_slice %arg3[%get3A_1254, %dma_start3A_1263] : memref<1000x8192xf32, #tpu.memory_space<any>> -> memref<1x8192xf32, #tpu.memory_space<any>>
        %dma_start3A_1265 = tpu.memref_squeeze %dma_start3A_1264 : memref<1x8192xf32, #tpu.memory_space<any>> -> memref<8192xf32, #tpu.memory_space<any>>
        tpu.enqueue_dma source(%dma_start3A_1265 : memref<8192xf32, #tpu.memory_space<any>>) target(%dma_start3A_1262 : memref<8192xf32, #tpu.memory_space<vmem>>) target_semaphore(%dma_start3A_1259 : memref<!tpu.dma_semaphore, #tpu.memory_space<semaphore_mem>>)
        %mul3A_1266 = arith.constant 16 : i32
        %mul3A_1267 = arith.muli %add3A_1080, %mul3A_1266 : i32
        %add3A_1268 = arith.constant 768 : i32
        %add3A_1269 = arith.addi %add3A_1268, %mul3A_1267 : i32
        %add3A_1270 = arith.constant 9 : i32
        %add3A_1271 = arith.addi %add3A_1269, %add3A_1270 : i32
        %get3A_1272 = arith.index_cast %add3A_1271 : i32 to index
        %get3A_1273 = memref.load %arg1[%get3A_1272] : memref<1024xi32, #tpu.memory_space<smem>>
        %dma_start3A_1274 = arith.constant 1 : i32
        %dma_start3A_1275 = arith.constant 9 : i32
        %dma_start3A_1276 = arith.constant 1 : i32
        %dma_start3A_1277 = tpu.memref_slice %arg8[%dma_start3A_1276] : memref<2x!tpu.dma_semaphore, #tpu.memory_space<semaphore_mem>> -> memref<1x!tpu.dma_semaphore, #tpu.memory_space<semaphore_mem>>
        %dma_start3A_1278 = tpu.memref_squeeze %dma_start3A_1277 : memref<1x!tpu.dma_semaphore, #tpu.memory_space<semaphore_mem>> -> memref<!tpu.dma_semaphore, #tpu.memory_space<semaphore_mem>>
        %dma_start3A_1279 = arith.constant 0 : i32
        %dma_start3A_1280 = tpu.memref_slice %arg6[%dma_start3A_1274, %dma_start3A_1275, %dma_start3A_1279] : memref<2x16x8192xf32, #tpu.memory_space<vmem>> -> memref<1x1x8192xf32, #tpu.memory_space<vmem>>
        %dma_start3A_1281 = tpu.memref_squeeze %dma_start3A_1280 : memref<1x1x8192xf32, #tpu.memory_space<vmem>> -> memref<8192xf32, #tpu.memory_space<vmem>>
        %dma_start3A_1282 = arith.constant 0 : i32
        %dma_start3A_1283 = tpu.memref_slice %arg3[%get3A_1273, %dma_start3A_1282] : memref<1000x8192xf32, #tpu.memory_space<any>> -> memref<1x8192xf32, #tpu.memory_space<any>>
        %dma_start3A_1284 = tpu.memref_squeeze %dma_start3A_1283 : memref<1x8192xf32, #tpu.memory_space<any>> -> memref<8192xf32, #tpu.memory_space<any>>
        tpu.enqueue_dma source(%dma_start3A_1284 : memref<8192xf32, #tpu.memory_space<any>>) target(%dma_start3A_1281 : memref<8192xf32, #tpu.memory_space<vmem>>) target_semaphore(%dma_start3A_1278 : memref<!tpu.dma_semaphore, #tpu.memory_space<semaphore_mem>>)
        %mul3A_1285 = arith.constant 16 : i32
        %mul3A_1286 = arith.muli %add3A_1080, %mul3A_1285 : i32
        %add3A_1287 = arith.constant 768 : i32
        %add3A_1288 = arith.addi %add3A_1287, %mul3A_1286 : i32
        %add3A_1289 = arith.constant 10 : i32
        %add3A_1290 = arith.addi %add3A_1288, %add3A_1289 : i32
        %get3A_1291 = arith.index_cast %add3A_1290 : i32 to index
        %get3A_1292 = memref.load %arg1[%get3A_1291] : memref<1024xi32, #tpu.memory_space<smem>>
        %dma_start3A_1293 = arith.constant 1 : i32
        %dma_start3A_1294 = arith.constant 10 : i32
        %dma_start3A_1295 = arith.constant 1 : i32
        %dma_start3A_1296 = tpu.memref_slice %arg8[%dma_start3A_1295] : memref<2x!tpu.dma_semaphore, #tpu.memory_space<semaphore_mem>> -> memref<1x!tpu.dma_semaphore, #tpu.memory_space<semaphore_mem>>
        %dma_start3A_1297 = tpu.memref_squeeze %dma_start3A_1296 : memref<1x!tpu.dma_semaphore, #tpu.memory_space<semaphore_mem>> -> memref<!tpu.dma_semaphore, #tpu.memory_space<semaphore_mem>>
        %dma_start3A_1298 = arith.constant 0 : i32
        %dma_start3A_1299 = tpu.memref_slice %arg6[%dma_start3A_1293, %dma_start3A_1294, %dma_start3A_1298] : memref<2x16x8192xf32, #tpu.memory_space<vmem>> -> memref<1x1x8192xf32, #tpu.memory_space<vmem>>
        %dma_start3A_1300 = tpu.memref_squeeze %dma_start3A_1299 : memref<1x1x8192xf32, #tpu.memory_space<vmem>> -> memref<8192xf32, #tpu.memory_space<vmem>>
        %dma_start3A_1301 = arith.constant 0 : i32
        %dma_start3A_1302 = tpu.memref_slice %arg3[%get3A_1292, %dma_start3A_1301] : memref<1000x8192xf32, #tpu.memory_space<any>> -> memref<1x8192xf32, #tpu.memory_space<any>>
        %dma_start3A_1303 = tpu.memref_squeeze %dma_start3A_1302 : memref<1x8192xf32, #tpu.memory_space<any>> -> memref<8192xf32, #tpu.memory_space<any>>
        tpu.enqueue_dma source(%dma_start3A_1303 : memref<8192xf32, #tpu.memory_space<any>>) target(%dma_start3A_1300 : memref<8192xf32, #tpu.memory_space<vmem>>) target_semaphore(%dma_start3A_1297 : memref<!tpu.dma_semaphore, #tpu.memory_space<semaphore_mem>>)
        %mul3A_1304 = arith.constant 16 : i32
        %mul3A_1305 = arith.muli %add3A_1080, %mul3A_1304 : i32
        %add3A_1306 = arith.constant 768 : i32
        %add3A_1307 = arith.addi %add3A_1306, %mul3A_1305 : i32
        %add3A_1308 = arith.constant 11 : i32
        %add3A_1309 = arith.addi %add3A_1307, %add3A_1308 : i32
        %get3A_1310 = arith.index_cast %add3A_1309 : i32 to index
        %get3A_1311 = memref.load %arg1[%get3A_1310] : memref<1024xi32, #tpu.memory_space<smem>>
        %dma_start3A_1312 = arith.constant 1 : i32
        %dma_start3A_1313 = arith.constant 11 : i32
        %dma_start3A_1314 = arith.constant 1 : i32
        %dma_start3A_1315 = tpu.memref_slice %arg8[%dma_start3A_1314] : memref<2x!tpu.dma_semaphore, #tpu.memory_space<semaphore_mem>> -> memref<1x!tpu.dma_semaphore, #tpu.memory_space<semaphore_mem>>
        %dma_start3A_1316 = tpu.memref_squeeze %dma_start3A_1315 : memref<1x!tpu.dma_semaphore, #tpu.memory_space<semaphore_mem>> -> memref<!tpu.dma_semaphore, #tpu.memory_space<semaphore_mem>>
        %dma_start3A_1317 = arith.constant 0 : i32
        %dma_start3A_1318 = tpu.memref_slice %arg6[%dma_start3A_1312, %dma_start3A_1313, %dma_start3A_1317] : memref<2x16x8192xf32, #tpu.memory_space<vmem>> -> memref<1x1x8192xf32, #tpu.memory_space<vmem>>
        %dma_start3A_1319 = tpu.memref_squeeze %dma_start3A_1318 : memref<1x1x8192xf32, #tpu.memory_space<vmem>> -> memref<8192xf32, #tpu.memory_space<vmem>>
        %dma_start3A_1320 = arith.constant 0 : i32
        %dma_start3A_1321 = tpu.memref_slice %arg3[%get3A_1311, %dma_start3A_1320] : memref<1000x8192xf32, #tpu.memory_space<any>> -> memref<1x8192xf32, #tpu.memory_space<any>>
        %dma_start3A_1322 = tpu.memref_squeeze %dma_start3A_1321 : memref<1x8192xf32, #tpu.memory_space<any>> -> memref<8192xf32, #tpu.memory_space<any>>
        tpu.enqueue_dma source(%dma_start3A_1322 : memref<8192xf32, #tpu.memory_space<any>>) target(%dma_start3A_1319 : memref<8192xf32, #tpu.memory_space<vmem>>) target_semaphore(%dma_start3A_1316 : memref<!tpu.dma_semaphore, #tpu.memory_space<semaphore_mem>>)
        %mul3A_1323 = arith.constant 16 : i32
        %mul3A_1324 = arith.muli %add3A_1080, %mul3A_1323 : i32
        %add3A_1325 = arith.constant 768 : i32
        %add3A_1326 = arith.addi %add3A_1325, %mul3A_1324 : i32
        %add3A_1327 = arith.constant 12 : i32
        %add3A_1328 = arith.addi %add3A_1326, %add3A_1327 : i32
        %get3A_1329 = arith.index_cast %add3A_1328 : i32 to index
        %get3A_1330 = memref.load %arg1[%get3A_1329] : memref<1024xi32, #tpu.memory_space<smem>>
        %dma_start3A_1331 = arith.constant 1 : i32
        %dma_start3A_1332 = arith.constant 12 : i32
        %dma_start3A_1333 = arith.constant 1 : i32
        %dma_start3A_1334 = tpu.memref_slice %arg8[%dma_start3A_1333] : memref<2x!tpu.dma_semaphore, #tpu.memory_space<semaphore_mem>> -> memref<1x!tpu.dma_semaphore, #tpu.memory_space<semaphore_mem>>
        %dma_start3A_1335 = tpu.memref_squeeze %dma_start3A_1334 : memref<1x!tpu.dma_semaphore, #tpu.memory_space<semaphore_mem>> -> memref<!tpu.dma_semaphore, #tpu.memory_space<semaphore_mem>>
        %dma_start3A_1336 = arith.constant 0 : i32
        %dma_start3A_1337 = tpu.memref_slice %arg6[%dma_start3A_1331, %dma_start3A_1332, %dma_start3A_1336] : memref<2x16x8192xf32, #tpu.memory_space<vmem>> -> memref<1x1x8192xf32, #tpu.memory_space<vmem>>
        %dma_start3A_1338 = tpu.memref_squeeze %dma_start3A_1337 : memref<1x1x8192xf32, #tpu.memory_space<vmem>> -> memref<8192xf32, #tpu.memory_space<vmem>>
        %dma_start3A_1339 = arith.constant 0 : i32
        %dma_start3A_1340 = tpu.memref_slice %arg3[%get3A_1330, %dma_start3A_1339] : memref<1000x8192xf32, #tpu.memory_space<any>> -> memref<1x8192xf32, #tpu.memory_space<any>>
        %dma_start3A_1341 = tpu.memref_squeeze %dma_start3A_1340 : memref<1x8192xf32, #tpu.memory_space<any>> -> memref<8192xf32, #tpu.memory_space<any>>
        tpu.enqueue_dma source(%dma_start3A_1341 : memref<8192xf32, #tpu.memory_space<any>>) target(%dma_start3A_1338 : memref<8192xf32, #tpu.memory_space<vmem>>) target_semaphore(%dma_start3A_1335 : memref<!tpu.dma_semaphore, #tpu.memory_space<semaphore_mem>>)
        %mul3A_1342 = arith.constant 16 : i32
        %mul3A_1343 = arith.muli %add3A_1080, %mul3A_1342 : i32
        %add3A_1344 = arith.constant 768 : i32
        %add3A_1345 = arith.addi %add3A_1344, %mul3A_1343 : i32
        %add3A_1346 = arith.constant 13 : i32
        %add3A_1347 = arith.addi %add3A_1345, %add3A_1346 : i32
        %get3A_1348 = arith.index_cast %add3A_1347 : i32 to index
        %get3A_1349 = memref.load %arg1[%get3A_1348] : memref<1024xi32, #tpu.memory_space<smem>>
        %dma_start3A_1350 = arith.constant 1 : i32
        %dma_start3A_1351 = arith.constant 13 : i32
        %dma_start3A_1352 = arith.constant 1 : i32
        %dma_start3A_1353 = tpu.memref_slice %arg8[%dma_start3A_1352] : memref<2x!tpu.dma_semaphore, #tpu.memory_space<semaphore_mem>> -> memref<1x!tpu.dma_semaphore, #tpu.memory_space<semaphore_mem>>
        %dma_start3A_1354 = tpu.memref_squeeze %dma_start3A_1353 : memref<1x!tpu.dma_semaphore, #tpu.memory_space<semaphore_mem>> -> memref<!tpu.dma_semaphore, #tpu.memory_space<semaphore_mem>>
        %dma_start3A_1355 = arith.constant 0 : i32
        %dma_start3A_1356 = tpu.memref_slice %arg6[%dma_start3A_1350, %dma_start3A_1351, %dma_start3A_1355] : memref<2x16x8192xf32, #tpu.memory_space<vmem>> -> memref<1x1x8192xf32, #tpu.memory_space<vmem>>
        %dma_start3A_1357 = tpu.memref_squeeze %dma_start3A_1356 : memref<1x1x8192xf32, #tpu.memory_space<vmem>> -> memref<8192xf32, #tpu.memory_space<vmem>>
        %dma_start3A_1358 = arith.constant 0 : i32
        %dma_start3A_1359 = tpu.memref_slice %arg3[%get3A_1349, %dma_start3A_1358] : memref<1000x8192xf32, #tpu.memory_space<any>> -> memref<1x8192xf32, #tpu.memory_space<any>>
        %dma_start3A_1360 = tpu.memref_squeeze %dma_start3A_1359 : memref<1x8192xf32, #tpu.memory_space<any>> -> memref<8192xf32, #tpu.memory_space<any>>
        tpu.enqueue_dma source(%dma_start3A_1360 : memref<8192xf32, #tpu.memory_space<any>>) target(%dma_start3A_1357 : memref<8192xf32, #tpu.memory_space<vmem>>) target_semaphore(%dma_start3A_1354 : memref<!tpu.dma_semaphore, #tpu.memory_space<semaphore_mem>>)
        %mul3A_1361 = arith.constant 16 : i32
        %mul3A_1362 = arith.muli %add3A_1080, %mul3A_1361 : i32
        %add3A_1363 = arith.constant 768 : i32
        %add3A_1364 = arith.addi %add3A_1363, %mul3A_1362 : i32
        %add3A_1365 = arith.constant 14 : i32
        %add3A_1366 = arith.addi %add3A_1364, %add3A_1365 : i32
        %get3A_1367 = arith.index_cast %add3A_1366 : i32 to index
        %get3A_1368 = memref.load %arg1[%get3A_1367] : memref<1024xi32, #tpu.memory_space<smem>>
        %dma_start3A_1369 = arith.constant 1 : i32
        %dma_start3A_1370 = arith.constant 14 : i32
        %dma_start3A_1371 = arith.constant 1 : i32
        %dma_start3A_1372 = tpu.memref_slice %arg8[%dma_start3A_1371] : memref<2x!tpu.dma_semaphore, #tpu.memory_space<semaphore_mem>> -> memref<1x!tpu.dma_semaphore, #tpu.memory_space<semaphore_mem>>
        %dma_start3A_1373 = tpu.memref_squeeze %dma_start3A_1372 : memref<1x!tpu.dma_semaphore, #tpu.memory_space<semaphore_mem>> -> memref<!tpu.dma_semaphore, #tpu.memory_space<semaphore_mem>>
        %dma_start3A_1374 = arith.constant 0 : i32
        %dma_start3A_1375 = tpu.memref_slice %arg6[%dma_start3A_1369, %dma_start3A_1370, %dma_start3A_1374] : memref<2x16x8192xf32, #tpu.memory_space<vmem>> -> memref<1x1x8192xf32, #tpu.memory_space<vmem>>
        %dma_start3A_1376 = tpu.memref_squeeze %dma_start3A_1375 : memref<1x1x8192xf32, #tpu.memory_space<vmem>> -> memref<8192xf32, #tpu.memory_space<vmem>>
        %dma_start3A_1377 = arith.constant 0 : i32
        %dma_start3A_1378 = tpu.memref_slice %arg3[%get3A_1368, %dma_start3A_1377] : memref<1000x8192xf32, #tpu.memory_space<any>> -> memref<1x8192xf32, #tpu.memory_space<any>>
        %dma_start3A_1379 = tpu.memref_squeeze %dma_start3A_1378 : memref<1x8192xf32, #tpu.memory_space<any>> -> memref<8192xf32, #tpu.memory_space<any>>
        tpu.enqueue_dma source(%dma_start3A_1379 : memref<8192xf32, #tpu.memory_space<any>>) target(%dma_start3A_1376 : memref<8192xf32, #tpu.memory_space<vmem>>) target_semaphore(%dma_start3A_1373 : memref<!tpu.dma_semaphore, #tpu.memory_space<semaphore_mem>>)
        %mul3A_1380 = arith.constant 16 : i32
        %mul3A_1381 = arith.muli %add3A_1080, %mul3A_1380 : i32
        %add3A_1382 = arith.constant 768 : i32
        %add3A_1383 = arith.addi %add3A_1382, %mul3A_1381 : i32
        %add3A_1384 = arith.constant 15 : i32
        %add3A_1385 = arith.addi %add3A_1383, %add3A_1384 : i32
        %get3A_1386 = arith.index_cast %add3A_1385 : i32 to index
        %get3A_1387 = memref.load %arg1[%get3A_1386] : memref<1024xi32, #tpu.memory_space<smem>>
        %dma_start3A_1388 = arith.constant 1 : i32
        %dma_start3A_1389 = arith.constant 15 : i32
        %dma_start3A_1390 = arith.constant 1 : i32
        %dma_start3A_1391 = tpu.memref_slice %arg8[%dma_start3A_1390] : memref<2x!tpu.dma_semaphore, #tpu.memory_space<semaphore_mem>> -> memref<1x!tpu.dma_semaphore, #tpu.memory_space<semaphore_mem>>
        %dma_start3A_1392 = tpu.memref_squeeze %dma_start3A_1391 : memref<1x!tpu.dma_semaphore, #tpu.memory_space<semaphore_mem>> -> memref<!tpu.dma_semaphore, #tpu.memory_space<semaphore_mem>>
        %dma_start3A_1393 = arith.constant 0 : i32
        %dma_start3A_1394 = tpu.memref_slice %arg6[%dma_start3A_1388, %dma_start3A_1389, %dma_start3A_1393] : memref<2x16x8192xf32, #tpu.memory_space<vmem>> -> memref<1x1x8192xf32, #tpu.memory_space<vmem>>
        %dma_start3A_1395 = tpu.memref_squeeze %dma_start3A_1394 : memref<1x1x8192xf32, #tpu.memory_space<vmem>> -> memref<8192xf32, #tpu.memory_space<vmem>>
        %dma_start3A_1396 = arith.constant 0 : i32
        %dma_start3A_1397 = tpu.memref_slice %arg3[%get3A_1387, %dma_start3A_1396] : memref<1000x8192xf32, #tpu.memory_space<any>> -> memref<1x8192xf32, #tpu.memory_space<any>>
        %dma_start3A_1398 = tpu.memref_squeeze %dma_start3A_1397 : memref<1x8192xf32, #tpu.memory_space<any>> -> memref<8192xf32, #tpu.memory_space<any>>
        tpu.enqueue_dma source(%dma_start3A_1398 : memref<8192xf32, #tpu.memory_space<any>>) target(%dma_start3A_1395 : memref<8192xf32, #tpu.memory_space<vmem>>) target_semaphore(%dma_start3A_1392 : memref<!tpu.dma_semaphore, #tpu.memory_space<semaphore_mem>>)
      } else {
      }
      scf.yield %add3A_1071 : vector<16x1024xf32>
    }
    %scan3A_441 = arith.constant 8 : i32
    %reduce_sum3A = vector.shape_cast %scan3A_440 : vector<16x1024xf32> to vector<1x16x1024xf32>
    %reduce_sum3A_442 = arith.constant dense<0.000000e+00> : vector<1xf32>
    %reduce_sum3A_443 = vector.multi_reduction <add>, %reduce_sum3A, %reduce_sum3A_442 [1, 2] : vector<1x16x1024xf32> to vector<1xf32>
    %reduce_sum3A_444 = vector.shape_cast %reduce_sum3A_443 : vector<1xf32> to vector<1x1x1xf32>
    %reduce_sum3A_445 = vector.extract %reduce_sum3A_444[0, 0, 0] : f32 from vector<1x1x1xf32>
    %swap3A = arith.constant 0 : index
    %swap3A_446 = arith.constant 0 : index
    %swap3A_447 = memref.load %arg4[%swap3A, %swap3A_446] : memref<1x1xf32, #tpu.memory_space<smem>>
    memref.store %reduce_sum3A_445, %arg4[%swap3A, %swap3A_446] : memref<1x1xf32, #tpu.memory_space<smem>>
    return
  }
  func.func @transform_2(%arg0: i32, %arg1: memref<1024xi32, #tpu.memory_space<smem>>) -> (i32, i32) {
    %c0_i32 = arith.constant 0 : i32
    %c0_i32_0 = arith.constant 0 : i32
    %c0_i32_1 = arith.constant 0 : i32
    return %c0_i32, %c0_i32_0 : i32, i32
  }
}

</mosaic_0001>

<sc_bundles>
// kernel: kernel.4.cloned.1.call-start
scs
__scs_entry_jumppad:
0x0: {  	(pc) =	sbr.rel $0x88, $3  }
0x1: {  	(tag) =	ssettag $0x0;
	lr =	simm.s32 $0x1  }
0x2: {  	[smem:$0x3F9E] =	sst lr;
	_ =	strace $0xD0000000  }
0x3: {  	_ = 	snop  }
0x4: {  	_ = 	snop  }
0x5: {  	_ = 	snop  }
0x6: {  	_ = 	snop  }
0x7: {  	_ = 	snop  }
__scs_overlays_trampoline_lowered:
0x8: {  	[smem:$0x3FAD] =	sst s0  }
0x9: {  	[smem:$0x3FAE] =	sst s1  }
0xa: {  	[smem:$0x3FAF] =	sst s2  }
0xb: {  	[smem:$0x3FB0] =	sst s3  }
0xc: {  	[smem:$0x3FB1] =	sst s4  }
0xd: {  	[smem:$0x3FB2] =	sst s5  }
0xe: {  	[smem:$0x3FB3] =	sst s6  }
0xf: {  	[smem:$0x3FB4] =	sst s7  }
0x10: {  	[smem:$0x3FB5] =	sst s8  }
0x11: {  	[smem:$0x3FB6] =	sst s9;
	s0 =	simm.s32 @!p0 $0x0  }
0x12: {  	s1 =	sld [smem:$0x3F9C];
	s0 =	simm.s32 @p0 $0x1  }
0x13: {  	[smem:$0x3FB7] =	sst s0;
	s0 =	simm.s32 @!p1 $0x0  }
0x14: {  	s2 =	sld [smem:$0x3F9B];
	s0 =	simm.s32 @p1 $0x1  }
0x15: {  	[smem:$0x3FB8] =	sst s0;
	s0 =	simm.s32 @!p2 $0x0  }
0x16: {  	s3 =	sld [smem:$0x3FDB];
	s0 =	simm.s32 @p2 $0x1  }
0x17: {  	s4 =	simm.s32 $0x1BF5;
	[smem:$0x3FBA] =	sst s0  }
0x18: {  	s0 =	sld [smem:$0x3F9D];
	_ =	swait.ge [sflag:s4], $0x0  }
0x19: {  	s7 =	sld [smem:$0x3F9E]  }
0x1a: {  	s8 =	sadd.s32 $0xFFFFE003, lr  }
0x1b: {  	s9 =	sadd.s32 $0xFFFFFEF7, lr;
	s5 =	simm.s32 $0xFFFFFFFF;
	p2 =	slt.u32 s8, $0xFFFFF086  }
0x1c: {  	p1 =	slt.u32 s9, $0xF7A;
	s5 =	simm.s32 @!p2 $0x0  }
0x1d: {  	s5 =	simm.s32 @p1 $0x1;
	p0 =	seq.s32 s7, s2  }
0x1e: {  	s7 =	smul.u32 @!p0 $0xF7A, s2;
	p2 =	seq.s32 @!p0 s5, $0x0  }
0x1f: {  	s9 =	smul.u32 $0xF7A, s1;
	s8 =	simm.s32 @!p0 $0x1BF5;
	p2 =	por !p2, p0  }
0x20: {  	[sflag:s8] =	ssyncset.s32 @!p0 $0xFFFFF086;
	s6 =	sadd.s32 @!p0 s3, s7;
	s7 =	simm.s32 @!p0 $0x108  }
0x21: {  	s3 =	sadd.s32 s3, s9;
	s6 =	sadd.s32 @!p0 $0x88, s6;
	s7 =	simm.s32 @p2 $0x1082  }
0x22: {  	[simem:s7], [sflag:s8] =	dma.local @!p0 [hbm:s6], $0xF7A  }
0x23: {  	s9 =	sor.u32 $0xD0000000, s2;
	s6 =	simm.s32 $0x108;
	_ =	swait.ge @!p0 [sflag:s8], $0x0  }
0x24: {  	s3 =	sadd.s32 $0x88, s3;
	s6 =	simm.s32 @!p1 $0x1082;
	[sflag:s4] =	ssyncset.s32 $0xFFFFF086  }
0x25: {  	[simem:s6], [sflag:s4] =	dma.local [hbm:s3], $0xF7A  }
0x26: {  	[smem:$0x3F9E] =	sst s1;
	(tag) =	ssettag s2;
	_ =	strace s9  }
0x27: {  	s1 =	sld [smem:$0x3FAE]  }
0x28: {  	s2 =	sld [smem:$0x3FAF]  }
0x29: {  	s4 =	sld [smem:$0x3FB1]  }
0x2a: {  	p0 =	seq.s32 s5, $0x0;
	s5 =	sld [smem:$0x3FB2]  }
0x2b: {  	s6 =	sld [smem:$0x3FB3]  }
0x2c: {  	s7 =	sld [smem:$0x3FB4]  }
0x2d: {  	s3 =	simm.s32 $0x108;
	s8 =	sld [smem:$0x3FB5]  }
0x2e: {  	s3 =	simm.s32 @!p0 $0x1082;
	s9 =	sld [smem:$0x3FB6]  }
0x2f: {  	lr =	sadd.s32 s0, s3;
	s0 =	sld [smem:$0x3FAD]  }
0x30: {  	s3 =	sld [smem:$0x3FB0]  }
0x31: {  	[smem:$0x3FB9] =	sst s10  }
0x32: {  	s10 =	sld [smem:$0x3FB7];
	_ =	sdelay $0x3  }
0x33: {  	p0 =	seq.s32 s10, $0x1;
	s10 =	sld [smem:$0x3FB9];
	_ =	sdelay $0x3  }
0x34: {  	[smem:$0x3FB9] =	sst s10  }
0x35: {  	s10 =	sld [smem:$0x3FB8];
	_ =	sdelay $0x3  }
0x36: {  	p1 =	seq.s32 s10, $0x1;
	s10 =	sld [smem:$0x3FB9];
	_ =	sdelay $0x3  }
0x37: {  	[smem:$0x3FB9] =	sst s10  }
0x38: {  	s10 =	sld [smem:$0x3FBA]  }
0x39: {  	_ = 	snop;
	(pc) =	sbr.ind lr, $3  }
0x3a: {  	_ = 	snop  }
0x3b: {  	_ = 	snop  }
0x3c: {  	p2 =	seq.s32 s10, $0x1;
	s10 =	sld [smem:$0x3FB9]  }
0x3d: {  	_ =	shalt  }
0x3e: {  	_ =	shalt  }
0x3f: {  	_ =	shalt  }
0x40: {  	_ =	shalt  }
0x41: {  	_ =	shalt  }
0x42: {  	_ =	shalt  }
0x43: {  	_ =	shalt  }
0x44: {  	_ =	shalt  }
0x45: {  	_ =	shalt  }
0x46: {  	_ =	shalt  }
0x47: {  	_ =	shalt  }
0x48: {  	_ =	shalt  }
0x49: {  	_ =	shalt  }
0x4a: {  	_ =	shalt  }
0x4b: {  	_ =	shalt  }
0x4c: {  	_ =	shalt  }
0x4d: {  	_ =	shalt  }
0x4e: {  	_ =	shalt  }
0x4f: {  	_ =	shalt  }
0x50: {  	_ =	shalt  }
0x51: {  	_ =	shalt  }
0x52: {  	_ =	shalt  }
0x53: {  	_ =	shalt  }
0x54: {  	_ =	shalt  }
0x55: {  	_ =	shalt  }
0x56: {  	_ =	shalt  }
0x57: {  	_ =	shalt  }
0x58: {  	_ =	shalt  }
0x59: {  	_ =	shalt  }
0x5a: {  	_ =	shalt  }
0x5b: {  	_ =	shalt  }
0x5c: {  	_ =	shalt  }
0x5d: {  	_ =	shalt  }
0x5e: {  	_ =	shalt  }
0x5f: {  	_ =	shalt  }
0x60: {  	_ =	shalt  }
0x61: {  	_ =	shalt  }
0x62: {  	_ =	shalt  }
0x63: {  	_ =	shalt  }
0x64: {  	_ =	shalt  }
0x65: {  	_ =	shalt  }
0x66: {  	_ =	shalt  }
0x67: {  	_ =	shalt  }
0x68: {  	_ =	shalt  }
0x69: {  	_ =	shalt  }
0x6a: {  	_ =	shalt  }
0x6b: {  	_ =	shalt  }
0x6c: {  	_ =	shalt  }
0x6d: {  	_ =	shalt  }
0x6e: {  	_ =	shalt  }
0x6f: {  	_ =	shalt  }
0x70: {  	_ =	shalt  }
0x71: {  	_ =	shalt  }
0x72: {  	_ =	shalt  }
0x73: {  	_ =	shalt  }
0x74: {  	_ =	shalt  }
0x75: {  	_ =	shalt  }
0x76: {  	_ =	shalt  }
0x77: {  	_ =	shalt  }
0x78: {  	_ =	shalt  }
0x79: {  	_ =	shalt  }
0x7a: {  	_ =	shalt  }
0x7b: {  	_ =	shalt  }
0x7c: {  	_ =	shalt  }
0x7d: {  	_ =	shalt  }
0x7e: {  	_ =	shalt  }
0x7f: {  	_ =	shalt  }
0x80: {  	_ =	shalt  }
0x81: {  	_ =	shalt  }
0x82: {  	_ =	shalt  }
0x83: {  	_ =	shalt  }
0x84: {  	_ =	shalt  }
0x85: {  	_ =	shalt  }
0x86: {  	_ =	shalt  }
0x87: {  	_ =	shalt  }
.Lfunc_end0:
.L_simem_size_0:
called_computation_lowered:
.L_overlay_start_0:
0x88: {  	s2 =	sld [smem:$0x3FD9]  }
0x89: {  	s3 =	sld [smem:$0x3FFE];
	_ =	sdelay $0x1  }
0x8a: {  	s1 =	srdreg.scid  }
0x8b: {  	s0 =	sand.u32 $0x1, s1  }
0x8c: {  	s17 =	sshll.u32 s0, $0xA;
	s2 =	sadd.s32 s3, s2  }
0x8d: {  	s2 =	sadd.s32 s2, s17  }
0x8e: {  	[smem:$0x3FC5] =	sst s2  }
0x8f: {  	_ = 	snop  }
0x90: {  	s2 =	sld [smem:$0x3FC9]  }
0x91: {  	s18 =	sld [smem:$0x3FC7];
	(tm) =	ssettm $0x1  }
0x92: {  	s4 =	sld [smem:$0x3FFB];
	_ =	sdelay $0x3  }
0x93: {  	_ =	strace s4  }
0x94: {  	s4 =	sld [smem:$0x3FFC];
	_ =	sdelay $0x3  }
0x95: {  	_ =	strace s4  }
0x96: {  	s4 =	sld [smem:$0x3FFD];
	_ =	sdelay $0x3  }
0x97: {  	_ =	strace s4  }
0x98: {  	_ =	strace $0x8FFFFFFF  }
0x99: {  	s19 =	sld [smem:$0x3FDB];
	_ =	sdelay $0x1  }
0x9a: {  	s5 =	simm.s32 $_scs_section_size  }
0x9b: {  	s6 =	simm.s32 $_size__tile_overlayer_lowered;
	s7 =	simm.s32 $_tile_overlayer_lowered  }
0x9c: {  	s22 =	simm.s32 $0x1BFF;
	s21 =	sshll.u32 s7, $0x1;
	s4 =	sadd.s32 s5, s19  }
0x9d: {  	s8 =	simm.s32 $0x0;
	s20 =	sshll.u32 s6, $0x1;
	s6 =	sadd.s32 s21, s4  }
0x9e: {  	[timem:s8], [sflag:s22] =	dma.local [hbm:s6], s20  }
0x9f: {  	_ =	swait.ge [sflag:s22], s20  }
0xa0: {  	s5 =	ssub.s32 $0x0, s20;
	[sflag:s22] =	ssyncset.done $0x0  }
0xa1: {  	[sflag:s22] =	ssyncadd.s32 s5;
	_ =	sdelay $0x1  }
0xa2: {  	s23 =	simm.s32 $0x1B8B  }
0xa3: {  	_ =	swait.ge [sflag:s23], $0x1  }
0xa4: {  	[sflag:s23] =	ssyncset.done $0x0  }
0xa5: {  	s25 =	simm.s32 $0x1B8E;
	s24 =	sld [smem:$0x3FFE];
	[sflag:s23] =	ssyncadd.s32 $0xFFFFFFFF  }
0xa6: {  	s26 =	simm.s32 $execute0_lowered;
	[smem:$0x3FD2] =	sst s25  }
0xa7: {  	s6 =	sshll.u32 s26, $0x1;
	_ =	strace $0x80000046;
	[dreg:$0x1] =	wrdreg $0xFFFFFFFF  }
0xa8: {  	s28 =	simm.s32 $_size_execute0_lowered;
	s4 =	sadd.s32 s4, s6;
	[dreg:$0x0] =	wrdreg $0x0  }
0xa9: {  	s6 =	sshll.u32 s28, $0x1;
	[dreg:$0x2] =	wrdreg s4  }
0xaa: {  	[dreg:$0x3] =	wrdreg s6  }
0xab: {  	[dreg:$0x4] =	wrdreg $0xC0  }
0xac: {  	_ =	task [dreg:s8], $0x5FFFF  }
0xad: {  	[dreg:$0x1] =	wrdreg $0xFFFFFFFF  }
0xae: {  	[dreg:$0x0] =	wrdreg $0x60  }
0xaf: {  	[dreg:$0x2] =	wrdreg s2  }
0xb0: {  	[dreg:$0x3] =	wrdreg s24  }
0xb1: {  	[dreg:$0x4] =	wrdreg s18  }
0xb2: {  	[dreg:$0x5] =	wrdreg $0x9  }
0xb3: {  	_ =	task.clear_ibuf [dreg:s8], $0x6FFFF;
	_ =	strace $0x90000046  }
0xb4: {  	s29 =	simm.s32 $0x9;
	_ =	strace $0x80000048  }
0xb5: {  	_ =	swait.ge [sflag:s29], $0x1  }
0xb6: {  	[sflag:s29] =	ssyncadd.s32 $0xFFFFFFFF  }
0xb7: {  	_ =	strace $0x90000048  }
0xb8: {  	_ =	sfence  }
0xb9: {  	s30 =	sld [smem:$0x0];
	_ =	sdelay $0x2  }
0xba: {  	s31 =	sshll.u32 s1, $0xD;
	s1 =	sshrl.u32 s1, $0x2  }
0xbb: {  	s3 =	sand.u32 $0x4000, s31;
	s1 =	sadd.s32 s1, s30  }
0xbc: {  	s0 =	sor.u32 s3, s0;
	s1 =	sshll.u32 s1, $0x11  }
0xbd: {  	s0 =	sor.u32 s1, s0  }
0xbe: {  	s0 =	sadd.s32 $0x8F2B, s0  }
0xbf: {  	[sflag:s0] =	ssyncadd.remote.s32 $0x1  }
0xc0: {  	_ =	sfence.sel $0xFFFF  }
0xc1: {  	[dreg:$0x0] =	wrdreg $0xFFFFFFFF;
	(pc) =	sbr.abs _section_cstart, $3  }
0xc2: {  	[dreg:$0x1] =	wrdreg $0xFFFFFFFF  }
0xc3: {  	_ =	task.clear_ibuf [dreg:s8], $0x2FFFF;
	_ =	strace $0x9FFFFFFF  }
0xc4: {  	(tm) =	ssettm $0x7FFFFFFF  }
0xc5: {  	_ =	shalt  }
tec
execute0_lowered:
.L_overlay_start_1:
0x0: {  	(tag) =	ssettag $0x1  }
0x1: {  	s1 =	rddreg [dreg:$0x0]  }
0x2: {  	s0 =	rddreg [dreg:$0x1]  }
0x3: {  	s2 =	srdreg.scid;
	s4 =	stileid.u32  }
0x4: {  	s3 =	rddreg [dreg:$0x2];
	s16 =	simm.s32 $0x9;
	s17 =	simm.s32 $0x80  }
0x5: {  	s18 =	simm.s32 $0x400;
	s20 =	simm.s32 $0x6C00;
	s21 =	simm.s32 $0xEC00  }
0x6: {  	s28 =	simm.s32 $0x2;
	s29 =	simm.s32 $0x6;
	s30 =	simm.s32 $0x3  }
0x7: {  	s31 =	simm.s32 $0x7;
	s19 =	simm.s32 $0x0;
	s2 =	sand.u32 $0x1, s2  }
0x8: {  	s5 =	sshll.u32 s4, $0x1;
	s4 =	simm.s32 $0x0;
	s9 =	sadd.s32 $0x1000, s3  }
0x9: {  	s10 =	sadd.s32 $0x1800, s3;
	s5 =	sor.u32 s2, s5;
	[smem:$0x7FF] =	sst s4  }
0xa: {  	s2 =	ssub.s32 $0x2, s2;
	s6 =	smul.u32 $0x180, s5;
	_ =	strace $0x80000047  }
0xb: {  	s7 =	sshll.u32 s5, $0x4;
	s22 =	sshrl.u32 s2, $0x1;
	s8 =	smul.u32 $0x6000, s5  }
0xc: {  	s5 =	smul.u32 $0x18, s5;
	s2 =	ssub.s32 s2, s22;
	s22 =	simm.s32 $0xF400  }
0xd: {  	s6 =	sadd.s32 s6, s0;
	s0 =	sadd.s32 s7, s0;
	s23 =	sadd.s32 s1, s8  }
0xe: {  	s8 =	sadd.s32 $0x800, s3;
	s26 =	smax.u32 s2, $0x1;
	[dreg:$0x5] =	wrdreg s23  }
0xf: {  	s2 =	simm.s32 $0x4;
	s6 =	sadd.s32 $0x200, s6;
	[dreg:$0xa] =	wrdreg s26  }
.Ltmp0:
0x10: {  	s24 =	sadd.s32 $0x10, s23;
	[dreg:$0x4] =	wrdreg s6;
	(pc) =	sbr.rel .LBB2_1-.Ltmp0, $4  }
0x11: {  	s25 =	sadd.s32 $0x20, s23;
	s0 =	sadd.s32 $0x3200, s0;
	[dreg:$0x6] =	wrdreg s24  }
0x12: {  	s26 =	simm.s32 $0x5;
	[dreg:$0x7] =	wrdreg s25;
	s6 =	sadd.s32 $0x30, s23  }
0x13: {  	v1 =	vlaneseq.u32;
	[dreg:$0x9] =	wrdreg s0;
	s23 =	simm.s32 $0xFC00;
	s24 =	simm.s32 $0x10400  }
0x14: {  	v0 =	vimm.s32 $0x0;
	vm0 =	vmmov $0xffff;
	v1 =	vmul.u32 $0x8, v1;
	s25 =	simm.s32 $0x1;
	s0 =	simm.s32 $0x8;
	[dreg:$0x8] =	wrdreg s6  }
.LBB2_12:
0x15: {  	v2 =	vadd.f32 v8, v2;
	_ =	sdelay $0x1  }
0x16: {  	v2 =	vadd.f32 v7, v2;
	_ =	sdelay $0x1  }
0x17: {  	v2 =	vadd.f32 v6, v2;
	_ =	sdelay $0x1  }
0x18: {  	v2 =	vadd.f32 v5, v2;
	_ =	sdelay $0x1  }
0x19: {  	v2 =	vadd.f32 v4, v2;
	_ =	sdelay $0x1  }
0x1a: {  	v2 =	vadd.f32 v3, v2;
	_ =	sdelay $0x1  }
0x1b: {  	v2 =	vadd.f32 v9, v2;
	_ =	sdelay $0x1  }
0x1c: {  	s6 =	rddreg [dreg:$0x9];
	s7 =	simm.s32 $0x10C00;
	[tilespmem:$0x10C00] =	vst v2  }
0x1d: {  	[hbm4b:s6+s4] =	stream.linear.scatter [tilespmem:s7], [sflag:$0x9], $0x80, $0x38;
	[tilespmem:$0x10C80] =	vst v63  }
0x1e: {  	_ =	swait.ge [sflag:s16], $0x80  }
0x1f: {  	s19 =	sadd.s32 $0x1, s19;
	s15 =	rddreg [dreg:$0xa]  }
0x20: {  	p0 =	sne.s32 s19, s15  }
.Ltmp1:
0x21: {  	_ = 	snop;
	(pc) =	sbr.rel @!p0 .LBB2_13-.Ltmp1, $3  }
0x22: {  	_ =	sdelay $0x1  }
0x23: {  	[sflag:s16] =	ssyncset.done $0x0  }
0x24: {  	[sflag:s16] =	ssyncadd.s32 $0xFFFFFF80  }
.LBB2_1:
0x25: {  	s6 =	rddreg [dreg:$0x4]  }
0x26: {  	[tilespmem:s4], [sflag:$0x9] =	stream.linear.gather [hbm4b:s6+s4], $0xC00, $0x38;
	[tilespmem:$0x10C80] =	vst v63  }
0x27: {  	_ =	swait.ge [sflag:s16], $0xC00  }
0x28: {  	[sflag:s16] =	ssyncset.done $0x0  }
0x29: {  	s7 =	simm.s32 $0xC00;
	s15 =	rddreg [dreg:$0x5];
	[sflag:s16] =	ssyncadd.s32 $0xFFFFF400  }
0x2a: {  	[tilespmem:s7], [sflag:$0x1] =	stream.strided.gather [hbm4b:s15+s17], $0x2000, s18, s17, $0x38;
	[tilespmem:$0x10C80] =	vst v63  }
0x2b: {  	v2 =	vld.msk [tilespmem:$0x0], $0x1;
	_ =	sdelay $0x4  }
0x2c: {  	v3 =	vshll.u32 v2, $0x6  }
0x2d: {  	v2 =	vand.u32 $0x7, v2;
	v3 =	vand.u32 $0xFFFFFE00, v3  }
0x2e: {  	v2 =	vor.u32 v2, v3  }
0x2f: {  	v2 =	vperm.xlane v2, v0;
	_ =	sdelay $0x1  }
0x30: {  	v2 =	vadd.s32 v1, v2;
	_ =	sdelay $0x3  }
0x31: {  	s7 =	simm.s32 $0x8C00  }
0x32: {  	[tilespmem:s7], [sflag:$0x5] =	stream.indirect_vreg.gather [hbm4b:s3+s4], $0x80, v2, vm0, $0xb8;
	[tilespmem:$0x10C80] =	vst v63  }
0x33: {  	s11 =	simm.s32 $0x9400  }
0x34: {  	[tilespmem:s11], [sflag:$0x5] =	stream.indirect_vreg.gather [hbm4b:s8+s4], $0x80, v2, vm0, $0xb8;
	[tilespmem:$0x10C80] =	vst v63  }
0x35: {  	s12 =	simm.s32 $0x9C00  }
0x36: {  	[tilespmem:s12], [sflag:$0x5] =	stream.indirect_vreg.gather [hbm4b:s9+s4], $0x80, v2, vm0, $0xb8;
	[tilespmem:$0x10C80] =	vst v63  }
0x37: {  	s13 =	simm.s32 $0xA400  }
0x38: {  	[tilespmem:s13], [sflag:$0x5] =	stream.indirect_vreg.gather [hbm4b:s10+s4], $0x80, v2, vm0, $0xb8;
	[tilespmem:$0x10C80] =	vst v63  }
0x39: {  	s14 =	rddreg [dreg:$0x6];
	s15 =	simm.s32 $0x2C00  }
0x3a: {  	[tilespmem:s15], [sflag:$0x2] =	stream.strided.gather [hbm4b:s14+s17], $0x2000, s18, s17, $0x38;
	[tilespmem:$0x10C80] =	vst v63  }
0x3b: {  	v2 =	vld.msk [tilespmem:$0x80], $0x1;
	_ =	sdelay $0x4  }
0x3c: {  	v3 =	vshll.u32 v2, $0x6  }
0x3d: {  	v2 =	vand.u32 $0x7, v2;
	v3 =	vand.u32 $0xFFFFFE00, v3  }
0x3e: {  	v2 =	vor.u32 v2, v3  }
0x3f: {  	v2 =	vperm.xlane v2, v0;
	_ =	sdelay $0x1  }
0x40: {  	v2 =	vadd.s32 v1, v2;
	_ =	sdelay $0x3  }
0x41: {  	s7 =	simm.s32 $0xAC00  }
0x42: {  	[tilespmem:s7], [sflag:$0x6] =	stream.indirect_vreg.gather [hbm4b:s3+s4], $0x80, v2, vm0, $0xb8;
	[tilespmem:$0x10C80] =	vst v63  }
0x43: {  	s11 =	simm.s32 $0xB400  }
0x44: {  	[tilespmem:s11], [sflag:$0x6] =	stream.indirect_vreg.gather [hbm4b:s8+s4], $0x80, v2, vm0, $0xb8;
	[tilespmem:$0x10C80] =	vst v63  }
0x45: {  	s12 =	simm.s32 $0xBC00  }
0x46: {  	[tilespmem:s12], [sflag:$0x6] =	stream.indirect_vreg.gather [hbm4b:s9+s4], $0x80, v2, vm0, $0xb8;
	[tilespmem:$0x10C80] =	vst v63  }
0x47: {  	s13 =	simm.s32 $0xC400  }
0x48: {  	[tilespmem:s13], [sflag:$0x6] =	stream.indirect_vreg.gather [hbm4b:s10+s4], $0x80, v2, vm0, $0xb8;
	[tilespmem:$0x10C80] =	vst v63  }
0x49: {  	s14 =	rddreg [dreg:$0x7];
	s15 =	simm.s32 $0x4C00  }
0x4a: {  	[tilespmem:s15], [sflag:$0x3] =	stream.strided.gather [hbm4b:s14+s17], $0x2000, s18, s17, $0x38;
	[tilespmem:$0x10C80] =	vst v63  }
0x4b: {  	v2 =	vld.msk [tilespmem:$0x100], $0x1;
	_ =	sdelay $0x4  }
0x4c: {  	v3 =	vshll.u32 v2, $0x6  }
0x4d: {  	v2 =	vand.u32 $0x7, v2;
	v3 =	vand.u32 $0xFFFFFE00, v3  }
0x4e: {  	v2 =	vor.u32 v2, v3  }
0x4f: {  	v2 =	vperm.xlane v2, v0;
	_ =	sdelay $0x1  }
0x50: {  	v2 =	vadd.s32 v1, v2;
	_ =	sdelay $0x3  }
0x51: {  	s11 =	simm.s32 $0xCC00  }
0x52: {  	[tilespmem:s11], [sflag:$0x7] =	stream.indirect_vreg.gather [hbm4b:s3+s4], $0x80, v2, vm0, $0xb8;
	[tilespmem:$0x10C80] =	vst v63  }
0x53: {  	s12 =	simm.s32 $0xD400  }
0x54: {  	[tilespmem:s12], [sflag:$0x7] =	stream.indirect_vreg.gather [hbm4b:s8+s4], $0x80, v2, vm0, $0xb8;
	[tilespmem:$0x10C80] =	vst v63  }
0x55: {  	s13 =	simm.s32 $0xDC00  }
0x56: {  	[tilespmem:s13], [sflag:$0x7] =	stream.indirect_vreg.gather [hbm4b:s9+s4], $0x80, v2, vm0, $0xb8;
	[tilespmem:$0x10C80] =	vst v63  }
0x57: {  	s14 =	simm.s32 $0xE400  }
0x58: {  	[tilespmem:s14], [sflag:$0x7] =	stream.indirect_vreg.gather [hbm4b:s10+s4], $0x80, v2, vm0, $0xb8;
	[tilespmem:$0x10C80] =	vst v63  }
0x59: {  	s15 =	rddreg [dreg:$0x8]  }
0x5a: {  	[tilespmem:s20], [sflag:$0x4] =	stream.strided.gather [hbm4b:s15+s17], $0x2000, s18, s17, $0x38;
	[tilespmem:$0x10C80] =	vst v63  }
0x5b: {  	v2 =	vld.msk [tilespmem:$0x180], $0x1;
	_ =	sdelay $0x4  }
0x5c: {  	v3 =	vshll.u32 v2, $0x6  }
0x5d: {  	v2 =	vand.u32 $0x7, v2;
	v3 =	vand.u32 $0xFFFFFE00, v3  }
0x5e: {  	v2 =	vor.u32 v2, v3  }
0x5f: {  	v2 =	vperm.xlane v2, v0;
	_ =	sdelay $0x1  }
0x60: {  	v2 =	vadd.s32 v1, v2;
	_ =	sdelay $0x4  }
0x61: {  	[tilespmem:s21], [sflag:$0x8] =	stream.indirect_vreg.gather [hbm4b:s3+s4], $0x80, v2, vm0, $0xb8;
	[tilespmem:$0x10C80] =	vst v63  }
0x62: {  	_ = 	snop  }
0x63: {  	[tilespmem:s22], [sflag:$0x8] =	stream.indirect_vreg.gather [hbm4b:s8+s4], $0x80, v2, vm0, $0xb8;
	[tilespmem:$0x10C80] =	vst v63  }
0x64: {  	_ = 	snop  }
0x65: {  	v9 =	vimm.f32 $0.0e+00;
	v4 =	vimm.f32 $0.0e+00;
	[tilespmem:s23], [sflag:$0x8] =	stream.indirect_vreg.gather [hbm4b:s9+s4], $0x80, v2, vm0, $0xb8;
	[tilespmem:$0x10C80] =	vst v63  }
0x66: {  	v5 =	vimm.f32 $0.0e+00;
	v6 =	vimm.f32 $0.0e+00;
	v7 =	vimm.f32 $0.0e+00;
	s6 =	simm.s32 $0x0  }
0x67: {  	v8 =	vimm.f32 $0.0e+00;
	v3 =	vimm.f32 $0.0e+00;
	[tilespmem:s24], [sflag:$0x8] =	stream.indirect_vreg.gather [hbm4b:s10+s4], $0x80, v2, vm0, $0xb8;
	v2 =	vimm.f32 $0.0e+00;
	[tilespmem:$0x10C80] =	vst v63  }
.LBB2_2:
0x68: {  	_ =	swait.ge [sflag:s25], $0x2000  }
0x69: {  	[sflag:s25] =	ssyncset.done $0x0  }
0x6a: {  	[sflag:s25] =	ssyncadd.s32 $0xFFFFE000  }
0x6b: {  	_ =	swait.ge [sflag:s26], $0x2000  }
0x6c: {  	[sflag:s26] =	ssyncset.done $0x0  }
0x6d: {  	s13 =	simm.s32 $0xC40;
	[sflag:s26] =	ssyncadd.s32 $0xFFFFE000  }
0x6e: {  	s11 =	simm.s32 $0x8C40;
	v15 =	vld [tilespmem:s13+$0x30]  }
0x6f: {  	v16 =	vld [tilespmem:s11+$0x30]  }
0x70: {  	v17 =	vld [tilespmem:s13+$0xFFFFFFD0]  }
0x71: {  	v19 =	vld [tilespmem:s13+$0xFFFFFFE0]  }
0x72: {  	v14 =	vld [tilespmem:s13+$0xFFFFFFF0]  }
0x73: {  	v13 =	vld [tilespmem:s13+$0x0]  }
0x74: {  	v12 =	vld [tilespmem:s13+$0x10]  }
0x75: {  	v11 =	vld [tilespmem:s13+$0x20]  }
0x76: {  	v10 =	vld [tilespmem:s11+$0xFFFFFFC0]  }
0x77: {  	v23 =	vld [tilespmem:s11+$0xFFFFFFD0]  }
0x78: {  	v24 =	vld [tilespmem:s11+$0xFFFFFFE0];
	v15 =	vsub.f32 v15, v16  }
0x79: {  	v22 =	vld [tilespmem:s11+$0xFFFFFFF0]  }
0x7a: {  	v18 =	vld [tilespmem:s11+$0x0];
	v15 =	vmul.f32 v15, v15  }
0x7b: {  	v21 =	vld [tilespmem:s11+$0x10]  }
0x7c: {  	v20 =	vld [tilespmem:s11+$0x20];
	v9 =	vadd.f32 v15, v9;
	v15 =	vsub.f32 v17, v23  }
0x7d: {  	s12 =	simm.s32 $0x0;
	v16 =	vld [tilespmem:s13+$0xFFFFFFC0];
	s13 =	simm.s32 $0xCC0;
	v23 =	vsub.f32 v19, v24  }
.LBB2_3:
0x7e: {  	v17 =	vld [tilespmem:s13+$0x30];
	v14 =	vsub.f32 v14, v22;
	v15 =	vmul.f32 v15, v15;
	s11 =	sadd.s32 $0x80, s11  }
0x7f: {  	s12 =	sadd.s32 $0x80, s12;
	v19 =	vld [tilespmem:s11+$0x30];
	v13 =	vsub.f32 v13, v18;
	v18 =	vmul.f32 v23, v23  }
0x80: {  	p0 =	slt.u32 s12, $0x1F80;
	v23 =	vld [tilespmem:s13+$0xFFFFFFD0];
	v12 =	vsub.f32 v12, v21;
	v8 =	vadd.f32 v15, v8;
	v15 =	vmul.f32 v14, v14  }
0x81: {  	v24 =	vld [tilespmem:s13+$0xFFFFFFE0];
	v11 =	vsub.f32 v11, v20;
	v7 =	vadd.f32 v18, v7;
	v18 =	vmul.f32 v13, v13  }
0x82: {  	v14 =	vld [tilespmem:s13+$0xFFFFFFF0];
	v10 =	vsub.f32 v16, v10;
	v6 =	vadd.f32 v15, v6;
	v15 =	vmul.f32 v12, v12  }
0x83: {  	v13 =	vld [tilespmem:s13+$0x0];
	v5 =	vadd.f32 v18, v5;
	v16 =	vmul.f32 v11, v11  }
0x84: {  	v12 =	vld [tilespmem:s13+$0x10];
	v17 =	vsub.f32 v17, v19;
	v18 =	vmul.f32 v10, v10;
	v4 =	vadd.f32 v15, v4  }
0x85: {  	v11 =	vld [tilespmem:s13+$0x20];
	v3 =	vadd.f32 v16, v3  }
0x86: {  	v10 =	vld [tilespmem:s11+$0xFFFFFFC0];
	v15 =	vmul.f32 v17, v17;
	v2 =	vadd.f32 v18, v2  }
0x87: {  	v16 =	vld [tilespmem:s11+$0xFFFFFFD0]  }
0x88: {  	v17 =	vld [tilespmem:s11+$0xFFFFFFE0];
	v9 =	vadd.f32 v15, v9  }
.Ltmp2:
0x89: {  	v22 =	vld [tilespmem:s11+$0xFFFFFFF0];
	(pc) =	sbr.rel @p0 .LBB2_3-.Ltmp2, $4  }
0x8a: {  	v18 =	vld [tilespmem:s11+$0x0]  }
0x8b: {  	v21 =	vld [tilespmem:s11+$0x10]  }
0x8c: {  	v20 =	vld [tilespmem:s11+$0x20];
	v15 =	vsub.f32 v23, v16  }
0x8d: {  	v16 =	vld [tilespmem:s13+$0xFFFFFFC0];
	v23 =	vsub.f32 v24, v17;
	s13 =	sadd.s32 $0x80, s13  }
0x8e: {  	s11 =	sshll.u32 s6, $0x2;
	p0 =	seq.s32 s6, $0x5  }
0x8f: {  	s12 =	sadd.s32 @!p0 $0x4, s11  }
0x90: {  	s13 =	sadd.s32 @!p0 s5, s12;
	s14 =	sshll.u32 @!p0 s12, $0x4  }
0x91: {  	s13 =	sshll.u32 @!p0 s13, $0xA;
	s14 =	sand.u32 @!p0 $0x40, s14  }
0x92: {  	s15 =	simm.s32 @!p0 $0x400;
	s13 =	sand.u32 @!p0 $0xFFFE000, s13;
	s14 =	sadd.s32 @!p0 s1, s14  }
0x93: {  	s7 =	simm.s32 @!p0 $0xC00;
	s13 =	sadd.s32 @!p0 s13, s14;
	s14 =	simm.s32 @!p0 $0x80  }
0x94: {  	[tilespmem:s7], [sflag:$0x1] =	stream.strided.gather @!p0 [hbm4b:s13+s14], $0x2000, s15, s14, $0x38;
	[tilespmem:$0x10C80] =	vst v63  }
0x95: {  	s7 =	sshll.u32 @!p0 s12, $0x7  }
0x96: {  	s7 =	sand.u32 @!p0 $0x3FFFFF80, s7  }
0x97: {  	v17 =	vld.msk @!p0 [tilespmem:s7+$0x0], $0x1;
	_ =	sdelay $0x4  }
0x98: {  	v19 =	vshll.u32 @!p0 v17, $0x6  }
0x99: {  	v17 =	vand.u32 @!p0 $0x7, v17;
	v19 =	vand.u32 @!p0 $0xFFFFFE00, v19  }
0x9a: {  	v24 =	vlaneseq.u32 @!p0;
	v17 =	vor.u32 @!p0 v17, v19;
	v19 =	vimm.s32 @!p0 $0x0  }
0x9b: {  	v17 =	vperm.xlane @!p0 v17, v19;
	v19 =	vmul.u32 @!p0 $0x8, v24;
	_ =	sdelay $0x1  }
0x9c: {  	v17 =	vadd.s32 @!p0 v19, v17;
	_ =	sdelay $0x3  }
0x9d: {  	vm1 =	vmmov @!p0 $0xffff;
	s12 =	simm.s32 @!p0 $0x8C00;
	s7 =	simm.s32 @!p0 $0x0  }
0x9e: {  	[tilespmem:s12], [sflag:$0x5] =	stream.indirect_vreg.gather @!p0 [hbm4b:s3+s7], $0x80, v17, vm1, $0xb8;
	[tilespmem:$0x10C80] =	vst v63  }
0x9f: {  	s12 =	simm.s32 @!p0 $0x9400  }
0xa0: {  	[tilespmem:s12], [sflag:$0x5] =	stream.indirect_vreg.gather @!p0 [hbm4b:s8+s7], $0x80, v17, vm1, $0xb8;
	[tilespmem:$0x10C80] =	vst v63  }
0xa1: {  	s12 =	simm.s32 @!p0 $0x9C00  }
0xa2: {  	[tilespmem:s12], [sflag:$0x5] =	stream.indirect_vreg.gather @!p0 [hbm4b:s9+s7], $0x80, v17, vm1, $0xb8;
	[tilespmem:$0x10C80] =	vst v63  }
0xa3: {  	s12 =	simm.s32 @!p0 $0xA400  }
0xa4: {  	[tilespmem:s12], [sflag:$0x5] =	stream.indirect_vreg.gather @!p0 [hbm4b:s10+s7], $0x80, v17, vm1, $0xb8;
	[tilespmem:$0x10C80] =	vst v63  }
0xa5: {  	_ =	swait.ge [sflag:s28], $0x2000  }
0xa6: {  	[sflag:s28] =	ssyncset.done $0x0  }
0xa7: {  	[sflag:s28] =	ssyncadd.s32 $0xFFFFE000  }
0xa8: {  	_ =	swait.ge [sflag:s29], $0x2000  }
0xa9: {  	[sflag:s29] =	ssyncset.done $0x0  }
0xaa: {  	s15 =	simm.s32 $0x2C70;
	[sflag:s29] =	ssyncadd.s32 $0xFFFFE000  }
0xab: {  	s12 =	simm.s32 $0xAC70;
	v24 =	vld [tilespmem:s15+$0x0]  }
0xac: {  	v25 =	vld [tilespmem:s12+$0x0]  }
0xad: {  	v26 =	vld [tilespmem:s15+$0xFFFFFFA0]  }
0xae: {  	v27 =	vld [tilespmem:s15+$0xFFFFFFB0]  }
0xaf: {  	v19 =	vld [tilespmem:s15+$0xFFFFFFC0]  }
0xb0: {  	v17 =	vld [tilespmem:s15+$0xFFFFFFD0]  }
0xb1: {  	v28 =	vmul.f32 v15, v15;
	v15 =	vld [tilespmem:s15+$0xFFFFFFE0]  }
0xb2: {  	v22 =	vsub.f32 v14, v22;
	v13 =	vsub.f32 v13, v18;
	v18 =	vld [tilespmem:s15+$0xFFFFFFF0]  }
0xb3: {  	v23 =	vmul.f32 v23, v23;
	v12 =	vsub.f32 v12, v21;
	v14 =	vld [tilespmem:s12+$0xFFFFFF90]  }
0xb4: {  	v8 =	vadd.f32 v28, v8;
	v21 =	vmul.f32 v22, v22;
	v20 =	vsub.f32 v11, v20;
	v63 =	vld [tilespmem:s12+$0xFFFFFFA0]  }
0xb5: {  	v11 =	vadd.f32 v23, v7;
	v7 =	vsub.f32 v16, v10;
	v10 =	vmul.f32 v13, v13;
	v16 =	vld [tilespmem:s12+$0xFFFFFFB0]  }
0xb6: {  	v12 =	vmul.f32 v12, v12;
	v20 =	vmul.f32 v20, v20;
	v23 =	vld [tilespmem:s12+$0xFFFFFFC0];
	v13 =	vsub.f32 v24, v25  }
0xb7: {  	v6 =	vadd.f32 v21, v6;
	v5 =	vadd.f32 v10, v5;
	v7 =	vmul.f32 v7, v7;
	v22 =	vld [tilespmem:s12+$0xFFFFFFD0]  }
0xb8: {  	v10 =	vadd.f32 v20, v3;
	v21 =	vmul.f32 v13, v13;
	v13 =	vadd.f32 v12, v4;
	v4 =	vld [tilespmem:s12+$0xFFFFFFE0]  }
0xb9: {  	v24 =	vsub.f32 v26, v63;
	v12 =	vadd.f32 v7, v2;
	v2 =	vld [tilespmem:s12+$0xFFFFFFF0]  }
0xba: {  	s13 =	simm.s32 $0x0;
	s14 =	simm.s32 $0x2CF0;
	v3 =	vld [tilespmem:s15+$0xFFFFFF90];
	v7 =	vadd.f32 v21, v9;
	v9 =	vsub.f32 v27, v16  }
.LBB2_5:
0xbb: {  	v16 =	vld [tilespmem:s14+$0x0];
	v19 =	vsub.f32 v19, v23;
	v20 =	vmul.f32 v24, v24;
	s12 =	sadd.s32 $0x80, s12  }
0xbc: {  	s13 =	sadd.s32 $0x80, s13;
	v21 =	vld [tilespmem:s12+$0x0];
	v17 =	vsub.f32 v17, v22;
	v9 =	vmul.f32 v9, v9  }
0xbd: {  	p1 =	slt.u32 s13, $0x1F80;
	v24 =	vld [tilespmem:s14+$0xFFFFFFA0];
	v4 =	vsub.f32 v15, v4;
	v8 =	vadd.f32 v20, v8;
	v15 =	vmul.f32 v19, v19  }
0xbe: {  	v20 =	vld [tilespmem:s14+$0xFFFFFFB0];
	v2 =	vsub.f32 v18, v2;
	v11 =	vadd.f32 v9, v11;
	v9 =	vmul.f32 v17, v17  }
0xbf: {  	v19 =	vld [tilespmem:s14+$0xFFFFFFC0];
	v3 =	vsub.f32 v3, v14;
	v6 =	vadd.f32 v15, v6;
	v4 =	vmul.f32 v4, v4  }
0xc0: {  	v17 =	vld [tilespmem:s14+$0xFFFFFFD0];
	v5 =	vadd.f32 v9, v5;
	v2 =	vmul.f32 v2, v2  }
0xc1: {  	v15 =	vld [tilespmem:s14+$0xFFFFFFE0];
	v9 =	vsub.f32 v16, v21;
	v3 =	vmul.f32 v3, v3;
	v13 =	vadd.f32 v4, v13  }
0xc2: {  	v18 =	vld [tilespmem:s14+$0xFFFFFFF0];
	v10 =	vadd.f32 v2, v10  }
0xc3: {  	v14 =	vld [tilespmem:s12+$0xFFFFFF90];
	v2 =	vmul.f32 v9, v9;
	v12 =	vadd.f32 v3, v12  }
0xc4: {  	v3 =	vld [tilespmem:s12+$0xFFFFFFA0]  }
0xc5: {  	v9 =	vld [tilespmem:s12+$0xFFFFFFB0];
	v7 =	vadd.f32 v2, v7  }
.Ltmp3:
0xc6: {  	v23 =	vld [tilespmem:s12+$0xFFFFFFC0];
	(pc) =	sbr.rel @p1 .LBB2_5-.Ltmp3, $4  }
0xc7: {  	v22 =	vld [tilespmem:s12+$0xFFFFFFD0]  }
0xc8: {  	v4 =	vld [tilespmem:s12+$0xFFFFFFE0]  }
0xc9: {  	v2 =	vld [tilespmem:s12+$0xFFFFFFF0];
	v24 =	vsub.f32 v24, v3  }
0xca: {  	v3 =	vld [tilespmem:s14+$0xFFFFFF90];
	v9 =	vsub.f32 v20, v9;
	s14 =	sadd.s32 $0x80, s14  }
0xcb: {  	s7 =	sadd.s32 @!p0 $0x5, s11  }
0xcc: {  	s14 =	simm.s32 @!p0 $0x400;
	s12 =	sadd.s32 @!p0 s5, s7;
	s13 =	sshll.u32 @!p0 s7, $0x4  }
0xcd: {  	s15 =	simm.s32 @!p0 $0x2C00;
	s12 =	sshll.u32 @!p0 s12, $0xA;
	s13 =	sand.u32 @!p0 $0x50, s13  }
0xce: {  	s7 =	sshll.u32 @!p0 s7, $0x7;
	s12 =	sand.u32 @!p0 $0xFFFE000, s12;
	s13 =	sadd.s32 @!p0 s1, s13  }
0xcf: {  	s7 =	sand.u32 @!p0 $0x3FFFFF80, s7;
	s12 =	sadd.s32 @!p0 s12, s13;
	s13 =	simm.s32 @!p0 $0x80  }
0xd0: {  	[tilespmem:s15], [sflag:$0x2] =	stream.strided.gather @!p0 [hbm4b:s12+s13], $0x2000, s14, s13, $0x38;
	[tilespmem:$0x10C80] =	vst v63  }
0xd1: {  	v16 =	vld.msk @!p0 [tilespmem:s7+$0x0], $0x1;
	_ =	sdelay $0x4  }
0xd2: {  	v20 =	vshll.u32 @!p0 v16, $0x6  }
0xd3: {  	v16 =	vand.u32 @!p0 $0x7, v16;
	v20 =	vand.u32 @!p0 $0xFFFFFE00, v20  }
0xd4: {  	v21 =	vlaneseq.u32 @!p0;
	v16 =	vor.u32 @!p0 v16, v20;
	v20 =	vimm.s32 @!p0 $0x0  }
0xd5: {  	v16 =	vperm.xlane @!p0 v16, v20;
	v20 =	vmul.u32 @!p0 $0x8, v21;
	_ =	sdelay $0x1  }
0xd6: {  	v16 =	vadd.s32 @!p0 v20, v16;
	_ =	sdelay $0x3  }
0xd7: {  	s12 =	simm.s32 @!p0 $0xAC00;
	s7 =	simm.s32 @!p0 $0x0  }
0xd8: {  	[tilespmem:s12], [sflag:$0x6] =	stream.indirect_vreg.gather @!p0 [hbm4b:s3+s7], $0x80, v16, vm1, $0xb8;
	[tilespmem:$0x10C80] =	vst v63  }
0xd9: {  	s12 =	simm.s32 @!p0 $0xB400  }
0xda: {  	[tilespmem:s12], [sflag:$0x6] =	stream.indirect_vreg.gather @!p0 [hbm4b:s8+s7], $0x80, v16, vm1, $0xb8;
	[tilespmem:$0x10C80] =	vst v63  }
0xdb: {  	s12 =	simm.s32 @!p0 $0xBC00  }
0xdc: {  	[tilespmem:s12], [sflag:$0x6] =	stream.indirect_vreg.gather @!p0 [hbm4b:s9+s7], $0x80, v16, vm1, $0xb8;
	[tilespmem:$0x10C80] =	vst v63  }
0xdd: {  	s12 =	simm.s32 @!p0 $0xC400  }
0xde: {  	[tilespmem:s12], [sflag:$0x6] =	stream.indirect_vreg.gather @!p0 [hbm4b:s10+s7], $0x80, v16, vm1, $0xb8;
	[tilespmem:$0x10C80] =	vst v63  }
0xdf: {  	_ =	swait.ge [sflag:s30], $0x2000  }
0xe0: {  	[sflag:s30] =	ssyncset.done $0x0  }
0xe1: {  	[sflag:s30] =	ssyncadd.s32 $0xFFFFE000  }
0xe2: {  	_ =	swait.ge [sflag:s31], $0x2000  }
0xe3: {  	[sflag:s31] =	ssyncset.done $0x0  }
0xe4: {  	s12 =	simm.s32 $0x0;
	[sflag:s31] =	ssyncadd.s32 $0xFFFFE000  }
0xe5: {  	v25 =	vld [tilespmem:s12+$0x4C70]  }
0xe6: {  	v26 =	vld [tilespmem:s12+$0xCC70]  }
0xe7: {  	v27 =	vld [tilespmem:s12+$0x4C00]  }
0xe8: {  	v20 =	vld [tilespmem:s12+$0x4C10]  }
0xe9: {  	v21 =	vld [tilespmem:s12+$0x4C20]  }
0xea: {  	v16 =	vld [tilespmem:s12+$0x4C30]  }
0xeb: {  	v23 =	vsub.f32 v19, v23;
	v24 =	vmul.f32 v24, v24;
	v19 =	vld [tilespmem:s12+$0x4C40]  }
0xec: {  	v17 =	vsub.f32 v17, v22;
	v22 =	vmul.f32 v9, v9;
	v28 =	vsub.f32 v15, v4;
	v15 =	vld [tilespmem:s12+$0x4C50]  }
0xed: {  	v4 =	vadd.f32 v24, v8;
	v8 =	vsub.f32 v18, v2;
	v9 =	vld [tilespmem:s12+$0x4C60]  }
0xee: {  	v2 =	vadd.f32 v22, v11;
	v11 =	vmul.f32 v23, v23;
	v18 =	vsub.f32 v3, v14;
	v23 =	vld [tilespmem:s12+$0xCC00]  }
0xef: {  	v17 =	vmul.f32 v17, v17;
	v63 =	vmul.f32 v28, v28;
	v14 =	vld [tilespmem:s12+$0xCC10];
	v25 =	vsub.f32 v25, v26  }
0xf0: {  	v3 =	vadd.f32 v11, v6;
	v8 =	vmul.f32 v8, v8;
	v11 =	vmul.f32 v18, v18;
	v22 =	vld [tilespmem:s12+$0xCC20]  }
0xf1: {  	v6 =	vadd.f32 v17, v5;
	v5 =	vadd.f32 v63, v13;
	v13 =	vld [tilespmem:s12+$0xCC30];
	v17 =	vmul.f32 v25, v25  }
0xf2: {  	v8 =	vadd.f32 v8, v10;
	v10 =	vadd.f32 v11, v12;
	v12 =	vld [tilespmem:s12+$0xCC40]  }
0xf3: {  	s13 =	simm.s32 $0x0;
	s14 =	simm.s32 $0x200;
	v11 =	vld [tilespmem:s12+$0xCC50];
	v23 =	vsub.f32 v27, v23;
	v7 =	vadd.f32 v17, v7  }
.LBB2_7:
0xf4: {  	v17 =	vld [tilespmem:s12+$0xCC60];
	s12 =	sshra.s32 s14, $0x2;
	v14 =	vsub.f32 v20, v14  }
0xf5: {  	s13 =	sadd.s32 $0x80, s13;
	v18 =	vld [tilespmem:s12+$0x4C70];
	v20 =	vsub.f32 v21, v22;
	v21 =	vmul.f32 v23, v23  }
0xf6: {  	p1 =	slt.u32 s13, $0x1F80;
	v22 =	vld [tilespmem:s12+$0xCC70];
	v13 =	vsub.f32 v16, v13;
	v14 =	vmul.f32 v14, v14  }
0xf7: {  	v23 =	vld [tilespmem:s12+$0x4C00];
	v12 =	vsub.f32 v19, v12;
	v10 =	vadd.f32 v21, v10;
	v16 =	vmul.f32 v20, v20  }
0xf8: {  	v20 =	vld [tilespmem:s12+$0x4C10];
	v11 =	vsub.f32 v15, v11;
	v4 =	vadd.f32 v14, v4;
	v13 =	vmul.f32 v13, v13  }
0xf9: {  	v21 =	vld [tilespmem:s12+$0x4C20];
	v9 =	vsub.f32 v9, v17;
	v2 =	vadd.f32 v16, v2;
	v12 =	vmul.f32 v12, v12  }
0xfa: {  	v16 =	vld [tilespmem:s12+$0x4C30];
	v3 =	vadd.f32 v13, v3;
	v11 =	vmul.f32 v11, v11  }
0xfb: {  	v19 =	vld [tilespmem:s12+$0x4C40];
	v13 =	vsub.f32 v18, v22;
	v6 =	vadd.f32 v12, v6;
	v12 =	vmul.f32 v9, v9  }
0xfc: {  	v15 =	vld [tilespmem:s12+$0x4C50];
	v5 =	vadd.f32 v11, v5  }
0xfd: {  	v9 =	vld [tilespmem:s12+$0x4C60];
	v11 =	vmul.f32 v13, v13;
	v8 =	vadd.f32 v12, v8  }
0xfe: {  	v17 =	vld [tilespmem:s12+$0xCC00]  }
.Ltmp4:
0xff: {  	v14 =	vld [tilespmem:s12+$0xCC10];
	v7 =	vadd.f32 v11, v7;
	(pc) =	sbr.rel @p1 .LBB2_7-.Ltmp4, $4  }
0x100: {  	v22 =	vld [tilespmem:s12+$0xCC20]  }
0x101: {  	v13 =	vld [tilespmem:s12+$0xCC30]  }
0x102: {  	v12 =	vld [tilespmem:s12+$0xCC40]  }
0x103: {  	s14 =	sadd.s32 $0x200, s14;
	v11 =	vld [tilespmem:s12+$0xCC50];
	v23 =	vsub.f32 v23, v17  }
0x104: {  	s7 =	sadd.s32 @!p0 $0x6, s11  }
0x105: {  	v24 =	vld [tilespmem:s12+$0xCC60];
	s12 =	simm.s32 @!p0 $0x80;
	s13 =	sadd.s32 @!p0 s5, s7;
	s14 =	sshll.u32 @!p0 s7, $0x4  }
0x106: {  	s15 =	simm.s32 @!p0 $0x4C00;
	s13 =	sshll.u32 @!p0 s13, $0xA;
	s14 =	sand.u32 @!p0 $0x60, s14  }
0x107: {  	s7 =	sshll.u32 @!p0 s7, $0x7;
	s13 =	sand.u32 @!p0 $0xFFFE000, s13;
	s14 =	sadd.s32 @!p0 s1, s14  }
0x108: {  	s7 =	sand.u32 @!p0 $0x3FFFFF80, s7;
	s13 =	sadd.s32 @!p0 s13, s14;
	s14 =	simm.s32 @!p0 $0x400  }
0x109: {  	[tilespmem:s15], [sflag:$0x3] =	stream.strided.gather @!p0 [hbm4b:s13+s12], $0x2000, s14, s12, $0x38;
	[tilespmem:$0x10C80] =	vst v63  }
0x10a: {  	v17 =	vld.msk @!p0 [tilespmem:s7+$0x0], $0x1;
	_ =	sdelay $0x4  }
0x10b: {  	v18 =	vshll.u32 @!p0 v17, $0x6  }
0x10c: {  	v17 =	vand.u32 @!p0 $0x7, v17;
	v18 =	vand.u32 @!p0 $0xFFFFFE00, v18  }
0x10d: {  	v25 =	vlaneseq.u32 @!p0;
	v17 =	vor.u32 @!p0 v17, v18;
	v18 =	vimm.s32 @!p0 $0x0  }
0x10e: {  	v17 =	vperm.xlane @!p0 v17, v18;
	v18 =	vmul.u32 @!p0 $0x8, v25;
	_ =	sdelay $0x1  }
0x10f: {  	v17 =	vadd.s32 @!p0 v18, v17;
	_ =	sdelay $0x3  }
0x110: {  	s12 =	simm.s32 @!p0 $0xCC00;
	s7 =	simm.s32 @!p0 $0x0  }
0x111: {  	[tilespmem:s12], [sflag:$0x7] =	stream.indirect_vreg.gather @!p0 [hbm4b:s3+s7], $0x80, v17, vm1, $0xb8;
	[tilespmem:$0x10C80] =	vst v63  }
0x112: {  	s12 =	simm.s32 @!p0 $0xD400  }
0x113: {  	[tilespmem:s12], [sflag:$0x7] =	stream.indirect_vreg.gather @!p0 [hbm4b:s8+s7], $0x80, v17, vm1, $0xb8;
	[tilespmem:$0x10C80] =	vst v63  }
0x114: {  	s12 =	simm.s32 @!p0 $0xDC00  }
0x115: {  	[tilespmem:s12], [sflag:$0x7] =	stream.indirect_vreg.gather @!p0 [hbm4b:s9+s7], $0x80, v17, vm1, $0xb8;
	[tilespmem:$0x10C80] =	vst v63  }
0x116: {  	s12 =	simm.s32 @!p0 $0xE400  }
0x117: {  	[tilespmem:s12], [sflag:$0x7] =	stream.indirect_vreg.gather @!p0 [hbm4b:s10+s7], $0x80, v17, vm1, $0xb8;
	[tilespmem:$0x10C80] =	vst v63  }
0x118: {  	_ =	swait.ge [sflag:s2], $0x2000  }
0x119: {  	[sflag:s2] =	ssyncset.done $0x0  }
0x11a: {  	[sflag:s2] =	ssyncadd.s32 $0xFFFFE000  }
0x11b: {  	_ =	swait.ge [sflag:s0], $0x2000  }
0x11c: {  	[sflag:s0] =	ssyncset.done $0x0  }
0x11d: {  	s12 =	simm.s32 $0x0;
	[sflag:s0] =	ssyncadd.s32 $0xFFFFE000  }
0x11e: {  	v62 =	vld [tilespmem:s12+$0x6C70]  }
0x11f: {  	v26 =	vld [tilespmem:s12+$0xEC70]  }
0x120: {  	v27 =	vld [tilespmem:s12+$0x6C00]  }
0x121: {  	v17 =	vld [tilespmem:s12+$0x6C10]  }
0x122: {  	v18 =	vld [tilespmem:s12+$0x6C20]  }
0x123: {  	v14 =	vsub.f32 v20, v14;
	v20 =	vld [tilespmem:s12+$0x6C30]  }
0x124: {  	v22 =	vsub.f32 v21, v22;
	v23 =	vmul.f32 v23, v23;
	v21 =	vld [tilespmem:s12+$0x6C40]  }
0x125: {  	v13 =	vsub.f32 v16, v13;
	v14 =	vmul.f32 v14, v14;
	v12 =	vsub.f32 v19, v12;
	v16 =	vld [tilespmem:s12+$0x6C50]  }
0x126: {  	v10 =	vadd.f32 v23, v10;
	v23 =	vsub.f32 v15, v11;
	v15 =	vld [tilespmem:s12+$0x6C60]  }
0x127: {  	v4 =	vadd.f32 v14, v4;
	v11 =	vmul.f32 v22, v22;
	v9 =	vsub.f32 v9, v24;
	v63 =	vld [tilespmem:s12+$0xEC00]  }
0x128: {  	v13 =	vmul.f32 v13, v13;
	v12 =	vmul.f32 v12, v12;
	v19 =	vld [tilespmem:s12+$0xEC10];
	v14 =	vsub.f32 v62, v26  }
0x129: {  	v11 =	vadd.f32 v11, v2;
	v2 =	vmul.f32 v23, v23;
	v9 =	vmul.f32 v9, v9;
	v22 =	vld [tilespmem:s12+$0xEC20]  }
0x12a: {  	v3 =	vadd.f32 v13, v3;
	v12 =	vadd.f32 v12, v6;
	v6 =	vld [tilespmem:s12+$0xEC30];
	v23 =	vmul.f32 v14, v14  }
0x12b: {  	v13 =	vadd.f32 v2, v5;
	v2 =	vld [tilespmem:s12+$0xEC40];
	v14 =	vadd.f32 v9, v8  }
0x12c: {  	s13 =	simm.s32 $0x0;
	s14 =	simm.s32 $0x200;
	v5 =	vld [tilespmem:s12+$0xEC50];
	v9 =	vadd.f32 v23, v7;
	v7 =	vsub.f32 v27, v63  }
.LBB2_9:
0x12d: {  	v8 =	vld [tilespmem:s12+$0xEC60];
	s12 =	sshra.s32 s14, $0x2;
	v17 =	vsub.f32 v17, v19  }
0x12e: {  	s13 =	sadd.s32 $0x80, s13;
	v19 =	vld [tilespmem:s12+$0x6C70];
	v18 =	vsub.f32 v18, v22;
	v7 =	vmul.f32 v7, v7  }
0x12f: {  	p1 =	slt.u32 s13, $0x1F80;
	v22 =	vld [tilespmem:s12+$0xEC70];
	v6 =	vsub.f32 v20, v6;
	v20 =	vmul.f32 v17, v17  }
0x130: {  	v23 =	vld [tilespmem:s12+$0x6C00];
	v2 =	vsub.f32 v21, v2;
	v10 =	vadd.f32 v7, v10;
	v7 =	vmul.f32 v18, v18  }
0x131: {  	v17 =	vld [tilespmem:s12+$0x6C10];
	v5 =	vsub.f32 v16, v5;
	v4 =	vadd.f32 v20, v4;
	v6 =	vmul.f32 v6, v6  }
0x132: {  	v18 =	vld [tilespmem:s12+$0x6C20];
	v8 =	vsub.f32 v15, v8;
	v11 =	vadd.f32 v7, v11;
	v2 =	vmul.f32 v2, v2  }
0x133: {  	v20 =	vld [tilespmem:s12+$0x6C30];
	v3 =	vadd.f32 v6, v3;
	v5 =	vmul.f32 v5, v5  }
0x134: {  	v21 =	vld [tilespmem:s12+$0x6C40];
	v6 =	vsub.f32 v19, v22;
	v12 =	vadd.f32 v2, v12;
	v2 =	vmul.f32 v8, v8  }
0x135: {  	v16 =	vld [tilespmem:s12+$0x6C50];
	v13 =	vadd.f32 v5, v13  }
0x136: {  	v15 =	vld [tilespmem:s12+$0x6C60];
	v5 =	vmul.f32 v6, v6;
	v14 =	vadd.f32 v2, v14  }
0x137: {  	v7 =	vld [tilespmem:s12+$0xEC00]  }
.Ltmp5:
0x138: {  	v19 =	vld [tilespmem:s12+$0xEC10];
	v9 =	vadd.f32 v5, v9;
	(pc) =	sbr.rel @p1 .LBB2_9-.Ltmp5, $4  }
0x139: {  	v22 =	vld [tilespmem:s12+$0xEC20]  }
0x13a: {  	v6 =	vld [tilespmem:s12+$0xEC30]  }
0x13b: {  	v2 =	vld [tilespmem:s12+$0xEC40]  }
0x13c: {  	s14 =	sadd.s32 $0x200, s14;
	v5 =	vld [tilespmem:s12+$0xEC50];
	v7 =	vsub.f32 v23, v7  }
0x13d: {  	v8 =	vld [tilespmem:s12+$0xEC60];
	_ =	sdelay $0x1  }
0x13e: {  	v17 =	vsub.f32 v17, v19;
	v7 =	vmul.f32 v7, v7  }
0x13f: {  	v18 =	vsub.f32 v18, v22;
	v6 =	vsub.f32 v20, v6  }
0x140: {  	v17 =	vmul.f32 v17, v17;
	v62 =	vsub.f32 v21, v2;
	v2 =	vadd.f32 v7, v10  }
.Ltmp6:
0x141: {  	v7 =	vmul.f32 v18, v18;
	v5 =	vsub.f32 v16, v5;
	v10 =	vsub.f32 v15, v8;
	(pc) =	sbr.rel @p0 .LBB2_12-.Ltmp6, $4  }
0x142: {  	v8 =	vadd.f32 v17, v4;
	v4 =	vmul.f32 v6, v6;
	v63 =	vmul.f32 v62, v62  }
0x143: {  	v7 =	vadd.f32 v7, v11;
	v11 =	vmul.f32 v5, v5;
	v10 =	vmul.f32 v10, v10  }
0x144: {  	v6 =	vadd.f32 v4, v3;
	v5 =	vadd.f32 v63, v12  }
0x145: {  	v4 =	vadd.f32 v11, v13;
	v3 =	vadd.f32 v10, v14  }
0x146: {  	s7 =	sadd.s32 $0x7, s11  }
0x147: {  	s11 =	sadd.s32 s5, s7;
	s12 =	sshll.u32 s7, $0x4  }
0x148: {  	s11 =	sshll.u32 s11, $0xA;
	s12 =	sand.u32 $0x70, s12  }
0x149: {  	s7 =	sshll.u32 s7, $0x7;
	s11 =	sand.u32 $0xFFFE000, s11;
	s12 =	sadd.s32 s1, s12  }
0x14a: {  	s7 =	sand.u32 $0x3FFFFF80, s7;
	s11 =	sadd.s32 s11, s12  }
0x14b: {  	[tilespmem:s20], [sflag:$0x4] =	stream.strided.gather [hbm4b:s11+s17], $0x2000, s18, s17, $0x38;
	[tilespmem:$0x10C80] =	vst v63  }
0x14c: {  	v10 =	vld.msk [tilespmem:s7+$0x0], $0x1;
	_ =	sdelay $0x4  }
0x14d: {  	v11 =	vshll.u32 v10, $0x6  }
0x14e: {  	v10 =	vand.u32 $0x7, v10;
	v11 =	vand.u32 $0xFFFFFE00, v11  }
0x14f: {  	v10 =	vor.u32 v10, v11  }
0x150: {  	v10 =	vperm.xlane v10, v0;
	_ =	sdelay $0x1  }
0x151: {  	v10 =	vadd.s32 v1, v10;
	_ =	sdelay $0x4  }
0x152: {  	[tilespmem:s21], [sflag:$0x8] =	stream.indirect_vreg.gather [hbm4b:s3+s4], $0x80, v10, vm0, $0xb8;
	[tilespmem:$0x10C80] =	vst v63  }
0x153: {  	_ = 	snop  }
0x154: {  	[tilespmem:s22], [sflag:$0x8] =	stream.indirect_vreg.gather [hbm4b:s8+s4], $0x80, v10, vm0, $0xb8;
	[tilespmem:$0x10C80] =	vst v63  }
.Ltmp7:
0x155: {  	_ = 	snop;
	(pc) =	sbr.rel .LBB2_2-.Ltmp7, $4  }
0x156: {  	_ = 	snop  }
0x157: {  	[tilespmem:s23], [sflag:$0x8] =	stream.indirect_vreg.gather [hbm4b:s9+s4], $0x80, v10, vm0, $0xb8;
	[tilespmem:$0x10C80] =	vst v63  }
0x158: {  	s6 =	sadd.s32 $0x1, s6  }
0x159: {  	[tilespmem:s24], [sflag:$0x8] =	stream.indirect_vreg.gather [hbm4b:s10+s4], $0x80, v10, vm0, $0xb8;
	[tilespmem:$0x10C80] =	vst v63  }
.LBB2_13:
0x15a: {  	_ =	sfence.sel $0x180000  }
0x15b: {  	[bflag:$0x0] =	sbarrier.arrive $0xFFFF  }
0x15c: {  	_ =	strace $0x90000047  }
0x15d: {  	s0 =	stileid.u32;
	[bflag:$0x2] =	sbarrier.arrive $0xFFFF  }
0x15e: {  	p0 =	sne.s32 s0, $0x0;
	s0 =	rddreg [dreg:$0x3]  }
0x15f: {  	s0 =	sadd.s32 @!p0 $0x100000, s0  }
0x160: {  	[sflag:s0] =	ssyncadd.tile.s32 @!p0 $0x1;
	_ =	shalt  }
.Lfunc_end2:
_tile_overlayer_lowered:
.L_overlay_start_2:
0x161: {  	(tag) =	ssettag $0x2  }
0x162: {  	s0 =	rddreg [dreg:$0x0];
	s2 =	stileid.u32  }
0x163: {  	s1 =	rddreg [dreg:$0x1];
	p0 =	sne.s32 s2, $0x0  }
0x164: {  	s3 =	rddreg [dreg:$0x2];
	[bflag:$0x3] =	sbarrier.arrive $0xFFFF;
	s2 =	simm.s32 @!p0 $0x1C09  }
0x165: {  	[timem:s3], [sflag:s2] =	dma.local @!p0 [hbm:s0], s1  }
0x166: {  	s0 =	simm.s32 @!p0 $0x9  }
0x167: {  	_ =	swait.ge @!p0 [sflag:s0], s1  }
0x168: {  	s1 =	ssub.s32 @!p0 $0x0, s1;
	[sflag:s0] =	ssyncset.done @!p0 $0x0  }
0x169: {  	[sflag:s0] =	ssyncadd.s32 @!p0 s1  }
0x16a: {  	[bflag:$0x3] =	sbarrier.arrive $0xFFFF  }
0x16b: {  	_ =	shalt  }

</sc_bundles>
